<compile_context>
chip_gen: v7x
topology: tpu7x:2x2x1
jax: 0.10.2.dev20260603
libtpu: 0.0.44.dev20260713+nightly
codegen_flags: <defaults>
</compile_context>

<pallas_src>
import functools

import jax
import jax.numpy as jnp
import numpy as np
from jax import lax
from jax.experimental import pallas as pl
from jax.experimental.pallas import tpu as pltpu
from jax.experimental.pallas import tpu_sc as plsc

N = 100000
F = 32
HALF = 16
NT = 16
NSC = 2
CHUNK = 128
GRP = 6
N_PAD = 100096
NPK = N_PAD // 8
PBLK = NPK // 4

_mesh = plsc.VectorSubcoreMesh(core_axis_name="c", subcore_axis_name="s")
_sc_params = pltpu.CompilerParams(use_tc_tiling_on_sc=False)



def _agg_body(tbl, row1, col2, out, accum,
              rbuf0, cbuf0, dbuf0, rbuf1, cbuf1, dbuf1,
              gsem0, ssem0, gsem1, ssem1):
    c = lax.axis_index("c")
    s = lax.axis_index("s")
    rpt = N_PAD // NT
    rbase = s * rpt
    tblc = tbl.at[c]
    pltpu.sync_copy(tblc.at[pl.ds(rbase, rpt)], accum.at[pl.ds(rbase, rpt)])
    plsc.subcore_barrier()

    nchunks = col2.shape[0]
    cpt = nchunks // NT
    groups = cpt // GRP
    gbase = s * cpt
    slabs = ((rbuf0, cbuf0, dbuf0, gsem0, ssem0),
             (rbuf1, cbuf1, dbuf1, gsem1, ssem1))

    def load_and_gather(g, slab):
        rbuf, cbuf, dbuf, gsem, _ = slab
        ch0 = gbase + g * GRP
        pltpu.sync_copy(row1.at[pl.ds(ch0 * CHUNK, GRP * CHUNK)], rbuf)
        pltpu.sync_copy(col2.at[pl.ds(ch0, GRP)], cbuf)
        pltpu.async_copy(tblc.at[rbuf], dbuf, gsem)

    def drain(g, slab):
        rbuf, cbuf, dbuf, gsem, ssem = slab
        pltpu.make_async_copy(tblc.at[rbuf], dbuf, gsem).wait()
        sds = [pltpu.async_copy(dbuf.at[pl.ds(j * CHUNK, CHUNK)],
                                accum.at[cbuf.at[j]], ssem, add=True)
               for j in range(GRP)]
        for d in sds:
            d.wait()

    load_and_gather(0, slabs[0])

    def body(it, carry):
        g0 = 2 * it
        load_and_gather(g0 + 1, slabs[1])
        drain(g0, slabs[0])

        @pl.when(g0 + 2 < groups)
        def _():
            load_and_gather(g0 + 2, slabs[0])

        drain(g0 + 1, slabs[1])
        return carry

    lax.fori_loop(0, groups // 2, body, 0)
    plsc.subcore_barrier()
    pltpu.sync_copy(accum.at[pl.ds(rbase, rpt)],
                    out.at[c].at[pl.ds(rbase, rpt)])


def _deg_body(col2, zeros, ones, degp, accum, cbuf0, cbuf1, ones_v,
              ssem0, ssem1):
    c = lax.axis_index("c")
    s = lax.axis_index("s")
    rpt = N_PAD // NT
    rbase = s * rpt
    pltpu.sync_copy(zeros.at[pl.ds(rbase, rpt)], accum.at[pl.ds(rbase, rpt)])
    pltpu.sync_copy(ones, ones_v)
    plsc.subcore_barrier()

    w = c * NT + s
    nchunks = col2.shape[0]
    cpt = nchunks // (NSC * NT)
    groups = cpt // GRP
    gbase = w * cpt
    slabs = ((cbuf0, ssem0), (cbuf1, ssem1))

    def fire(g, slab):
        cbuf, ssem = slab
        pltpu.sync_copy(col2.at[pl.ds(gbase + g * GRP, GRP)], cbuf)
        for j in range(GRP):
            pltpu.async_copy(ones_v, accum.at[cbuf.at[j]], ssem, add=True)

    def drain(slab):
        cbuf, ssem = slab
        for j in range(GRP):
            pltpu.make_async_copy(ones_v, accum.at[cbuf.at[j]], ssem).wait()

    fire(0, slabs[0])

    def body(it, carry):
        g0 = 2 * it
        fire(g0 + 1, slabs[1])
        drain(slabs[0])

        @pl.when(g0 + 2 < groups)
        def _():
            fire(g0 + 2, slabs[0])

        drain(slabs[1])
        return carry

    lax.fori_loop(0, groups // 2, body, 0)
    plsc.subcore_barrier()
    pltpu.sync_copy(accum.at[pl.ds(rbase, rpt)],
                    degp.at[c].at[pl.ds(rbase, rpt)])


_agg_call = functools.partial(
    pl.kernel,
    out_type=jax.ShapeDtypeStruct((NSC, N_PAD, HALF), jnp.float32),
    mesh=_mesh,
    compiler_params=_sc_params,
    scratch_types=[
        pltpu.VMEM_SHARED((N_PAD, HALF), jnp.float32),
        pltpu.VMEM((GRP * CHUNK,), jnp.int32),
        pltpu.VMEM((GRP, CHUNK), jnp.int32),
        pltpu.VMEM((GRP * CHUNK, HALF), jnp.float32),
        pltpu.VMEM((GRP * CHUNK,), jnp.int32),
        pltpu.VMEM((GRP, CHUNK), jnp.int32),
        pltpu.VMEM((GRP * CHUNK, HALF), jnp.float32),
        pltpu.SemaphoreType.DMA,
        pltpu.SemaphoreType.DMA,
        pltpu.SemaphoreType.DMA,
        pltpu.SemaphoreType.DMA,
    ],
)(_agg_body)


_deg_call = functools.partial(
    pl.kernel,
    out_type=jax.ShapeDtypeStruct((NSC, N_PAD, HALF), jnp.float32),
    mesh=_mesh,
    compiler_params=_sc_params,
    scratch_types=[
        pltpu.VMEM_SHARED((N_PAD, HALF), jnp.float32),
        pltpu.VMEM((GRP, CHUNK), jnp.int32),
        pltpu.VMEM((GRP, CHUNK), jnp.int32),
        pltpu.VMEM((CHUNK, HALF), jnp.float32),
        pltpu.SemaphoreType.DMA,
        pltpu.SemaphoreType.DMA,
    ],
)(_deg_body)



def _pre_body(x0_ref, x1_ref, dp_ref, w0_ref, w1_ref, bb_ref,
              hs_ref, dinv_ref):
    d = dp_ref[...]
    deg = d[0] + d[1] + 1.0
    dinvp = lax.rsqrt(deg)
    dinv_ref[...] = dinvp
    x0 = x0_ref[...]
    x1 = x1_ref[...]
    for c in range(NSC):
        h = jnp.maximum(x0 * w0_ref[c] + x1 * w1_ref[c] + bb_ref[c], 0.0)
        hs_ref[c] = dinvp * h


def _mid_body(m_ref, dinv_ref, b4_ref, bb_ref, hs_ref):
    dinvp = dinv_ref[...]
    dn = (((1,), (0,)), ((), ()))
    a0 = dinvp * m_ref[0]
    a1 = dinvp * m_ref[1]
    for c in range(NSC):
        q = (lax.dot_general(a0, b4_ref[c, 0], dn,
                             preferred_element_type=jnp.float32)
             + lax.dot_general(a1, b4_ref[c, 1], dn,
                               preferred_element_type=jnp.float32))
        h = jnp.maximum(q + bb_ref[c], 0.0)
        hs_ref[c] = dinvp * h


def _fin_body(m_ref, dinv_ref, b31_ref, bb31_ref, b32_ref, bb32_ref,
              wh_ref, sel_ref, bout_ref, out_ref):
    dinvp = dinv_ref[...]
    dn = (((1,), (0,)), ((), ()))
    a0 = dinvp * m_ref[0]
    a1 = dinvp * m_ref[1]
    acc = None
    for (b_ref, bb_ref, head) in ((b31_ref, bb31_ref, 0),
                                  (b32_ref, bb32_ref, 1)):
        for c in range(NSC):
            q = (lax.dot_general(a0, b_ref[c, 0], dn, preferred_element_type=jnp.float32)
                 + lax.dot_general(a1, b_ref[c, 1], dn,
                                   preferred_element_type=jnp.float32))
            h = jnp.maximum(q + bb_ref[c], 0.0)
            t = h * wh_ref[head, c]
            part = lax.dot_general(t, sel_ref[head], dn,
                                   preferred_element_type=jnp.float32)
            acc = part if acc is None else acc + part
    out_ref[...] = acc + bout_ref[...]


def _pk_spec():
    return pl.BlockSpec((PBLK, 128), lambda i: (i, 0))


def _pk2_spec():
    return pl.BlockSpec((NSC, PBLK, 128), lambda i: (0, i, 0))


def _full(shape):
    return pl.BlockSpec(shape, lambda i: (0,) * len(shape))


def _pre_call(x0, x1, dp, w0, w1, bb):
    return pl.pallas_call(
        _pre_body,
        grid=(NPK // PBLK,),
        in_specs=[_pk_spec(), _pk_spec(), _pk2_spec(),
                  _full((NSC, 1, 128)), _full((NSC, 1, 128)),
                  _full((NSC, 1, 128))],
        out_specs=[_pk2_spec(), _pk_spec()],
        out_shape=[
            jax.ShapeDtypeStruct((NSC, NPK, 128), jnp.float32),
            jax.ShapeDtypeStruct((NPK, 128), jnp.float32),
        ],
    )(x0, x1, dp, w0, w1, bb)


def _mid_call(mp, dinvp, b4, bb):
    return pl.pallas_call(
        _mid_body,
        grid=(NPK // PBLK,),
        in_specs=[_pk2_spec(), _pk_spec(),
                  _full((NSC, NSC, 128, 128)), _full((NSC, 1, 128))],
        out_specs=_pk2_spec(),
        out_shape=jax.ShapeDtypeStruct((NSC, NPK, 128), jnp.float32),
    )(mp, dinvp, b4, bb)


def _fin_call(mp, dinvp, b31, bb31, b32, bb32, wh, sel, bout):
    return pl.pallas_call(
        _fin_body,
        grid=(NPK // PBLK,),
        in_specs=[_pk2_spec(), _pk_spec(),
                  _full((NSC, NSC, 128, 128)), _full((NSC, 1, 128)),
                  _full((NSC, NSC, 128, 128)), _full((NSC, 1, 128)),
                  _full((2, NSC, 1, 128)), _full((2, 128, 16)),
                  _full((1, 16))],
        out_specs=pl.BlockSpec((PBLK, 16), lambda i: (i, 0)),
        out_shape=jax.ShapeDtypeStruct((NPK, 16), jnp.float32),
    )(mp, dinvp, b31, bb31, b32, bb32, wh, sel, bout)



def _blockdiag(w):
    eye = jnp.eye(8, dtype=jnp.float32)
    blocks = []
    for co in range(NSC):
        rows = []
        for ci in range(NSC):
            blk = w[co * HALF:(co + 1) * HALF, ci * HALF:(ci + 1) * HALF]
            rows.append(jnp.kron(eye, blk.T))
        blocks.append(jnp.stack(rows))
    return jnp.stack(blocks)


def _brc(v):
    t = v.reshape(NSC, 1, HALF)
    return jnp.tile(t, (1, 1, 8)).reshape(NSC, 1, 128)


_SEL = np.zeros((2, 128, 16), np.float32)
for _g in range(8):
    for _l in range(16):
        _SEL[0, _g * 16 + _l, 2 * _g] = 1.0
        _SEL[1, _g * 16 + _l, 2 * _g + 1] = 1.0


def _pack_nodes(v, fill):
    vp = jnp.full((N_PAD,), fill, v.dtype).at[:N].set(v)
    return jnp.repeat(vp, HALF).reshape(NPK, 128)



def kernel(x, edge_index, fc1_w, fc1_b, c1_w, c1_b, c2_w, c2_b,
           c31_w, c31_b, c32_w, c32_b, fc21_w, fc21_b, fc22_w, fc22_b):
    e = edge_index.shape[1]
    align = NSC * NT * CHUNK * GRP * 2
    e_pad = ((e + align - 1) // align) * align
    npad = e_pad - e
    ei = edge_index.astype(jnp.int32)
    pad_idx = (jnp.arange(npad, dtype=jnp.int32) % (N_PAD - N)) + N
    row1 = jnp.concatenate([ei[0], pad_idx])
    col2 = jnp.concatenate([ei[1], pad_idx]).reshape(e_pad // CHUNK, CHUNK)

    zeros = jnp.zeros((N_PAD, HALF), jnp.float32)
    ones = jnp.ones((CHUNK, HALF), jnp.float32)
    degp = _deg_call(col2, zeros, ones)
    dp = degp.reshape(NSC, NPK, 128)

    x0 = _pack_nodes(x[:, 0], 0.0)
    x1 = _pack_nodes(x[:, 1], 0.0)
    w0 = _brc(fc1_w[:, 0])
    w1 = _brc(fc1_w[:, 1])

    hsp, dinvp = _pre_call(x0, x1, dp, w0, w1, _brc(fc1_b))
    m = _agg_call(hsp.reshape(NSC, N_PAD, HALF), row1, col2)
    hsp = _mid_call(m.reshape(NSC, NPK, 128), dinvp, _blockdiag(c1_w),
                    _brc(c1_b))
    m = _agg_call(hsp.reshape(NSC, N_PAD, HALF), row1, col2)
    hsp = _mid_call(m.reshape(NSC, NPK, 128), dinvp, _blockdiag(c2_w),
                    _brc(c2_b))
    m = _agg_call(hsp.reshape(NSC, N_PAD, HALF), row1, col2)

    wh = jnp.stack([_brc(fc21_w[0]), _brc(fc22_w[0])])
    sel = jnp.asarray(_SEL)
    bout = jnp.tile(
        jnp.concatenate([fc21_b, fc22_b]).reshape(1, 2), (1, 8))
    outp = _fin_call(m.reshape(NSC, NPK, 128), dinvp, _blockdiag(c31_w),
                     _brc(c31_b), _blockdiag(c32_w), _brc(c32_b),
                     wh, sel, bout)
    return outp.reshape(N_PAD, 2)[:N]

# --- scband reference (transcript-rebuilt; emitter-appended) ---
"""Pipeline reference for scband-net-38165079392910 (READ-ONLY COPY).

The authoritative reference and input builder live on the scoring server;
editing this copy changes nothing except your own understanding.
"""

import jax, jax.numpy as jnp
import numpy as np

N = 100000
E = 1600000


def gcn_conv(x, ei, W, b):
    n = x.shape[0]
    lin = x @ W.T
    loops = jnp.arange(n, dtype=ei.dtype)
    row = jnp.concatenate([ei[0], loops])
    col = jnp.concatenate([ei[1], loops])
    deg = jnp.zeros((n,), dtype=x.dtype).at[col].add(1.0)
    dinv = jnp.where(deg > 0, jax.lax.rsqrt(deg), 0.0)
    norm = dinv[row] * dinv[col]
    out = jnp.zeros_like(lin).at[col].add(norm[:, None] * lin[row])
    return out + b


def setup_inputs(seed: int = 0) -> dict:
    key = jax.random.key(seed)
    ks = [jax.random.fold_in(key, i) for i in range(20)]
    inp = {}
    inp["x"] = jax.random.normal(ks[0], (N, 2), dtype=jnp.float32)
    inp["edge_index"] = jax.random.randint(ks[1], (2, E), 0, N, dtype=jnp.int64)
    s = 1.0 / np.sqrt(32.0)
    inp["fc1_w"] = jax.random.normal(ks[2], (32, 2), dtype=jnp.float32) * (1.0 / np.sqrt(2.0))
    inp["fc1_b"] = jnp.zeros((32,), dtype=jnp.float32)
    inp["c1_w"] = jax.random.normal(ks[3], (32, 32), dtype=jnp.float32) * s
    inp["c1_b"] = jnp.zeros((32,), dtype=jnp.float32)
    inp["c2_w"] = jax.random.normal(ks[4], (32, 32), dtype=jnp.float32) * s
    inp["c2_b"] = jnp.zeros((32,), dtype=jnp.float32)
    inp["c31_w"] = jax.random.normal(ks[5], (32, 32), dtype=jnp.float32) * s
    inp["c31_b"] = jnp.zeros((32,), dtype=jnp.float32)
    inp["c32_w"] = jax.random.normal(ks[6], (32, 32), dtype=jnp.float32) * s
    inp["c32_b"] = jnp.zeros((32,), dtype=jnp.float32)
    inp["fc21_w"] = jax.random.normal(ks[7], (1, 32), dtype=jnp.float32) * s
    inp["fc21_b"] = jnp.zeros((1,), dtype=jnp.float32)
    inp["fc22_w"] = jax.random.normal(ks[8], (1, 32), dtype=jnp.float32) * s
    inp["fc22_b"] = jnp.zeros((1,), dtype=jnp.float32)
    return inp


def reference(x, edge_index, fc1_w, fc1_b, c1_w, c1_b, c2_w, c2_b, c31_w, c31_b, c32_w, c32_b, fc21_w, fc21_b, fc22_w, fc22_b):
    h = jax.nn.relu(x @ fc1_w.T + fc1_b)
    h = jax.nn.relu(gcn_conv(h, edge_index, c1_w, c1_b))
    h = jax.nn.relu(gcn_conv(h, edge_index, c2_w, c2_b))
    h1 = jax.nn.relu(gcn_conv(h, edge_index, c31_w, c31_b))
    h1 = h1 @ fc21_w.T + fc21_b
    h2 = jax.nn.relu(gcn_conv(h, edge_index, c32_w, c32_b))
    h2 = h2 @ fc22_w.T + fc22_b
    return jnp.concatenate((h1, h2), axis=1)

if __name__ == "__main__":
    import jax
    _d = setup_inputs()
    print(jax.jit(kernel)(*tuple(_d.values())))

</pallas_src>

<mosaic_0001>
#map = affine_map<(d0, d1) -> (0, 0, 0)>
#map1 = affine_map<(d0, d1) -> (0)>
#map2 = affine_map<(d0, d1) -> (0, 0)>
module attributes {stable_mosaic.version = 14 : i64} {
  func.func @_agg_body(%arg0: i32, %arg1: i32, %arg2: memref<2x100096x16xf32, #tpu.memory_space<hbm>>, %arg3: memref<1622016xi32, #tpu.memory_space<hbm>>, %arg4: memref<12672x128xi32, #tpu.memory_space<hbm>>, %arg5: memref<2x100096x16xf32, #tpu.memory_space<hbm>>, %arg6: memref<100096x16xf32, #tpu.memory_space<vmem_shared>>, %arg7: memref<768xi32, #tpu.memory_space<vmem>>, %arg8: memref<6x128xi32, #tpu.memory_space<vmem>>, %arg9: memref<768x16xf32, #tpu.memory_space<vmem>>, %arg10: memref<768xi32, #tpu.memory_space<vmem>>, %arg11: memref<6x128xi32, #tpu.memory_space<vmem>>, %arg12: memref<768x16xf32, #tpu.memory_space<vmem>>, %arg13: memref<!tpu.dma_semaphore, #tpu.memory_space<semaphore_mem>>, %arg14: memref<!tpu.dma_semaphore, #tpu.memory_space<semaphore_mem>>, %arg15: memref<!tpu.dma_semaphore, #tpu.memory_space<semaphore_mem>>, %arg16: memref<!tpu.dma_semaphore, #tpu.memory_space<semaphore_mem>>) attributes {dimension_semantics = [#tpu.dimension_semantics<core_parallel>, #tpu.dimension_semantics<subcore_parallel>], iteration_bounds = array<i64: 2, 16>, scalar_prefetch = 0 : i64, scratch_operands = 11 : i64, tpu.core_type = #tpu.core_type<sc_vector_subcore>, window_params = [{transform_indices = #map}, {transform_indices = #map1}, {transform_indices = #map2}, {transform_indices = #map}]} {
    %mul3A = arith.constant 6256 : i32
    %mul3A_0 = arith.muli %arg1, %mul3A : i32
    "tpu.region"() ({
      %run_scoped3A = tpu.sem_alloc : memref<!tpu.dma_semaphore, #tpu.memory_space<semaphore_mem>>
      %dma_start3A_18 = arith.constant 0 : i32
      %dma_start3A_19 = tpu.memref_slice %arg6[%mul3A_0, %dma_start3A_18] : memref<100096x16xf32, #tpu.memory_space<vmem_shared>> -> memref<6256x16xf32, #tpu.memory_space<vmem_shared>>
      %dma_start3A_20 = arith.constant 0 : i32
      %dma_start3A_21 = arith.constant 0 : i32
      %dma_start3A_22 = tpu.memref_slice %arg2[%arg0, %dma_start3A_20, %dma_start3A_21] : memref<2x100096x16xf32, #tpu.memory_space<hbm>> -> memref<1x100096x16xf32, #tpu.memory_space<hbm>>
      %dma_start3A_23 = tpu.memref_squeeze %dma_start3A_22 : memref<1x100096x16xf32, #tpu.memory_space<hbm>> -> memref<100096x16xf32, #tpu.memory_space<hbm>>
      %dma_start3A_24 = arith.constant 0 : i32
      %dma_start3A_25 = tpu.memref_slice %dma_start3A_23[%mul3A_0, %dma_start3A_24] : memref<100096x16xf32, #tpu.memory_space<hbm>> -> memref<6256x16xf32, #tpu.memory_space<hbm>>
      tpu.enqueue_dma source(%dma_start3A_25 : memref<6256x16xf32, #tpu.memory_space<hbm>>) target(%dma_start3A_19 : memref<6256x16xf32, #tpu.memory_space<vmem_shared>>) target_semaphore(%run_scoped3A : memref<!tpu.dma_semaphore, #tpu.memory_space<semaphore_mem>>)
      %dma_wait3A = arith.constant 0 : i32
      %dma_wait3A_26 = tpu.memref_slice %arg6[%mul3A_0, %dma_wait3A] : memref<100096x16xf32, #tpu.memory_space<vmem_shared>> -> memref<6256x16xf32, #tpu.memory_space<vmem_shared>>
      %dma_wait3A_27 = arith.constant 0 : i32
      %dma_wait3A_28 = arith.constant 0 : i32
      %dma_wait3A_29 = tpu.memref_slice %arg2[%arg0, %dma_wait3A_27, %dma_wait3A_28] : memref<2x100096x16xf32, #tpu.memory_space<hbm>> -> memref<1x100096x16xf32, #tpu.memory_space<hbm>>
      %dma_wait3A_30 = tpu.memref_squeeze %dma_wait3A_29 : memref<1x100096x16xf32, #tpu.memory_space<hbm>> -> memref<100096x16xf32, #tpu.memory_space<hbm>>
      %dma_wait3A_31 = arith.constant 0 : i32
      %dma_wait3A_32 = tpu.memref_slice %dma_wait3A_30[%mul3A_0, %dma_wait3A_31] : memref<100096x16xf32, #tpu.memory_space<hbm>> -> memref<6256x16xf32, #tpu.memory_space<hbm>>
      tpu.wait_dma2 semaphore(%run_scoped3A : memref<!tpu.dma_semaphore, #tpu.memory_space<semaphore_mem>>) src(%dma_wait3A_32 : memref<6256x16xf32, #tpu.memory_space<hbm>>) dst(%dma_wait3A_26 : memref<6256x16xf32, #tpu.memory_space<vmem_shared>>)
      tpu.yield
    }) : () -> ()
    %barrier3A = arith.constant 0 : index
    tpu.barrier barrier_id(%barrier3A)
    %mul3A_1 = arith.constant 792 : i32
    %mul3A_2 = arith.muli %arg1, %mul3A_1 : i32
    %add3A = arith.constant 0 : i32
    %add3A_3 = arith.addi %mul3A_2, %add3A : i32
    %mul3A_4 = arith.constant 128 : i32
    %mul3A_5 = arith.muli %add3A_3, %mul3A_4 : i32
    "tpu.region"() ({
      %run_scoped3A = tpu.sem_alloc : memref<!tpu.dma_semaphore, #tpu.memory_space<semaphore_mem>>
      %dma_start3A_18 = tpu.memref_slice %arg3[%mul3A_5] : memref<1622016xi32, #tpu.memory_space<hbm>> -> memref<768xi32, #tpu.memory_space<hbm>>
      %dma_start3A_19 = tpu.memref_slice %arg3[%mul3A_5] : memref<1622016xi32, #tpu.memory_space<hbm>> -> memref<768xi32, #tpu.memory_space<hbm>>
      tpu.enqueue_dma source(%dma_start3A_19 : memref<768xi32, #tpu.memory_space<hbm>>) target(%arg7 : memref<768xi32, #tpu.memory_space<vmem>>) target_semaphore(%run_scoped3A : memref<!tpu.dma_semaphore, #tpu.memory_space<semaphore_mem>>)
      %dma_wait3A = tpu.memref_slice %arg3[%mul3A_5] : memref<1622016xi32, #tpu.memory_space<hbm>> -> memref<768xi32, #tpu.memory_space<hbm>>
      %dma_wait3A_20 = tpu.memref_slice %arg3[%mul3A_5] : memref<1622016xi32, #tpu.memory_space<hbm>> -> memref<768xi32, #tpu.memory_space<hbm>>
      tpu.wait_dma2 semaphore(%run_scoped3A : memref<!tpu.dma_semaphore, #tpu.memory_space<semaphore_mem>>) src(%dma_wait3A_20 : memref<768xi32, #tpu.memory_space<hbm>>) dst(%arg7 : memref<768xi32, #tpu.memory_space<vmem>>)
      tpu.yield
    }) : () -> ()
    "tpu.region"() ({
      %run_scoped3A = tpu.sem_alloc : memref<!tpu.dma_semaphore, #tpu.memory_space<semaphore_mem>>
      %dma_start3A_18 = arith.constant 0 : i32
      %dma_start3A_19 = tpu.memref_slice %arg4[%add3A_3, %dma_start3A_18] : memref<12672x128xi32, #tpu.memory_space<hbm>> -> memref<6x128xi32, #tpu.memory_space<hbm>>
      %dma_start3A_20 = arith.constant 0 : i32
      %dma_start3A_21 = tpu.memref_slice %arg4[%add3A_3, %dma_start3A_20] : memref<12672x128xi32, #tpu.memory_space<hbm>> -> memref<6x128xi32, #tpu.memory_space<hbm>>
      tpu.enqueue_dma source(%dma_start3A_21 : memref<6x128xi32, #tpu.memory_space<hbm>>) target(%arg8 : memref<6x128xi32, #tpu.memory_space<vmem>>) target_semaphore(%run_scoped3A : memref<!tpu.dma_semaphore, #tpu.memory_space<semaphore_mem>>)
      %dma_wait3A = arith.constant 0 : i32
      %dma_wait3A_22 = tpu.memref_slice %arg4[%add3A_3, %dma_wait3A] : memref<12672x128xi32, #tpu.memory_space<hbm>> -> memref<6x128xi32, #tpu.memory_space<hbm>>
      %dma_wait3A_23 = arith.constant 0 : i32
      %dma_wait3A_24 = tpu.memref_slice %arg4[%add3A_3, %dma_wait3A_23] : memref<12672x128xi32, #tpu.memory_space<hbm>> -> memref<6x128xi32, #tpu.memory_space<hbm>>
      tpu.wait_dma2 semaphore(%run_scoped3A : memref<!tpu.dma_semaphore, #tpu.memory_space<semaphore_mem>>) src(%dma_wait3A_24 : memref<6x128xi32, #tpu.memory_space<hbm>>) dst(%arg8 : memref<6x128xi32, #tpu.memory_space<vmem>>)
      tpu.yield
    }) : () -> ()
    %dma_start3A = arith.constant 0 : i32
    %dma_start3A_6 = arith.constant 0 : i32
    %dma_start3A_7 = tpu.memref_slice %arg2[%arg0, %dma_start3A, %dma_start3A_6] : memref<2x100096x16xf32, #tpu.memory_space<hbm>> -> memref<1x100096x16xf32, #tpu.memory_space<hbm>>
    %dma_start3A_8 = tpu.memref_squeeze %dma_start3A_7 : memref<1x100096x16xf32, #tpu.memory_space<hbm>> -> memref<100096x16xf32, #tpu.memory_space<hbm>>
    %dma_start3A_9 = arith.constant 0 : i32
    %dma_start3A_10 = arith.constant 0 : i32
    %dma_start3A_11 = tpu.memref_slice %dma_start3A_8[%dma_start3A_9, %dma_start3A_10] : memref<100096x16xf32, #tpu.memory_space<hbm>> -> memref<100096x16xf32, #tpu.memory_space<hbm>>
    tpu.enqueue_indirect_dma source(%dma_start3A_11 : memref<100096x16xf32, #tpu.memory_space<hbm>>) target(%arg9 : memref<768x16xf32, #tpu.memory_space<vmem>>) offsets(%arg7 : memref<768xi32, #tpu.memory_space<vmem>>) semaphore(%arg13 : memref<!tpu.dma_semaphore, #tpu.memory_space<semaphore_mem>>)
    %scan3A = arith.constant 0 : i32
    %scan3A_12 = arith.constant 0 : i32
    %scan3A_13 = arith.constant 66 : i32
    %scan3A_14 = arith.addi %scan3A_12, %scan3A_13 : i32
    %scan3A_15 = arith.constant 1 : i32
    scf.for %scan3A_18 = %scan3A_12 to %scan3A_14 step %scan3A_15  : i32 {
      %mul3A_19 = arith.constant 2 : i32
      %mul3A_20 = arith.muli %mul3A_19, %scan3A_18 : i32
      %add3A_21 = arith.constant 1 : i32
      %add3A_22 = arith.addi %mul3A_20, %add3A_21 : i32
      %mul3A_23 = arith.constant 6 : i32
      %mul3A_24 = arith.muli %add3A_22, %mul3A_23 : i32
      %add3A_25 = arith.addi %mul3A_2, %mul3A_24 : i32
      %mul3A_26 = arith.constant 128 : i32
      %mul3A_27 = arith.muli %add3A_25, %mul3A_26 : i32
      "tpu.region"() ({
        %run_scoped3A = tpu.sem_alloc : memref<!tpu.dma_semaphore, #tpu.memory_space<semaphore_mem>>
        %dma_start3A_294 = tpu.memref_slice %arg3[%mul3A_27] : memref<1622016xi32, #tpu.memory_space<hbm>> -> memref<768xi32, #tpu.memory_space<hbm>>
        %dma_start3A_295 = tpu.memref_slice %arg3[%mul3A_27] : memref<1622016xi32, #tpu.memory_space<hbm>> -> memref<768xi32, #tpu.memory_space<hbm>>
        tpu.enqueue_dma source(%dma_start3A_295 : memref<768xi32, #tpu.memory_space<hbm>>) target(%arg10 : memref<768xi32, #tpu.memory_space<vmem>>) target_semaphore(%run_scoped3A : memref<!tpu.dma_semaphore, #tpu.memory_space<semaphore_mem>>)
        %dma_wait3A_296 = tpu.memref_slice %arg3[%mul3A_27] : memref<1622016xi32, #tpu.memory_space<hbm>> -> memref<768xi32, #tpu.memory_space<hbm>>
        %dma_wait3A_297 = tpu.memref_slice %arg3[%mul3A_27] : memref<1622016xi32, #tpu.memory_space<hbm>> -> memref<768xi32, #tpu.memory_space<hbm>>
        tpu.wait_dma2 semaphore(%run_scoped3A : memref<!tpu.dma_semaphore, #tpu.memory_space<semaphore_mem>>) src(%dma_wait3A_297 : memref<768xi32, #tpu.memory_space<hbm>>) dst(%arg10 : memref<768xi32, #tpu.memory_space<vmem>>)
        tpu.yield
      }) : () -> ()
      "tpu.region"() ({
        %run_scoped3A = tpu.sem_alloc : memref<!tpu.dma_semaphore, #tpu.memory_space<semaphore_mem>>
        %dma_start3A_294 = arith.constant 0 : i32
        %dma_start3A_295 = tpu.memref_slice %arg4[%add3A_25, %dma_start3A_294] : memref<12672x128xi32, #tpu.memory_space<hbm>> -> memref<6x128xi32, #tpu.memory_space<hbm>>
        %dma_start3A_296 = arith.constant 0 : i32
        %dma_start3A_297 = tpu.memref_slice %arg4[%add3A_25, %dma_start3A_296] : memref<12672x128xi32, #tpu.memory_space<hbm>> -> memref<6x128xi32, #tpu.memory_space<hbm>>
        tpu.enqueue_dma source(%dma_start3A_297 : memref<6x128xi32, #tpu.memory_space<hbm>>) target(%arg11 : memref<6x128xi32, #tpu.memory_space<vmem>>) target_semaphore(%run_scoped3A : memref<!tpu.dma_semaphore, #tpu.memory_space<semaphore_mem>>)
        %dma_wait3A_298 = arith.constant 0 : i32
        %dma_wait3A_299 = tpu.memref_slice %arg4[%add3A_25, %dma_wait3A_298] : memref<12672x128xi32, #tpu.memory_space<hbm>> -> memref<6x128xi32, #tpu.memory_space<hbm>>
        %dma_wait3A_300 = arith.constant 0 : i32
        %dma_wait3A_301 = tpu.memref_slice %arg4[%add3A_25, %dma_wait3A_300] : memref<12672x128xi32, #tpu.memory_space<hbm>> -> memref<6x128xi32, #tpu.memory_space<hbm>>
        tpu.wait_dma2 semaphore(%run_scoped3A : memref<!tpu.dma_semaphore, #tpu.memory_space<semaphore_mem>>) src(%dma_wait3A_301 : memref<6x128xi32, #tpu.memory_space<hbm>>) dst(%arg11 : memref<6x128xi32, #tpu.memory_space<vmem>>)
        tpu.yield
      }) : () -> ()
      %dma_start3A_28 = arith.constant 0 : i32
      %dma_start3A_29 = arith.constant 0 : i32
      %dma_start3A_30 = tpu.memref_slice %arg2[%arg0, %dma_start3A_28, %dma_start3A_29] : memref<2x100096x16xf32, #tpu.memory_space<hbm>> -> memref<1x100096x16xf32, #tpu.memory_space<hbm>>
      %dma_start3A_31 = tpu.memref_squeeze %dma_start3A_30 : memref<1x100096x16xf32, #tpu.memory_space<hbm>> -> memref<100096x16xf32, #tpu.memory_space<hbm>>
      %dma_start3A_32 = arith.constant 0 : i32
      %dma_start3A_33 = arith.constant 0 : i32
      %dma_start3A_34 = tpu.memref_slice %dma_start3A_31[%dma_start3A_32, %dma_start3A_33] : memref<100096x16xf32, #tpu.memory_space<hbm>> -> memref<100096x16xf32, #tpu.memory_space<hbm>>
      tpu.enqueue_indirect_dma source(%dma_start3A_34 : memref<100096x16xf32, #tpu.memory_space<hbm>>) target(%arg12 : memref<768x16xf32, #tpu.memory_space<vmem>>) offsets(%arg10 : memref<768xi32, #tpu.memory_space<vmem>>) semaphore(%arg15 : memref<!tpu.dma_semaphore, #tpu.memory_space<semaphore_mem>>)
      %dma_wait3A = arith.constant 0 : i32
      %dma_wait3A_35 = arith.constant 0 : i32
      %dma_wait3A_36 = tpu.memref_slice %arg2[%arg0, %dma_wait3A, %dma_wait3A_35] : memref<2x100096x16xf32, #tpu.memory_space<hbm>> -> memref<1x100096x16xf32, #tpu.memory_space<hbm>>
      %dma_wait3A_37 = tpu.memref_squeeze %dma_wait3A_36 : memref<1x100096x16xf32, #tpu.memory_space<hbm>> -> memref<100096x16xf32, #tpu.memory_space<hbm>>
      %dma_wait3A_38 = arith.constant 0 : i32
      %dma_wait3A_39 = arith.constant 0 : i32
      %dma_wait3A_40 = tpu.memref_slice %dma_wait3A_37[%dma_wait3A_38, %dma_wait3A_39] : memref<100096x16xf32, #tpu.memory_space<hbm>> -> memref<100096x16xf32, #tpu.memory_space<hbm>>
      tpu.wait_indirect_dma semaphore(%arg13 : memref<!tpu.dma_semaphore, #tpu.memory_space<semaphore_mem>>) src(%dma_wait3A_40 : memref<100096x16xf32, #tpu.memory_space<hbm>>) dst(%arg9 : memref<768x16xf32, #tpu.memory_space<vmem>>)
      %dma_start3A_41 = arith.constant 0 : i32
      %dma_start3A_42 = arith.constant 0 : i32
      %dma_start3A_43 = arith.constant 0 : i32
      %dma_start3A_44 = tpu.memref_slice %arg9[%dma_start3A_42, %dma_start3A_43] : memref<768x16xf32, #tpu.memory_space<vmem>> -> memref<128x16xf32, #tpu.memory_space<vmem>>
      %dma_start3A_45 = arith.constant 0 : i32
      %dma_start3A_46 = tpu.memref_slice %arg8[%dma_start3A_41, %dma_start3A_45] : memref<6x128xi32, #tpu.memory_space<vmem>> -> memref<1x128xi32, #tpu.memory_space<vmem>>
      %dma_start3A_47 = tpu.memref_squeeze %dma_start3A_46 : memref<1x128xi32, #tpu.memory_space<vmem>> -> memref<128xi32, #tpu.memory_space<vmem>>
      %dma_start3A_48 = arith.constant 0 : i32
      %dma_start3A_49 = arith.constant 0 : i32
      %dma_start3A_50 = tpu.memref_slice %arg6[%dma_start3A_48, %dma_start3A_49] : memref<100096x16xf32, #tpu.memory_space<vmem_shared>> -> memref<100096x16xf32, #tpu.memory_space<vmem_shared>>
      tpu.enqueue_indirect_dma source(%dma_start3A_44 : memref<128x16xf32, #tpu.memory_space<vmem>>) target(%dma_start3A_50 : memref<100096x16xf32, #tpu.memory_space<vmem_shared>>) offsets(%dma_start3A_47 : memref<128xi32, #tpu.memory_space<vmem>>) semaphore(%arg14 : memref<!tpu.dma_semaphore, #tpu.memory_space<semaphore_mem>>) {add = true}
      %dma_start3A_51 = arith.constant 1 : i32
      %dma_start3A_52 = arith.constant 128 : i32
      %dma_start3A_53 = arith.constant 0 : i32
      %dma_start3A_54 = tpu.memref_slice %arg9[%dma_start3A_52, %dma_start3A_53] : memref<768x16xf32, #tpu.memory_space<vmem>> -> memref<128x16xf32, #tpu.memory_space<vmem>>
      %dma_start3A_55 = arith.constant 0 : i32
      %dma_start3A_56 = tpu.memref_slice %arg8[%dma_start3A_51, %dma_start3A_55] : memref<6x128xi32, #tpu.memory_space<vmem>> -> memref<1x128xi32, #tpu.memory_space<vmem>>
      %dma_start3A_57 = tpu.memref_squeeze %dma_start3A_56 : memref<1x128xi32, #tpu.memory_space<vmem>> -> memref<128xi32, #tpu.memory_space<vmem>>
      %dma_start3A_58 = arith.constant 0 : i32
      %dma_start3A_59 = arith.constant 0 : i32
      %dma_start3A_60 = tpu.memref_slice %arg6[%dma_start3A_58, %dma_start3A_59] : memref<100096x16xf32, #tpu.memory_space<vmem_shared>> -> memref<100096x16xf32, #tpu.memory_space<vmem_shared>>
      tpu.enqueue_indirect_dma source(%dma_start3A_54 : memref<128x16xf32, #tpu.memory_space<vmem>>) target(%dma_start3A_60 : memref<100096x16xf32, #tpu.memory_space<vmem_shared>>) offsets(%dma_start3A_57 : memref<128xi32, #tpu.memory_space<vmem>>) semaphore(%arg14 : memref<!tpu.dma_semaphore, #tpu.memory_space<semaphore_mem>>) {add = true}
      %dma_start3A_61 = arith.constant 2 : i32
      %dma_start3A_62 = arith.constant 256 : i32
      %dma_start3A_63 = arith.constant 0 : i32
      %dma_start3A_64 = tpu.memref_slice %arg9[%dma_start3A_62, %dma_start3A_63] : memref<768x16xf32, #tpu.memory_space<vmem>> -> memref<128x16xf32, #tpu.memory_space<vmem>>
      %dma_start3A_65 = arith.constant 0 : i32
      %dma_start3A_66 = tpu.memref_slice %arg8[%dma_start3A_61, %dma_start3A_65] : memref<6x128xi32, #tpu.memory_space<vmem>> -> memref<1x128xi32, #tpu.memory_space<vmem>>
      %dma_start3A_67 = tpu.memref_squeeze %dma_start3A_66 : memref<1x128xi32, #tpu.memory_space<vmem>> -> memref<128xi32, #tpu.memory_space<vmem>>
      %dma_start3A_68 = arith.constant 0 : i32
      %dma_start3A_69 = arith.constant 0 : i32
      %dma_start3A_70 = tpu.memref_slice %arg6[%dma_start3A_68, %dma_start3A_69] : memref<100096x16xf32, #tpu.memory_space<vmem_shared>> -> memref<100096x16xf32, #tpu.memory_space<vmem_shared>>
      tpu.enqueue_indirect_dma source(%dma_start3A_64 : memref<128x16xf32, #tpu.memory_space<vmem>>) target(%dma_start3A_70 : memref<100096x16xf32, #tpu.memory_space<vmem_shared>>) offsets(%dma_start3A_67 : memref<128xi32, #tpu.memory_space<vmem>>) semaphore(%arg14 : memref<!tpu.dma_semaphore, #tpu.memory_space<semaphore_mem>>) {add = true}
      %dma_start3A_71 = arith.constant 3 : i32
      %dma_start3A_72 = arith.constant 384 : i32
      %dma_start3A_73 = arith.constant 0 : i32
      %dma_start3A_74 = tpu.memref_slice %arg9[%dma_start3A_72, %dma_start3A_73] : memref<768x16xf32, #tpu.memory_space<vmem>> -> memref<128x16xf32, #tpu.memory_space<vmem>>
      %dma_start3A_75 = arith.constant 0 : i32
      %dma_start3A_76 = tpu.memref_slice %arg8[%dma_start3A_71, %dma_start3A_75] : memref<6x128xi32, #tpu.memory_space<vmem>> -> memref<1x128xi32, #tpu.memory_space<vmem>>
      %dma_start3A_77 = tpu.memref_squeeze %dma_start3A_76 : memref<1x128xi32, #tpu.memory_space<vmem>> -> memref<128xi32, #tpu.memory_space<vmem>>
      %dma_start3A_78 = arith.constant 0 : i32
      %dma_start3A_79 = arith.constant 0 : i32
      %dma_start3A_80 = tpu.memref_slice %arg6[%dma_start3A_78, %dma_start3A_79] : memref<100096x16xf32, #tpu.memory_space<vmem_shared>> -> memref<100096x16xf32, #tpu.memory_space<vmem_shared>>
      tpu.enqueue_indirect_dma source(%dma_start3A_74 : memref<128x16xf32, #tpu.memory_space<vmem>>) target(%dma_start3A_80 : memref<100096x16xf32, #tpu.memory_space<vmem_shared>>) offsets(%dma_start3A_77 : memref<128xi32, #tpu.memory_space<vmem>>) semaphore(%arg14 : memref<!tpu.dma_semaphore, #tpu.memory_space<semaphore_mem>>) {add = true}
      %dma_start3A_81 = arith.constant 4 : i32
      %dma_start3A_82 = arith.constant 512 : i32
      %dma_start3A_83 = arith.constant 0 : i32
      %dma_start3A_84 = tpu.memref_slice %arg9[%dma_start3A_82, %dma_start3A_83] : memref<768x16xf32, #tpu.memory_space<vmem>> -> memref<128x16xf32, #tpu.memory_space<vmem>>
      %dma_start3A_85 = arith.constant 0 : i32
      %dma_start3A_86 = tpu.memref_slice %arg8[%dma_start3A_81, %dma_start3A_85] : memref<6x128xi32, #tpu.memory_space<vmem>> -> memref<1x128xi32, #tpu.memory_space<vmem>>
      %dma_start3A_87 = tpu.memref_squeeze %dma_start3A_86 : memref<1x128xi32, #tpu.memory_space<vmem>> -> memref<128xi32, #tpu.memory_space<vmem>>
      %dma_start3A_88 = arith.constant 0 : i32
      %dma_start3A_89 = arith.constant 0 : i32
      %dma_start3A_90 = tpu.memref_slice %arg6[%dma_start3A_88, %dma_start3A_89] : memref<100096x16xf32, #tpu.memory_space<vmem_shared>> -> memref<100096x16xf32, #tpu.memory_space<vmem_shared>>
      tpu.enqueue_indirect_dma source(%dma_start3A_84 : memref<128x16xf32, #tpu.memory_space<vmem>>) target(%dma_start3A_90 : memref<100096x16xf32, #tpu.memory_space<vmem_shared>>) offsets(%dma_start3A_87 : memref<128xi32, #tpu.memory_space<vmem>>) semaphore(%arg14 : memref<!tpu.dma_semaphore, #tpu.memory_space<semaphore_mem>>) {add = true}
      %dma_start3A_91 = arith.constant 5 : i32
      %dma_start3A_92 = arith.constant 640 : i32
      %dma_start3A_93 = arith.constant 0 : i32
      %dma_start3A_94 = tpu.memref_slice %arg9[%dma_start3A_92, %dma_start3A_93] : memref<768x16xf32, #tpu.memory_space<vmem>> -> memref<128x16xf32, #tpu.memory_space<vmem>>
      %dma_start3A_95 = arith.constant 0 : i32
      %dma_start3A_96 = tpu.memref_slice %arg8[%dma_start3A_91, %dma_start3A_95] : memref<6x128xi32, #tpu.memory_space<vmem>> -> memref<1x128xi32, #tpu.memory_space<vmem>>
      %dma_start3A_97 = tpu.memref_squeeze %dma_start3A_96 : memref<1x128xi32, #tpu.memory_space<vmem>> -> memref<128xi32, #tpu.memory_space<vmem>>
      %dma_start3A_98 = arith.constant 0 : i32
      %dma_start3A_99 = arith.constant 0 : i32
      %dma_start3A_100 = tpu.memref_slice %arg6[%dma_start3A_98, %dma_start3A_99] : memref<100096x16xf32, #tpu.memory_space<vmem_shared>> -> memref<100096x16xf32, #tpu.memory_space<vmem_shared>>
      tpu.enqueue_indirect_dma source(%dma_start3A_94 : memref<128x16xf32, #tpu.memory_space<vmem>>) target(%dma_start3A_100 : memref<100096x16xf32, #tpu.memory_space<vmem_shared>>) offsets(%dma_start3A_97 : memref<128xi32, #tpu.memory_space<vmem>>) semaphore(%arg14 : memref<!tpu.dma_semaphore, #tpu.memory_space<semaphore_mem>>) {add = true}
      %dma_wait3A_101 = arith.constant 0 : i32
      %dma_wait3A_102 = arith.constant 0 : i32
      %dma_wait3A_103 = arith.constant 0 : i32
      %dma_wait3A_104 = tpu.memref_slice %arg9[%dma_wait3A_102, %dma_wait3A_103] : memref<768x16xf32, #tpu.memory_space<vmem>> -> memref<128x16xf32, #tpu.memory_space<vmem>>
      %dma_wait3A_105 = arith.constant 0 : i32
      %dma_wait3A_106 = tpu.memref_slice %arg8[%dma_wait3A_101, %dma_wait3A_105] : memref<6x128xi32, #tpu.memory_space<vmem>> -> memref<1x128xi32, #tpu.memory_space<vmem>>
      %dma_wait3A_107 = tpu.memref_squeeze %dma_wait3A_106 : memref<1x128xi32, #tpu.memory_space<vmem>> -> memref<128xi32, #tpu.memory_space<vmem>>
      %dma_wait3A_108 = arith.constant 0 : i32
      %dma_wait3A_109 = arith.constant 0 : i32
      %dma_wait3A_110 = tpu.memref_slice %arg6[%dma_wait3A_108, %dma_wait3A_109] : memref<100096x16xf32, #tpu.memory_space<vmem_shared>> -> memref<100096x16xf32, #tpu.memory_space<vmem_shared>>
      tpu.wait_indirect_dma semaphore(%arg14 : memref<!tpu.dma_semaphore, #tpu.memory_space<semaphore_mem>>) src(%dma_wait3A_104 : memref<128x16xf32, #tpu.memory_space<vmem>>) dst(%dma_wait3A_110 : memref<100096x16xf32, #tpu.memory_space<vmem_shared>>)
      %dma_wait3A_111 = arith.constant 1 : i32
      %dma_wait3A_112 = arith.constant 128 : i32
      %dma_wait3A_113 = arith.constant 0 : i32
      %dma_wait3A_114 = tpu.memref_slice %arg9[%dma_wait3A_112, %dma_wait3A_113] : memref<768x16xf32, #tpu.memory_space<vmem>> -> memref<128x16xf32, #tpu.memory_space<vmem>>
      %dma_wait3A_115 = arith.constant 0 : i32
      %dma_wait3A_116 = tpu.memref_slice %arg8[%dma_wait3A_111, %dma_wait3A_115] : memref<6x128xi32, #tpu.memory_space<vmem>> -> memref<1x128xi32, #tpu.memory_space<vmem>>
      %dma_wait3A_117 = tpu.memref_squeeze %dma_wait3A_116 : memref<1x128xi32, #tpu.memory_space<vmem>> -> memref<128xi32, #tpu.memory_space<vmem>>
      %dma_wait3A_118 = arith.constant 0 : i32
      %dma_wait3A_119 = arith.constant 0 : i32
      %dma_wait3A_120 = tpu.memref_slice %arg6[%dma_wait3A_118, %dma_wait3A_119] : memref<100096x16xf32, #tpu.memory_space<vmem_shared>> -> memref<100096x16xf32, #tpu.memory_space<vmem_shared>>
      tpu.wait_indirect_dma semaphore(%arg14 : memref<!tpu.dma_semaphore, #tpu.memory_space<semaphore_mem>>) src(%dma_wait3A_114 : memref<128x16xf32, #tpu.memory_space<vmem>>) dst(%dma_wait3A_120 : memref<100096x16xf32, #tpu.memory_space<vmem_shared>>)
      %dma_wait3A_121 = arith.constant 2 : i32
      %dma_wait3A_122 = arith.constant 256 : i32
      %dma_wait3A_123 = arith.constant 0 : i32
      %dma_wait3A_124 = tpu.memref_slice %arg9[%dma_wait3A_122, %dma_wait3A_123] : memref<768x16xf32, #tpu.memory_space<vmem>> -> memref<128x16xf32, #tpu.memory_space<vmem>>
      %dma_wait3A_125 = arith.constant 0 : i32
      %dma_wait3A_126 = tpu.memref_slice %arg8[%dma_wait3A_121, %dma_wait3A_125] : memref<6x128xi32, #tpu.memory_space<vmem>> -> memref<1x128xi32, #tpu.memory_space<vmem>>
      %dma_wait3A_127 = tpu.memref_squeeze %dma_wait3A_126 : memref<1x128xi32, #tpu.memory_space<vmem>> -> memref<128xi32, #tpu.memory_space<vmem>>
      %dma_wait3A_128 = arith.constant 0 : i32
      %dma_wait3A_129 = arith.constant 0 : i32
      %dma_wait3A_130 = tpu.memref_slice %arg6[%dma_wait3A_128, %dma_wait3A_129] : memref<100096x16xf32, #tpu.memory_space<vmem_shared>> -> memref<100096x16xf32, #tpu.memory_space<vmem_shared>>
      tpu.wait_indirect_dma semaphore(%arg14 : memref<!tpu.dma_semaphore, #tpu.memory_space<semaphore_mem>>) src(%dma_wait3A_124 : memref<128x16xf32, #tpu.memory_space<vmem>>) dst(%dma_wait3A_130 : memref<100096x16xf32, #tpu.memory_space<vmem_shared>>)
      %dma_wait3A_131 = arith.constant 3 : i32
      %dma_wait3A_132 = arith.constant 384 : i32
      %dma_wait3A_133 = arith.constant 0 : i32
      %dma_wait3A_134 = tpu.memref_slice %arg9[%dma_wait3A_132, %dma_wait3A_133] : memref<768x16xf32, #tpu.memory_space<vmem>> -> memref<128x16xf32, #tpu.memory_space<vmem>>
      %dma_wait3A_135 = arith.constant 0 : i32
      %dma_wait3A_136 = tpu.memref_slice %arg8[%dma_wait3A_131, %dma_wait3A_135] : memref<6x128xi32, #tpu.memory_space<vmem>> -> memref<1x128xi32, #tpu.memory_space<vmem>>
      %dma_wait3A_137 = tpu.memref_squeeze %dma_wait3A_136 : memref<1x128xi32, #tpu.memory_space<vmem>> -> memref<128xi32, #tpu.memory_space<vmem>>
      %dma_wait3A_138 = arith.constant 0 : i32
      %dma_wait3A_139 = arith.constant 0 : i32
      %dma_wait3A_140 = tpu.memref_slice %arg6[%dma_wait3A_138, %dma_wait3A_139] : memref<100096x16xf32, #tpu.memory_space<vmem_shared>> -> memref<100096x16xf32, #tpu.memory_space<vmem_shared>>
      tpu.wait_indirect_dma semaphore(%arg14 : memref<!tpu.dma_semaphore, #tpu.memory_space<semaphore_mem>>) src(%dma_wait3A_134 : memref<128x16xf32, #tpu.memory_space<vmem>>) dst(%dma_wait3A_140 : memref<100096x16xf32, #tpu.memory_space<vmem_shared>>)
      %dma_wait3A_141 = arith.constant 4 : i32
      %dma_wait3A_142 = arith.constant 512 : i32
      %dma_wait3A_143 = arith.constant 0 : i32
      %dma_wait3A_144 = tpu.memref_slice %arg9[%dma_wait3A_142, %dma_wait3A_143] : memref<768x16xf32, #tpu.memory_space<vmem>> -> memref<128x16xf32, #tpu.memory_space<vmem>>
      %dma_wait3A_145 = arith.constant 0 : i32
      %dma_wait3A_146 = tpu.memref_slice %arg8[%dma_wait3A_141, %dma_wait3A_145] : memref<6x128xi32, #tpu.memory_space<vmem>> -> memref<1x128xi32, #tpu.memory_space<vmem>>
      %dma_wait3A_147 = tpu.memref_squeeze %dma_wait3A_146 : memref<1x128xi32, #tpu.memory_space<vmem>> -> memref<128xi32, #tpu.memory_space<vmem>>
      %dma_wait3A_148 = arith.constant 0 : i32
      %dma_wait3A_149 = arith.constant 0 : i32
      %dma_wait3A_150 = tpu.memref_slice %arg6[%dma_wait3A_148, %dma_wait3A_149] : memref<100096x16xf32, #tpu.memory_space<vmem_shared>> -> memref<100096x16xf32, #tpu.memory_space<vmem_shared>>
      tpu.wait_indirect_dma semaphore(%arg14 : memref<!tpu.dma_semaphore, #tpu.memory_space<semaphore_mem>>) src(%dma_wait3A_144 : memref<128x16xf32, #tpu.memory_space<vmem>>) dst(%dma_wait3A_150 : memref<100096x16xf32, #tpu.memory_space<vmem_shared>>)
      %dma_wait3A_151 = arith.constant 5 : i32
      %dma_wait3A_152 = arith.constant 640 : i32
      %dma_wait3A_153 = arith.constant 0 : i32
      %dma_wait3A_154 = tpu.memref_slice %arg9[%dma_wait3A_152, %dma_wait3A_153] : memref<768x16xf32, #tpu.memory_space<vmem>> -> memref<128x16xf32, #tpu.memory_space<vmem>>
      %dma_wait3A_155 = arith.constant 0 : i32
      %dma_wait3A_156 = tpu.memref_slice %arg8[%dma_wait3A_151, %dma_wait3A_155] : memref<6x128xi32, #tpu.memory_space<vmem>> -> memref<1x128xi32, #tpu.memory_space<vmem>>
      %dma_wait3A_157 = tpu.memref_squeeze %dma_wait3A_156 : memref<1x128xi32, #tpu.memory_space<vmem>> -> memref<128xi32, #tpu.memory_space<vmem>>
      %dma_wait3A_158 = arith.constant 0 : i32
      %dma_wait3A_159 = arith.constant 0 : i32
      %dma_wait3A_160 = tpu.memref_slice %arg6[%dma_wait3A_158, %dma_wait3A_159] : memref<100096x16xf32, #tpu.memory_space<vmem_shared>> -> memref<100096x16xf32, #tpu.memory_space<vmem_shared>>
      tpu.wait_indirect_dma semaphore(%arg14 : memref<!tpu.dma_semaphore, #tpu.memory_space<semaphore_mem>>) src(%dma_wait3A_154 : memref<128x16xf32, #tpu.memory_space<vmem>>) dst(%dma_wait3A_160 : memref<100096x16xf32, #tpu.memory_space<vmem_shared>>)
      %add3A_161 = arith.constant 2 : i32
      %add3A_162 = arith.addi %mul3A_20, %add3A_161 : i32
      %lt3A = arith.constant 132 : i32
      %lt3A_163 = arith.cmpi slt, %add3A_162, %lt3A : i32
      %convert_element_type3A = arith.extui %lt3A_163 : i1 to i32
      %cond3A = arith.constant 0 : i32
      %cond3A_164 = arith.cmpi ne, %convert_element_type3A, %cond3A : i32
      scf.if %cond3A_164 {
        %add3A_294 = arith.constant 2 : i32
        %add3A_295 = arith.addi %mul3A_20, %add3A_294 : i32
        %mul3A_296 = arith.constant 6 : i32
        %mul3A_297 = arith.muli %add3A_295, %mul3A_296 : i32
        %add3A_298 = arith.addi %mul3A_2, %mul3A_297 : i32
        %mul3A_299 = arith.constant 128 : i32
        %mul3A_300 = arith.muli %add3A_298, %mul3A_299 : i32
        "tpu.region"() ({
          %run_scoped3A = tpu.sem_alloc : memref<!tpu.dma_semaphore, #tpu.memory_space<semaphore_mem>>
          %dma_start3A_308 = tpu.memref_slice %arg3[%mul3A_300] : memref<1622016xi32, #tpu.memory_space<hbm>> -> memref<768xi32, #tpu.memory_space<hbm>>
          %dma_start3A_309 = tpu.memref_slice %arg3[%mul3A_300] : memref<1622016xi32, #tpu.memory_space<hbm>> -> memref<768xi32, #tpu.memory_space<hbm>>
          tpu.enqueue_dma source(%dma_start3A_309 : memref<768xi32, #tpu.memory_space<hbm>>) target(%arg7 : memref<768xi32, #tpu.memory_space<vmem>>) target_semaphore(%run_scoped3A : memref<!tpu.dma_semaphore, #tpu.memory_space<semaphore_mem>>)
          %dma_wait3A_310 = tpu.memref_slice %arg3[%mul3A_300] : memref<1622016xi32, #tpu.memory_space<hbm>> -> memref<768xi32, #tpu.memory_space<hbm>>
          %dma_wait3A_311 = tpu.memref_slice %arg3[%mul3A_300] : memref<1622016xi32, #tpu.memory_space<hbm>> -> memref<768xi32, #tpu.memory_space<hbm>>
          tpu.wait_dma2 semaphore(%run_scoped3A : memref<!tpu.dma_semaphore, #tpu.memory_space<semaphore_mem>>) src(%dma_wait3A_311 : memref<768xi32, #tpu.memory_space<hbm>>) dst(%arg7 : memref<768xi32, #tpu.memory_space<vmem>>)
          tpu.yield
        }) : () -> ()
        "tpu.region"() ({
          %run_scoped3A = tpu.sem_alloc : memref<!tpu.dma_semaphore, #tpu.memory_space<semaphore_mem>>
          %dma_start3A_308 = arith.constant 0 : i32
          %dma_start3A_309 = tpu.memref_slice %arg4[%add3A_298, %dma_start3A_308] : memref<12672x128xi32, #tpu.memory_space<hbm>> -> memref<6x128xi32, #tpu.memory_space<hbm>>
          %dma_start3A_310 = arith.constant 0 : i32
          %dma_start3A_311 = tpu.memref_slice %arg4[%add3A_298, %dma_start3A_310] : memref<12672x128xi32, #tpu.memory_space<hbm>> -> memref<6x128xi32, #tpu.memory_space<hbm>>
          tpu.enqueue_dma source(%dma_start3A_311 : memref<6x128xi32, #tpu.memory_space<hbm>>) target(%arg8 : memref<6x128xi32, #tpu.memory_space<vmem>>) target_semaphore(%run_scoped3A : memref<!tpu.dma_semaphore, #tpu.memory_space<semaphore_mem>>)
          %dma_wait3A_312 = arith.constant 0 : i32
          %dma_wait3A_313 = tpu.memref_slice %arg4[%add3A_298, %dma_wait3A_312] : memref<12672x128xi32, #tpu.memory_space<hbm>> -> memref<6x128xi32, #tpu.memory_space<hbm>>
          %dma_wait3A_314 = arith.constant 0 : i32
          %dma_wait3A_315 = tpu.memref_slice %arg4[%add3A_298, %dma_wait3A_314] : memref<12672x128xi32, #tpu.memory_space<hbm>> -> memref<6x128xi32, #tpu.memory_space<hbm>>
          tpu.wait_dma2 semaphore(%run_scoped3A : memref<!tpu.dma_semaphore, #tpu.memory_space<semaphore_mem>>) src(%dma_wait3A_315 : memref<6x128xi32, #tpu.memory_space<hbm>>) dst(%arg8 : memref<6x128xi32, #tpu.memory_space<vmem>>)
          tpu.yield
        }) : () -> ()
        %dma_start3A_301 = arith.constant 0 : i32
        %dma_start3A_302 = arith.constant 0 : i32
        %dma_start3A_303 = tpu.memref_slice %arg2[%arg0, %dma_start3A_301, %dma_start3A_302] : memref<2x100096x16xf32, #tpu.memory_space<hbm>> -> memref<1x100096x16xf32, #tpu.memory_space<hbm>>
        %dma_start3A_304 = tpu.memref_squeeze %dma_start3A_303 : memref<1x100096x16xf32, #tpu.memory_space<hbm>> -> memref<100096x16xf32, #tpu.memory_space<hbm>>
        %dma_start3A_305 = arith.constant 0 : i32
        %dma_start3A_306 = arith.constant 0 : i32
        %dma_start3A_307 = tpu.memref_slice %dma_start3A_304[%dma_start3A_305, %dma_start3A_306] : memref<100096x16xf32, #tpu.memory_space<hbm>> -> memref<100096x16xf32, #tpu.memory_space<hbm>>
        tpu.enqueue_indirect_dma source(%dma_start3A_307 : memref<100096x16xf32, #tpu.memory_space<hbm>>) target(%arg9 : memref<768x16xf32, #tpu.memory_space<vmem>>) offsets(%arg7 : memref<768xi32, #tpu.memory_space<vmem>>) semaphore(%arg13 : memref<!tpu.dma_semaphore, #tpu.memory_space<semaphore_mem>>)
      } else {
      }
      %add3A_165 = arith.constant 1 : i32
      %add3A_166 = arith.addi %mul3A_20, %add3A_165 : i32
      %dma_wait3A_167 = arith.constant 0 : i32
      %dma_wait3A_168 = arith.constant 0 : i32
      %dma_wait3A_169 = tpu.memref_slice %arg2[%arg0, %dma_wait3A_167, %dma_wait3A_168] : memref<2x100096x16xf32, #tpu.memory_space<hbm>> -> memref<1x100096x16xf32, #tpu.memory_space<hbm>>
      %dma_wait3A_170 = tpu.memref_squeeze %dma_wait3A_169 : memref<1x100096x16xf32, #tpu.memory_space<hbm>> -> memref<100096x16xf32, #tpu.memory_space<hbm>>
      %dma_wait3A_171 = arith.constant 0 : i32
      %dma_wait3A_172 = arith.constant 0 : i32
      %dma_wait3A_173 = tpu.memref_slice %dma_wait3A_170[%dma_wait3A_171, %dma_wait3A_172] : memref<100096x16xf32, #tpu.memory_space<hbm>> -> memref<100096x16xf32, #tpu.memory_space<hbm>>
      tpu.wait_indirect_dma semaphore(%arg15 : memref<!tpu.dma_semaphore, #tpu.memory_space<semaphore_mem>>) src(%dma_wait3A_173 : memref<100096x16xf32, #tpu.memory_space<hbm>>) dst(%arg12 : memref<768x16xf32, #tpu.memory_space<vmem>>)
      %dma_start3A_174 = arith.constant 0 : i32
      %dma_start3A_175 = arith.constant 0 : i32
      %dma_start3A_176 = arith.constant 0 : i32
      %dma_start3A_177 = tpu.memref_slice %arg12[%dma_start3A_175, %dma_start3A_176] : memref<768x16xf32, #tpu.memory_space<vmem>> -> memref<128x16xf32, #tpu.memory_space<vmem>>
      %dma_start3A_178 = arith.constant 0 : i32
      %dma_start3A_179 = tpu.memref_slice %arg11[%dma_start3A_174, %dma_start3A_178] : memref<6x128xi32, #tpu.memory_space<vmem>> -> memref<1x128xi32, #tpu.memory_space<vmem>>
      %dma_start3A_180 = tpu.memref_squeeze %dma_start3A_179 : memref<1x128xi32, #tpu.memory_space<vmem>> -> memref<128xi32, #tpu.memory_space<vmem>>
      %dma_start3A_181 = arith.constant 0 : i32
      %dma_start3A_182 = arith.constant 0 : i32
      %dma_start3A_183 = tpu.memref_slice %arg6[%dma_start3A_181, %dma_start3A_182] : memref<100096x16xf32, #tpu.memory_space<vmem_shared>> -> memref<100096x16xf32, #tpu.memory_space<vmem_shared>>
      tpu.enqueue_indirect_dma source(%dma_start3A_177 : memref<128x16xf32, #tpu.memory_space<vmem>>) target(%dma_start3A_183 : memref<100096x16xf32, #tpu.memory_space<vmem_shared>>) offsets(%dma_start3A_180 : memref<128xi32, #tpu.memory_space<vmem>>) semaphore(%arg16 : memref<!tpu.dma_semaphore, #tpu.memory_space<semaphore_mem>>) {add = true}
      %dma_start3A_184 = arith.constant 1 : i32
      %dma_start3A_185 = arith.constant 128 : i32
      %dma_start3A_186 = arith.constant 0 : i32
      %dma_start3A_187 = tpu.memref_slice %arg12[%dma_start3A_185, %dma_start3A_186] : memref<768x16xf32, #tpu.memory_space<vmem>> -> memref<128x16xf32, #tpu.memory_space<vmem>>
      %dma_start3A_188 = arith.constant 0 : i32
      %dma_start3A_189 = tpu.memref_slice %arg11[%dma_start3A_184, %dma_start3A_188] : memref<6x128xi32, #tpu.memory_space<vmem>> -> memref<1x128xi32, #tpu.memory_space<vmem>>
      %dma_start3A_190 = tpu.memref_squeeze %dma_start3A_189 : memref<1x128xi32, #tpu.memory_space<vmem>> -> memref<128xi32, #tpu.memory_space<vmem>>
      %dma_start3A_191 = arith.constant 0 : i32
      %dma_start3A_192 = arith.constant 0 : i32
      %dma_start3A_193 = tpu.memref_slice %arg6[%dma_start3A_191, %dma_start3A_192] : memref<100096x16xf32, #tpu.memory_space<vmem_shared>> -> memref<100096x16xf32, #tpu.memory_space<vmem_shared>>
      tpu.enqueue_indirect_dma source(%dma_start3A_187 : memref<128x16xf32, #tpu.memory_space<vmem>>) target(%dma_start3A_193 : memref<100096x16xf32, #tpu.memory_space<vmem_shared>>) offsets(%dma_start3A_190 : memref<128xi32, #tpu.memory_space<vmem>>) semaphore(%arg16 : memref<!tpu.dma_semaphore, #tpu.memory_space<semaphore_mem>>) {add = true}
      %dma_start3A_194 = arith.constant 2 : i32
      %dma_start3A_195 = arith.constant 256 : i32
      %dma_start3A_196 = arith.constant 0 : i32
      %dma_start3A_197 = tpu.memref_slice %arg12[%dma_start3A_195, %dma_start3A_196] : memref<768x16xf32, #tpu.memory_space<vmem>> -> memref<128x16xf32, #tpu.memory_space<vmem>>
      %dma_start3A_198 = arith.constant 0 : i32
      %dma_start3A_199 = tpu.memref_slice %arg11[%dma_start3A_194, %dma_start3A_198] : memref<6x128xi32, #tpu.memory_space<vmem>> -> memref<1x128xi32, #tpu.memory_space<vmem>>
      %dma_start3A_200 = tpu.memref_squeeze %dma_start3A_199 : memref<1x128xi32, #tpu.memory_space<vmem>> -> memref<128xi32, #tpu.memory_space<vmem>>
      %dma_start3A_201 = arith.constant 0 : i32
      %dma_start3A_202 = arith.constant 0 : i32
      %dma_start3A_203 = tpu.memref_slice %arg6[%dma_start3A_201, %dma_start3A_202] : memref<100096x16xf32, #tpu.memory_space<vmem_shared>> -> memref<100096x16xf32, #tpu.memory_space<vmem_shared>>
      tpu.enqueue_indirect_dma source(%dma_start3A_197 : memref<128x16xf32, #tpu.memory_space<vmem>>) target(%dma_start3A_203 : memref<100096x16xf32, #tpu.memory_space<vmem_shared>>) offsets(%dma_start3A_200 : memref<128xi32, #tpu.memory_space<vmem>>) semaphore(%arg16 : memref<!tpu.dma_semaphore, #tpu.memory_space<semaphore_mem>>) {add = true}
      %dma_start3A_204 = arith.constant 3 : i32
      %dma_start3A_205 = arith.constant 384 : i32
      %dma_start3A_206 = arith.constant 0 : i32
      %dma_start3A_207 = tpu.memref_slice %arg12[%dma_start3A_205, %dma_start3A_206] : memref<768x16xf32, #tpu.memory_space<vmem>> -> memref<128x16xf32, #tpu.memory_space<vmem>>
      %dma_start3A_208 = arith.constant 0 : i32
      %dma_start3A_209 = tpu.memref_slice %arg11[%dma_start3A_204, %dma_start3A_208] : memref<6x128xi32, #tpu.memory_space<vmem>> -> memref<1x128xi32, #tpu.memory_space<vmem>>
      %dma_start3A_210 = tpu.memref_squeeze %dma_start3A_209 : memref<1x128xi32, #tpu.memory_space<vmem>> -> memref<128xi32, #tpu.memory_space<vmem>>
      %dma_start3A_211 = arith.constant 0 : i32
      %dma_start3A_212 = arith.constant 0 : i32
      %dma_start3A_213 = tpu.memref_slice %arg6[%dma_start3A_211, %dma_start3A_212] : memref<100096x16xf32, #tpu.memory_space<vmem_shared>> -> memref<100096x16xf32, #tpu.memory_space<vmem_shared>>
      tpu.enqueue_indirect_dma source(%dma_start3A_207 : memref<128x16xf32, #tpu.memory_space<vmem>>) target(%dma_start3A_213 : memref<100096x16xf32, #tpu.memory_space<vmem_shared>>) offsets(%dma_start3A_210 : memref<128xi32, #tpu.memory_space<vmem>>) semaphore(%arg16 : memref<!tpu.dma_semaphore, #tpu.memory_space<semaphore_mem>>) {add = true}
      %dma_start3A_214 = arith.constant 4 : i32
      %dma_start3A_215 = arith.constant 512 : i32
      %dma_start3A_216 = arith.constant 0 : i32
      %dma_start3A_217 = tpu.memref_slice %arg12[%dma_start3A_215, %dma_start3A_216] : memref<768x16xf32, #tpu.memory_space<vmem>> -> memref<128x16xf32, #tpu.memory_space<vmem>>
      %dma_start3A_218 = arith.constant 0 : i32
      %dma_start3A_219 = tpu.memref_slice %arg11[%dma_start3A_214, %dma_start3A_218] : memref<6x128xi32, #tpu.memory_space<vmem>> -> memref<1x128xi32, #tpu.memory_space<vmem>>
      %dma_start3A_220 = tpu.memref_squeeze %dma_start3A_219 : memref<1x128xi32, #tpu.memory_space<vmem>> -> memref<128xi32, #tpu.memory_space<vmem>>
      %dma_start3A_221 = arith.constant 0 : i32
      %dma_start3A_222 = arith.constant 0 : i32
      %dma_start3A_223 = tpu.memref_slice %arg6[%dma_start3A_221, %dma_start3A_222] : memref<100096x16xf32, #tpu.memory_space<vmem_shared>> -> memref<100096x16xf32, #tpu.memory_space<vmem_shared>>
      tpu.enqueue_indirect_dma source(%dma_start3A_217 : memref<128x16xf32, #tpu.memory_space<vmem>>) target(%dma_start3A_223 : memref<100096x16xf32, #tpu.memory_space<vmem_shared>>) offsets(%dma_start3A_220 : memref<128xi32, #tpu.memory_space<vmem>>) semaphore(%arg16 : memref<!tpu.dma_semaphore, #tpu.memory_space<semaphore_mem>>) {add = true}
      %dma_start3A_224 = arith.constant 5 : i32
      %dma_start3A_225 = arith.constant 640 : i32
      %dma_start3A_226 = arith.constant 0 : i32
      %dma_start3A_227 = tpu.memref_slice %arg12[%dma_start3A_225, %dma_start3A_226] : memref<768x16xf32, #tpu.memory_space<vmem>> -> memref<128x16xf32, #tpu.memory_space<vmem>>
      %dma_start3A_228 = arith.constant 0 : i32
      %dma_start3A_229 = tpu.memref_slice %arg11[%dma_start3A_224, %dma_start3A_228] : memref<6x128xi32, #tpu.memory_space<vmem>> -> memref<1x128xi32, #tpu.memory_space<vmem>>
      %dma_start3A_230 = tpu.memref_squeeze %dma_start3A_229 : memref<1x128xi32, #tpu.memory_space<vmem>> -> memref<128xi32, #tpu.memory_space<vmem>>
      %dma_start3A_231 = arith.constant 0 : i32
      %dma_start3A_232 = arith.constant 0 : i32
      %dma_start3A_233 = tpu.memref_slice %arg6[%dma_start3A_231, %dma_start3A_232] : memref<100096x16xf32, #tpu.memory_space<vmem_shared>> -> memref<100096x16xf32, #tpu.memory_space<vmem_shared>>
      tpu.enqueue_indirect_dma source(%dma_start3A_227 : memref<128x16xf32, #tpu.memory_space<vmem>>) target(%dma_start3A_233 : memref<100096x16xf32, #tpu.memory_space<vmem_shared>>) offsets(%dma_start3A_230 : memref<128xi32, #tpu.memory_space<vmem>>) semaphore(%arg16 : memref<!tpu.dma_semaphore, #tpu.memory_space<semaphore_mem>>) {add = true}
      %dma_wait3A_234 = arith.constant 0 : i32
      %dma_wait3A_235 = arith.constant 0 : i32
      %dma_wait3A_236 = arith.constant 0 : i32
      %dma_wait3A_237 = tpu.memref_slice %arg12[%dma_wait3A_235, %dma_wait3A_236] : memref<768x16xf32, #tpu.memory_space<vmem>> -> memref<128x16xf32, #tpu.memory_space<vmem>>
      %dma_wait3A_238 = arith.constant 0 : i32
      %dma_wait3A_239 = tpu.memref_slice %arg11[%dma_wait3A_234, %dma_wait3A_238] : memref<6x128xi32, #tpu.memory_space<vmem>> -> memref<1x128xi32, #tpu.memory_space<vmem>>
      %dma_wait3A_240 = tpu.memref_squeeze %dma_wait3A_239 : memref<1x128xi32, #tpu.memory_space<vmem>> -> memref<128xi32, #tpu.memory_space<vmem>>
      %dma_wait3A_241 = arith.constant 0 : i32
      %dma_wait3A_242 = arith.constant 0 : i32
      %dma_wait3A_243 = tpu.memref_slice %arg6[%dma_wait3A_241, %dma_wait3A_242] : memref<100096x16xf32, #tpu.memory_space<vmem_shared>> -> memref<100096x16xf32, #tpu.memory_space<vmem_shared>>
      tpu.wait_indirect_dma semaphore(%arg16 : memref<!tpu.dma_semaphore, #tpu.memory_space<semaphore_mem>>) src(%dma_wait3A_237 : memref<128x16xf32, #tpu.memory_space<vmem>>) dst(%dma_wait3A_243 : memref<100096x16xf32, #tpu.memory_space<vmem_shared>>)
      %dma_wait3A_244 = arith.constant 1 : i32
      %dma_wait3A_245 = arith.constant 128 : i32
      %dma_wait3A_246 = arith.constant 0 : i32
      %dma_wait3A_247 = tpu.memref_slice %arg12[%dma_wait3A_245, %dma_wait3A_246] : memref<768x16xf32, #tpu.memory_space<vmem>> -> memref<128x16xf32, #tpu.memory_space<vmem>>
      %dma_wait3A_248 = arith.constant 0 : i32
      %dma_wait3A_249 = tpu.memref_slice %arg11[%dma_wait3A_244, %dma_wait3A_248] : memref<6x128xi32, #tpu.memory_space<vmem>> -> memref<1x128xi32, #tpu.memory_space<vmem>>
      %dma_wait3A_250 = tpu.memref_squeeze %dma_wait3A_249 : memref<1x128xi32, #tpu.memory_space<vmem>> -> memref<128xi32, #tpu.memory_space<vmem>>
      %dma_wait3A_251 = arith.constant 0 : i32
      %dma_wait3A_252 = arith.constant 0 : i32
      %dma_wait3A_253 = tpu.memref_slice %arg6[%dma_wait3A_251, %dma_wait3A_252] : memref<100096x16xf32, #tpu.memory_space<vmem_shared>> -> memref<100096x16xf32, #tpu.memory_space<vmem_shared>>
      tpu.wait_indirect_dma semaphore(%arg16 : memref<!tpu.dma_semaphore, #tpu.memory_space<semaphore_mem>>) src(%dma_wait3A_247 : memref<128x16xf32, #tpu.memory_space<vmem>>) dst(%dma_wait3A_253 : memref<100096x16xf32, #tpu.memory_space<vmem_shared>>)
      %dma_wait3A_254 = arith.constant 2 : i32
      %dma_wait3A_255 = arith.constant 256 : i32
      %dma_wait3A_256 = arith.constant 0 : i32
      %dma_wait3A_257 = tpu.memref_slice %arg12[%dma_wait3A_255, %dma_wait3A_256] : memref<768x16xf32, #tpu.memory_space<vmem>> -> memref<128x16xf32, #tpu.memory_space<vmem>>
      %dma_wait3A_258 = arith.constant 0 : i32
      %dma_wait3A_259 = tpu.memref_slice %arg11[%dma_wait3A_254, %dma_wait3A_258] : memref<6x128xi32, #tpu.memory_space<vmem>> -> memref<1x128xi32, #tpu.memory_space<vmem>>
      %dma_wait3A_260 = tpu.memref_squeeze %dma_wait3A_259 : memref<1x128xi32, #tpu.memory_space<vmem>> -> memref<128xi32, #tpu.memory_space<vmem>>
      %dma_wait3A_261 = arith.constant 0 : i32
      %dma_wait3A_262 = arith.constant 0 : i32
      %dma_wait3A_263 = tpu.memref_slice %arg6[%dma_wait3A_261, %dma_wait3A_262] : memref<100096x16xf32, #tpu.memory_space<vmem_shared>> -> memref<100096x16xf32, #tpu.memory_space<vmem_shared>>
      tpu.wait_indirect_dma semaphore(%arg16 : memref<!tpu.dma_semaphore, #tpu.memory_space<semaphore_mem>>) src(%dma_wait3A_257 : memref<128x16xf32, #tpu.memory_space<vmem>>) dst(%dma_wait3A_263 : memref<100096x16xf32, #tpu.memory_space<vmem_shared>>)
      %dma_wait3A_264 = arith.constant 3 : i32
      %dma_wait3A_265 = arith.constant 384 : i32
      %dma_wait3A_266 = arith.constant 0 : i32
      %dma_wait3A_267 = tpu.memref_slice %arg12[%dma_wait3A_265, %dma_wait3A_266] : memref<768x16xf32, #tpu.memory_space<vmem>> -> memref<128x16xf32, #tpu.memory_space<vmem>>
      %dma_wait3A_268 = arith.constant 0 : i32
      %dma_wait3A_269 = tpu.memref_slice %arg11[%dma_wait3A_264, %dma_wait3A_268] : memref<6x128xi32, #tpu.memory_space<vmem>> -> memref<1x128xi32, #tpu.memory_space<vmem>>
      %dma_wait3A_270 = tpu.memref_squeeze %dma_wait3A_269 : memref<1x128xi32, #tpu.memory_space<vmem>> -> memref<128xi32, #tpu.memory_space<vmem>>
      %dma_wait3A_271 = arith.constant 0 : i32
      %dma_wait3A_272 = arith.constant 0 : i32
      %dma_wait3A_273 = tpu.memref_slice %arg6[%dma_wait3A_271, %dma_wait3A_272] : memref<100096x16xf32, #tpu.memory_space<vmem_shared>> -> memref<100096x16xf32, #tpu.memory_space<vmem_shared>>
      tpu.wait_indirect_dma semaphore(%arg16 : memref<!tpu.dma_semaphore, #tpu.memory_space<semaphore_mem>>) src(%dma_wait3A_267 : memref<128x16xf32, #tpu.memory_space<vmem>>) dst(%dma_wait3A_273 : memref<100096x16xf32, #tpu.memory_space<vmem_shared>>)
      %dma_wait3A_274 = arith.constant 4 : i32
      %dma_wait3A_275 = arith.constant 512 : i32
      %dma_wait3A_276 = arith.constant 0 : i32
      %dma_wait3A_277 = tpu.memref_slice %arg12[%dma_wait3A_275, %dma_wait3A_276] : memref<768x16xf32, #tpu.memory_space<vmem>> -> memref<128x16xf32, #tpu.memory_space<vmem>>
      %dma_wait3A_278 = arith.constant 0 : i32
      %dma_wait3A_279 = tpu.memref_slice %arg11[%dma_wait3A_274, %dma_wait3A_278] : memref<6x128xi32, #tpu.memory_space<vmem>> -> memref<1x128xi32, #tpu.memory_space<vmem>>
      %dma_wait3A_280 = tpu.memref_squeeze %dma_wait3A_279 : memref<1x128xi32, #tpu.memory_space<vmem>> -> memref<128xi32, #tpu.memory_space<vmem>>
      %dma_wait3A_281 = arith.constant 0 : i32
      %dma_wait3A_282 = arith.constant 0 : i32
      %dma_wait3A_283 = tpu.memref_slice %arg6[%dma_wait3A_281, %dma_wait3A_282] : memref<100096x16xf32, #tpu.memory_space<vmem_shared>> -> memref<100096x16xf32, #tpu.memory_space<vmem_shared>>
      tpu.wait_indirect_dma semaphore(%arg16 : memref<!tpu.dma_semaphore, #tpu.memory_space<semaphore_mem>>) src(%dma_wait3A_277 : memref<128x16xf32, #tpu.memory_space<vmem>>) dst(%dma_wait3A_283 : memref<100096x16xf32, #tpu.memory_space<vmem_shared>>)
      %dma_wait3A_284 = arith.constant 5 : i32
      %dma_wait3A_285 = arith.constant 640 : i32
      %dma_wait3A_286 = arith.constant 0 : i32
      %dma_wait3A_287 = tpu.memref_slice %arg12[%dma_wait3A_285, %dma_wait3A_286] : memref<768x16xf32, #tpu.memory_space<vmem>> -> memref<128x16xf32, #tpu.memory_space<vmem>>
      %dma_wait3A_288 = arith.constant 0 : i32
      %dma_wait3A_289 = tpu.memref_slice %arg11[%dma_wait3A_284, %dma_wait3A_288] : memref<6x128xi32, #tpu.memory_space<vmem>> -> memref<1x128xi32, #tpu.memory_space<vmem>>
      %dma_wait3A_290 = tpu.memref_squeeze %dma_wait3A_289 : memref<1x128xi32, #tpu.memory_space<vmem>> -> memref<128xi32, #tpu.memory_space<vmem>>
      %dma_wait3A_291 = arith.constant 0 : i32
      %dma_wait3A_292 = arith.constant 0 : i32
      %dma_wait3A_293 = tpu.memref_slice %arg6[%dma_wait3A_291, %dma_wait3A_292] : memref<100096x16xf32, #tpu.memory_space<vmem_shared>> -> memref<100096x16xf32, #tpu.memory_space<vmem_shared>>
      tpu.wait_indirect_dma semaphore(%arg16 : memref<!tpu.dma_semaphore, #tpu.memory_space<semaphore_mem>>) src(%dma_wait3A_287 : memref<128x16xf32, #tpu.memory_space<vmem>>) dst(%dma_wait3A_293 : memref<100096x16xf32, #tpu.memory_space<vmem_shared>>)
    }
    %scan3A_16 = arith.constant 66 : i32
    %barrier3A_17 = arith.constant 0 : index
    tpu.barrier barrier_id(%barrier3A_17)
    "tpu.region"() ({
      %run_scoped3A = tpu.sem_alloc : memref<!tpu.dma_semaphore, #tpu.memory_space<semaphore_mem>>
      %dma_start3A_18 = arith.constant 0 : i32
      %dma_start3A_19 = arith.constant 0 : i32
      %dma_start3A_20 = tpu.memref_slice %arg5[%arg0, %dma_start3A_18, %dma_start3A_19] : memref<2x100096x16xf32, #tpu.memory_space<hbm>> -> memref<1x100096x16xf32, #tpu.memory_space<hbm>>
      %dma_start3A_21 = tpu.memref_squeeze %dma_start3A_20 : memref<1x100096x16xf32, #tpu.memory_space<hbm>> -> memref<100096x16xf32, #tpu.memory_space<hbm>>
      %dma_start3A_22 = arith.constant 0 : i32
      %dma_start3A_23 = tpu.memref_slice %dma_start3A_21[%mul3A_0, %dma_start3A_22] : memref<100096x16xf32, #tpu.memory_space<hbm>> -> memref<6256x16xf32, #tpu.memory_space<hbm>>
      %dma_start3A_24 = arith.constant 0 : i32
      %dma_start3A_25 = tpu.memref_slice %arg6[%mul3A_0, %dma_start3A_24] : memref<100096x16xf32, #tpu.memory_space<vmem_shared>> -> memref<6256x16xf32, #tpu.memory_space<vmem_shared>>
      tpu.enqueue_dma source(%dma_start3A_25 : memref<6256x16xf32, #tpu.memory_space<vmem_shared>>) target(%dma_start3A_23 : memref<6256x16xf32, #tpu.memory_space<hbm>>) target_semaphore(%run_scoped3A : memref<!tpu.dma_semaphore, #tpu.memory_space<semaphore_mem>>)
      %dma_wait3A = arith.constant 0 : i32
      %dma_wait3A_26 = arith.constant 0 : i32
      %dma_wait3A_27 = tpu.memref_slice %arg5[%arg0, %dma_wait3A, %dma_wait3A_26] : memref<2x100096x16xf32, #tpu.memory_space<hbm>> -> memref<1x100096x16xf32, #tpu.memory_space<hbm>>
      %dma_wait3A_28 = tpu.memref_squeeze %dma_wait3A_27 : memref<1x100096x16xf32, #tpu.memory_space<hbm>> -> memref<100096x16xf32, #tpu.memory_space<hbm>>
      %dma_wait3A_29 = arith.constant 0 : i32
      %dma_wait3A_30 = tpu.memref_slice %dma_wait3A_28[%mul3A_0, %dma_wait3A_29] : memref<100096x16xf32, #tpu.memory_space<hbm>> -> memref<6256x16xf32, #tpu.memory_space<hbm>>
      %dma_wait3A_31 = arith.constant 0 : i32
      %dma_wait3A_32 = tpu.memref_slice %arg6[%mul3A_0, %dma_wait3A_31] : memref<100096x16xf32, #tpu.memory_space<vmem_shared>> -> memref<6256x16xf32, #tpu.memory_space<vmem_shared>>
      tpu.wait_dma2 semaphore(%run_scoped3A : memref<!tpu.dma_semaphore, #tpu.memory_space<semaphore_mem>>) src(%dma_wait3A_32 : memref<6256x16xf32, #tpu.memory_space<vmem_shared>>) dst(%dma_wait3A_30 : memref<6256x16xf32, #tpu.memory_space<hbm>>)
      tpu.yield
    }) : () -> ()
    return
  }
}

#map = affine_map<(d0, d1) -> (0, 0, 0)>
#map1 = affine_map<(d0, d1) -> (0)>
#map2 = affine_map<(d0, d1) -> (0, 0)>
module attributes {stable_mosaic.version = 14 : i64} {
  func.func @_agg_body(%arg0: i32, %arg1: i32, %arg2: memref<2x100096x16xf32, #tpu.memory_space<hbm>>, %arg3: memref<1622016xi32, #tpu.memory_space<hbm>>, %arg4: memref<12672x128xi32, #tpu.memory_space<hbm>>, %arg5: memref<2x100096x16xf32, #tpu.memory_space<hbm>>, %arg6: memref<100096x16xf32, #tpu.memory_space<vmem_shared>>, %arg7: memref<768xi32, #tpu.memory_space<vmem>>, %arg8: memref<6x128xi32, #tpu.memory_space<vmem>>, %arg9: memref<768x16xf32, #tpu.memory_space<vmem>>, %arg10: memref<768xi32, #tpu.memory_space<vmem>>, %arg11: memref<6x128xi32, #tpu.memory_space<vmem>>, %arg12: memref<768x16xf32, #tpu.memory_space<vmem>>, %arg13: memref<!tpu.dma_semaphore, #tpu.memory_space<semaphore_mem>>, %arg14: memref<!tpu.dma_semaphore, #tpu.memory_space<semaphore_mem>>, %arg15: memref<!tpu.dma_semaphore, #tpu.memory_space<semaphore_mem>>, %arg16: memref<!tpu.dma_semaphore, #tpu.memory_space<semaphore_mem>>) attributes {dimension_semantics = [#tpu.dimension_semantics<core_parallel>, #tpu.dimension_semantics<subcore_parallel>], iteration_bounds = array<i64: 2, 16>, scalar_prefetch = 0 : i64, scratch_operands = 11 : i64, tpu.core_type = #tpu.core_type<sc_vector_subcore>, window_params = [{transform_indices = #map}, {transform_indices = #map1}, {transform_indices = #map2}, {transform_indices = #map}]} {
    %mul3A = arith.constant 6256 : i32
    %mul3A_0 = arith.muli %arg1, %mul3A : i32
    "tpu.region"() ({
      %run_scoped3A = tpu.sem_alloc : memref<!tpu.dma_semaphore, #tpu.memory_space<semaphore_mem>>
      %dma_start3A_18 = arith.constant 0 : i32
      %dma_start3A_19 = tpu.memref_slice %arg6[%mul3A_0, %dma_start3A_18] : memref<100096x16xf32, #tpu.memory_space<vmem_shared>> -> memref<6256x16xf32, #tpu.memory_space<vmem_shared>>
      %dma_start3A_20 = arith.constant 0 : i32
      %dma_start3A_21 = arith.constant 0 : i32
      %dma_start3A_22 = tpu.memref_slice %arg2[%arg0, %dma_start3A_20, %dma_start3A_21] : memref<2x100096x16xf32, #tpu.memory_space<hbm>> -> memref<1x100096x16xf32, #tpu.memory_space<hbm>>
      %dma_start3A_23 = tpu.memref_squeeze %dma_start3A_22 : memref<1x100096x16xf32, #tpu.memory_space<hbm>> -> memref<100096x16xf32, #tpu.memory_space<hbm>>
      %dma_start3A_24 = arith.constant 0 : i32
      %dma_start3A_25 = tpu.memref_slice %dma_start3A_23[%mul3A_0, %dma_start3A_24] : memref<100096x16xf32, #tpu.memory_space<hbm>> -> memref<6256x16xf32, #tpu.memory_space<hbm>>
      tpu.enqueue_dma source(%dma_start3A_25 : memref<6256x16xf32, #tpu.memory_space<hbm>>) target(%dma_start3A_19 : memref<6256x16xf32, #tpu.memory_space<vmem_shared>>) target_semaphore(%run_scoped3A : memref<!tpu.dma_semaphore, #tpu.memory_space<semaphore_mem>>)
      %dma_wait3A = arith.constant 0 : i32
      %dma_wait3A_26 = tpu.memref_slice %arg6[%mul3A_0, %dma_wait3A] : memref<100096x16xf32, #tpu.memory_space<vmem_shared>> -> memref<6256x16xf32, #tpu.memory_space<vmem_shared>>
      %dma_wait3A_27 = arith.constant 0 : i32
      %dma_wait3A_28 = arith.constant 0 : i32
      %dma_wait3A_29 = tpu.memref_slice %arg2[%arg0, %dma_wait3A_27, %dma_wait3A_28] : memref<2x100096x16xf32, #tpu.memory_space<hbm>> -> memref<1x100096x16xf32, #tpu.memory_space<hbm>>
      %dma_wait3A_30 = tpu.memref_squeeze %dma_wait3A_29 : memref<1x100096x16xf32, #tpu.memory_space<hbm>> -> memref<100096x16xf32, #tpu.memory_space<hbm>>
      %dma_wait3A_31 = arith.constant 0 : i32
      %dma_wait3A_32 = tpu.memref_slice %dma_wait3A_30[%mul3A_0, %dma_wait3A_31] : memref<100096x16xf32, #tpu.memory_space<hbm>> -> memref<6256x16xf32, #tpu.memory_space<hbm>>
      tpu.wait_dma2 semaphore(%run_scoped3A : memref<!tpu.dma_semaphore, #tpu.memory_space<semaphore_mem>>) src(%dma_wait3A_32 : memref<6256x16xf32, #tpu.memory_space<hbm>>) dst(%dma_wait3A_26 : memref<6256x16xf32, #tpu.memory_space<vmem_shared>>)
      tpu.yield
    }) : () -> ()
    %barrier3A = arith.constant 0 : index
    tpu.barrier barrier_id(%barrier3A)
    %mul3A_1 = arith.constant 792 : i32
    %mul3A_2 = arith.muli %arg1, %mul3A_1 : i32
    %add3A = arith.constant 0 : i32
    %add3A_3 = arith.addi %mul3A_2, %add3A : i32
    %mul3A_4 = arith.constant 128 : i32
    %mul3A_5 = arith.muli %add3A_3, %mul3A_4 : i32
    "tpu.region"() ({
      %run_scoped3A = tpu.sem_alloc : memref<!tpu.dma_semaphore, #tpu.memory_space<semaphore_mem>>
      %dma_start3A_18 = tpu.memref_slice %arg3[%mul3A_5] : memref<1622016xi32, #tpu.memory_space<hbm>> -> memref<768xi32, #tpu.memory_space<hbm>>
      %dma_start3A_19 = tpu.memref_slice %arg3[%mul3A_5] : memref<1622016xi32, #tpu.memory_space<hbm>> -> memref<768xi32, #tpu.memory_space<hbm>>
      tpu.enqueue_dma source(%dma_start3A_19 : memref<768xi32, #tpu.memory_space<hbm>>) target(%arg7 : memref<768xi32, #tpu.memory_space<vmem>>) target_semaphore(%run_scoped3A : memref<!tpu.dma_semaphore, #tpu.memory_space<semaphore_mem>>)
      %dma_wait3A = tpu.memref_slice %arg3[%mul3A_5] : memref<1622016xi32, #tpu.memory_space<hbm>> -> memref<768xi32, #tpu.memory_space<hbm>>
      %dma_wait3A_20 = tpu.memref_slice %arg3[%mul3A_5] : memref<1622016xi32, #tpu.memory_space<hbm>> -> memref<768xi32, #tpu.memory_space<hbm>>
      tpu.wait_dma2 semaphore(%run_scoped3A : memref<!tpu.dma_semaphore, #tpu.memory_space<semaphore_mem>>) src(%dma_wait3A_20 : memref<768xi32, #tpu.memory_space<hbm>>) dst(%arg7 : memref<768xi32, #tpu.memory_space<vmem>>)
      tpu.yield
    }) : () -> ()
    "tpu.region"() ({
      %run_scoped3A = tpu.sem_alloc : memref<!tpu.dma_semaphore, #tpu.memory_space<semaphore_mem>>
      %dma_start3A_18 = arith.constant 0 : i32
      %dma_start3A_19 = tpu.memref_slice %arg4[%add3A_3, %dma_start3A_18] : memref<12672x128xi32, #tpu.memory_space<hbm>> -> memref<6x128xi32, #tpu.memory_space<hbm>>
      %dma_start3A_20 = arith.constant 0 : i32
      %dma_start3A_21 = tpu.memref_slice %arg4[%add3A_3, %dma_start3A_20] : memref<12672x128xi32, #tpu.memory_space<hbm>> -> memref<6x128xi32, #tpu.memory_space<hbm>>
      tpu.enqueue_dma source(%dma_start3A_21 : memref<6x128xi32, #tpu.memory_space<hbm>>) target(%arg8 : memref<6x128xi32, #tpu.memory_space<vmem>>) target_semaphore(%run_scoped3A : memref<!tpu.dma_semaphore, #tpu.memory_space<semaphore_mem>>)
      %dma_wait3A = arith.constant 0 : i32
      %dma_wait3A_22 = tpu.memref_slice %arg4[%add3A_3, %dma_wait3A] : memref<12672x128xi32, #tpu.memory_space<hbm>> -> memref<6x128xi32, #tpu.memory_space<hbm>>
      %dma_wait3A_23 = arith.constant 0 : i32
      %dma_wait3A_24 = tpu.memref_slice %arg4[%add3A_3, %dma_wait3A_23] : memref<12672x128xi32, #tpu.memory_space<hbm>> -> memref<6x128xi32, #tpu.memory_space<hbm>>
      tpu.wait_dma2 semaphore(%run_scoped3A : memref<!tpu.dma_semaphore, #tpu.memory_space<semaphore_mem>>) src(%dma_wait3A_24 : memref<6x128xi32, #tpu.memory_space<hbm>>) dst(%arg8 : memref<6x128xi32, #tpu.memory_space<vmem>>)
      tpu.yield
    }) : () -> ()
    %dma_start3A = arith.constant 0 : i32
    %dma_start3A_6 = arith.constant 0 : i32
    %dma_start3A_7 = tpu.memref_slice %arg2[%arg0, %dma_start3A, %dma_start3A_6] : memref<2x100096x16xf32, #tpu.memory_space<hbm>> -> memref<1x100096x16xf32, #tpu.memory_space<hbm>>
    %dma_start3A_8 = tpu.memref_squeeze %dma_start3A_7 : memref<1x100096x16xf32, #tpu.memory_space<hbm>> -> memref<100096x16xf32, #tpu.memory_space<hbm>>
    %dma_start3A_9 = arith.constant 0 : i32
    %dma_start3A_10 = arith.constant 0 : i32
    %dma_start3A_11 = tpu.memref_slice %dma_start3A_8[%dma_start3A_9, %dma_start3A_10] : memref<100096x16xf32, #tpu.memory_space<hbm>> -> memref<100096x16xf32, #tpu.memory_space<hbm>>
    tpu.enqueue_indirect_dma source(%dma_start3A_11 : memref<100096x16xf32, #tpu.memory_space<hbm>>) target(%arg9 : memref<768x16xf32, #tpu.memory_space<vmem>>) offsets(%arg7 : memref<768xi32, #tpu.memory_space<vmem>>) semaphore(%arg13 : memref<!tpu.dma_semaphore, #tpu.memory_space<semaphore_mem>>)
    %scan3A = arith.constant 0 : i32
    %scan3A_12 = arith.constant 0 : i32
    %scan3A_13 = arith.constant 66 : i32
    %scan3A_14 = arith.addi %scan3A_12, %scan3A_13 : i32
    %scan3A_15 = arith.constant 1 : i32
    scf.for %scan3A_18 = %scan3A_12 to %scan3A_14 step %scan3A_15  : i32 {
      %mul3A_19 = arith.constant 2 : i32
      %mul3A_20 = arith.muli %mul3A_19, %scan3A_18 : i32
      %add3A_21 = arith.constant 1 : i32
      %add3A_22 = arith.addi %mul3A_20, %add3A_21 : i32
      %mul3A_23 = arith.constant 6 : i32
      %mul3A_24 = arith.muli %add3A_22, %mul3A_23 : i32
      %add3A_25 = arith.addi %mul3A_2, %mul3A_24 : i32
      %mul3A_26 = arith.constant 128 : i32
      %mul3A_27 = arith.muli %add3A_25, %mul3A_26 : i32
      "tpu.region"() ({
        %run_scoped3A = tpu.sem_alloc : memref<!tpu.dma_semaphore, #tpu.memory_space<semaphore_mem>>
        %dma_start3A_294 = tpu.memref_slice %arg3[%mul3A_27] : memref<1622016xi32, #tpu.memory_space<hbm>> -> memref<768xi32, #tpu.memory_space<hbm>>
        %dma_start3A_295 = tpu.memref_slice %arg3[%mul3A_27] : memref<1622016xi32, #tpu.memory_space<hbm>> -> memref<768xi32, #tpu.memory_space<hbm>>
        tpu.enqueue_dma source(%dma_start3A_295 : memref<768xi32, #tpu.memory_space<hbm>>) target(%arg10 : memref<768xi32, #tpu.memory_space<vmem>>) target_semaphore(%run_scoped3A : memref<!tpu.dma_semaphore, #tpu.memory_space<semaphore_mem>>)
        %dma_wait3A_296 = tpu.memref_slice %arg3[%mul3A_27] : memref<1622016xi32, #tpu.memory_space<hbm>> -> memref<768xi32, #tpu.memory_space<hbm>>
        %dma_wait3A_297 = tpu.memref_slice %arg3[%mul3A_27] : memref<1622016xi32, #tpu.memory_space<hbm>> -> memref<768xi32, #tpu.memory_space<hbm>>
        tpu.wait_dma2 semaphore(%run_scoped3A : memref<!tpu.dma_semaphore, #tpu.memory_space<semaphore_mem>>) src(%dma_wait3A_297 : memref<768xi32, #tpu.memory_space<hbm>>) dst(%arg10 : memref<768xi32, #tpu.memory_space<vmem>>)
        tpu.yield
      }) : () -> ()
      "tpu.region"() ({
        %run_scoped3A = tpu.sem_alloc : memref<!tpu.dma_semaphore, #tpu.memory_space<semaphore_mem>>
        %dma_start3A_294 = arith.constant 0 : i32
        %dma_start3A_295 = tpu.memref_slice %arg4[%add3A_25, %dma_start3A_294] : memref<12672x128xi32, #tpu.memory_space<hbm>> -> memref<6x128xi32, #tpu.memory_space<hbm>>
        %dma_start3A_296 = arith.constant 0 : i32
        %dma_start3A_297 = tpu.memref_slice %arg4[%add3A_25, %dma_start3A_296] : memref<12672x128xi32, #tpu.memory_space<hbm>> -> memref<6x128xi32, #tpu.memory_space<hbm>>
        tpu.enqueue_dma source(%dma_start3A_297 : memref<6x128xi32, #tpu.memory_space<hbm>>) target(%arg11 : memref<6x128xi32, #tpu.memory_space<vmem>>) target_semaphore(%run_scoped3A : memref<!tpu.dma_semaphore, #tpu.memory_space<semaphore_mem>>)
        %dma_wait3A_298 = arith.constant 0 : i32
        %dma_wait3A_299 = tpu.memref_slice %arg4[%add3A_25, %dma_wait3A_298] : memref<12672x128xi32, #tpu.memory_space<hbm>> -> memref<6x128xi32, #tpu.memory_space<hbm>>
        %dma_wait3A_300 = arith.constant 0 : i32
        %dma_wait3A_301 = tpu.memref_slice %arg4[%add3A_25, %dma_wait3A_300] : memref<12672x128xi32, #tpu.memory_space<hbm>> -> memref<6x128xi32, #tpu.memory_space<hbm>>
        tpu.wait_dma2 semaphore(%run_scoped3A : memref<!tpu.dma_semaphore, #tpu.memory_space<semaphore_mem>>) src(%dma_wait3A_301 : memref<6x128xi32, #tpu.memory_space<hbm>>) dst(%arg11 : memref<6x128xi32, #tpu.memory_space<vmem>>)
        tpu.yield
      }) : () -> ()
      %dma_start3A_28 = arith.constant 0 : i32
      %dma_start3A_29 = arith.constant 0 : i32
      %dma_start3A_30 = tpu.memref_slice %arg2[%arg0, %dma_start3A_28, %dma_start3A_29] : memref<2x100096x16xf32, #tpu.memory_space<hbm>> -> memref<1x100096x16xf32, #tpu.memory_space<hbm>>
      %dma_start3A_31 = tpu.memref_squeeze %dma_start3A_30 : memref<1x100096x16xf32, #tpu.memory_space<hbm>> -> memref<100096x16xf32, #tpu.memory_space<hbm>>
      %dma_start3A_32 = arith.constant 0 : i32
      %dma_start3A_33 = arith.constant 0 : i32
      %dma_start3A_34 = tpu.memref_slice %dma_start3A_31[%dma_start3A_32, %dma_start3A_33] : memref<100096x16xf32, #tpu.memory_space<hbm>> -> memref<100096x16xf32, #tpu.memory_space<hbm>>
      tpu.enqueue_indirect_dma source(%dma_start3A_34 : memref<100096x16xf32, #tpu.memory_space<hbm>>) target(%arg12 : memref<768x16xf32, #tpu.memory_space<vmem>>) offsets(%arg10 : memref<768xi32, #tpu.memory_space<vmem>>) semaphore(%arg15 : memref<!tpu.dma_semaphore, #tpu.memory_space<semaphore_mem>>)
      %dma_wait3A = arith.constant 0 : i32
      %dma_wait3A_35 = arith.constant 0 : i32
      %dma_wait3A_36 = tpu.memref_slice %arg2[%arg0, %dma_wait3A, %dma_wait3A_35] : memref<2x100096x16xf32, #tpu.memory_space<hbm>> -> memref<1x100096x16xf32, #tpu.memory_space<hbm>>
      %dma_wait3A_37 = tpu.memref_squeeze %dma_wait3A_36 : memref<1x100096x16xf32, #tpu.memory_space<hbm>> -> memref<100096x16xf32, #tpu.memory_space<hbm>>
      %dma_wait3A_38 = arith.constant 0 : i32
      %dma_wait3A_39 = arith.constant 0 : i32
      %dma_wait3A_40 = tpu.memref_slice %dma_wait3A_37[%dma_wait3A_38, %dma_wait3A_39] : memref<100096x16xf32, #tpu.memory_space<hbm>> -> memref<100096x16xf32, #tpu.memory_space<hbm>>
      tpu.wait_indirect_dma semaphore(%arg13 : memref<!tpu.dma_semaphore, #tpu.memory_space<semaphore_mem>>) src(%dma_wait3A_40 : memref<100096x16xf32, #tpu.memory_space<hbm>>) dst(%arg9 : memref<768x16xf32, #tpu.memory_space<vmem>>)
      %dma_start3A_41 = arith.constant 0 : i32
      %dma_start3A_42 = arith.constant 0 : i32
      %dma_start3A_43 = arith.constant 0 : i32
      %dma_start3A_44 = tpu.memref_slice %arg9[%dma_start3A_42, %dma_start3A_43] : memref<768x16xf32, #tpu.memory_space<vmem>> -> memref<128x16xf32, #tpu.memory_space<vmem>>
      %dma_start3A_45 = arith.constant 0 : i32
      %dma_start3A_46 = tpu.memref_slice %arg8[%dma_start3A_41, %dma_start3A_45] : memref<6x128xi32, #tpu.memory_space<vmem>> -> memref<1x128xi32, #tpu.memory_space<vmem>>
      %dma_start3A_47 = tpu.memref_squeeze %dma_start3A_46 : memref<1x128xi32, #tpu.memory_space<vmem>> -> memref<128xi32, #tpu.memory_space<vmem>>
      %dma_start3A_48 = arith.constant 0 : i32
      %dma_start3A_49 = arith.constant 0 : i32
      %dma_start3A_50 = tpu.memref_slice %arg6[%dma_start3A_48, %dma_start3A_49] : memref<100096x16xf32, #tpu.memory_space<vmem_shared>> -> memref<100096x16xf32, #tpu.memory_space<vmem_shared>>
      tpu.enqueue_indirect_dma source(%dma_start3A_44 : memref<128x16xf32, #tpu.memory_space<vmem>>) target(%dma_start3A_50 : memref<100096x16xf32, #tpu.memory_space<vmem_shared>>) offsets(%dma_start3A_47 : memref<128xi32, #tpu.memory_space<vmem>>) semaphore(%arg14 : memref<!tpu.dma_semaphore, #tpu.memory_space<semaphore_mem>>) {add = true}
      %dma_start3A_51 = arith.constant 1 : i32
      %dma_start3A_52 = arith.constant 128 : i32
      %dma_start3A_53 = arith.constant 0 : i32
      %dma_start3A_54 = tpu.memref_slice %arg9[%dma_start3A_52, %dma_start3A_53] : memref<768x16xf32, #tpu.memory_space<vmem>> -> memref<128x16xf32, #tpu.memory_space<vmem>>
      %dma_start3A_55 = arith.constant 0 : i32
      %dma_start3A_56 = tpu.memref_slice %arg8[%dma_start3A_51, %dma_start3A_55] : memref<6x128xi32, #tpu.memory_space<vmem>> -> memref<1x128xi32, #tpu.memory_space<vmem>>
      %dma_start3A_57 = tpu.memref_squeeze %dma_start3A_56 : memref<1x128xi32, #tpu.memory_space<vmem>> -> memref<128xi32, #tpu.memory_space<vmem>>
      %dma_start3A_58 = arith.constant 0 : i32
      %dma_start3A_59 = arith.constant 0 : i32
      %dma_start3A_60 = tpu.memref_slice %arg6[%dma_start3A_58, %dma_start3A_59] : memref<100096x16xf32, #tpu.memory_space<vmem_shared>> -> memref<100096x16xf32, #tpu.memory_space<vmem_shared>>
      tpu.enqueue_indirect_dma source(%dma_start3A_54 : memref<128x16xf32, #tpu.memory_space<vmem>>) target(%dma_start3A_60 : memref<100096x16xf32, #tpu.memory_space<vmem_shared>>) offsets(%dma_start3A_57 : memref<128xi32, #tpu.memory_space<vmem>>) semaphore(%arg14 : memref<!tpu.dma_semaphore, #tpu.memory_space<semaphore_mem>>) {add = true}
      %dma_start3A_61 = arith.constant 2 : i32
      %dma_start3A_62 = arith.constant 256 : i32
      %dma_start3A_63 = arith.constant 0 : i32
      %dma_start3A_64 = tpu.memref_slice %arg9[%dma_start3A_62, %dma_start3A_63] : memref<768x16xf32, #tpu.memory_space<vmem>> -> memref<128x16xf32, #tpu.memory_space<vmem>>
      %dma_start3A_65 = arith.constant 0 : i32
      %dma_start3A_66 = tpu.memref_slice %arg8[%dma_start3A_61, %dma_start3A_65] : memref<6x128xi32, #tpu.memory_space<vmem>> -> memref<1x128xi32, #tpu.memory_space<vmem>>
      %dma_start3A_67 = tpu.memref_squeeze %dma_start3A_66 : memref<1x128xi32, #tpu.memory_space<vmem>> -> memref<128xi32, #tpu.memory_space<vmem>>
      %dma_start3A_68 = arith.constant 0 : i32
      %dma_start3A_69 = arith.constant 0 : i32
      %dma_start3A_70 = tpu.memref_slice %arg6[%dma_start3A_68, %dma_start3A_69] : memref<100096x16xf32, #tpu.memory_space<vmem_shared>> -> memref<100096x16xf32, #tpu.memory_space<vmem_shared>>
      tpu.enqueue_indirect_dma source(%dma_start3A_64 : memref<128x16xf32, #tpu.memory_space<vmem>>) target(%dma_start3A_70 : memref<100096x16xf32, #tpu.memory_space<vmem_shared>>) offsets(%dma_start3A_67 : memref<128xi32, #tpu.memory_space<vmem>>) semaphore(%arg14 : memref<!tpu.dma_semaphore, #tpu.memory_space<semaphore_mem>>) {add = true}
      %dma_start3A_71 = arith.constant 3 : i32
      %dma_start3A_72 = arith.constant 384 : i32
      %dma_start3A_73 = arith.constant 0 : i32
      %dma_start3A_74 = tpu.memref_slice %arg9[%dma_start3A_72, %dma_start3A_73] : memref<768x16xf32, #tpu.memory_space<vmem>> -> memref<128x16xf32, #tpu.memory_space<vmem>>
      %dma_start3A_75 = arith.constant 0 : i32
      %dma_start3A_76 = tpu.memref_slice %arg8[%dma_start3A_71, %dma_start3A_75] : memref<6x128xi32, #tpu.memory_space<vmem>> -> memref<1x128xi32, #tpu.memory_space<vmem>>
      %dma_start3A_77 = tpu.memref_squeeze %dma_start3A_76 : memref<1x128xi32, #tpu.memory_space<vmem>> -> memref<128xi32, #tpu.memory_space<vmem>>
      %dma_start3A_78 = arith.constant 0 : i32
      %dma_start3A_79 = arith.constant 0 : i32
      %dma_start3A_80 = tpu.memref_slice %arg6[%dma_start3A_78, %dma_start3A_79] : memref<100096x16xf32, #tpu.memory_space<vmem_shared>> -> memref<100096x16xf32, #tpu.memory_space<vmem_shared>>
      tpu.enqueue_indirect_dma source(%dma_start3A_74 : memref<128x16xf32, #tpu.memory_space<vmem>>) target(%dma_start3A_80 : memref<100096x16xf32, #tpu.memory_space<vmem_shared>>) offsets(%dma_start3A_77 : memref<128xi32, #tpu.memory_space<vmem>>) semaphore(%arg14 : memref<!tpu.dma_semaphore, #tpu.memory_space<semaphore_mem>>) {add = true}
      %dma_start3A_81 = arith.constant 4 : i32
      %dma_start3A_82 = arith.constant 512 : i32
      %dma_start3A_83 = arith.constant 0 : i32
      %dma_start3A_84 = tpu.memref_slice %arg9[%dma_start3A_82, %dma_start3A_83] : memref<768x16xf32, #tpu.memory_space<vmem>> -> memref<128x16xf32, #tpu.memory_space<vmem>>
      %dma_start3A_85 = arith.constant 0 : i32
      %dma_start3A_86 = tpu.memref_slice %arg8[%dma_start3A_81, %dma_start3A_85] : memref<6x128xi32, #tpu.memory_space<vmem>> -> memref<1x128xi32, #tpu.memory_space<vmem>>
      %dma_start3A_87 = tpu.memref_squeeze %dma_start3A_86 : memref<1x128xi32, #tpu.memory_space<vmem>> -> memref<128xi32, #tpu.memory_space<vmem>>
      %dma_start3A_88 = arith.constant 0 : i32
      %dma_start3A_89 = arith.constant 0 : i32
      %dma_start3A_90 = tpu.memref_slice %arg6[%dma_start3A_88, %dma_start3A_89] : memref<100096x16xf32, #tpu.memory_space<vmem_shared>> -> memref<100096x16xf32, #tpu.memory_space<vmem_shared>>
      tpu.enqueue_indirect_dma source(%dma_start3A_84 : memref<128x16xf32, #tpu.memory_space<vmem>>) target(%dma_start3A_90 : memref<100096x16xf32, #tpu.memory_space<vmem_shared>>) offsets(%dma_start3A_87 : memref<128xi32, #tpu.memory_space<vmem>>) semaphore(%arg14 : memref<!tpu.dma_semaphore, #tpu.memory_space<semaphore_mem>>) {add = true}
      %dma_start3A_91 = arith.constant 5 : i32
      %dma_start3A_92 = arith.constant 640 : i32
      %dma_start3A_93 = arith.constant 0 : i32
      %dma_start3A_94 = tpu.memref_slice %arg9[%dma_start3A_92, %dma_start3A_93] : memref<768x16xf32, #tpu.memory_space<vmem>> -> memref<128x16xf32, #tpu.memory_space<vmem>>
      %dma_start3A_95 = arith.constant 0 : i32
      %dma_start3A_96 = tpu.memref_slice %arg8[%dma_start3A_91, %dma_start3A_95] : memref<6x128xi32, #tpu.memory_space<vmem>> -> memref<1x128xi32, #tpu.memory_space<vmem>>
      %dma_start3A_97 = tpu.memref_squeeze %dma_start3A_96 : memref<1x128xi32, #tpu.memory_space<vmem>> -> memref<128xi32, #tpu.memory_space<vmem>>
      %dma_start3A_98 = arith.constant 0 : i32
      %dma_start3A_99 = arith.constant 0 : i32
      %dma_start3A_100 = tpu.memref_slice %arg6[%dma_start3A_98, %dma_start3A_99] : memref<100096x16xf32, #tpu.memory_space<vmem_shared>> -> memref<100096x16xf32, #tpu.memory_space<vmem_shared>>
      tpu.enqueue_indirect_dma source(%dma_start3A_94 : memref<128x16xf32, #tpu.memory_space<vmem>>) target(%dma_start3A_100 : memref<100096x16xf32, #tpu.memory_space<vmem_shared>>) offsets(%dma_start3A_97 : memref<128xi32, #tpu.memory_space<vmem>>) semaphore(%arg14 : memref<!tpu.dma_semaphore, #tpu.memory_space<semaphore_mem>>) {add = true}
      %dma_wait3A_101 = arith.constant 0 : i32
      %dma_wait3A_102 = arith.constant 0 : i32
      %dma_wait3A_103 = arith.constant 0 : i32
      %dma_wait3A_104 = tpu.memref_slice %arg9[%dma_wait3A_102, %dma_wait3A_103] : memref<768x16xf32, #tpu.memory_space<vmem>> -> memref<128x16xf32, #tpu.memory_space<vmem>>
      %dma_wait3A_105 = arith.constant 0 : i32
      %dma_wait3A_106 = tpu.memref_slice %arg8[%dma_wait3A_101, %dma_wait3A_105] : memref<6x128xi32, #tpu.memory_space<vmem>> -> memref<1x128xi32, #tpu.memory_space<vmem>>
      %dma_wait3A_107 = tpu.memref_squeeze %dma_wait3A_106 : memref<1x128xi32, #tpu.memory_space<vmem>> -> memref<128xi32, #tpu.memory_space<vmem>>
      %dma_wait3A_108 = arith.constant 0 : i32
      %dma_wait3A_109 = arith.constant 0 : i32
      %dma_wait3A_110 = tpu.memref_slice %arg6[%dma_wait3A_108, %dma_wait3A_109] : memref<100096x16xf32, #tpu.memory_space<vmem_shared>> -> memref<100096x16xf32, #tpu.memory_space<vmem_shared>>
      tpu.wait_indirect_dma semaphore(%arg14 : memref<!tpu.dma_semaphore, #tpu.memory_space<semaphore_mem>>) src(%dma_wait3A_104 : memref<128x16xf32, #tpu.memory_space<vmem>>) dst(%dma_wait3A_110 : memref<100096x16xf32, #tpu.memory_space<vmem_shared>>)
      %dma_wait3A_111 = arith.constant 1 : i32
      %dma_wait3A_112 = arith.constant 128 : i32
      %dma_wait3A_113 = arith.constant 0 : i32
      %dma_wait3A_114 = tpu.memref_slice %arg9[%dma_wait3A_112, %dma_wait3A_113] : memref<768x16xf32, #tpu.memory_space<vmem>> -> memref<128x16xf32, #tpu.memory_space<vmem>>
      %dma_wait3A_115 = arith.constant 0 : i32
      %dma_wait3A_116 = tpu.memref_slice %arg8[%dma_wait3A_111, %dma_wait3A_115] : memref<6x128xi32, #tpu.memory_space<vmem>> -> memref<1x128xi32, #tpu.memory_space<vmem>>
      %dma_wait3A_117 = tpu.memref_squeeze %dma_wait3A_116 : memref<1x128xi32, #tpu.memory_space<vmem>> -> memref<128xi32, #tpu.memory_space<vmem>>
      %dma_wait3A_118 = arith.constant 0 : i32
      %dma_wait3A_119 = arith.constant 0 : i32
      %dma_wait3A_120 = tpu.memref_slice %arg6[%dma_wait3A_118, %dma_wait3A_119] : memref<100096x16xf32, #tpu.memory_space<vmem_shared>> -> memref<100096x16xf32, #tpu.memory_space<vmem_shared>>
      tpu.wait_indirect_dma semaphore(%arg14 : memref<!tpu.dma_semaphore, #tpu.memory_space<semaphore_mem>>) src(%dma_wait3A_114 : memref<128x16xf32, #tpu.memory_space<vmem>>) dst(%dma_wait3A_120 : memref<100096x16xf32, #tpu.memory_space<vmem_shared>>)
      %dma_wait3A_121 = arith.constant 2 : i32
      %dma_wait3A_122 = arith.constant 256 : i32
      %dma_wait3A_123 = arith.constant 0 : i32
      %dma_wait3A_124 = tpu.memref_slice %arg9[%dma_wait3A_122, %dma_wait3A_123] : memref<768x16xf32, #tpu.memory_space<vmem>> -> memref<128x16xf32, #tpu.memory_space<vmem>>
      %dma_wait3A_125 = arith.constant 0 : i32
      %dma_wait3A_126 = tpu.memref_slice %arg8[%dma_wait3A_121, %dma_wait3A_125] : memref<6x128xi32, #tpu.memory_space<vmem>> -> memref<1x128xi32, #tpu.memory_space<vmem>>
      %dma_wait3A_127 = tpu.memref_squeeze %dma_wait3A_126 : memref<1x128xi32, #tpu.memory_space<vmem>> -> memref<128xi32, #tpu.memory_space<vmem>>
      %dma_wait3A_128 = arith.constant 0 : i32
      %dma_wait3A_129 = arith.constant 0 : i32
      %dma_wait3A_130 = tpu.memref_slice %arg6[%dma_wait3A_128, %dma_wait3A_129] : memref<100096x16xf32, #tpu.memory_space<vmem_shared>> -> memref<100096x16xf32, #tpu.memory_space<vmem_shared>>
      tpu.wait_indirect_dma semaphore(%arg14 : memref<!tpu.dma_semaphore, #tpu.memory_space<semaphore_mem>>) src(%dma_wait3A_124 : memref<128x16xf32, #tpu.memory_space<vmem>>) dst(%dma_wait3A_130 : memref<100096x16xf32, #tpu.memory_space<vmem_shared>>)
      %dma_wait3A_131 = arith.constant 3 : i32
      %dma_wait3A_132 = arith.constant 384 : i32
      %dma_wait3A_133 = arith.constant 0 : i32
      %dma_wait3A_134 = tpu.memref_slice %arg9[%dma_wait3A_132, %dma_wait3A_133] : memref<768x16xf32, #tpu.memory_space<vmem>> -> memref<128x16xf32, #tpu.memory_space<vmem>>
      %dma_wait3A_135 = arith.constant 0 : i32
      %dma_wait3A_136 = tpu.memref_slice %arg8[%dma_wait3A_131, %dma_wait3A_135] : memref<6x128xi32, #tpu.memory_space<vmem>> -> memref<1x128xi32, #tpu.memory_space<vmem>>
      %dma_wait3A_137 = tpu.memref_squeeze %dma_wait3A_136 : memref<1x128xi32, #tpu.memory_space<vmem>> -> memref<128xi32, #tpu.memory_space<vmem>>
      %dma_wait3A_138 = arith.constant 0 : i32
      %dma_wait3A_139 = arith.constant 0 : i32
      %dma_wait3A_140 = tpu.memref_slice %arg6[%dma_wait3A_138, %dma_wait3A_139] : memref<100096x16xf32, #tpu.memory_space<vmem_shared>> -> memref<100096x16xf32, #tpu.memory_space<vmem_shared>>
      tpu.wait_indirect_dma semaphore(%arg14 : memref<!tpu.dma_semaphore, #tpu.memory_space<semaphore_mem>>) src(%dma_wait3A_134 : memref<128x16xf32, #tpu.memory_space<vmem>>) dst(%dma_wait3A_140 : memref<100096x16xf32, #tpu.memory_space<vmem_shared>>)
      %dma_wait3A_141 = arith.constant 4 : i32
      %dma_wait3A_142 = arith.constant 512 : i32
      %dma_wait3A_143 = arith.constant 0 : i32
      %dma_wait3A_144 = tpu.memref_slice %arg9[%dma_wait3A_142, %dma_wait3A_143] : memref<768x16xf32, #tpu.memory_space<vmem>> -> memref<128x16xf32, #tpu.memory_space<vmem>>
      %dma_wait3A_145 = arith.constant 0 : i32
      %dma_wait3A_146 = tpu.memref_slice %arg8[%dma_wait3A_141, %dma_wait3A_145] : memref<6x128xi32, #tpu.memory_space<vmem>> -> memref<1x128xi32, #tpu.memory_space<vmem>>
      %dma_wait3A_147 = tpu.memref_squeeze %dma_wait3A_146 : memref<1x128xi32, #tpu.memory_space<vmem>> -> memref<128xi32, #tpu.memory_space<vmem>>
      %dma_wait3A_148 = arith.constant 0 : i32
      %dma_wait3A_149 = arith.constant 0 : i32
      %dma_wait3A_150 = tpu.memref_slice %arg6[%dma_wait3A_148, %dma_wait3A_149] : memref<100096x16xf32, #tpu.memory_space<vmem_shared>> -> memref<100096x16xf32, #tpu.memory_space<vmem_shared>>
      tpu.wait_indirect_dma semaphore(%arg14 : memref<!tpu.dma_semaphore, #tpu.memory_space<semaphore_mem>>) src(%dma_wait3A_144 : memref<128x16xf32, #tpu.memory_space<vmem>>) dst(%dma_wait3A_150 : memref<100096x16xf32, #tpu.memory_space<vmem_shared>>)
      %dma_wait3A_151 = arith.constant 5 : i32
      %dma_wait3A_152 = arith.constant 640 : i32
      %dma_wait3A_153 = arith.constant 0 : i32
      %dma_wait3A_154 = tpu.memref_slice %arg9[%dma_wait3A_152, %dma_wait3A_153] : memref<768x16xf32, #tpu.memory_space<vmem>> -> memref<128x16xf32, #tpu.memory_space<vmem>>
      %dma_wait3A_155 = arith.constant 0 : i32
      %dma_wait3A_156 = tpu.memref_slice %arg8[%dma_wait3A_151, %dma_wait3A_155] : memref<6x128xi32, #tpu.memory_space<vmem>> -> memref<1x128xi32, #tpu.memory_space<vmem>>
      %dma_wait3A_157 = tpu.memref_squeeze %dma_wait3A_156 : memref<1x128xi32, #tpu.memory_space<vmem>> -> memref<128xi32, #tpu.memory_space<vmem>>
      %dma_wait3A_158 = arith.constant 0 : i32
      %dma_wait3A_159 = arith.constant 0 : i32
      %dma_wait3A_160 = tpu.memref_slice %arg6[%dma_wait3A_158, %dma_wait3A_159] : memref<100096x16xf32, #tpu.memory_space<vmem_shared>> -> memref<100096x16xf32, #tpu.memory_space<vmem_shared>>
      tpu.wait_indirect_dma semaphore(%arg14 : memref<!tpu.dma_semaphore, #tpu.memory_space<semaphore_mem>>) src(%dma_wait3A_154 : memref<128x16xf32, #tpu.memory_space<vmem>>) dst(%dma_wait3A_160 : memref<100096x16xf32, #tpu.memory_space<vmem_shared>>)
      %add3A_161 = arith.constant 2 : i32
      %add3A_162 = arith.addi %mul3A_20, %add3A_161 : i32
      %lt3A = arith.constant 132 : i32
      %lt3A_163 = arith.cmpi slt, %add3A_162, %lt3A : i32
      %convert_element_type3A = arith.extui %lt3A_163 : i1 to i32
      %cond3A = arith.constant 0 : i32
      %cond3A_164 = arith.cmpi ne, %convert_element_type3A, %cond3A : i32
      scf.if %cond3A_164 {
        %add3A_294 = arith.constant 2 : i32
        %add3A_295 = arith.addi %mul3A_20, %add3A_294 : i32
        %mul3A_296 = arith.constant 6 : i32
        %mul3A_297 = arith.muli %add3A_295, %mul3A_296 : i32
        %add3A_298 = arith.addi %mul3A_2, %mul3A_297 : i32
        %mul3A_299 = arith.constant 128 : i32
        %mul3A_300 = arith.muli %add3A_298, %mul3A_299 : i32
        "tpu.region"() ({
          %run_scoped3A = tpu.sem_alloc : memref<!tpu.dma_semaphore, #tpu.memory_space<semaphore_mem>>
          %dma_start3A_308 = tpu.memref_slice %arg3[%mul3A_300] : memref<1622016xi32, #tpu.memory_space<hbm>> -> memref<768xi32, #tpu.memory_space<hbm>>
          %dma_start3A_309 = tpu.memref_slice %arg3[%mul3A_300] : memref<1622016xi32, #tpu.memory_space<hbm>> -> memref<768xi32, #tpu.memory_space<hbm>>
          tpu.enqueue_dma source(%dma_start3A_309 : memref<768xi32, #tpu.memory_space<hbm>>) target(%arg7 : memref<768xi32, #tpu.memory_space<vmem>>) target_semaphore(%run_scoped3A : memref<!tpu.dma_semaphore, #tpu.memory_space<semaphore_mem>>)
          %dma_wait3A_310 = tpu.memref_slice %arg3[%mul3A_300] : memref<1622016xi32, #tpu.memory_space<hbm>> -> memref<768xi32, #tpu.memory_space<hbm>>
          %dma_wait3A_311 = tpu.memref_slice %arg3[%mul3A_300] : memref<1622016xi32, #tpu.memory_space<hbm>> -> memref<768xi32, #tpu.memory_space<hbm>>
          tpu.wait_dma2 semaphore(%run_scoped3A : memref<!tpu.dma_semaphore, #tpu.memory_space<semaphore_mem>>) src(%dma_wait3A_311 : memref<768xi32, #tpu.memory_space<hbm>>) dst(%arg7 : memref<768xi32, #tpu.memory_space<vmem>>)
          tpu.yield
        }) : () -> ()
        "tpu.region"() ({
          %run_scoped3A = tpu.sem_alloc : memref<!tpu.dma_semaphore, #tpu.memory_space<semaphore_mem>>
          %dma_start3A_308 = arith.constant 0 : i32
          %dma_start3A_309 = tpu.memref_slice %arg4[%add3A_298, %dma_start3A_308] : memref<12672x128xi32, #tpu.memory_space<hbm>> -> memref<6x128xi32, #tpu.memory_space<hbm>>
          %dma_start3A_310 = arith.constant 0 : i32
          %dma_start3A_311 = tpu.memref_slice %arg4[%add3A_298, %dma_start3A_310] : memref<12672x128xi32, #tpu.memory_space<hbm>> -> memref<6x128xi32, #tpu.memory_space<hbm>>
          tpu.enqueue_dma source(%dma_start3A_311 : memref<6x128xi32, #tpu.memory_space<hbm>>) target(%arg8 : memref<6x128xi32, #tpu.memory_space<vmem>>) target_semaphore(%run_scoped3A : memref<!tpu.dma_semaphore, #tpu.memory_space<semaphore_mem>>)
          %dma_wait3A_312 = arith.constant 0 : i32
          %dma_wait3A_313 = tpu.memref_slice %arg4[%add3A_298, %dma_wait3A_312] : memref<12672x128xi32, #tpu.memory_space<hbm>> -> memref<6x128xi32, #tpu.memory_space<hbm>>
          %dma_wait3A_314 = arith.constant 0 : i32
          %dma_wait3A_315 = tpu.memref_slice %arg4[%add3A_298, %dma_wait3A_314] : memref<12672x128xi32, #tpu.memory_space<hbm>> -> memref<6x128xi32, #tpu.memory_space<hbm>>
          tpu.wait_dma2 semaphore(%run_scoped3A : memref<!tpu.dma_semaphore, #tpu.memory_space<semaphore_mem>>) src(%dma_wait3A_315 : memref<6x128xi32, #tpu.memory_space<hbm>>) dst(%arg8 : memref<6x128xi32, #tpu.memory_space<vmem>>)
          tpu.yield
        }) : () -> ()
        %dma_start3A_301 = arith.constant 0 : i32
        %dma_start3A_302 = arith.constant 0 : i32
        %dma_start3A_303 = tpu.memref_slice %arg2[%arg0, %dma_start3A_301, %dma_start3A_302] : memref<2x100096x16xf32, #tpu.memory_space<hbm>> -> memref<1x100096x16xf32, #tpu.memory_space<hbm>>
        %dma_start3A_304 = tpu.memref_squeeze %dma_start3A_303 : memref<1x100096x16xf32, #tpu.memory_space<hbm>> -> memref<100096x16xf32, #tpu.memory_space<hbm>>
        %dma_start3A_305 = arith.constant 0 : i32
        %dma_start3A_306 = arith.constant 0 : i32
        %dma_start3A_307 = tpu.memref_slice %dma_start3A_304[%dma_start3A_305, %dma_start3A_306] : memref<100096x16xf32, #tpu.memory_space<hbm>> -> memref<100096x16xf32, #tpu.memory_space<hbm>>
        tpu.enqueue_indirect_dma source(%dma_start3A_307 : memref<100096x16xf32, #tpu.memory_space<hbm>>) target(%arg9 : memref<768x16xf32, #tpu.memory_space<vmem>>) offsets(%arg7 : memref<768xi32, #tpu.memory_space<vmem>>) semaphore(%arg13 : memref<!tpu.dma_semaphore, #tpu.memory_space<semaphore_mem>>)
      } else {
      }
      %add3A_165 = arith.constant 1 : i32
      %add3A_166 = arith.addi %mul3A_20, %add3A_165 : i32
      %dma_wait3A_167 = arith.constant 0 : i32
      %dma_wait3A_168 = arith.constant 0 : i32
      %dma_wait3A_169 = tpu.memref_slice %arg2[%arg0, %dma_wait3A_167, %dma_wait3A_168] : memref<2x100096x16xf32, #tpu.memory_space<hbm>> -> memref<1x100096x16xf32, #tpu.memory_space<hbm>>
      %dma_wait3A_170 = tpu.memref_squeeze %dma_wait3A_169 : memref<1x100096x16xf32, #tpu.memory_space<hbm>> -> memref<100096x16xf32, #tpu.memory_space<hbm>>
      %dma_wait3A_171 = arith.constant 0 : i32
      %dma_wait3A_172 = arith.constant 0 : i32
      %dma_wait3A_173 = tpu.memref_slice %dma_wait3A_170[%dma_wait3A_171, %dma_wait3A_172] : memref<100096x16xf32, #tpu.memory_space<hbm>> -> memref<100096x16xf32, #tpu.memory_space<hbm>>
      tpu.wait_indirect_dma semaphore(%arg15 : memref<!tpu.dma_semaphore, #tpu.memory_space<semaphore_mem>>) src(%dma_wait3A_173 : memref<100096x16xf32, #tpu.memory_space<hbm>>) dst(%arg12 : memref<768x16xf32, #tpu.memory_space<vmem>>)
      %dma_start3A_174 = arith.constant 0 : i32
      %dma_start3A_175 = arith.constant 0 : i32
      %dma_start3A_176 = arith.constant 0 : i32
      %dma_start3A_177 = tpu.memref_slice %arg12[%dma_start3A_175, %dma_start3A_176] : memref<768x16xf32, #tpu.memory_space<vmem>> -> memref<128x16xf32, #tpu.memory_space<vmem>>
      %dma_start3A_178 = arith.constant 0 : i32
      %dma_start3A_179 = tpu.memref_slice %arg11[%dma_start3A_174, %dma_start3A_178] : memref<6x128xi32, #tpu.memory_space<vmem>> -> memref<1x128xi32, #tpu.memory_space<vmem>>
      %dma_start3A_180 = tpu.memref_squeeze %dma_start3A_179 : memref<1x128xi32, #tpu.memory_space<vmem>> -> memref<128xi32, #tpu.memory_space<vmem>>
      %dma_start3A_181 = arith.constant 0 : i32
      %dma_start3A_182 = arith.constant 0 : i32
      %dma_start3A_183 = tpu.memref_slice %arg6[%dma_start3A_181, %dma_start3A_182] : memref<100096x16xf32, #tpu.memory_space<vmem_shared>> -> memref<100096x16xf32, #tpu.memory_space<vmem_shared>>
      tpu.enqueue_indirect_dma source(%dma_start3A_177 : memref<128x16xf32, #tpu.memory_space<vmem>>) target(%dma_start3A_183 : memref<100096x16xf32, #tpu.memory_space<vmem_shared>>) offsets(%dma_start3A_180 : memref<128xi32, #tpu.memory_space<vmem>>) semaphore(%arg16 : memref<!tpu.dma_semaphore, #tpu.memory_space<semaphore_mem>>) {add = true}
      %dma_start3A_184 = arith.constant 1 : i32
      %dma_start3A_185 = arith.constant 128 : i32
      %dma_start3A_186 = arith.constant 0 : i32
      %dma_start3A_187 = tpu.memref_slice %arg12[%dma_start3A_185, %dma_start3A_186] : memref<768x16xf32, #tpu.memory_space<vmem>> -> memref<128x16xf32, #tpu.memory_space<vmem>>
      %dma_start3A_188 = arith.constant 0 : i32
      %dma_start3A_189 = tpu.memref_slice %arg11[%dma_start3A_184, %dma_start3A_188] : memref<6x128xi32, #tpu.memory_space<vmem>> -> memref<1x128xi32, #tpu.memory_space<vmem>>
      %dma_start3A_190 = tpu.memref_squeeze %dma_start3A_189 : memref<1x128xi32, #tpu.memory_space<vmem>> -> memref<128xi32, #tpu.memory_space<vmem>>
      %dma_start3A_191 = arith.constant 0 : i32
      %dma_start3A_192 = arith.constant 0 : i32
      %dma_start3A_193 = tpu.memref_slice %arg6[%dma_start3A_191, %dma_start3A_192] : memref<100096x16xf32, #tpu.memory_space<vmem_shared>> -> memref<100096x16xf32, #tpu.memory_space<vmem_shared>>
      tpu.enqueue_indirect_dma source(%dma_start3A_187 : memref<128x16xf32, #tpu.memory_space<vmem>>) target(%dma_start3A_193 : memref<100096x16xf32, #tpu.memory_space<vmem_shared>>) offsets(%dma_start3A_190 : memref<128xi32, #tpu.memory_space<vmem>>) semaphore(%arg16 : memref<!tpu.dma_semaphore, #tpu.memory_space<semaphore_mem>>) {add = true}
      %dma_start3A_194 = arith.constant 2 : i32
      %dma_start3A_195 = arith.constant 256 : i32
      %dma_start3A_196 = arith.constant 0 : i32
      %dma_start3A_197 = tpu.memref_slice %arg12[%dma_start3A_195, %dma_start3A_196] : memref<768x16xf32, #tpu.memory_space<vmem>> -> memref<128x16xf32, #tpu.memory_space<vmem>>
      %dma_start3A_198 = arith.constant 0 : i32
      %dma_start3A_199 = tpu.memref_slice %arg11[%dma_start3A_194, %dma_start3A_198] : memref<6x128xi32, #tpu.memory_space<vmem>> -> memref<1x128xi32, #tpu.memory_space<vmem>>
      %dma_start3A_200 = tpu.memref_squeeze %dma_start3A_199 : memref<1x128xi32, #tpu.memory_space<vmem>> -> memref<128xi32, #tpu.memory_space<vmem>>
      %dma_start3A_201 = arith.constant 0 : i32
      %dma_start3A_202 = arith.constant 0 : i32
      %dma_start3A_203 = tpu.memref_slice %arg6[%dma_start3A_201, %dma_start3A_202] : memref<100096x16xf32, #tpu.memory_space<vmem_shared>> -> memref<100096x16xf32, #tpu.memory_space<vmem_shared>>
      tpu.enqueue_indirect_dma source(%dma_start3A_197 : memref<128x16xf32, #tpu.memory_space<vmem>>) target(%dma_start3A_203 : memref<100096x16xf32, #tpu.memory_space<vmem_shared>>) offsets(%dma_start3A_200 : memref<128xi32, #tpu.memory_space<vmem>>) semaphore(%arg16 : memref<!tpu.dma_semaphore, #tpu.memory_space<semaphore_mem>>) {add = true}
      %dma_start3A_204 = arith.constant 3 : i32
      %dma_start3A_205 = arith.constant 384 : i32
      %dma_start3A_206 = arith.constant 0 : i32
      %dma_start3A_207 = tpu.memref_slice %arg12[%dma_start3A_205, %dma_start3A_206] : memref<768x16xf32, #tpu.memory_space<vmem>> -> memref<128x16xf32, #tpu.memory_space<vmem>>
      %dma_start3A_208 = arith.constant 0 : i32
      %dma_start3A_209 = tpu.memref_slice %arg11[%dma_start3A_204, %dma_start3A_208] : memref<6x128xi32, #tpu.memory_space<vmem>> -> memref<1x128xi32, #tpu.memory_space<vmem>>
      %dma_start3A_210 = tpu.memref_squeeze %dma_start3A_209 : memref<1x128xi32, #tpu.memory_space<vmem>> -> memref<128xi32, #tpu.memory_space<vmem>>
      %dma_start3A_211 = arith.constant 0 : i32
      %dma_start3A_212 = arith.constant 0 : i32
      %dma_start3A_213 = tpu.memref_slice %arg6[%dma_start3A_211, %dma_start3A_212] : memref<100096x16xf32, #tpu.memory_space<vmem_shared>> -> memref<100096x16xf32, #tpu.memory_space<vmem_shared>>
      tpu.enqueue_indirect_dma source(%dma_start3A_207 : memref<128x16xf32, #tpu.memory_space<vmem>>) target(%dma_start3A_213 : memref<100096x16xf32, #tpu.memory_space<vmem_shared>>) offsets(%dma_start3A_210 : memref<128xi32, #tpu.memory_space<vmem>>) semaphore(%arg16 : memref<!tpu.dma_semaphore, #tpu.memory_space<semaphore_mem>>) {add = true}
      %dma_start3A_214 = arith.constant 4 : i32
      %dma_start3A_215 = arith.constant 512 : i32
      %dma_start3A_216 = arith.constant 0 : i32
      %dma_start3A_217 = tpu.memref_slice %arg12[%dma_start3A_215, %dma_start3A_216] : memref<768x16xf32, #tpu.memory_space<vmem>> -> memref<128x16xf32, #tpu.memory_space<vmem>>
      %dma_start3A_218 = arith.constant 0 : i32
      %dma_start3A_219 = tpu.memref_slice %arg11[%dma_start3A_214, %dma_start3A_218] : memref<6x128xi32, #tpu.memory_space<vmem>> -> memref<1x128xi32, #tpu.memory_space<vmem>>
      %dma_start3A_220 = tpu.memref_squeeze %dma_start3A_219 : memref<1x128xi32, #tpu.memory_space<vmem>> -> memref<128xi32, #tpu.memory_space<vmem>>
      %dma_start3A_221 = arith.constant 0 : i32
      %dma_start3A_222 = arith.constant 0 : i32
      %dma_start3A_223 = tpu.memref_slice %arg6[%dma_start3A_221, %dma_start3A_222] : memref<100096x16xf32, #tpu.memory_space<vmem_shared>> -> memref<100096x16xf32, #tpu.memory_space<vmem_shared>>
      tpu.enqueue_indirect_dma source(%dma_start3A_217 : memref<128x16xf32, #tpu.memory_space<vmem>>) target(%dma_start3A_223 : memref<100096x16xf32, #tpu.memory_space<vmem_shared>>) offsets(%dma_start3A_220 : memref<128xi32, #tpu.memory_space<vmem>>) semaphore(%arg16 : memref<!tpu.dma_semaphore, #tpu.memory_space<semaphore_mem>>) {add = true}
      %dma_start3A_224 = arith.constant 5 : i32
      %dma_start3A_225 = arith.constant 640 : i32
      %dma_start3A_226 = arith.constant 0 : i32
      %dma_start3A_227 = tpu.memref_slice %arg12[%dma_start3A_225, %dma_start3A_226] : memref<768x16xf32, #tpu.memory_space<vmem>> -> memref<128x16xf32, #tpu.memory_space<vmem>>
      %dma_start3A_228 = arith.constant 0 : i32
      %dma_start3A_229 = tpu.memref_slice %arg11[%dma_start3A_224, %dma_start3A_228] : memref<6x128xi32, #tpu.memory_space<vmem>> -> memref<1x128xi32, #tpu.memory_space<vmem>>
      %dma_start3A_230 = tpu.memref_squeeze %dma_start3A_229 : memref<1x128xi32, #tpu.memory_space<vmem>> -> memref<128xi32, #tpu.memory_space<vmem>>
      %dma_start3A_231 = arith.constant 0 : i32
      %dma_start3A_232 = arith.constant 0 : i32
      %dma_start3A_233 = tpu.memref_slice %arg6[%dma_start3A_231, %dma_start3A_232] : memref<100096x16xf32, #tpu.memory_space<vmem_shared>> -> memref<100096x16xf32, #tpu.memory_space<vmem_shared>>
      tpu.enqueue_indirect_dma source(%dma_start3A_227 : memref<128x16xf32, #tpu.memory_space<vmem>>) target(%dma_start3A_233 : memref<100096x16xf32, #tpu.memory_space<vmem_shared>>) offsets(%dma_start3A_230 : memref<128xi32, #tpu.memory_space<vmem>>) semaphore(%arg16 : memref<!tpu.dma_semaphore, #tpu.memory_space<semaphore_mem>>) {add = true}
      %dma_wait3A_234 = arith.constant 0 : i32
      %dma_wait3A_235 = arith.constant 0 : i32
      %dma_wait3A_236 = arith.constant 0 : i32
      %dma_wait3A_237 = tpu.memref_slice %arg12[%dma_wait3A_235, %dma_wait3A_236] : memref<768x16xf32, #tpu.memory_space<vmem>> -> memref<128x16xf32, #tpu.memory_space<vmem>>
      %dma_wait3A_238 = arith.constant 0 : i32
      %dma_wait3A_239 = tpu.memref_slice %arg11[%dma_wait3A_234, %dma_wait3A_238] : memref<6x128xi32, #tpu.memory_space<vmem>> -> memref<1x128xi32, #tpu.memory_space<vmem>>
      %dma_wait3A_240 = tpu.memref_squeeze %dma_wait3A_239 : memref<1x128xi32, #tpu.memory_space<vmem>> -> memref<128xi32, #tpu.memory_space<vmem>>
      %dma_wait3A_241 = arith.constant 0 : i32
      %dma_wait3A_242 = arith.constant 0 : i32
      %dma_wait3A_243 = tpu.memref_slice %arg6[%dma_wait3A_241, %dma_wait3A_242] : memref<100096x16xf32, #tpu.memory_space<vmem_shared>> -> memref<100096x16xf32, #tpu.memory_space<vmem_shared>>
      tpu.wait_indirect_dma semaphore(%arg16 : memref<!tpu.dma_semaphore, #tpu.memory_space<semaphore_mem>>) src(%dma_wait3A_237 : memref<128x16xf32, #tpu.memory_space<vmem>>) dst(%dma_wait3A_243 : memref<100096x16xf32, #tpu.memory_space<vmem_shared>>)
      %dma_wait3A_244 = arith.constant 1 : i32
      %dma_wait3A_245 = arith.constant 128 : i32
      %dma_wait3A_246 = arith.constant 0 : i32
      %dma_wait3A_247 = tpu.memref_slice %arg12[%dma_wait3A_245, %dma_wait3A_246] : memref<768x16xf32, #tpu.memory_space<vmem>> -> memref<128x16xf32, #tpu.memory_space<vmem>>
      %dma_wait3A_248 = arith.constant 0 : i32
      %dma_wait3A_249 = tpu.memref_slice %arg11[%dma_wait3A_244, %dma_wait3A_248] : memref<6x128xi32, #tpu.memory_space<vmem>> -> memref<1x128xi32, #tpu.memory_space<vmem>>
      %dma_wait3A_250 = tpu.memref_squeeze %dma_wait3A_249 : memref<1x128xi32, #tpu.memory_space<vmem>> -> memref<128xi32, #tpu.memory_space<vmem>>
      %dma_wait3A_251 = arith.constant 0 : i32
      %dma_wait3A_252 = arith.constant 0 : i32
      %dma_wait3A_253 = tpu.memref_slice %arg6[%dma_wait3A_251, %dma_wait3A_252] : memref<100096x16xf32, #tpu.memory_space<vmem_shared>> -> memref<100096x16xf32, #tpu.memory_space<vmem_shared>>
      tpu.wait_indirect_dma semaphore(%arg16 : memref<!tpu.dma_semaphore, #tpu.memory_space<semaphore_mem>>) src(%dma_wait3A_247 : memref<128x16xf32, #tpu.memory_space<vmem>>) dst(%dma_wait3A_253 : memref<100096x16xf32, #tpu.memory_space<vmem_shared>>)
      %dma_wait3A_254 = arith.constant 2 : i32
      %dma_wait3A_255 = arith.constant 256 : i32
      %dma_wait3A_256 = arith.constant 0 : i32
      %dma_wait3A_257 = tpu.memref_slice %arg12[%dma_wait3A_255, %dma_wait3A_256] : memref<768x16xf32, #tpu.memory_space<vmem>> -> memref<128x16xf32, #tpu.memory_space<vmem>>
      %dma_wait3A_258 = arith.constant 0 : i32
      %dma_wait3A_259 = tpu.memref_slice %arg11[%dma_wait3A_254, %dma_wait3A_258] : memref<6x128xi32, #tpu.memory_space<vmem>> -> memref<1x128xi32, #tpu.memory_space<vmem>>
      %dma_wait3A_260 = tpu.memref_squeeze %dma_wait3A_259 : memref<1x128xi32, #tpu.memory_space<vmem>> -> memref<128xi32, #tpu.memory_space<vmem>>
      %dma_wait3A_261 = arith.constant 0 : i32
      %dma_wait3A_262 = arith.constant 0 : i32
      %dma_wait3A_263 = tpu.memref_slice %arg6[%dma_wait3A_261, %dma_wait3A_262] : memref<100096x16xf32, #tpu.memory_space<vmem_shared>> -> memref<100096x16xf32, #tpu.memory_space<vmem_shared>>
      tpu.wait_indirect_dma semaphore(%arg16 : memref<!tpu.dma_semaphore, #tpu.memory_space<semaphore_mem>>) src(%dma_wait3A_257 : memref<128x16xf32, #tpu.memory_space<vmem>>) dst(%dma_wait3A_263 : memref<100096x16xf32, #tpu.memory_space<vmem_shared>>)
      %dma_wait3A_264 = arith.constant 3 : i32
      %dma_wait3A_265 = arith.constant 384 : i32
      %dma_wait3A_266 = arith.constant 0 : i32
      %dma_wait3A_267 = tpu.memref_slice %arg12[%dma_wait3A_265, %dma_wait3A_266] : memref<768x16xf32, #tpu.memory_space<vmem>> -> memref<128x16xf32, #tpu.memory_space<vmem>>
      %dma_wait3A_268 = arith.constant 0 : i32
      %dma_wait3A_269 = tpu.memref_slice %arg11[%dma_wait3A_264, %dma_wait3A_268] : memref<6x128xi32, #tpu.memory_space<vmem>> -> memref<1x128xi32, #tpu.memory_space<vmem>>
      %dma_wait3A_270 = tpu.memref_squeeze %dma_wait3A_269 : memref<1x128xi32, #tpu.memory_space<vmem>> -> memref<128xi32, #tpu.memory_space<vmem>>
      %dma_wait3A_271 = arith.constant 0 : i32
      %dma_wait3A_272 = arith.constant 0 : i32
      %dma_wait3A_273 = tpu.memref_slice %arg6[%dma_wait3A_271, %dma_wait3A_272] : memref<100096x16xf32, #tpu.memory_space<vmem_shared>> -> memref<100096x16xf32, #tpu.memory_space<vmem_shared>>
      tpu.wait_indirect_dma semaphore(%arg16 : memref<!tpu.dma_semaphore, #tpu.memory_space<semaphore_mem>>) src(%dma_wait3A_267 : memref<128x16xf32, #tpu.memory_space<vmem>>) dst(%dma_wait3A_273 : memref<100096x16xf32, #tpu.memory_space<vmem_shared>>)
      %dma_wait3A_274 = arith.constant 4 : i32
      %dma_wait3A_275 = arith.constant 512 : i32
      %dma_wait3A_276 = arith.constant 0 : i32
      %dma_wait3A_277 = tpu.memref_slice %arg12[%dma_wait3A_275, %dma_wait3A_276] : memref<768x16xf32, #tpu.memory_space<vmem>> -> memref<128x16xf32, #tpu.memory_space<vmem>>
      %dma_wait3A_278 = arith.constant 0 : i32
      %dma_wait3A_279 = tpu.memref_slice %arg11[%dma_wait3A_274, %dma_wait3A_278] : memref<6x128xi32, #tpu.memory_space<vmem>> -> memref<1x128xi32, #tpu.memory_space<vmem>>
      %dma_wait3A_280 = tpu.memref_squeeze %dma_wait3A_279 : memref<1x128xi32, #tpu.memory_space<vmem>> -> memref<128xi32, #tpu.memory_space<vmem>>
      %dma_wait3A_281 = arith.constant 0 : i32
      %dma_wait3A_282 = arith.constant 0 : i32
      %dma_wait3A_283 = tpu.memref_slice %arg6[%dma_wait3A_281, %dma_wait3A_282] : memref<100096x16xf32, #tpu.memory_space<vmem_shared>> -> memref<100096x16xf32, #tpu.memory_space<vmem_shared>>
      tpu.wait_indirect_dma semaphore(%arg16 : memref<!tpu.dma_semaphore, #tpu.memory_space<semaphore_mem>>) src(%dma_wait3A_277 : memref<128x16xf32, #tpu.memory_space<vmem>>) dst(%dma_wait3A_283 : memref<100096x16xf32, #tpu.memory_space<vmem_shared>>)
      %dma_wait3A_284 = arith.constant 5 : i32
      %dma_wait3A_285 = arith.constant 640 : i32
      %dma_wait3A_286 = arith.constant 0 : i32
      %dma_wait3A_287 = tpu.memref_slice %arg12[%dma_wait3A_285, %dma_wait3A_286] : memref<768x16xf32, #tpu.memory_space<vmem>> -> memref<128x16xf32, #tpu.memory_space<vmem>>
      %dma_wait3A_288 = arith.constant 0 : i32
      %dma_wait3A_289 = tpu.memref_slice %arg11[%dma_wait3A_284, %dma_wait3A_288] : memref<6x128xi32, #tpu.memory_space<vmem>> -> memref<1x128xi32, #tpu.memory_space<vmem>>
      %dma_wait3A_290 = tpu.memref_squeeze %dma_wait3A_289 : memref<1x128xi32, #tpu.memory_space<vmem>> -> memref<128xi32, #tpu.memory_space<vmem>>
      %dma_wait3A_291 = arith.constant 0 : i32
      %dma_wait3A_292 = arith.constant 0 : i32
      %dma_wait3A_293 = tpu.memref_slice %arg6[%dma_wait3A_291, %dma_wait3A_292] : memref<100096x16xf32, #tpu.memory_space<vmem_shared>> -> memref<100096x16xf32, #tpu.memory_space<vmem_shared>>
      tpu.wait_indirect_dma semaphore(%arg16 : memref<!tpu.dma_semaphore, #tpu.memory_space<semaphore_mem>>) src(%dma_wait3A_287 : memref<128x16xf32, #tpu.memory_space<vmem>>) dst(%dma_wait3A_293 : memref<100096x16xf32, #tpu.memory_space<vmem_shared>>)
    }
    %scan3A_16 = arith.constant 66 : i32
    %barrier3A_17 = arith.constant 0 : index
    tpu.barrier barrier_id(%barrier3A_17)
    "tpu.region"() ({
      %run_scoped3A = tpu.sem_alloc : memref<!tpu.dma_semaphore, #tpu.memory_space<semaphore_mem>>
      %dma_start3A_18 = arith.constant 0 : i32
      %dma_start3A_19 = arith.constant 0 : i32
      %dma_start3A_20 = tpu.memref_slice %arg5[%arg0, %dma_start3A_18, %dma_start3A_19] : memref<2x100096x16xf32, #tpu.memory_space<hbm>> -> memref<1x100096x16xf32, #tpu.memory_space<hbm>>
      %dma_start3A_21 = tpu.memref_squeeze %dma_start3A_20 : memref<1x100096x16xf32, #tpu.memory_space<hbm>> -> memref<100096x16xf32, #tpu.memory_space<hbm>>
      %dma_start3A_22 = arith.constant 0 : i32
      %dma_start3A_23 = tpu.memref_slice %dma_start3A_21[%mul3A_0, %dma_start3A_22] : memref<100096x16xf32, #tpu.memory_space<hbm>> -> memref<6256x16xf32, #tpu.memory_space<hbm>>
      %dma_start3A_24 = arith.constant 0 : i32
      %dma_start3A_25 = tpu.memref_slice %arg6[%mul3A_0, %dma_start3A_24] : memref<100096x16xf32, #tpu.memory_space<vmem_shared>> -> memref<6256x16xf32, #tpu.memory_space<vmem_shared>>
      tpu.enqueue_dma source(%dma_start3A_25 : memref<6256x16xf32, #tpu.memory_space<vmem_shared>>) target(%dma_start3A_23 : memref<6256x16xf32, #tpu.memory_space<hbm>>) target_semaphore(%run_scoped3A : memref<!tpu.dma_semaphore, #tpu.memory_space<semaphore_mem>>)
      %dma_wait3A = arith.constant 0 : i32
      %dma_wait3A_26 = arith.constant 0 : i32
      %dma_wait3A_27 = tpu.memref_slice %arg5[%arg0, %dma_wait3A, %dma_wait3A_26] : memref<2x100096x16xf32, #tpu.memory_space<hbm>> -> memref<1x100096x16xf32, #tpu.memory_space<hbm>>
      %dma_wait3A_28 = tpu.memref_squeeze %dma_wait3A_27 : memref<1x100096x16xf32, #tpu.memory_space<hbm>> -> memref<100096x16xf32, #tpu.memory_space<hbm>>
      %dma_wait3A_29 = arith.constant 0 : i32
      %dma_wait3A_30 = tpu.memref_slice %dma_wait3A_28[%mul3A_0, %dma_wait3A_29] : memref<100096x16xf32, #tpu.memory_space<hbm>> -> memref<6256x16xf32, #tpu.memory_space<hbm>>
      %dma_wait3A_31 = arith.constant 0 : i32
      %dma_wait3A_32 = tpu.memref_slice %arg6[%mul3A_0, %dma_wait3A_31] : memref<100096x16xf32, #tpu.memory_space<vmem_shared>> -> memref<6256x16xf32, #tpu.memory_space<vmem_shared>>
      tpu.wait_dma2 semaphore(%run_scoped3A : memref<!tpu.dma_semaphore, #tpu.memory_space<semaphore_mem>>) src(%dma_wait3A_32 : memref<6256x16xf32, #tpu.memory_space<vmem_shared>>) dst(%dma_wait3A_30 : memref<6256x16xf32, #tpu.memory_space<hbm>>)
      tpu.yield
    }) : () -> ()
    return
  }
}

#map = affine_map<(d0, d1) -> (0, 0)>
#map1 = affine_map<(d0, d1) -> (0, 0, 0)>
module attributes {stable_mosaic.version = 14 : i64} {
  func.func @_deg_body(%arg0: i32, %arg1: i32, %arg2: memref<12672x128xi32, #tpu.memory_space<hbm>>, %arg3: memref<100096x16xf32, #tpu.memory_space<hbm>>, %arg4: memref<128x16xf32, #tpu.memory_space<hbm>>, %arg5: memref<2x100096x16xf32, #tpu.memory_space<hbm>>, %arg6: memref<100096x16xf32, #tpu.memory_space<vmem_shared>>, %arg7: memref<6x128xi32, #tpu.memory_space<vmem>>, %arg8: memref<6x128xi32, #tpu.memory_space<vmem>>, %arg9: memref<128x16xf32, #tpu.memory_space<vmem>>, %arg10: memref<!tpu.dma_semaphore, #tpu.memory_space<semaphore_mem>>, %arg11: memref<!tpu.dma_semaphore, #tpu.memory_space<semaphore_mem>>) attributes {dimension_semantics = [#tpu.dimension_semantics<core_parallel>, #tpu.dimension_semantics<subcore_parallel>], iteration_bounds = array<i64: 2, 16>, scalar_prefetch = 0 : i64, scratch_operands = 6 : i64, tpu.core_type = #tpu.core_type<sc_vector_subcore>, window_params = [{transform_indices = #map}, {transform_indices = #map}, {transform_indices = #map}, {transform_indices = #map1}]} {
    %mul3A = arith.constant 6256 : i32
    %mul3A_0 = arith.muli %arg1, %mul3A : i32
    "tpu.region"() ({
      %run_scoped3A = tpu.sem_alloc : memref<!tpu.dma_semaphore, #tpu.memory_space<semaphore_mem>>
      %dma_start3A_54 = arith.constant 0 : i32
      %dma_start3A_55 = tpu.memref_slice %arg6[%mul3A_0, %dma_start3A_54] : memref<100096x16xf32, #tpu.memory_space<vmem_shared>> -> memref<6256x16xf32, #tpu.memory_space<vmem_shared>>
      %dma_start3A_56 = arith.constant 0 : i32
      %dma_start3A_57 = tpu.memref_slice %arg3[%mul3A_0, %dma_start3A_56] : memref<100096x16xf32, #tpu.memory_space<hbm>> -> memref<6256x16xf32, #tpu.memory_space<hbm>>
      tpu.enqueue_dma source(%dma_start3A_57 : memref<6256x16xf32, #tpu.memory_space<hbm>>) target(%dma_start3A_55 : memref<6256x16xf32, #tpu.memory_space<vmem_shared>>) target_semaphore(%run_scoped3A : memref<!tpu.dma_semaphore, #tpu.memory_space<semaphore_mem>>)
      %dma_wait3A = arith.constant 0 : i32
      %dma_wait3A_58 = tpu.memref_slice %arg6[%mul3A_0, %dma_wait3A] : memref<100096x16xf32, #tpu.memory_space<vmem_shared>> -> memref<6256x16xf32, #tpu.memory_space<vmem_shared>>
      %dma_wait3A_59 = arith.constant 0 : i32
      %dma_wait3A_60 = tpu.memref_slice %arg3[%mul3A_0, %dma_wait3A_59] : memref<100096x16xf32, #tpu.memory_space<hbm>> -> memref<6256x16xf32, #tpu.memory_space<hbm>>
      tpu.wait_dma2 semaphore(%run_scoped3A : memref<!tpu.dma_semaphore, #tpu.memory_space<semaphore_mem>>) src(%dma_wait3A_60 : memref<6256x16xf32, #tpu.memory_space<hbm>>) dst(%dma_wait3A_58 : memref<6256x16xf32, #tpu.memory_space<vmem_shared>>)
      tpu.yield
    }) : () -> ()
    "tpu.region"() ({
      %run_scoped3A = tpu.sem_alloc : memref<!tpu.dma_semaphore, #tpu.memory_space<semaphore_mem>>
      tpu.enqueue_dma source(%arg4 : memref<128x16xf32, #tpu.memory_space<hbm>>) target(%arg9 : memref<128x16xf32, #tpu.memory_space<vmem>>) target_semaphore(%run_scoped3A : memref<!tpu.dma_semaphore, #tpu.memory_space<semaphore_mem>>)
      tpu.wait_dma2 semaphore(%run_scoped3A : memref<!tpu.dma_semaphore, #tpu.memory_space<semaphore_mem>>) src(%arg4 : memref<128x16xf32, #tpu.memory_space<hbm>>) dst(%arg9 : memref<128x16xf32, #tpu.memory_space<vmem>>)
      tpu.yield
    }) : () -> ()
    %barrier3A = arith.constant 0 : index
    tpu.barrier barrier_id(%barrier3A)
    %mul3A_1 = arith.constant 16 : i32
    %mul3A_2 = arith.muli %arg0, %mul3A_1 : i32
    %add3A = arith.addi %mul3A_2, %arg1 : i32
    %mul3A_3 = arith.constant 396 : i32
    %mul3A_4 = arith.muli %add3A, %mul3A_3 : i32
    %add3A_5 = arith.constant 0 : i32
    %add3A_6 = arith.addi %mul3A_4, %add3A_5 : i32
    "tpu.region"() ({
      %run_scoped3A = tpu.sem_alloc : memref<!tpu.dma_semaphore, #tpu.memory_space<semaphore_mem>>
      %dma_start3A_54 = arith.constant 0 : i32
      %dma_start3A_55 = tpu.memref_slice %arg2[%add3A_6, %dma_start3A_54] : memref<12672x128xi32, #tpu.memory_space<hbm>> -> memref<6x128xi32, #tpu.memory_space<hbm>>
      %dma_start3A_56 = arith.constant 0 : i32
      %dma_start3A_57 = tpu.memref_slice %arg2[%add3A_6, %dma_start3A_56] : memref<12672x128xi32, #tpu.memory_space<hbm>> -> memref<6x128xi32, #tpu.memory_space<hbm>>
      tpu.enqueue_dma source(%dma_start3A_57 : memref<6x128xi32, #tpu.memory_space<hbm>>) target(%arg7 : memref<6x128xi32, #tpu.memory_space<vmem>>) target_semaphore(%run_scoped3A : memref<!tpu.dma_semaphore, #tpu.memory_space<semaphore_mem>>)
      %dma_wait3A = arith.constant 0 : i32
      %dma_wait3A_58 = tpu.memref_slice %arg2[%add3A_6, %dma_wait3A] : memref<12672x128xi32, #tpu.memory_space<hbm>> -> memref<6x128xi32, #tpu.memory_space<hbm>>
      %dma_wait3A_59 = arith.constant 0 : i32
      %dma_wait3A_60 = tpu.memref_slice %arg2[%add3A_6, %dma_wait3A_59] : memref<12672x128xi32, #tpu.memory_space<hbm>> -> memref<6x128xi32, #tpu.memory_space<hbm>>
      tpu.wait_dma2 semaphore(%run_scoped3A : memref<!tpu.dma_semaphore, #tpu.memory_space<semaphore_mem>>) src(%dma_wait3A_60 : memref<6x128xi32, #tpu.memory_space<hbm>>) dst(%arg7 : memref<6x128xi32, #tpu.memory_space<vmem>>)
      tpu.yield
    }) : () -> ()
    %dma_start3A = arith.constant 0 : i32
    %dma_start3A_7 = arith.constant 0 : i32
    %dma_start3A_8 = tpu.memref_slice %arg7[%dma_start3A, %dma_start3A_7] : memref<6x128xi32, #tpu.memory_space<vmem>> -> memref<1x128xi32, #tpu.memory_space<vmem>>
    %dma_start3A_9 = tpu.memref_squeeze %dma_start3A_8 : memref<1x128xi32, #tpu.memory_space<vmem>> -> memref<128xi32, #tpu.memory_space<vmem>>
    %dma_start3A_10 = arith.constant 0 : i32
    %dma_start3A_11 = arith.constant 0 : i32
    %dma_start3A_12 = tpu.memref_slice %arg6[%dma_start3A_10, %dma_start3A_11] : memref<100096x16xf32, #tpu.memory_space<vmem_shared>> -> memref<100096x16xf32, #tpu.memory_space<vmem_shared>>
    tpu.enqueue_indirect_dma source(%arg9 : memref<128x16xf32, #tpu.memory_space<vmem>>) target(%dma_start3A_12 : memref<100096x16xf32, #tpu.memory_space<vmem_shared>>) offsets(%dma_start3A_9 : memref<128xi32, #tpu.memory_space<vmem>>) semaphore(%arg10 : memref<!tpu.dma_semaphore, #tpu.memory_space<semaphore_mem>>) {add = true}
    %dma_start3A_13 = arith.constant 1 : i32
    %dma_start3A_14 = arith.constant 0 : i32
    %dma_start3A_15 = tpu.memref_slice %arg7[%dma_start3A_13, %dma_start3A_14] : memref<6x128xi32, #tpu.memory_space<vmem>> -> memref<1x128xi32, #tpu.memory_space<vmem>>
    %dma_start3A_16 = tpu.memref_squeeze %dma_start3A_15 : memref<1x128xi32, #tpu.memory_space<vmem>> -> memref<128xi32, #tpu.memory_space<vmem>>
    %dma_start3A_17 = arith.constant 0 : i32
    %dma_start3A_18 = arith.constant 0 : i32
    %dma_start3A_19 = tpu.memref_slice %arg6[%dma_start3A_17, %dma_start3A_18] : memref<100096x16xf32, #tpu.memory_space<vmem_shared>> -> memref<100096x16xf32, #tpu.memory_space<vmem_shared>>
    tpu.enqueue_indirect_dma source(%arg9 : memref<128x16xf32, #tpu.memory_space<vmem>>) target(%dma_start3A_19 : memref<100096x16xf32, #tpu.memory_space<vmem_shared>>) offsets(%dma_start3A_16 : memref<128xi32, #tpu.memory_space<vmem>>) semaphore(%arg10 : memref<!tpu.dma_semaphore, #tpu.memory_space<semaphore_mem>>) {add = true}
    %dma_start3A_20 = arith.constant 2 : i32
    %dma_start3A_21 = arith.constant 0 : i32
    %dma_start3A_22 = tpu.memref_slice %arg7[%dma_start3A_20, %dma_start3A_21] : memref<6x128xi32, #tpu.memory_space<vmem>> -> memref<1x128xi32, #tpu.memory_space<vmem>>
    %dma_start3A_23 = tpu.memref_squeeze %dma_start3A_22 : memref<1x128xi32, #tpu.memory_space<vmem>> -> memref<128xi32, #tpu.memory_space<vmem>>
    %dma_start3A_24 = arith.constant 0 : i32
    %dma_start3A_25 = arith.constant 0 : i32
    %dma_start3A_26 = tpu.memref_slice %arg6[%dma_start3A_24, %dma_start3A_25] : memref<100096x16xf32, #tpu.memory_space<vmem_shared>> -> memref<100096x16xf32, #tpu.memory_space<vmem_shared>>
    tpu.enqueue_indirect_dma source(%arg9 : memref<128x16xf32, #tpu.memory_space<vmem>>) target(%dma_start3A_26 : memref<100096x16xf32, #tpu.memory_space<vmem_shared>>) offsets(%dma_start3A_23 : memref<128xi32, #tpu.memory_space<vmem>>) semaphore(%arg10 : memref<!tpu.dma_semaphore, #tpu.memory_space<semaphore_mem>>) {add = true}
    %dma_start3A_27 = arith.constant 3 : i32
    %dma_start3A_28 = arith.constant 0 : i32
    %dma_start3A_29 = tpu.memref_slice %arg7[%dma_start3A_27, %dma_start3A_28] : memref<6x128xi32, #tpu.memory_space<vmem>> -> memref<1x128xi32, #tpu.memory_space<vmem>>
    %dma_start3A_30 = tpu.memref_squeeze %dma_start3A_29 : memref<1x128xi32, #tpu.memory_space<vmem>> -> memref<128xi32, #tpu.memory_space<vmem>>
    %dma_start3A_31 = arith.constant 0 : i32
    %dma_start3A_32 = arith.constant 0 : i32
    %dma_start3A_33 = tpu.memref_slice %arg6[%dma_start3A_31, %dma_start3A_32] : memref<100096x16xf32, #tpu.memory_space<vmem_shared>> -> memref<100096x16xf32, #tpu.memory_space<vmem_shared>>
    tpu.enqueue_indirect_dma source(%arg9 : memref<128x16xf32, #tpu.memory_space<vmem>>) target(%dma_start3A_33 : memref<100096x16xf32, #tpu.memory_space<vmem_shared>>) offsets(%dma_start3A_30 : memref<128xi32, #tpu.memory_space<vmem>>) semaphore(%arg10 : memref<!tpu.dma_semaphore, #tpu.memory_space<semaphore_mem>>) {add = true}
    %dma_start3A_34 = arith.constant 4 : i32
    %dma_start3A_35 = arith.constant 0 : i32
    %dma_start3A_36 = tpu.memref_slice %arg7[%dma_start3A_34, %dma_start3A_35] : memref<6x128xi32, #tpu.memory_space<vmem>> -> memref<1x128xi32, #tpu.memory_space<vmem>>
    %dma_start3A_37 = tpu.memref_squeeze %dma_start3A_36 : memref<1x128xi32, #tpu.memory_space<vmem>> -> memref<128xi32, #tpu.memory_space<vmem>>
    %dma_start3A_38 = arith.constant 0 : i32
    %dma_start3A_39 = arith.constant 0 : i32
    %dma_start3A_40 = tpu.memref_slice %arg6[%dma_start3A_38, %dma_start3A_39] : memref<100096x16xf32, #tpu.memory_space<vmem_shared>> -> memref<100096x16xf32, #tpu.memory_space<vmem_shared>>
    tpu.enqueue_indirect_dma source(%arg9 : memref<128x16xf32, #tpu.memory_space<vmem>>) target(%dma_start3A_40 : memref<100096x16xf32, #tpu.memory_space<vmem_shared>>) offsets(%dma_start3A_37 : memref<128xi32, #tpu.memory_space<vmem>>) semaphore(%arg10 : memref<!tpu.dma_semaphore, #tpu.memory_space<semaphore_mem>>) {add = true}
    %dma_start3A_41 = arith.constant 5 : i32
    %dma_start3A_42 = arith.constant 0 : i32
    %dma_start3A_43 = tpu.memref_slice %arg7[%dma_start3A_41, %dma_start3A_42] : memref<6x128xi32, #tpu.memory_space<vmem>> -> memref<1x128xi32, #tpu.memory_space<vmem>>
    %dma_start3A_44 = tpu.memref_squeeze %dma_start3A_43 : memref<1x128xi32, #tpu.memory_space<vmem>> -> memref<128xi32, #tpu.memory_space<vmem>>
    %dma_start3A_45 = arith.constant 0 : i32
    %dma_start3A_46 = arith.constant 0 : i32
    %dma_start3A_47 = tpu.memref_slice %arg6[%dma_start3A_45, %dma_start3A_46] : memref<100096x16xf32, #tpu.memory_space<vmem_shared>> -> memref<100096x16xf32, #tpu.memory_space<vmem_shared>>
    tpu.enqueue_indirect_dma source(%arg9 : memref<128x16xf32, #tpu.memory_space<vmem>>) target(%dma_start3A_47 : memref<100096x16xf32, #tpu.memory_space<vmem_shared>>) offsets(%dma_start3A_44 : memref<128xi32, #tpu.memory_space<vmem>>) semaphore(%arg10 : memref<!tpu.dma_semaphore, #tpu.memory_space<semaphore_mem>>) {add = true}
    %scan3A = arith.constant 0 : i32
    %scan3A_48 = arith.constant 0 : i32
    %scan3A_49 = arith.constant 33 : i32
    %scan3A_50 = arith.addi %scan3A_48, %scan3A_49 : i32
    %scan3A_51 = arith.constant 1 : i32
    scf.for %scan3A_54 = %scan3A_48 to %scan3A_50 step %scan3A_51  : i32 {
      %mul3A_55 = arith.constant 2 : i32
      %mul3A_56 = arith.muli %mul3A_55, %scan3A_54 : i32
      %add3A_57 = arith.constant 1 : i32
      %add3A_58 = arith.addi %mul3A_56, %add3A_57 : i32
      %mul3A_59 = arith.constant 6 : i32
      %mul3A_60 = arith.muli %add3A_58, %mul3A_59 : i32
      %add3A_61 = arith.addi %mul3A_4, %mul3A_60 : i32
      "tpu.region"() ({
        %run_scoped3A = tpu.sem_alloc : memref<!tpu.dma_semaphore, #tpu.memory_space<semaphore_mem>>
        %dma_start3A_191 = arith.constant 0 : i32
        %dma_start3A_192 = tpu.memref_slice %arg2[%add3A_61, %dma_start3A_191] : memref<12672x128xi32, #tpu.memory_space<hbm>> -> memref<6x128xi32, #tpu.memory_space<hbm>>
        %dma_start3A_193 = arith.constant 0 : i32
        %dma_start3A_194 = tpu.memref_slice %arg2[%add3A_61, %dma_start3A_193] : memref<12672x128xi32, #tpu.memory_space<hbm>> -> memref<6x128xi32, #tpu.memory_space<hbm>>
        tpu.enqueue_dma source(%dma_start3A_194 : memref<6x128xi32, #tpu.memory_space<hbm>>) target(%arg8 : memref<6x128xi32, #tpu.memory_space<vmem>>) target_semaphore(%run_scoped3A : memref<!tpu.dma_semaphore, #tpu.memory_space<semaphore_mem>>)
        %dma_wait3A_195 = arith.constant 0 : i32
        %dma_wait3A_196 = tpu.memref_slice %arg2[%add3A_61, %dma_wait3A_195] : memref<12672x128xi32, #tpu.memory_space<hbm>> -> memref<6x128xi32, #tpu.memory_space<hbm>>
        %dma_wait3A_197 = arith.constant 0 : i32
        %dma_wait3A_198 = tpu.memref_slice %arg2[%add3A_61, %dma_wait3A_197] : memref<12672x128xi32, #tpu.memory_space<hbm>> -> memref<6x128xi32, #tpu.memory_space<hbm>>
        tpu.wait_dma2 semaphore(%run_scoped3A : memref<!tpu.dma_semaphore, #tpu.memory_space<semaphore_mem>>) src(%dma_wait3A_198 : memref<6x128xi32, #tpu.memory_space<hbm>>) dst(%arg8 : memref<6x128xi32, #tpu.memory_space<vmem>>)
        tpu.yield
      }) : () -> ()
      %dma_start3A_62 = arith.constant 0 : i32
      %dma_start3A_63 = arith.constant 0 : i32
      %dma_start3A_64 = tpu.memref_slice %arg8[%dma_start3A_62, %dma_start3A_63] : memref<6x128xi32, #tpu.memory_space<vmem>> -> memref<1x128xi32, #tpu.memory_space<vmem>>
      %dma_start3A_65 = tpu.memref_squeeze %dma_start3A_64 : memref<1x128xi32, #tpu.memory_space<vmem>> -> memref<128xi32, #tpu.memory_space<vmem>>
      %dma_start3A_66 = arith.constant 0 : i32
      %dma_start3A_67 = arith.constant 0 : i32
      %dma_start3A_68 = tpu.memref_slice %arg6[%dma_start3A_66, %dma_start3A_67] : memref<100096x16xf32, #tpu.memory_space<vmem_shared>> -> memref<100096x16xf32, #tpu.memory_space<vmem_shared>>
      tpu.enqueue_indirect_dma source(%arg9 : memref<128x16xf32, #tpu.memory_space<vmem>>) target(%dma_start3A_68 : memref<100096x16xf32, #tpu.memory_space<vmem_shared>>) offsets(%dma_start3A_65 : memref<128xi32, #tpu.memory_space<vmem>>) semaphore(%arg11 : memref<!tpu.dma_semaphore, #tpu.memory_space<semaphore_mem>>) {add = true}
      %dma_start3A_69 = arith.constant 1 : i32
      %dma_start3A_70 = arith.constant 0 : i32
      %dma_start3A_71 = tpu.memref_slice %arg8[%dma_start3A_69, %dma_start3A_70] : memref<6x128xi32, #tpu.memory_space<vmem>> -> memref<1x128xi32, #tpu.memory_space<vmem>>
      %dma_start3A_72 = tpu.memref_squeeze %dma_start3A_71 : memref<1x128xi32, #tpu.memory_space<vmem>> -> memref<128xi32, #tpu.memory_space<vmem>>
      %dma_start3A_73 = arith.constant 0 : i32
      %dma_start3A_74 = arith.constant 0 : i32
      %dma_start3A_75 = tpu.memref_slice %arg6[%dma_start3A_73, %dma_start3A_74] : memref<100096x16xf32, #tpu.memory_space<vmem_shared>> -> memref<100096x16xf32, #tpu.memory_space<vmem_shared>>
      tpu.enqueue_indirect_dma source(%arg9 : memref<128x16xf32, #tpu.memory_space<vmem>>) target(%dma_start3A_75 : memref<100096x16xf32, #tpu.memory_space<vmem_shared>>) offsets(%dma_start3A_72 : memref<128xi32, #tpu.memory_space<vmem>>) semaphore(%arg11 : memref<!tpu.dma_semaphore, #tpu.memory_space<semaphore_mem>>) {add = true}
      %dma_start3A_76 = arith.constant 2 : i32
      %dma_start3A_77 = arith.constant 0 : i32
      %dma_start3A_78 = tpu.memref_slice %arg8[%dma_start3A_76, %dma_start3A_77] : memref<6x128xi32, #tpu.memory_space<vmem>> -> memref<1x128xi32, #tpu.memory_space<vmem>>
      %dma_start3A_79 = tpu.memref_squeeze %dma_start3A_78 : memref<1x128xi32, #tpu.memory_space<vmem>> -> memref<128xi32, #tpu.memory_space<vmem>>
      %dma_start3A_80 = arith.constant 0 : i32
      %dma_start3A_81 = arith.constant 0 : i32
      %dma_start3A_82 = tpu.memref_slice %arg6[%dma_start3A_80, %dma_start3A_81] : memref<100096x16xf32, #tpu.memory_space<vmem_shared>> -> memref<100096x16xf32, #tpu.memory_space<vmem_shared>>
      tpu.enqueue_indirect_dma source(%arg9 : memref<128x16xf32, #tpu.memory_space<vmem>>) target(%dma_start3A_82 : memref<100096x16xf32, #tpu.memory_space<vmem_shared>>) offsets(%dma_start3A_79 : memref<128xi32, #tpu.memory_space<vmem>>) semaphore(%arg11 : memref<!tpu.dma_semaphore, #tpu.memory_space<semaphore_mem>>) {add = true}
      %dma_start3A_83 = arith.constant 3 : i32
      %dma_start3A_84 = arith.constant 0 : i32
      %dma_start3A_85 = tpu.memref_slice %arg8[%dma_start3A_83, %dma_start3A_84] : memref<6x128xi32, #tpu.memory_space<vmem>> -> memref<1x128xi32, #tpu.memory_space<vmem>>
      %dma_start3A_86 = tpu.memref_squeeze %dma_start3A_85 : memref<1x128xi32, #tpu.memory_space<vmem>> -> memref<128xi32, #tpu.memory_space<vmem>>
      %dma_start3A_87 = arith.constant 0 : i32
      %dma_start3A_88 = arith.constant 0 : i32
      %dma_start3A_89 = tpu.memref_slice %arg6[%dma_start3A_87, %dma_start3A_88] : memref<100096x16xf32, #tpu.memory_space<vmem_shared>> -> memref<100096x16xf32, #tpu.memory_space<vmem_shared>>
      tpu.enqueue_indirect_dma source(%arg9 : memref<128x16xf32, #tpu.memory_space<vmem>>) target(%dma_start3A_89 : memref<100096x16xf32, #tpu.memory_space<vmem_shared>>) offsets(%dma_start3A_86 : memref<128xi32, #tpu.memory_space<vmem>>) semaphore(%arg11 : memref<!tpu.dma_semaphore, #tpu.memory_space<semaphore_mem>>) {add = true}
      %dma_start3A_90 = arith.constant 4 : i32
      %dma_start3A_91 = arith.constant 0 : i32
      %dma_start3A_92 = tpu.memref_slice %arg8[%dma_start3A_90, %dma_start3A_91] : memref<6x128xi32, #tpu.memory_space<vmem>> -> memref<1x128xi32, #tpu.memory_space<vmem>>
      %dma_start3A_93 = tpu.memref_squeeze %dma_start3A_92 : memref<1x128xi32, #tpu.memory_space<vmem>> -> memref<128xi32, #tpu.memory_space<vmem>>
      %dma_start3A_94 = arith.constant 0 : i32
      %dma_start3A_95 = arith.constant 0 : i32
      %dma_start3A_96 = tpu.memref_slice %arg6[%dma_start3A_94, %dma_start3A_95] : memref<100096x16xf32, #tpu.memory_space<vmem_shared>> -> memref<100096x16xf32, #tpu.memory_space<vmem_shared>>
      tpu.enqueue_indirect_dma source(%arg9 : memref<128x16xf32, #tpu.memory_space<vmem>>) target(%dma_start3A_96 : memref<100096x16xf32, #tpu.memory_space<vmem_shared>>) offsets(%dma_start3A_93 : memref<128xi32, #tpu.memory_space<vmem>>) semaphore(%arg11 : memref<!tpu.dma_semaphore, #tpu.memory_space<semaphore_mem>>) {add = true}
      %dma_start3A_97 = arith.constant 5 : i32
      %dma_start3A_98 = arith.constant 0 : i32
      %dma_start3A_99 = tpu.memref_slice %arg8[%dma_start3A_97, %dma_start3A_98] : memref<6x128xi32, #tpu.memory_space<vmem>> -> memref<1x128xi32, #tpu.memory_space<vmem>>
      %dma_start3A_100 = tpu.memref_squeeze %dma_start3A_99 : memref<1x128xi32, #tpu.memory_space<vmem>> -> memref<128xi32, #tpu.memory_space<vmem>>
      %dma_start3A_101 = arith.constant 0 : i32
      %dma_start3A_102 = arith.constant 0 : i32
      %dma_start3A_103 = tpu.memref_slice %arg6[%dma_start3A_101, %dma_start3A_102] : memref<100096x16xf32, #tpu.memory_space<vmem_shared>> -> memref<100096x16xf32, #tpu.memory_space<vmem_shared>>
      tpu.enqueue_indirect_dma source(%arg9 : memref<128x16xf32, #tpu.memory_space<vmem>>) target(%dma_start3A_103 : memref<100096x16xf32, #tpu.memory_space<vmem_shared>>) offsets(%dma_start3A_100 : memref<128xi32, #tpu.memory_space<vmem>>) semaphore(%arg11 : memref<!tpu.dma_semaphore, #tpu.memory_space<semaphore_mem>>) {add = true}
      %dma_wait3A = arith.constant 0 : i32
      %dma_wait3A_104 = arith.constant 0 : i32
      %dma_wait3A_105 = tpu.memref_slice %arg7[%dma_wait3A, %dma_wait3A_104] : memref<6x128xi32, #tpu.memory_space<vmem>> -> memref<1x128xi32, #tpu.memory_space<vmem>>
      %dma_wait3A_106 = tpu.memref_squeeze %dma_wait3A_105 : memref<1x128xi32, #tpu.memory_space<vmem>> -> memref<128xi32, #tpu.memory_space<vmem>>
      %dma_wait3A_107 = arith.constant 0 : i32
      %dma_wait3A_108 = arith.constant 0 : i32
      %dma_wait3A_109 = tpu.memref_slice %arg6[%dma_wait3A_107, %dma_wait3A_108] : memref<100096x16xf32, #tpu.memory_space<vmem_shared>> -> memref<100096x16xf32, #tpu.memory_space<vmem_shared>>
      tpu.wait_indirect_dma semaphore(%arg10 : memref<!tpu.dma_semaphore, #tpu.memory_space<semaphore_mem>>) src(%arg9 : memref<128x16xf32, #tpu.memory_space<vmem>>) dst(%dma_wait3A_109 : memref<100096x16xf32, #tpu.memory_space<vmem_shared>>)
      %dma_wait3A_110 = arith.constant 1 : i32
      %dma_wait3A_111 = arith.constant 0 : i32
      %dma_wait3A_112 = tpu.memref_slice %arg7[%dma_wait3A_110, %dma_wait3A_111] : memref<6x128xi32, #tpu.memory_space<vmem>> -> memref<1x128xi32, #tpu.memory_space<vmem>>
      %dma_wait3A_113 = tpu.memref_squeeze %dma_wait3A_112 : memref<1x128xi32, #tpu.memory_space<vmem>> -> memref<128xi32, #tpu.memory_space<vmem>>
      %dma_wait3A_114 = arith.constant 0 : i32
      %dma_wait3A_115 = arith.constant 0 : i32
      %dma_wait3A_116 = tpu.memref_slice %arg6[%dma_wait3A_114, %dma_wait3A_115] : memref<100096x16xf32, #tpu.memory_space<vmem_shared>> -> memref<100096x16xf32, #tpu.memory_space<vmem_shared>>
      tpu.wait_indirect_dma semaphore(%arg10 : memref<!tpu.dma_semaphore, #tpu.memory_space<semaphore_mem>>) src(%arg9 : memref<128x16xf32, #tpu.memory_space<vmem>>) dst(%dma_wait3A_116 : memref<100096x16xf32, #tpu.memory_space<vmem_shared>>)
      %dma_wait3A_117 = arith.constant 2 : i32
      %dma_wait3A_118 = arith.constant 0 : i32
      %dma_wait3A_119 = tpu.memref_slice %arg7[%dma_wait3A_117, %dma_wait3A_118] : memref<6x128xi32, #tpu.memory_space<vmem>> -> memref<1x128xi32, #tpu.memory_space<vmem>>
      %dma_wait3A_120 = tpu.memref_squeeze %dma_wait3A_119 : memref<1x128xi32, #tpu.memory_space<vmem>> -> memref<128xi32, #tpu.memory_space<vmem>>
      %dma_wait3A_121 = arith.constant 0 : i32
      %dma_wait3A_122 = arith.constant 0 : i32
      %dma_wait3A_123 = tpu.memref_slice %arg6[%dma_wait3A_121, %dma_wait3A_122] : memref<100096x16xf32, #tpu.memory_space<vmem_shared>> -> memref<100096x16xf32, #tpu.memory_space<vmem_shared>>
      tpu.wait_indirect_dma semaphore(%arg10 : memref<!tpu.dma_semaphore, #tpu.memory_space<semaphore_mem>>) src(%arg9 : memref<128x16xf32, #tpu.memory_space<vmem>>) dst(%dma_wait3A_123 : memref<100096x16xf32, #tpu.memory_space<vmem_shared>>)
      %dma_wait3A_124 = arith.constant 3 : i32
      %dma_wait3A_125 = arith.constant 0 : i32
      %dma_wait3A_126 = tpu.memref_slice %arg7[%dma_wait3A_124, %dma_wait3A_125] : memref<6x128xi32, #tpu.memory_space<vmem>> -> memref<1x128xi32, #tpu.memory_space<vmem>>
      %dma_wait3A_127 = tpu.memref_squeeze %dma_wait3A_126 : memref<1x128xi32, #tpu.memory_space<vmem>> -> memref<128xi32, #tpu.memory_space<vmem>>
      %dma_wait3A_128 = arith.constant 0 : i32
      %dma_wait3A_129 = arith.constant 0 : i32
      %dma_wait3A_130 = tpu.memref_slice %arg6[%dma_wait3A_128, %dma_wait3A_129] : memref<100096x16xf32, #tpu.memory_space<vmem_shared>> -> memref<100096x16xf32, #tpu.memory_space<vmem_shared>>
      tpu.wait_indirect_dma semaphore(%arg10 : memref<!tpu.dma_semaphore, #tpu.memory_space<semaphore_mem>>) src(%arg9 : memref<128x16xf32, #tpu.memory_space<vmem>>) dst(%dma_wait3A_130 : memref<100096x16xf32, #tpu.memory_space<vmem_shared>>)
      %dma_wait3A_131 = arith.constant 4 : i32
      %dma_wait3A_132 = arith.constant 0 : i32
      %dma_wait3A_133 = tpu.memref_slice %arg7[%dma_wait3A_131, %dma_wait3A_132] : memref<6x128xi32, #tpu.memory_space<vmem>> -> memref<1x128xi32, #tpu.memory_space<vmem>>
      %dma_wait3A_134 = tpu.memref_squeeze %dma_wait3A_133 : memref<1x128xi32, #tpu.memory_space<vmem>> -> memref<128xi32, #tpu.memory_space<vmem>>
      %dma_wait3A_135 = arith.constant 0 : i32
      %dma_wait3A_136 = arith.constant 0 : i32
      %dma_wait3A_137 = tpu.memref_slice %arg6[%dma_wait3A_135, %dma_wait3A_136] : memref<100096x16xf32, #tpu.memory_space<vmem_shared>> -> memref<100096x16xf32, #tpu.memory_space<vmem_shared>>
      tpu.wait_indirect_dma semaphore(%arg10 : memref<!tpu.dma_semaphore, #tpu.memory_space<semaphore_mem>>) src(%arg9 : memref<128x16xf32, #tpu.memory_space<vmem>>) dst(%dma_wait3A_137 : memref<100096x16xf32, #tpu.memory_space<vmem_shared>>)
      %dma_wait3A_138 = arith.constant 5 : i32
      %dma_wait3A_139 = arith.constant 0 : i32
      %dma_wait3A_140 = tpu.memref_slice %arg7[%dma_wait3A_138, %dma_wait3A_139] : memref<6x128xi32, #tpu.memory_space<vmem>> -> memref<1x128xi32, #tpu.memory_space<vmem>>
      %dma_wait3A_141 = tpu.memref_squeeze %dma_wait3A_140 : memref<1x128xi32, #tpu.memory_space<vmem>> -> memref<128xi32, #tpu.memory_space<vmem>>
      %dma_wait3A_142 = arith.constant 0 : i32
      %dma_wait3A_143 = arith.constant 0 : i32
      %dma_wait3A_144 = tpu.memref_slice %arg6[%dma_wait3A_142, %dma_wait3A_143] : memref<100096x16xf32, #tpu.memory_space<vmem_shared>> -> memref<100096x16xf32, #tpu.memory_space<vmem_shared>>
      tpu.wait_indirect_dma semaphore(%arg10 : memref<!tpu.dma_semaphore, #tpu.memory_space<semaphore_mem>>) src(%arg9 : memref<128x16xf32, #tpu.memory_space<vmem>>) dst(%dma_wait3A_144 : memref<100096x16xf32, #tpu.memory_space<vmem_shared>>)
      %add3A_145 = arith.constant 2 : i32
      %add3A_146 = arith.addi %mul3A_56, %add3A_145 : i32
      %lt3A = arith.constant 66 : i32
      %lt3A_147 = arith.cmpi slt, %add3A_146, %lt3A : i32
      %convert_element_type3A = arith.extui %lt3A_147 : i1 to i32
      %cond3A = arith.constant 0 : i32
      %cond3A_148 = arith.cmpi ne, %convert_element_type3A, %cond3A : i32
      scf.if %cond3A_148 {
        %add3A_191 = arith.constant 2 : i32
        %add3A_192 = arith.addi %mul3A_56, %add3A_191 : i32
        %mul3A_193 = arith.constant 6 : i32
        %mul3A_194 = arith.muli %add3A_192, %mul3A_193 : i32
        %add3A_195 = arith.addi %mul3A_4, %mul3A_194 : i32
        "tpu.region"() ({
          %run_scoped3A = tpu.sem_alloc : memref<!tpu.dma_semaphore, #tpu.memory_space<semaphore_mem>>
          %dma_start3A_238 = arith.constant 0 : i32
          %dma_start3A_239 = tpu.memref_slice %arg2[%add3A_195, %dma_start3A_238] : memref<12672x128xi32, #tpu.memory_space<hbm>> -> memref<6x128xi32, #tpu.memory_space<hbm>>
          %dma_start3A_240 = arith.constant 0 : i32
          %dma_start3A_241 = tpu.memref_slice %arg2[%add3A_195, %dma_start3A_240] : memref<12672x128xi32, #tpu.memory_space<hbm>> -> memref<6x128xi32, #tpu.memory_space<hbm>>
          tpu.enqueue_dma source(%dma_start3A_241 : memref<6x128xi32, #tpu.memory_space<hbm>>) target(%arg7 : memref<6x128xi32, #tpu.memory_space<vmem>>) target_semaphore(%run_scoped3A : memref<!tpu.dma_semaphore, #tpu.memory_space<semaphore_mem>>)
          %dma_wait3A_242 = arith.constant 0 : i32
          %dma_wait3A_243 = tpu.memref_slice %arg2[%add3A_195, %dma_wait3A_242] : memref<12672x128xi32, #tpu.memory_space<hbm>> -> memref<6x128xi32, #tpu.memory_space<hbm>>
          %dma_wait3A_244 = arith.constant 0 : i32
          %dma_wait3A_245 = tpu.memref_slice %arg2[%add3A_195, %dma_wait3A_244] : memref<12672x128xi32, #tpu.memory_space<hbm>> -> memref<6x128xi32, #tpu.memory_space<hbm>>
          tpu.wait_dma2 semaphore(%run_scoped3A : memref<!tpu.dma_semaphore, #tpu.memory_space<semaphore_mem>>) src(%dma_wait3A_245 : memref<6x128xi32, #tpu.memory_space<hbm>>) dst(%arg7 : memref<6x128xi32, #tpu.memory_space<vmem>>)
          tpu.yield
        }) : () -> ()
        %dma_start3A_196 = arith.constant 0 : i32
        %dma_start3A_197 = arith.constant 0 : i32
        %dma_start3A_198 = tpu.memref_slice %arg7[%dma_start3A_196, %dma_start3A_197] : memref<6x128xi32, #tpu.memory_space<vmem>> -> memref<1x128xi32, #tpu.memory_space<vmem>>
        %dma_start3A_199 = tpu.memref_squeeze %dma_start3A_198 : memref<1x128xi32, #tpu.memory_space<vmem>> -> memref<128xi32, #tpu.memory_space<vmem>>
        %dma_start3A_200 = arith.constant 0 : i32
        %dma_start3A_201 = arith.constant 0 : i32
        %dma_start3A_202 = tpu.memref_slice %arg6[%dma_start3A_200, %dma_start3A_201] : memref<100096x16xf32, #tpu.memory_space<vmem_shared>> -> memref<100096x16xf32, #tpu.memory_space<vmem_shared>>
        tpu.enqueue_indirect_dma source(%arg9 : memref<128x16xf32, #tpu.memory_space<vmem>>) target(%dma_start3A_202 : memref<100096x16xf32, #tpu.memory_space<vmem_shared>>) offsets(%dma_start3A_199 : memref<128xi32, #tpu.memory_space<vmem>>) semaphore(%arg10 : memref<!tpu.dma_semaphore, #tpu.memory_space<semaphore_mem>>) {add = true}
        %dma_start3A_203 = arith.constant 1 : i32
        %dma_start3A_204 = arith.constant 0 : i32
        %dma_start3A_205 = tpu.memref_slice %arg7[%dma_start3A_203, %dma_start3A_204] : memref<6x128xi32, #tpu.memory_space<vmem>> -> memref<1x128xi32, #tpu.memory_space<vmem>>
        %dma_start3A_206 = tpu.memref_squeeze %dma_start3A_205 : memref<1x128xi32, #tpu.memory_space<vmem>> -> memref<128xi32, #tpu.memory_space<vmem>>
        %dma_start3A_207 = arith.constant 0 : i32
        %dma_start3A_208 = arith.constant 0 : i32
        %dma_start3A_209 = tpu.memref_slice %arg6[%dma_start3A_207, %dma_start3A_208] : memref<100096x16xf32, #tpu.memory_space<vmem_shared>> -> memref<100096x16xf32, #tpu.memory_space<vmem_shared>>
        tpu.enqueue_indirect_dma source(%arg9 : memref<128x16xf32, #tpu.memory_space<vmem>>) target(%dma_start3A_209 : memref<100096x16xf32, #tpu.memory_space<vmem_shared>>) offsets(%dma_start3A_206 : memref<128xi32, #tpu.memory_space<vmem>>) semaphore(%arg10 : memref<!tpu.dma_semaphore, #tpu.memory_space<semaphore_mem>>) {add = true}
        %dma_start3A_210 = arith.constant 2 : i32
        %dma_start3A_211 = arith.constant 0 : i32
        %dma_start3A_212 = tpu.memref_slice %arg7[%dma_start3A_210, %dma_start3A_211] : memref<6x128xi32, #tpu.memory_space<vmem>> -> memref<1x128xi32, #tpu.memory_space<vmem>>
        %dma_start3A_213 = tpu.memref_squeeze %dma_start3A_212 : memref<1x128xi32, #tpu.memory_space<vmem>> -> memref<128xi32, #tpu.memory_space<vmem>>
        %dma_start3A_214 = arith.constant 0 : i32
        %dma_start3A_215 = arith.constant 0 : i32
        %dma_start3A_216 = tpu.memref_slice %arg6[%dma_start3A_214, %dma_start3A_215] : memref<100096x16xf32, #tpu.memory_space<vmem_shared>> -> memref<100096x16xf32, #tpu.memory_space<vmem_shared>>
        tpu.enqueue_indirect_dma source(%arg9 : memref<128x16xf32, #tpu.memory_space<vmem>>) target(%dma_start3A_216 : memref<100096x16xf32, #tpu.memory_space<vmem_shared>>) offsets(%dma_start3A_213 : memref<128xi32, #tpu.memory_space<vmem>>) semaphore(%arg10 : memref<!tpu.dma_semaphore, #tpu.memory_space<semaphore_mem>>) {add = true}
        %dma_start3A_217 = arith.constant 3 : i32
        %dma_start3A_218 = arith.constant 0 : i32
        %dma_start3A_219 = tpu.memref_slice %arg7[%dma_start3A_217, %dma_start3A_218] : memref<6x128xi32, #tpu.memory_space<vmem>> -> memref<1x128xi32, #tpu.memory_space<vmem>>
        %dma_start3A_220 = tpu.memref_squeeze %dma_start3A_219 : memref<1x128xi32, #tpu.memory_space<vmem>> -> memref<128xi32, #tpu.memory_space<vmem>>
        %dma_start3A_221 = arith.constant 0 : i32
        %dma_start3A_222 = arith.constant 0 : i32
        %dma_start3A_223 = tpu.memref_slice %arg6[%dma_start3A_221, %dma_start3A_222] : memref<100096x16xf32, #tpu.memory_space<vmem_shared>> -> memref<100096x16xf32, #tpu.memory_space<vmem_shared>>
        tpu.enqueue_indirect_dma source(%arg9 : memref<128x16xf32, #tpu.memory_space<vmem>>) target(%dma_start3A_223 : memref<100096x16xf32, #tpu.memory_space<vmem_shared>>) offsets(%dma_start3A_220 : memref<128xi32, #tpu.memory_space<vmem>>) semaphore(%arg10 : memref<!tpu.dma_semaphore, #tpu.memory_space<semaphore_mem>>) {add = true}
        %dma_start3A_224 = arith.constant 4 : i32
        %dma_start3A_225 = arith.constant 0 : i32
        %dma_start3A_226 = tpu.memref_slice %arg7[%dma_start3A_224, %dma_start3A_225] : memref<6x128xi32, #tpu.memory_space<vmem>> -> memref<1x128xi32, #tpu.memory_space<vmem>>
        %dma_start3A_227 = tpu.memref_squeeze %dma_start3A_226 : memref<1x128xi32, #tpu.memory_space<vmem>> -> memref<128xi32, #tpu.memory_space<vmem>>
        %dma_start3A_228 = arith.constant 0 : i32
        %dma_start3A_229 = arith.constant 0 : i32
        %dma_start3A_230 = tpu.memref_slice %arg6[%dma_start3A_228, %dma_start3A_229] : memref<100096x16xf32, #tpu.memory_space<vmem_shared>> -> memref<100096x16xf32, #tpu.memory_space<vmem_shared>>
        tpu.enqueue_indirect_dma source(%arg9 : memref<128x16xf32, #tpu.memory_space<vmem>>) target(%dma_start3A_230 : memref<100096x16xf32, #tpu.memory_space<vmem_shared>>) offsets(%dma_start3A_227 : memref<128xi32, #tpu.memory_space<vmem>>) semaphore(%arg10 : memref<!tpu.dma_semaphore, #tpu.memory_space<semaphore_mem>>) {add = true}
        %dma_start3A_231 = arith.constant 5 : i32
        %dma_start3A_232 = arith.constant 0 : i32
        %dma_start3A_233 = tpu.memref_slice %arg7[%dma_start3A_231, %dma_start3A_232] : memref<6x128xi32, #tpu.memory_space<vmem>> -> memref<1x128xi32, #tpu.memory_space<vmem>>
        %dma_start3A_234 = tpu.memref_squeeze %dma_start3A_233 : memref<1x128xi32, #tpu.memory_space<vmem>> -> memref<128xi32, #tpu.memory_space<vmem>>
        %dma_start3A_235 = arith.constant 0 : i32
        %dma_start3A_236 = arith.constant 0 : i32
        %dma_start3A_237 = tpu.memref_slice %arg6[%dma_start3A_235, %dma_start3A_236] : memref<100096x16xf32, #tpu.memory_space<vmem_shared>> -> memref<100096x16xf32, #tpu.memory_space<vmem_shared>>
        tpu.enqueue_indirect_dma source(%arg9 : memref<128x16xf32, #tpu.memory_space<vmem>>) target(%dma_start3A_237 : memref<100096x16xf32, #tpu.memory_space<vmem_shared>>) offsets(%dma_start3A_234 : memref<128xi32, #tpu.memory_space<vmem>>) semaphore(%arg10 : memref<!tpu.dma_semaphore, #tpu.memory_space<semaphore_mem>>) {add = true}
      } else {
      }
      %dma_wait3A_149 = arith.constant 0 : i32
      %dma_wait3A_150 = arith.constant 0 : i32
      %dma_wait3A_151 = tpu.memref_slice %arg8[%dma_wait3A_149, %dma_wait3A_150] : memref<6x128xi32, #tpu.memory_space<vmem>> -> memref<1x128xi32, #tpu.memory_space<vmem>>
      %dma_wait3A_152 = tpu.memref_squeeze %dma_wait3A_151 : memref<1x128xi32, #tpu.memory_space<vmem>> -> memref<128xi32, #tpu.memory_space<vmem>>
      %dma_wait3A_153 = arith.constant 0 : i32
      %dma_wait3A_154 = arith.constant 0 : i32
      %dma_wait3A_155 = tpu.memref_slice %arg6[%dma_wait3A_153, %dma_wait3A_154] : memref<100096x16xf32, #tpu.memory_space<vmem_shared>> -> memref<100096x16xf32, #tpu.memory_space<vmem_shared>>
      tpu.wait_indirect_dma semaphore(%arg11 : memref<!tpu.dma_semaphore, #tpu.memory_space<semaphore_mem>>) src(%arg9 : memref<128x16xf32, #tpu.memory_space<vmem>>) dst(%dma_wait3A_155 : memref<100096x16xf32, #tpu.memory_space<vmem_shared>>)
      %dma_wait3A_156 = arith.constant 1 : i32
      %dma_wait3A_157 = arith.constant 0 : i32
      %dma_wait3A_158 = tpu.memref_slice %arg8[%dma_wait3A_156, %dma_wait3A_157] : memref<6x128xi32, #tpu.memory_space<vmem>> -> memref<1x128xi32, #tpu.memory_space<vmem>>
      %dma_wait3A_159 = tpu.memref_squeeze %dma_wait3A_158 : memref<1x128xi32, #tpu.memory_space<vmem>> -> memref<128xi32, #tpu.memory_space<vmem>>
      %dma_wait3A_160 = arith.constant 0 : i32
      %dma_wait3A_161 = arith.constant 0 : i32
      %dma_wait3A_162 = tpu.memref_slice %arg6[%dma_wait3A_160, %dma_wait3A_161] : memref<100096x16xf32, #tpu.memory_space<vmem_shared>> -> memref<100096x16xf32, #tpu.memory_space<vmem_shared>>
      tpu.wait_indirect_dma semaphore(%arg11 : memref<!tpu.dma_semaphore, #tpu.memory_space<semaphore_mem>>) src(%arg9 : memref<128x16xf32, #tpu.memory_space<vmem>>) dst(%dma_wait3A_162 : memref<100096x16xf32, #tpu.memory_space<vmem_shared>>)
      %dma_wait3A_163 = arith.constant 2 : i32
      %dma_wait3A_164 = arith.constant 0 : i32
      %dma_wait3A_165 = tpu.memref_slice %arg8[%dma_wait3A_163, %dma_wait3A_164] : memref<6x128xi32, #tpu.memory_space<vmem>> -> memref<1x128xi32, #tpu.memory_space<vmem>>
      %dma_wait3A_166 = tpu.memref_squeeze %dma_wait3A_165 : memref<1x128xi32, #tpu.memory_space<vmem>> -> memref<128xi32, #tpu.memory_space<vmem>>
      %dma_wait3A_167 = arith.constant 0 : i32
      %dma_wait3A_168 = arith.constant 0 : i32
      %dma_wait3A_169 = tpu.memref_slice %arg6[%dma_wait3A_167, %dma_wait3A_168] : memref<100096x16xf32, #tpu.memory_space<vmem_shared>> -> memref<100096x16xf32, #tpu.memory_space<vmem_shared>>
      tpu.wait_indirect_dma semaphore(%arg11 : memref<!tpu.dma_semaphore, #tpu.memory_space<semaphore_mem>>) src(%arg9 : memref<128x16xf32, #tpu.memory_space<vmem>>) dst(%dma_wait3A_169 : memref<100096x16xf32, #tpu.memory_space<vmem_shared>>)
      %dma_wait3A_170 = arith.constant 3 : i32
      %dma_wait3A_171 = arith.constant 0 : i32
      %dma_wait3A_172 = tpu.memref_slice %arg8[%dma_wait3A_170, %dma_wait3A_171] : memref<6x128xi32, #tpu.memory_space<vmem>> -> memref<1x128xi32, #tpu.memory_space<vmem>>
      %dma_wait3A_173 = tpu.memref_squeeze %dma_wait3A_172 : memref<1x128xi32, #tpu.memory_space<vmem>> -> memref<128xi32, #tpu.memory_space<vmem>>
      %dma_wait3A_174 = arith.constant 0 : i32
      %dma_wait3A_175 = arith.constant 0 : i32
      %dma_wait3A_176 = tpu.memref_slice %arg6[%dma_wait3A_174, %dma_wait3A_175] : memref<100096x16xf32, #tpu.memory_space<vmem_shared>> -> memref<100096x16xf32, #tpu.memory_space<vmem_shared>>
      tpu.wait_indirect_dma semaphore(%arg11 : memref<!tpu.dma_semaphore, #tpu.memory_space<semaphore_mem>>) src(%arg9 : memref<128x16xf32, #tpu.memory_space<vmem>>) dst(%dma_wait3A_176 : memref<100096x16xf32, #tpu.memory_space<vmem_shared>>)
      %dma_wait3A_177 = arith.constant 4 : i32
      %dma_wait3A_178 = arith.constant 0 : i32
      %dma_wait3A_179 = tpu.memref_slice %arg8[%dma_wait3A_177, %dma_wait3A_178] : memref<6x128xi32, #tpu.memory_space<vmem>> -> memref<1x128xi32, #tpu.memory_space<vmem>>
      %dma_wait3A_180 = tpu.memref_squeeze %dma_wait3A_179 : memref<1x128xi32, #tpu.memory_space<vmem>> -> memref<128xi32, #tpu.memory_space<vmem>>
      %dma_wait3A_181 = arith.constant 0 : i32
      %dma_wait3A_182 = arith.constant 0 : i32
      %dma_wait3A_183 = tpu.memref_slice %arg6[%dma_wait3A_181, %dma_wait3A_182] : memref<100096x16xf32, #tpu.memory_space<vmem_shared>> -> memref<100096x16xf32, #tpu.memory_space<vmem_shared>>
      tpu.wait_indirect_dma semaphore(%arg11 : memref<!tpu.dma_semaphore, #tpu.memory_space<semaphore_mem>>) src(%arg9 : memref<128x16xf32, #tpu.memory_space<vmem>>) dst(%dma_wait3A_183 : memref<100096x16xf32, #tpu.memory_space<vmem_shared>>)
      %dma_wait3A_184 = arith.constant 5 : i32
      %dma_wait3A_185 = arith.constant 0 : i32
      %dma_wait3A_186 = tpu.memref_slice %arg8[%dma_wait3A_184, %dma_wait3A_185] : memref<6x128xi32, #tpu.memory_space<vmem>> -> memref<1x128xi32, #tpu.memory_space<vmem>>
      %dma_wait3A_187 = tpu.memref_squeeze %dma_wait3A_186 : memref<1x128xi32, #tpu.memory_space<vmem>> -> memref<128xi32, #tpu.memory_space<vmem>>
      %dma_wait3A_188 = arith.constant 0 : i32
      %dma_wait3A_189 = arith.constant 0 : i32
      %dma_wait3A_190 = tpu.memref_slice %arg6[%dma_wait3A_188, %dma_wait3A_189] : memref<100096x16xf32, #tpu.memory_space<vmem_shared>> -> memref<100096x16xf32, #tpu.memory_space<vmem_shared>>
      tpu.wait_indirect_dma semaphore(%arg11 : memref<!tpu.dma_semaphore, #tpu.memory_space<semaphore_mem>>) src(%arg9 : memref<128x16xf32, #tpu.memory_space<vmem>>) dst(%dma_wait3A_190 : memref<100096x16xf32, #tpu.memory_space<vmem_shared>>)
    }
    %scan3A_52 = arith.constant 33 : i32
    %barrier3A_53 = arith.constant 0 : index
    tpu.barrier barrier_id(%barrier3A_53)
    "tpu.region"() ({
      %run_scoped3A = tpu.sem_alloc : memref<!tpu.dma_semaphore, #tpu.memory_space<semaphore_mem>>
      %dma_start3A_54 = arith.constant 0 : i32
      %dma_start3A_55 = arith.constant 0 : i32
      %dma_start3A_56 = tpu.memref_slice %arg5[%arg0, %dma_start3A_54, %dma_start3A_55] : memref<2x100096x16xf32, #tpu.memory_space<hbm>> -> memref<1x100096x16xf32, #tpu.memory_space<hbm>>
      %dma_start3A_57 = tpu.memref_squeeze %dma_start3A_56 : memref<1x100096x16xf32, #tpu.memory_space<hbm>> -> memref<100096x16xf32, #tpu.memory_space<hbm>>
      %dma_start3A_58 = arith.constant 0 : i32
      %dma_start3A_59 = tpu.memref_slice %dma_start3A_57[%mul3A_0, %dma_start3A_58] : memref<100096x16xf32, #tpu.memory_space<hbm>> -> memref<6256x16xf32, #tpu.memory_space<hbm>>
      %dma_start3A_60 = arith.constant 0 : i32
      %dma_start3A_61 = tpu.memref_slice %arg6[%mul3A_0, %dma_start3A_60] : memref<100096x16xf32, #tpu.memory_space<vmem_shared>> -> memref<6256x16xf32, #tpu.memory_space<vmem_shared>>
      tpu.enqueue_dma source(%dma_start3A_61 : memref<6256x16xf32, #tpu.memory_space<vmem_shared>>) target(%dma_start3A_59 : memref<6256x16xf32, #tpu.memory_space<hbm>>) target_semaphore(%run_scoped3A : memref<!tpu.dma_semaphore, #tpu.memory_space<semaphore_mem>>)
      %dma_wait3A = arith.constant 0 : i32
      %dma_wait3A_62 = arith.constant 0 : i32
      %dma_wait3A_63 = tpu.memref_slice %arg5[%arg0, %dma_wait3A, %dma_wait3A_62] : memref<2x100096x16xf32, #tpu.memory_space<hbm>> -> memref<1x100096x16xf32, #tpu.memory_space<hbm>>
      %dma_wait3A_64 = tpu.memref_squeeze %dma_wait3A_63 : memref<1x100096x16xf32, #tpu.memory_space<hbm>> -> memref<100096x16xf32, #tpu.memory_space<hbm>>
      %dma_wait3A_65 = arith.constant 0 : i32
      %dma_wait3A_66 = tpu.memref_slice %dma_wait3A_64[%mul3A_0, %dma_wait3A_65] : memref<100096x16xf32, #tpu.memory_space<hbm>> -> memref<6256x16xf32, #tpu.memory_space<hbm>>
      %dma_wait3A_67 = arith.constant 0 : i32
      %dma_wait3A_68 = tpu.memref_slice %arg6[%mul3A_0, %dma_wait3A_67] : memref<100096x16xf32, #tpu.memory_space<vmem_shared>> -> memref<6256x16xf32, #tpu.memory_space<vmem_shared>>
      tpu.wait_dma2 semaphore(%run_scoped3A : memref<!tpu.dma_semaphore, #tpu.memory_space<semaphore_mem>>) src(%dma_wait3A_68 : memref<6256x16xf32, #tpu.memory_space<vmem_shared>>) dst(%dma_wait3A_66 : memref<6256x16xf32, #tpu.memory_space<hbm>>)
      tpu.yield
    }) : () -> ()
    return
  }
}

#map = affine_map<(d0, d1) -> (0, 0, 0)>
#map1 = affine_map<(d0, d1) -> (0)>
#map2 = affine_map<(d0, d1) -> (0, 0)>
module attributes {stable_mosaic.version = 14 : i64} {
  func.func @_agg_body(%arg0: i32, %arg1: i32, %arg2: memref<2x100096x16xf32, #tpu.memory_space<hbm>>, %arg3: memref<1622016xi32, #tpu.memory_space<hbm>>, %arg4: memref<12672x128xi32, #tpu.memory_space<hbm>>, %arg5: memref<2x100096x16xf32, #tpu.memory_space<hbm>>, %arg6: memref<100096x16xf32, #tpu.memory_space<vmem_shared>>, %arg7: memref<768xi32, #tpu.memory_space<vmem>>, %arg8: memref<6x128xi32, #tpu.memory_space<vmem>>, %arg9: memref<768x16xf32, #tpu.memory_space<vmem>>, %arg10: memref<768xi32, #tpu.memory_space<vmem>>, %arg11: memref<6x128xi32, #tpu.memory_space<vmem>>, %arg12: memref<768x16xf32, #tpu.memory_space<vmem>>, %arg13: memref<!tpu.dma_semaphore, #tpu.memory_space<semaphore_mem>>, %arg14: memref<!tpu.dma_semaphore, #tpu.memory_space<semaphore_mem>>, %arg15: memref<!tpu.dma_semaphore, #tpu.memory_space<semaphore_mem>>, %arg16: memref<!tpu.dma_semaphore, #tpu.memory_space<semaphore_mem>>) attributes {dimension_semantics = [#tpu.dimension_semantics<core_parallel>, #tpu.dimension_semantics<subcore_parallel>], iteration_bounds = array<i64: 2, 16>, scalar_prefetch = 0 : i64, scratch_operands = 11 : i64, tpu.core_type = #tpu.core_type<sc_vector_subcore>, window_params = [{transform_indices = #map}, {transform_indices = #map1}, {transform_indices = #map2}, {transform_indices = #map}]} {
    %mul3A = arith.constant 6256 : i32
    %mul3A_0 = arith.muli %arg1, %mul3A : i32
    "tpu.region"() ({
      %run_scoped3A = tpu.sem_alloc : memref<!tpu.dma_semaphore, #tpu.memory_space<semaphore_mem>>
      %dma_start3A_18 = arith.constant 0 : i32
      %dma_start3A_19 = tpu.memref_slice %arg6[%mul3A_0, %dma_start3A_18] : memref<100096x16xf32, #tpu.memory_space<vmem_shared>> -> memref<6256x16xf32, #tpu.memory_space<vmem_shared>>
      %dma_start3A_20 = arith.constant 0 : i32
      %dma_start3A_21 = arith.constant 0 : i32
      %dma_start3A_22 = tpu.memref_slice %arg2[%arg0, %dma_start3A_20, %dma_start3A_21] : memref<2x100096x16xf32, #tpu.memory_space<hbm>> -> memref<1x100096x16xf32, #tpu.memory_space<hbm>>
      %dma_start3A_23 = tpu.memref_squeeze %dma_start3A_22 : memref<1x100096x16xf32, #tpu.memory_space<hbm>> -> memref<100096x16xf32, #tpu.memory_space<hbm>>
      %dma_start3A_24 = arith.constant 0 : i32
      %dma_start3A_25 = tpu.memref_slice %dma_start3A_23[%mul3A_0, %dma_start3A_24] : memref<100096x16xf32, #tpu.memory_space<hbm>> -> memref<6256x16xf32, #tpu.memory_space<hbm>>
      tpu.enqueue_dma source(%dma_start3A_25 : memref<6256x16xf32, #tpu.memory_space<hbm>>) target(%dma_start3A_19 : memref<6256x16xf32, #tpu.memory_space<vmem_shared>>) target_semaphore(%run_scoped3A : memref<!tpu.dma_semaphore, #tpu.memory_space<semaphore_mem>>)
      %dma_wait3A = arith.constant 0 : i32
      %dma_wait3A_26 = tpu.memref_slice %arg6[%mul3A_0, %dma_wait3A] : memref<100096x16xf32, #tpu.memory_space<vmem_shared>> -> memref<6256x16xf32, #tpu.memory_space<vmem_shared>>
      %dma_wait3A_27 = arith.constant 0 : i32
      %dma_wait3A_28 = arith.constant 0 : i32
      %dma_wait3A_29 = tpu.memref_slice %arg2[%arg0, %dma_wait3A_27, %dma_wait3A_28] : memref<2x100096x16xf32, #tpu.memory_space<hbm>> -> memref<1x100096x16xf32, #tpu.memory_space<hbm>>
      %dma_wait3A_30 = tpu.memref_squeeze %dma_wait3A_29 : memref<1x100096x16xf32, #tpu.memory_space<hbm>> -> memref<100096x16xf32, #tpu.memory_space<hbm>>
      %dma_wait3A_31 = arith.constant 0 : i32
      %dma_wait3A_32 = tpu.memref_slice %dma_wait3A_30[%mul3A_0, %dma_wait3A_31] : memref<100096x16xf32, #tpu.memory_space<hbm>> -> memref<6256x16xf32, #tpu.memory_space<hbm>>
      tpu.wait_dma2 semaphore(%run_scoped3A : memref<!tpu.dma_semaphore, #tpu.memory_space<semaphore_mem>>) src(%dma_wait3A_32 : memref<6256x16xf32, #tpu.memory_space<hbm>>) dst(%dma_wait3A_26 : memref<6256x16xf32, #tpu.memory_space<vmem_shared>>)
      tpu.yield
    }) : () -> ()
    %barrier3A = arith.constant 0 : index
    tpu.barrier barrier_id(%barrier3A)
    %mul3A_1 = arith.constant 792 : i32
    %mul3A_2 = arith.muli %arg1, %mul3A_1 : i32
    %add3A = arith.constant 0 : i32
    %add3A_3 = arith.addi %mul3A_2, %add3A : i32
    %mul3A_4 = arith.constant 128 : i32
    %mul3A_5 = arith.muli %add3A_3, %mul3A_4 : i32
    "tpu.region"() ({
      %run_scoped3A = tpu.sem_alloc : memref<!tpu.dma_semaphore, #tpu.memory_space<semaphore_mem>>
      %dma_start3A_18 = tpu.memref_slice %arg3[%mul3A_5] : memref<1622016xi32, #tpu.memory_space<hbm>> -> memref<768xi32, #tpu.memory_space<hbm>>
      %dma_start3A_19 = tpu.memref_slice %arg3[%mul3A_5] : memref<1622016xi32, #tpu.memory_space<hbm>> -> memref<768xi32, #tpu.memory_space<hbm>>
      tpu.enqueue_dma source(%dma_start3A_19 : memref<768xi32, #tpu.memory_space<hbm>>) target(%arg7 : memref<768xi32, #tpu.memory_space<vmem>>) target_semaphore(%run_scoped3A : memref<!tpu.dma_semaphore, #tpu.memory_space<semaphore_mem>>)
      %dma_wait3A = tpu.memref_slice %arg3[%mul3A_5] : memref<1622016xi32, #tpu.memory_space<hbm>> -> memref<768xi32, #tpu.memory_space<hbm>>
      %dma_wait3A_20 = tpu.memref_slice %arg3[%mul3A_5] : memref<1622016xi32, #tpu.memory_space<hbm>> -> memref<768xi32, #tpu.memory_space<hbm>>
      tpu.wait_dma2 semaphore(%run_scoped3A : memref<!tpu.dma_semaphore, #tpu.memory_space<semaphore_mem>>) src(%dma_wait3A_20 : memref<768xi32, #tpu.memory_space<hbm>>) dst(%arg7 : memref<768xi32, #tpu.memory_space<vmem>>)
      tpu.yield
    }) : () -> ()
    "tpu.region"() ({
      %run_scoped3A = tpu.sem_alloc : memref<!tpu.dma_semaphore, #tpu.memory_space<semaphore_mem>>
      %dma_start3A_18 = arith.constant 0 : i32
      %dma_start3A_19 = tpu.memref_slice %arg4[%add3A_3, %dma_start3A_18] : memref<12672x128xi32, #tpu.memory_space<hbm>> -> memref<6x128xi32, #tpu.memory_space<hbm>>
      %dma_start3A_20 = arith.constant 0 : i32
      %dma_start3A_21 = tpu.memref_slice %arg4[%add3A_3, %dma_start3A_20] : memref<12672x128xi32, #tpu.memory_space<hbm>> -> memref<6x128xi32, #tpu.memory_space<hbm>>
      tpu.enqueue_dma source(%dma_start3A_21 : memref<6x128xi32, #tpu.memory_space<hbm>>) target(%arg8 : memref<6x128xi32, #tpu.memory_space<vmem>>) target_semaphore(%run_scoped3A : memref<!tpu.dma_semaphore, #tpu.memory_space<semaphore_mem>>)
      %dma_wait3A = arith.constant 0 : i32
      %dma_wait3A_22 = tpu.memref_slice %arg4[%add3A_3, %dma_wait3A] : memref<12672x128xi32, #tpu.memory_space<hbm>> -> memref<6x128xi32, #tpu.memory_space<hbm>>
      %dma_wait3A_23 = arith.constant 0 : i32
      %dma_wait3A_24 = tpu.memref_slice %arg4[%add3A_3, %dma_wait3A_23] : memref<12672x128xi32, #tpu.memory_space<hbm>> -> memref<6x128xi32, #tpu.memory_space<hbm>>
      tpu.wait_dma2 semaphore(%run_scoped3A : memref<!tpu.dma_semaphore, #tpu.memory_space<semaphore_mem>>) src(%dma_wait3A_24 : memref<6x128xi32, #tpu.memory_space<hbm>>) dst(%arg8 : memref<6x128xi32, #tpu.memory_space<vmem>>)
      tpu.yield
    }) : () -> ()
    %dma_start3A = arith.constant 0 : i32
    %dma_start3A_6 = arith.constant 0 : i32
    %dma_start3A_7 = tpu.memref_slice %arg2[%arg0, %dma_start3A, %dma_start3A_6] : memref<2x100096x16xf32, #tpu.memory_space<hbm>> -> memref<1x100096x16xf32, #tpu.memory_space<hbm>>
    %dma_start3A_8 = tpu.memref_squeeze %dma_start3A_7 : memref<1x100096x16xf32, #tpu.memory_space<hbm>> -> memref<100096x16xf32, #tpu.memory_space<hbm>>
    %dma_start3A_9 = arith.constant 0 : i32
    %dma_start3A_10 = arith.constant 0 : i32
    %dma_start3A_11 = tpu.memref_slice %dma_start3A_8[%dma_start3A_9, %dma_start3A_10] : memref<100096x16xf32, #tpu.memory_space<hbm>> -> memref<100096x16xf32, #tpu.memory_space<hbm>>
    tpu.enqueue_indirect_dma source(%dma_start3A_11 : memref<100096x16xf32, #tpu.memory_space<hbm>>) target(%arg9 : memref<768x16xf32, #tpu.memory_space<vmem>>) offsets(%arg7 : memref<768xi32, #tpu.memory_space<vmem>>) semaphore(%arg13 : memref<!tpu.dma_semaphore, #tpu.memory_space<semaphore_mem>>)
    %scan3A = arith.constant 0 : i32
    %scan3A_12 = arith.constant 0 : i32
    %scan3A_13 = arith.constant 66 : i32
    %scan3A_14 = arith.addi %scan3A_12, %scan3A_13 : i32
    %scan3A_15 = arith.constant 1 : i32
    scf.for %scan3A_18 = %scan3A_12 to %scan3A_14 step %scan3A_15  : i32 {
      %mul3A_19 = arith.constant 2 : i32
      %mul3A_20 = arith.muli %mul3A_19, %scan3A_18 : i32
      %add3A_21 = arith.constant 1 : i32
      %add3A_22 = arith.addi %mul3A_20, %add3A_21 : i32
      %mul3A_23 = arith.constant 6 : i32
      %mul3A_24 = arith.muli %add3A_22, %mul3A_23 : i32
      %add3A_25 = arith.addi %mul3A_2, %mul3A_24 : i32
      %mul3A_26 = arith.constant 128 : i32
      %mul3A_27 = arith.muli %add3A_25, %mul3A_26 : i32
      "tpu.region"() ({
        %run_scoped3A = tpu.sem_alloc : memref<!tpu.dma_semaphore, #tpu.memory_space<semaphore_mem>>
        %dma_start3A_294 = tpu.memref_slice %arg3[%mul3A_27] : memref<1622016xi32, #tpu.memory_space<hbm>> -> memref<768xi32, #tpu.memory_space<hbm>>
        %dma_start3A_295 = tpu.memref_slice %arg3[%mul3A_27] : memref<1622016xi32, #tpu.memory_space<hbm>> -> memref<768xi32, #tpu.memory_space<hbm>>
        tpu.enqueue_dma source(%dma_start3A_295 : memref<768xi32, #tpu.memory_space<hbm>>) target(%arg10 : memref<768xi32, #tpu.memory_space<vmem>>) target_semaphore(%run_scoped3A : memref<!tpu.dma_semaphore, #tpu.memory_space<semaphore_mem>>)
        %dma_wait3A_296 = tpu.memref_slice %arg3[%mul3A_27] : memref<1622016xi32, #tpu.memory_space<hbm>> -> memref<768xi32, #tpu.memory_space<hbm>>
        %dma_wait3A_297 = tpu.memref_slice %arg3[%mul3A_27] : memref<1622016xi32, #tpu.memory_space<hbm>> -> memref<768xi32, #tpu.memory_space<hbm>>
        tpu.wait_dma2 semaphore(%run_scoped3A : memref<!tpu.dma_semaphore, #tpu.memory_space<semaphore_mem>>) src(%dma_wait3A_297 : memref<768xi32, #tpu.memory_space<hbm>>) dst(%arg10 : memref<768xi32, #tpu.memory_space<vmem>>)
        tpu.yield
      }) : () -> ()
      "tpu.region"() ({
        %run_scoped3A = tpu.sem_alloc : memref<!tpu.dma_semaphore, #tpu.memory_space<semaphore_mem>>
        %dma_start3A_294 = arith.constant 0 : i32
        %dma_start3A_295 = tpu.memref_slice %arg4[%add3A_25, %dma_start3A_294] : memref<12672x128xi32, #tpu.memory_space<hbm>> -> memref<6x128xi32, #tpu.memory_space<hbm>>
        %dma_start3A_296 = arith.constant 0 : i32
        %dma_start3A_297 = tpu.memref_slice %arg4[%add3A_25, %dma_start3A_296] : memref<12672x128xi32, #tpu.memory_space<hbm>> -> memref<6x128xi32, #tpu.memory_space<hbm>>
        tpu.enqueue_dma source(%dma_start3A_297 : memref<6x128xi32, #tpu.memory_space<hbm>>) target(%arg11 : memref<6x128xi32, #tpu.memory_space<vmem>>) target_semaphore(%run_scoped3A : memref<!tpu.dma_semaphore, #tpu.memory_space<semaphore_mem>>)
        %dma_wait3A_298 = arith.constant 0 : i32
        %dma_wait3A_299 = tpu.memref_slice %arg4[%add3A_25, %dma_wait3A_298] : memref<12672x128xi32, #tpu.memory_space<hbm>> -> memref<6x128xi32, #tpu.memory_space<hbm>>
        %dma_wait3A_300 = arith.constant 0 : i32
        %dma_wait3A_301 = tpu.memref_slice %arg4[%add3A_25, %dma_wait3A_300] : memref<12672x128xi32, #tpu.memory_space<hbm>> -> memref<6x128xi32, #tpu.memory_space<hbm>>
        tpu.wait_dma2 semaphore(%run_scoped3A : memref<!tpu.dma_semaphore, #tpu.memory_space<semaphore_mem>>) src(%dma_wait3A_301 : memref<6x128xi32, #tpu.memory_space<hbm>>) dst(%arg11 : memref<6x128xi32, #tpu.memory_space<vmem>>)
        tpu.yield
      }) : () -> ()
      %dma_start3A_28 = arith.constant 0 : i32
      %dma_start3A_29 = arith.constant 0 : i32
      %dma_start3A_30 = tpu.memref_slice %arg2[%arg0, %dma_start3A_28, %dma_start3A_29] : memref<2x100096x16xf32, #tpu.memory_space<hbm>> -> memref<1x100096x16xf32, #tpu.memory_space<hbm>>
      %dma_start3A_31 = tpu.memref_squeeze %dma_start3A_30 : memref<1x100096x16xf32, #tpu.memory_space<hbm>> -> memref<100096x16xf32, #tpu.memory_space<hbm>>
      %dma_start3A_32 = arith.constant 0 : i32
      %dma_start3A_33 = arith.constant 0 : i32
      %dma_start3A_34 = tpu.memref_slice %dma_start3A_31[%dma_start3A_32, %dma_start3A_33] : memref<100096x16xf32, #tpu.memory_space<hbm>> -> memref<100096x16xf32, #tpu.memory_space<hbm>>
      tpu.enqueue_indirect_dma source(%dma_start3A_34 : memref<100096x16xf32, #tpu.memory_space<hbm>>) target(%arg12 : memref<768x16xf32, #tpu.memory_space<vmem>>) offsets(%arg10 : memref<768xi32, #tpu.memory_space<vmem>>) semaphore(%arg15 : memref<!tpu.dma_semaphore, #tpu.memory_space<semaphore_mem>>)
      %dma_wait3A = arith.constant 0 : i32
      %dma_wait3A_35 = arith.constant 0 : i32
      %dma_wait3A_36 = tpu.memref_slice %arg2[%arg0, %dma_wait3A, %dma_wait3A_35] : memref<2x100096x16xf32, #tpu.memory_space<hbm>> -> memref<1x100096x16xf32, #tpu.memory_space<hbm>>
      %dma_wait3A_37 = tpu.memref_squeeze %dma_wait3A_36 : memref<1x100096x16xf32, #tpu.memory_space<hbm>> -> memref<100096x16xf32, #tpu.memory_space<hbm>>
      %dma_wait3A_38 = arith.constant 0 : i32
      %dma_wait3A_39 = arith.constant 0 : i32
      %dma_wait3A_40 = tpu.memref_slice %dma_wait3A_37[%dma_wait3A_38, %dma_wait3A_39] : memref<100096x16xf32, #tpu.memory_space<hbm>> -> memref<100096x16xf32, #tpu.memory_space<hbm>>
      tpu.wait_indirect_dma semaphore(%arg13 : memref<!tpu.dma_semaphore, #tpu.memory_space<semaphore_mem>>) src(%dma_wait3A_40 : memref<100096x16xf32, #tpu.memory_space<hbm>>) dst(%arg9 : memref<768x16xf32, #tpu.memory_space<vmem>>)
      %dma_start3A_41 = arith.constant 0 : i32
      %dma_start3A_42 = arith.constant 0 : i32
      %dma_start3A_43 = arith.constant 0 : i32
      %dma_start3A_44 = tpu.memref_slice %arg9[%dma_start3A_42, %dma_start3A_43] : memref<768x16xf32, #tpu.memory_space<vmem>> -> memref<128x16xf32, #tpu.memory_space<vmem>>
      %dma_start3A_45 = arith.constant 0 : i32
      %dma_start3A_46 = tpu.memref_slice %arg8[%dma_start3A_41, %dma_start3A_45] : memref<6x128xi32, #tpu.memory_space<vmem>> -> memref<1x128xi32, #tpu.memory_space<vmem>>
      %dma_start3A_47 = tpu.memref_squeeze %dma_start3A_46 : memref<1x128xi32, #tpu.memory_space<vmem>> -> memref<128xi32, #tpu.memory_space<vmem>>
      %dma_start3A_48 = arith.constant 0 : i32
      %dma_start3A_49 = arith.constant 0 : i32
      %dma_start3A_50 = tpu.memref_slice %arg6[%dma_start3A_48, %dma_start3A_49] : memref<100096x16xf32, #tpu.memory_space<vmem_shared>> -> memref<100096x16xf32, #tpu.memory_space<vmem_shared>>
      tpu.enqueue_indirect_dma source(%dma_start3A_44 : memref<128x16xf32, #tpu.memory_space<vmem>>) target(%dma_start3A_50 : memref<100096x16xf32, #tpu.memory_space<vmem_shared>>) offsets(%dma_start3A_47 : memref<128xi32, #tpu.memory_space<vmem>>) semaphore(%arg14 : memref<!tpu.dma_semaphore, #tpu.memory_space<semaphore_mem>>) {add = true}
      %dma_start3A_51 = arith.constant 1 : i32
      %dma_start3A_52 = arith.constant 128 : i32
      %dma_start3A_53 = arith.constant 0 : i32
      %dma_start3A_54 = tpu.memref_slice %arg9[%dma_start3A_52, %dma_start3A_53] : memref<768x16xf32, #tpu.memory_space<vmem>> -> memref<128x16xf32, #tpu.memory_space<vmem>>
      %dma_start3A_55 = arith.constant 0 : i32
      %dma_start3A_56 = tpu.memref_slice %arg8[%dma_start3A_51, %dma_start3A_55] : memref<6x128xi32, #tpu.memory_space<vmem>> -> memref<1x128xi32, #tpu.memory_space<vmem>>
      %dma_start3A_57 = tpu.memref_squeeze %dma_start3A_56 : memref<1x128xi32, #tpu.memory_space<vmem>> -> memref<128xi32, #tpu.memory_space<vmem>>
      %dma_start3A_58 = arith.constant 0 : i32
      %dma_start3A_59 = arith.constant 0 : i32
      %dma_start3A_60 = tpu.memref_slice %arg6[%dma_start3A_58, %dma_start3A_59] : memref<100096x16xf32, #tpu.memory_space<vmem_shared>> -> memref<100096x16xf32, #tpu.memory_space<vmem_shared>>
      tpu.enqueue_indirect_dma source(%dma_start3A_54 : memref<128x16xf32, #tpu.memory_space<vmem>>) target(%dma_start3A_60 : memref<100096x16xf32, #tpu.memory_space<vmem_shared>>) offsets(%dma_start3A_57 : memref<128xi32, #tpu.memory_space<vmem>>) semaphore(%arg14 : memref<!tpu.dma_semaphore, #tpu.memory_space<semaphore_mem>>) {add = true}
      %dma_start3A_61 = arith.constant 2 : i32
      %dma_start3A_62 = arith.constant 256 : i32
      %dma_start3A_63 = arith.constant 0 : i32
      %dma_start3A_64 = tpu.memref_slice %arg9[%dma_start3A_62, %dma_start3A_63] : memref<768x16xf32, #tpu.memory_space<vmem>> -> memref<128x16xf32, #tpu.memory_space<vmem>>
      %dma_start3A_65 = arith.constant 0 : i32
      %dma_start3A_66 = tpu.memref_slice %arg8[%dma_start3A_61, %dma_start3A_65] : memref<6x128xi32, #tpu.memory_space<vmem>> -> memref<1x128xi32, #tpu.memory_space<vmem>>
      %dma_start3A_67 = tpu.memref_squeeze %dma_start3A_66 : memref<1x128xi32, #tpu.memory_space<vmem>> -> memref<128xi32, #tpu.memory_space<vmem>>
      %dma_start3A_68 = arith.constant 0 : i32
      %dma_start3A_69 = arith.constant 0 : i32
      %dma_start3A_70 = tpu.memref_slice %arg6[%dma_start3A_68, %dma_start3A_69] : memref<100096x16xf32, #tpu.memory_space<vmem_shared>> -> memref<100096x16xf32, #tpu.memory_space<vmem_shared>>
      tpu.enqueue_indirect_dma source(%dma_start3A_64 : memref<128x16xf32, #tpu.memory_space<vmem>>) target(%dma_start3A_70 : memref<100096x16xf32, #tpu.memory_space<vmem_shared>>) offsets(%dma_start3A_67 : memref<128xi32, #tpu.memory_space<vmem>>) semaphore(%arg14 : memref<!tpu.dma_semaphore, #tpu.memory_space<semaphore_mem>>) {add = true}
      %dma_start3A_71 = arith.constant 3 : i32
      %dma_start3A_72 = arith.constant 384 : i32
      %dma_start3A_73 = arith.constant 0 : i32
      %dma_start3A_74 = tpu.memref_slice %arg9[%dma_start3A_72, %dma_start3A_73] : memref<768x16xf32, #tpu.memory_space<vmem>> -> memref<128x16xf32, #tpu.memory_space<vmem>>
      %dma_start3A_75 = arith.constant 0 : i32
      %dma_start3A_76 = tpu.memref_slice %arg8[%dma_start3A_71, %dma_start3A_75] : memref<6x128xi32, #tpu.memory_space<vmem>> -> memref<1x128xi32, #tpu.memory_space<vmem>>
      %dma_start3A_77 = tpu.memref_squeeze %dma_start3A_76 : memref<1x128xi32, #tpu.memory_space<vmem>> -> memref<128xi32, #tpu.memory_space<vmem>>
      %dma_start3A_78 = arith.constant 0 : i32
      %dma_start3A_79 = arith.constant 0 : i32
      %dma_start3A_80 = tpu.memref_slice %arg6[%dma_start3A_78, %dma_start3A_79] : memref<100096x16xf32, #tpu.memory_space<vmem_shared>> -> memref<100096x16xf32, #tpu.memory_space<vmem_shared>>
      tpu.enqueue_indirect_dma source(%dma_start3A_74 : memref<128x16xf32, #tpu.memory_space<vmem>>) target(%dma_start3A_80 : memref<100096x16xf32, #tpu.memory_space<vmem_shared>>) offsets(%dma_start3A_77 : memref<128xi32, #tpu.memory_space<vmem>>) semaphore(%arg14 : memref<!tpu.dma_semaphore, #tpu.memory_space<semaphore_mem>>) {add = true}
      %dma_start3A_81 = arith.constant 4 : i32
      %dma_start3A_82 = arith.constant 512 : i32
      %dma_start3A_83 = arith.constant 0 : i32
      %dma_start3A_84 = tpu.memref_slice %arg9[%dma_start3A_82, %dma_start3A_83] : memref<768x16xf32, #tpu.memory_space<vmem>> -> memref<128x16xf32, #tpu.memory_space<vmem>>
      %dma_start3A_85 = arith.constant 0 : i32
      %dma_start3A_86 = tpu.memref_slice %arg8[%dma_start3A_81, %dma_start3A_85] : memref<6x128xi32, #tpu.memory_space<vmem>> -> memref<1x128xi32, #tpu.memory_space<vmem>>
      %dma_start3A_87 = tpu.memref_squeeze %dma_start3A_86 : memref<1x128xi32, #tpu.memory_space<vmem>> -> memref<128xi32, #tpu.memory_space<vmem>>
      %dma_start3A_88 = arith.constant 0 : i32
      %dma_start3A_89 = arith.constant 0 : i32
      %dma_start3A_90 = tpu.memref_slice %arg6[%dma_start3A_88, %dma_start3A_89] : memref<100096x16xf32, #tpu.memory_space<vmem_shared>> -> memref<100096x16xf32, #tpu.memory_space<vmem_shared>>
      tpu.enqueue_indirect_dma source(%dma_start3A_84 : memref<128x16xf32, #tpu.memory_space<vmem>>) target(%dma_start3A_90 : memref<100096x16xf32, #tpu.memory_space<vmem_shared>>) offsets(%dma_start3A_87 : memref<128xi32, #tpu.memory_space<vmem>>) semaphore(%arg14 : memref<!tpu.dma_semaphore, #tpu.memory_space<semaphore_mem>>) {add = true}
      %dma_start3A_91 = arith.constant 5 : i32
      %dma_start3A_92 = arith.constant 640 : i32
      %dma_start3A_93 = arith.constant 0 : i32
      %dma_start3A_94 = tpu.memref_slice %arg9[%dma_start3A_92, %dma_start3A_93] : memref<768x16xf32, #tpu.memory_space<vmem>> -> memref<128x16xf32, #tpu.memory_space<vmem>>
      %dma_start3A_95 = arith.constant 0 : i32
      %dma_start3A_96 = tpu.memref_slice %arg8[%dma_start3A_91, %dma_start3A_95] : memref<6x128xi32, #tpu.memory_space<vmem>> -> memref<1x128xi32, #tpu.memory_space<vmem>>
      %dma_start3A_97 = tpu.memref_squeeze %dma_start3A_96 : memref<1x128xi32, #tpu.memory_space<vmem>> -> memref<128xi32, #tpu.memory_space<vmem>>
      %dma_start3A_98 = arith.constant 0 : i32
      %dma_start3A_99 = arith.constant 0 : i32
      %dma_start3A_100 = tpu.memref_slice %arg6[%dma_start3A_98, %dma_start3A_99] : memref<100096x16xf32, #tpu.memory_space<vmem_shared>> -> memref<100096x16xf32, #tpu.memory_space<vmem_shared>>
      tpu.enqueue_indirect_dma source(%dma_start3A_94 : memref<128x16xf32, #tpu.memory_space<vmem>>) target(%dma_start3A_100 : memref<100096x16xf32, #tpu.memory_space<vmem_shared>>) offsets(%dma_start3A_97 : memref<128xi32, #tpu.memory_space<vmem>>) semaphore(%arg14 : memref<!tpu.dma_semaphore, #tpu.memory_space<semaphore_mem>>) {add = true}
      %dma_wait3A_101 = arith.constant 0 : i32
      %dma_wait3A_102 = arith.constant 0 : i32
      %dma_wait3A_103 = arith.constant 0 : i32
      %dma_wait3A_104 = tpu.memref_slice %arg9[%dma_wait3A_102, %dma_wait3A_103] : memref<768x16xf32, #tpu.memory_space<vmem>> -> memref<128x16xf32, #tpu.memory_space<vmem>>
      %dma_wait3A_105 = arith.constant 0 : i32
      %dma_wait3A_106 = tpu.memref_slice %arg8[%dma_wait3A_101, %dma_wait3A_105] : memref<6x128xi32, #tpu.memory_space<vmem>> -> memref<1x128xi32, #tpu.memory_space<vmem>>
      %dma_wait3A_107 = tpu.memref_squeeze %dma_wait3A_106 : memref<1x128xi32, #tpu.memory_space<vmem>> -> memref<128xi32, #tpu.memory_space<vmem>>
      %dma_wait3A_108 = arith.constant 0 : i32
      %dma_wait3A_109 = arith.constant 0 : i32
      %dma_wait3A_110 = tpu.memref_slice %arg6[%dma_wait3A_108, %dma_wait3A_109] : memref<100096x16xf32, #tpu.memory_space<vmem_shared>> -> memref<100096x16xf32, #tpu.memory_space<vmem_shared>>
      tpu.wait_indirect_dma semaphore(%arg14 : memref<!tpu.dma_semaphore, #tpu.memory_space<semaphore_mem>>) src(%dma_wait3A_104 : memref<128x16xf32, #tpu.memory_space<vmem>>) dst(%dma_wait3A_110 : memref<100096x16xf32, #tpu.memory_space<vmem_shared>>)
      %dma_wait3A_111 = arith.constant 1 : i32
      %dma_wait3A_112 = arith.constant 128 : i32
      %dma_wait3A_113 = arith.constant 0 : i32
      %dma_wait3A_114 = tpu.memref_slice %arg9[%dma_wait3A_112, %dma_wait3A_113] : memref<768x16xf32, #tpu.memory_space<vmem>> -> memref<128x16xf32, #tpu.memory_space<vmem>>
      %dma_wait3A_115 = arith.constant 0 : i32
      %dma_wait3A_116 = tpu.memref_slice %arg8[%dma_wait3A_111, %dma_wait3A_115] : memref<6x128xi32, #tpu.memory_space<vmem>> -> memref<1x128xi32, #tpu.memory_space<vmem>>
      %dma_wait3A_117 = tpu.memref_squeeze %dma_wait3A_116 : memref<1x128xi32, #tpu.memory_space<vmem>> -> memref<128xi32, #tpu.memory_space<vmem>>
      %dma_wait3A_118 = arith.constant 0 : i32
      %dma_wait3A_119 = arith.constant 0 : i32
      %dma_wait3A_120 = tpu.memref_slice %arg6[%dma_wait3A_118, %dma_wait3A_119] : memref<100096x16xf32, #tpu.memory_space<vmem_shared>> -> memref<100096x16xf32, #tpu.memory_space<vmem_shared>>
      tpu.wait_indirect_dma semaphore(%arg14 : memref<!tpu.dma_semaphore, #tpu.memory_space<semaphore_mem>>) src(%dma_wait3A_114 : memref<128x16xf32, #tpu.memory_space<vmem>>) dst(%dma_wait3A_120 : memref<100096x16xf32, #tpu.memory_space<vmem_shared>>)
      %dma_wait3A_121 = arith.constant 2 : i32
      %dma_wait3A_122 = arith.constant 256 : i32
      %dma_wait3A_123 = arith.constant 0 : i32
      %dma_wait3A_124 = tpu.memref_slice %arg9[%dma_wait3A_122, %dma_wait3A_123] : memref<768x16xf32, #tpu.memory_space<vmem>> -> memref<128x16xf32, #tpu.memory_space<vmem>>
      %dma_wait3A_125 = arith.constant 0 : i32
      %dma_wait3A_126 = tpu.memref_slice %arg8[%dma_wait3A_121, %dma_wait3A_125] : memref<6x128xi32, #tpu.memory_space<vmem>> -> memref<1x128xi32, #tpu.memory_space<vmem>>
      %dma_wait3A_127 = tpu.memref_squeeze %dma_wait3A_126 : memref<1x128xi32, #tpu.memory_space<vmem>> -> memref<128xi32, #tpu.memory_space<vmem>>
      %dma_wait3A_128 = arith.constant 0 : i32
      %dma_wait3A_129 = arith.constant 0 : i32
      %dma_wait3A_130 = tpu.memref_slice %arg6[%dma_wait3A_128, %dma_wait3A_129] : memref<100096x16xf32, #tpu.memory_space<vmem_shared>> -> memref<100096x16xf32, #tpu.memory_space<vmem_shared>>
      tpu.wait_indirect_dma semaphore(%arg14 : memref<!tpu.dma_semaphore, #tpu.memory_space<semaphore_mem>>) src(%dma_wait3A_124 : memref<128x16xf32, #tpu.memory_space<vmem>>) dst(%dma_wait3A_130 : memref<100096x16xf32, #tpu.memory_space<vmem_shared>>)
      %dma_wait3A_131 = arith.constant 3 : i32
      %dma_wait3A_132 = arith.constant 384 : i32
      %dma_wait3A_133 = arith.constant 0 : i32
      %dma_wait3A_134 = tpu.memref_slice %arg9[%dma_wait3A_132, %dma_wait3A_133] : memref<768x16xf32, #tpu.memory_space<vmem>> -> memref<128x16xf32, #tpu.memory_space<vmem>>
      %dma_wait3A_135 = arith.constant 0 : i32
      %dma_wait3A_136 = tpu.memref_slice %arg8[%dma_wait3A_131, %dma_wait3A_135] : memref<6x128xi32, #tpu.memory_space<vmem>> -> memref<1x128xi32, #tpu.memory_space<vmem>>
      %dma_wait3A_137 = tpu.memref_squeeze %dma_wait3A_136 : memref<1x128xi32, #tpu.memory_space<vmem>> -> memref<128xi32, #tpu.memory_space<vmem>>
      %dma_wait3A_138 = arith.constant 0 : i32
      %dma_wait3A_139 = arith.constant 0 : i32
      %dma_wait3A_140 = tpu.memref_slice %arg6[%dma_wait3A_138, %dma_wait3A_139] : memref<100096x16xf32, #tpu.memory_space<vmem_shared>> -> memref<100096x16xf32, #tpu.memory_space<vmem_shared>>
      tpu.wait_indirect_dma semaphore(%arg14 : memref<!tpu.dma_semaphore, #tpu.memory_space<semaphore_mem>>) src(%dma_wait3A_134 : memref<128x16xf32, #tpu.memory_space<vmem>>) dst(%dma_wait3A_140 : memref<100096x16xf32, #tpu.memory_space<vmem_shared>>)
      %dma_wait3A_141 = arith.constant 4 : i32
      %dma_wait3A_142 = arith.constant 512 : i32
      %dma_wait3A_143 = arith.constant 0 : i32
      %dma_wait3A_144 = tpu.memref_slice %arg9[%dma_wait3A_142, %dma_wait3A_143] : memref<768x16xf32, #tpu.memory_space<vmem>> -> memref<128x16xf32, #tpu.memory_space<vmem>>
      %dma_wait3A_145 = arith.constant 0 : i32
      %dma_wait3A_146 = tpu.memref_slice %arg8[%dma_wait3A_141, %dma_wait3A_145] : memref<6x128xi32, #tpu.memory_space<vmem>> -> memref<1x128xi32, #tpu.memory_space<vmem>>
      %dma_wait3A_147 = tpu.memref_squeeze %dma_wait3A_146 : memref<1x128xi32, #tpu.memory_space<vmem>> -> memref<128xi32, #tpu.memory_space<vmem>>
      %dma_wait3A_148 = arith.constant 0 : i32
      %dma_wait3A_149 = arith.constant 0 : i32
      %dma_wait3A_150 = tpu.memref_slice %arg6[%dma_wait3A_148, %dma_wait3A_149] : memref<100096x16xf32, #tpu.memory_space<vmem_shared>> -> memref<100096x16xf32, #tpu.memory_space<vmem_shared>>
      tpu.wait_indirect_dma semaphore(%arg14 : memref<!tpu.dma_semaphore, #tpu.memory_space<semaphore_mem>>) src(%dma_wait3A_144 : memref<128x16xf32, #tpu.memory_space<vmem>>) dst(%dma_wait3A_150 : memref<100096x16xf32, #tpu.memory_space<vmem_shared>>)
      %dma_wait3A_151 = arith.constant 5 : i32
      %dma_wait3A_152 = arith.constant 640 : i32
      %dma_wait3A_153 = arith.constant 0 : i32
      %dma_wait3A_154 = tpu.memref_slice %arg9[%dma_wait3A_152, %dma_wait3A_153] : memref<768x16xf32, #tpu.memory_space<vmem>> -> memref<128x16xf32, #tpu.memory_space<vmem>>
      %dma_wait3A_155 = arith.constant 0 : i32
      %dma_wait3A_156 = tpu.memref_slice %arg8[%dma_wait3A_151, %dma_wait3A_155] : memref<6x128xi32, #tpu.memory_space<vmem>> -> memref<1x128xi32, #tpu.memory_space<vmem>>
      %dma_wait3A_157 = tpu.memref_squeeze %dma_wait3A_156 : memref<1x128xi32, #tpu.memory_space<vmem>> -> memref<128xi32, #tpu.memory_space<vmem>>
      %dma_wait3A_158 = arith.constant 0 : i32
      %dma_wait3A_159 = arith.constant 0 : i32
      %dma_wait3A_160 = tpu.memref_slice %arg6[%dma_wait3A_158, %dma_wait3A_159] : memref<100096x16xf32, #tpu.memory_space<vmem_shared>> -> memref<100096x16xf32, #tpu.memory_space<vmem_shared>>
      tpu.wait_indirect_dma semaphore(%arg14 : memref<!tpu.dma_semaphore, #tpu.memory_space<semaphore_mem>>) src(%dma_wait3A_154 : memref<128x16xf32, #tpu.memory_space<vmem>>) dst(%dma_wait3A_160 : memref<100096x16xf32, #tpu.memory_space<vmem_shared>>)
      %add3A_161 = arith.constant 2 : i32
      %add3A_162 = arith.addi %mul3A_20, %add3A_161 : i32
      %lt3A = arith.constant 132 : i32
      %lt3A_163 = arith.cmpi slt, %add3A_162, %lt3A : i32
      %convert_element_type3A = arith.extui %lt3A_163 : i1 to i32
      %cond3A = arith.constant 0 : i32
      %cond3A_164 = arith.cmpi ne, %convert_element_type3A, %cond3A : i32
      scf.if %cond3A_164 {
        %add3A_294 = arith.constant 2 : i32
        %add3A_295 = arith.addi %mul3A_20, %add3A_294 : i32
        %mul3A_296 = arith.constant 6 : i32
        %mul3A_297 = arith.muli %add3A_295, %mul3A_296 : i32
        %add3A_298 = arith.addi %mul3A_2, %mul3A_297 : i32
        %mul3A_299 = arith.constant 128 : i32
        %mul3A_300 = arith.muli %add3A_298, %mul3A_299 : i32
        "tpu.region"() ({
          %run_scoped3A = tpu.sem_alloc : memref<!tpu.dma_semaphore, #tpu.memory_space<semaphore_mem>>
          %dma_start3A_308 = tpu.memref_slice %arg3[%mul3A_300] : memref<1622016xi32, #tpu.memory_space<hbm>> -> memref<768xi32, #tpu.memory_space<hbm>>
          %dma_start3A_309 = tpu.memref_slice %arg3[%mul3A_300] : memref<1622016xi32, #tpu.memory_space<hbm>> -> memref<768xi32, #tpu.memory_space<hbm>>
          tpu.enqueue_dma source(%dma_start3A_309 : memref<768xi32, #tpu.memory_space<hbm>>) target(%arg7 : memref<768xi32, #tpu.memory_space<vmem>>) target_semaphore(%run_scoped3A : memref<!tpu.dma_semaphore, #tpu.memory_space<semaphore_mem>>)
          %dma_wait3A_310 = tpu.memref_slice %arg3[%mul3A_300] : memref<1622016xi32, #tpu.memory_space<hbm>> -> memref<768xi32, #tpu.memory_space<hbm>>
          %dma_wait3A_311 = tpu.memref_slice %arg3[%mul3A_300] : memref<1622016xi32, #tpu.memory_space<hbm>> -> memref<768xi32, #tpu.memory_space<hbm>>
          tpu.wait_dma2 semaphore(%run_scoped3A : memref<!tpu.dma_semaphore, #tpu.memory_space<semaphore_mem>>) src(%dma_wait3A_311 : memref<768xi32, #tpu.memory_space<hbm>>) dst(%arg7 : memref<768xi32, #tpu.memory_space<vmem>>)
          tpu.yield
        }) : () -> ()
        "tpu.region"() ({
          %run_scoped3A = tpu.sem_alloc : memref<!tpu.dma_semaphore, #tpu.memory_space<semaphore_mem>>
          %dma_start3A_308 = arith.constant 0 : i32
          %dma_start3A_309 = tpu.memref_slice %arg4[%add3A_298, %dma_start3A_308] : memref<12672x128xi32, #tpu.memory_space<hbm>> -> memref<6x128xi32, #tpu.memory_space<hbm>>
          %dma_start3A_310 = arith.constant 0 : i32
          %dma_start3A_311 = tpu.memref_slice %arg4[%add3A_298, %dma_start3A_310] : memref<12672x128xi32, #tpu.memory_space<hbm>> -> memref<6x128xi32, #tpu.memory_space<hbm>>
          tpu.enqueue_dma source(%dma_start3A_311 : memref<6x128xi32, #tpu.memory_space<hbm>>) target(%arg8 : memref<6x128xi32, #tpu.memory_space<vmem>>) target_semaphore(%run_scoped3A : memref<!tpu.dma_semaphore, #tpu.memory_space<semaphore_mem>>)
          %dma_wait3A_312 = arith.constant 0 : i32
          %dma_wait3A_313 = tpu.memref_slice %arg4[%add3A_298, %dma_wait3A_312] : memref<12672x128xi32, #tpu.memory_space<hbm>> -> memref<6x128xi32, #tpu.memory_space<hbm>>
          %dma_wait3A_314 = arith.constant 0 : i32
          %dma_wait3A_315 = tpu.memref_slice %arg4[%add3A_298, %dma_wait3A_314] : memref<12672x128xi32, #tpu.memory_space<hbm>> -> memref<6x128xi32, #tpu.memory_space<hbm>>
          tpu.wait_dma2 semaphore(%run_scoped3A : memref<!tpu.dma_semaphore, #tpu.memory_space<semaphore_mem>>) src(%dma_wait3A_315 : memref<6x128xi32, #tpu.memory_space<hbm>>) dst(%arg8 : memref<6x128xi32, #tpu.memory_space<vmem>>)
          tpu.yield
        }) : () -> ()
        %dma_start3A_301 = arith.constant 0 : i32
        %dma_start3A_302 = arith.constant 0 : i32
        %dma_start3A_303 = tpu.memref_slice %arg2[%arg0, %dma_start3A_301, %dma_start3A_302] : memref<2x100096x16xf32, #tpu.memory_space<hbm>> -> memref<1x100096x16xf32, #tpu.memory_space<hbm>>
        %dma_start3A_304 = tpu.memref_squeeze %dma_start3A_303 : memref<1x100096x16xf32, #tpu.memory_space<hbm>> -> memref<100096x16xf32, #tpu.memory_space<hbm>>
        %dma_start3A_305 = arith.constant 0 : i32
        %dma_start3A_306 = arith.constant 0 : i32
        %dma_start3A_307 = tpu.memref_slice %dma_start3A_304[%dma_start3A_305, %dma_start3A_306] : memref<100096x16xf32, #tpu.memory_space<hbm>> -> memref<100096x16xf32, #tpu.memory_space<hbm>>
        tpu.enqueue_indirect_dma source(%dma_start3A_307 : memref<100096x16xf32, #tpu.memory_space<hbm>>) target(%arg9 : memref<768x16xf32, #tpu.memory_space<vmem>>) offsets(%arg7 : memref<768xi32, #tpu.memory_space<vmem>>) semaphore(%arg13 : memref<!tpu.dma_semaphore, #tpu.memory_space<semaphore_mem>>)
      } else {
      }
      %add3A_165 = arith.constant 1 : i32
      %add3A_166 = arith.addi %mul3A_20, %add3A_165 : i32
      %dma_wait3A_167 = arith.constant 0 : i32
      %dma_wait3A_168 = arith.constant 0 : i32
      %dma_wait3A_169 = tpu.memref_slice %arg2[%arg0, %dma_wait3A_167, %dma_wait3A_168] : memref<2x100096x16xf32, #tpu.memory_space<hbm>> -> memref<1x100096x16xf32, #tpu.memory_space<hbm>>
      %dma_wait3A_170 = tpu.memref_squeeze %dma_wait3A_169 : memref<1x100096x16xf32, #tpu.memory_space<hbm>> -> memref<100096x16xf32, #tpu.memory_space<hbm>>
      %dma_wait3A_171 = arith.constant 0 : i32
      %dma_wait3A_172 = arith.constant 0 : i32
      %dma_wait3A_173 = tpu.memref_slice %dma_wait3A_170[%dma_wait3A_171, %dma_wait3A_172] : memref<100096x16xf32, #tpu.memory_space<hbm>> -> memref<100096x16xf32, #tpu.memory_space<hbm>>
      tpu.wait_indirect_dma semaphore(%arg15 : memref<!tpu.dma_semaphore, #tpu.memory_space<semaphore_mem>>) src(%dma_wait3A_173 : memref<100096x16xf32, #tpu.memory_space<hbm>>) dst(%arg12 : memref<768x16xf32, #tpu.memory_space<vmem>>)
      %dma_start3A_174 = arith.constant 0 : i32
      %dma_start3A_175 = arith.constant 0 : i32
      %dma_start3A_176 = arith.constant 0 : i32
      %dma_start3A_177 = tpu.memref_slice %arg12[%dma_start3A_175, %dma_start3A_176] : memref<768x16xf32, #tpu.memory_space<vmem>> -> memref<128x16xf32, #tpu.memory_space<vmem>>
      %dma_start3A_178 = arith.constant 0 : i32
      %dma_start3A_179 = tpu.memref_slice %arg11[%dma_start3A_174, %dma_start3A_178] : memref<6x128xi32, #tpu.memory_space<vmem>> -> memref<1x128xi32, #tpu.memory_space<vmem>>
      %dma_start3A_180 = tpu.memref_squeeze %dma_start3A_179 : memref<1x128xi32, #tpu.memory_space<vmem>> -> memref<128xi32, #tpu.memory_space<vmem>>
      %dma_start3A_181 = arith.constant 0 : i32
      %dma_start3A_182 = arith.constant 0 : i32
      %dma_start3A_183 = tpu.memref_slice %arg6[%dma_start3A_181, %dma_start3A_182] : memref<100096x16xf32, #tpu.memory_space<vmem_shared>> -> memref<100096x16xf32, #tpu.memory_space<vmem_shared>>
      tpu.enqueue_indirect_dma source(%dma_start3A_177 : memref<128x16xf32, #tpu.memory_space<vmem>>) target(%dma_start3A_183 : memref<100096x16xf32, #tpu.memory_space<vmem_shared>>) offsets(%dma_start3A_180 : memref<128xi32, #tpu.memory_space<vmem>>) semaphore(%arg16 : memref<!tpu.dma_semaphore, #tpu.memory_space<semaphore_mem>>) {add = true}
      %dma_start3A_184 = arith.constant 1 : i32
      %dma_start3A_185 = arith.constant 128 : i32
      %dma_start3A_186 = arith.constant 0 : i32
      %dma_start3A_187 = tpu.memref_slice %arg12[%dma_start3A_185, %dma_start3A_186] : memref<768x16xf32, #tpu.memory_space<vmem>> -> memref<128x16xf32, #tpu.memory_space<vmem>>
      %dma_start3A_188 = arith.constant 0 : i32
      %dma_start3A_189 = tpu.memref_slice %arg11[%dma_start3A_184, %dma_start3A_188] : memref<6x128xi32, #tpu.memory_space<vmem>> -> memref<1x128xi32, #tpu.memory_space<vmem>>
      %dma_start3A_190 = tpu.memref_squeeze %dma_start3A_189 : memref<1x128xi32, #tpu.memory_space<vmem>> -> memref<128xi32, #tpu.memory_space<vmem>>
      %dma_start3A_191 = arith.constant 0 : i32
      %dma_start3A_192 = arith.constant 0 : i32
      %dma_start3A_193 = tpu.memref_slice %arg6[%dma_start3A_191, %dma_start3A_192] : memref<100096x16xf32, #tpu.memory_space<vmem_shared>> -> memref<100096x16xf32, #tpu.memory_space<vmem_shared>>
      tpu.enqueue_indirect_dma source(%dma_start3A_187 : memref<128x16xf32, #tpu.memory_space<vmem>>) target(%dma_start3A_193 : memref<100096x16xf32, #tpu.memory_space<vmem_shared>>) offsets(%dma_start3A_190 : memref<128xi32, #tpu.memory_space<vmem>>) semaphore(%arg16 : memref<!tpu.dma_semaphore, #tpu.memory_space<semaphore_mem>>) {add = true}
      %dma_start3A_194 = arith.constant 2 : i32
      %dma_start3A_195 = arith.constant 256 : i32
      %dma_start3A_196 = arith.constant 0 : i32
      %dma_start3A_197 = tpu.memref_slice %arg12[%dma_start3A_195, %dma_start3A_196] : memref<768x16xf32, #tpu.memory_space<vmem>> -> memref<128x16xf32, #tpu.memory_space<vmem>>
      %dma_start3A_198 = arith.constant 0 : i32
      %dma_start3A_199 = tpu.memref_slice %arg11[%dma_start3A_194, %dma_start3A_198] : memref<6x128xi32, #tpu.memory_space<vmem>> -> memref<1x128xi32, #tpu.memory_space<vmem>>
      %dma_start3A_200 = tpu.memref_squeeze %dma_start3A_199 : memref<1x128xi32, #tpu.memory_space<vmem>> -> memref<128xi32, #tpu.memory_space<vmem>>
      %dma_start3A_201 = arith.constant 0 : i32
      %dma_start3A_202 = arith.constant 0 : i32
      %dma_start3A_203 = tpu.memref_slice %arg6[%dma_start3A_201, %dma_start3A_202] : memref<100096x16xf32, #tpu.memory_space<vmem_shared>> -> memref<100096x16xf32, #tpu.memory_space<vmem_shared>>
      tpu.enqueue_indirect_dma source(%dma_start3A_197 : memref<128x16xf32, #tpu.memory_space<vmem>>) target(%dma_start3A_203 : memref<100096x16xf32, #tpu.memory_space<vmem_shared>>) offsets(%dma_start3A_200 : memref<128xi32, #tpu.memory_space<vmem>>) semaphore(%arg16 : memref<!tpu.dma_semaphore, #tpu.memory_space<semaphore_mem>>) {add = true}
      %dma_start3A_204 = arith.constant 3 : i32
      %dma_start3A_205 = arith.constant 384 : i32
      %dma_start3A_206 = arith.constant 0 : i32
      %dma_start3A_207 = tpu.memref_slice %arg12[%dma_start3A_205, %dma_start3A_206] : memref<768x16xf32, #tpu.memory_space<vmem>> -> memref<128x16xf32, #tpu.memory_space<vmem>>
      %dma_start3A_208 = arith.constant 0 : i32
      %dma_start3A_209 = tpu.memref_slice %arg11[%dma_start3A_204, %dma_start3A_208] : memref<6x128xi32, #tpu.memory_space<vmem>> -> memref<1x128xi32, #tpu.memory_space<vmem>>
      %dma_start3A_210 = tpu.memref_squeeze %dma_start3A_209 : memref<1x128xi32, #tpu.memory_space<vmem>> -> memref<128xi32, #tpu.memory_space<vmem>>
      %dma_start3A_211 = arith.constant 0 : i32
      %dma_start3A_212 = arith.constant 0 : i32
      %dma_start3A_213 = tpu.memref_slice %arg6[%dma_start3A_211, %dma_start3A_212] : memref<100096x16xf32, #tpu.memory_space<vmem_shared>> -> memref<100096x16xf32, #tpu.memory_space<vmem_shared>>
      tpu.enqueue_indirect_dma source(%dma_start3A_207 : memref<128x16xf32, #tpu.memory_space<vmem>>) target(%dma_start3A_213 : memref<100096x16xf32, #tpu.memory_space<vmem_shared>>) offsets(%dma_start3A_210 : memref<128xi32, #tpu.memory_space<vmem>>) semaphore(%arg16 : memref<!tpu.dma_semaphore, #tpu.memory_space<semaphore_mem>>) {add = true}
      %dma_start3A_214 = arith.constant 4 : i32
      %dma_start3A_215 = arith.constant 512 : i32
      %dma_start3A_216 = arith.constant 0 : i32
      %dma_start3A_217 = tpu.memref_slice %arg12[%dma_start3A_215, %dma_start3A_216] : memref<768x16xf32, #tpu.memory_space<vmem>> -> memref<128x16xf32, #tpu.memory_space<vmem>>
      %dma_start3A_218 = arith.constant 0 : i32
      %dma_start3A_219 = tpu.memref_slice %arg11[%dma_start3A_214, %dma_start3A_218] : memref<6x128xi32, #tpu.memory_space<vmem>> -> memref<1x128xi32, #tpu.memory_space<vmem>>
      %dma_start3A_220 = tpu.memref_squeeze %dma_start3A_219 : memref<1x128xi32, #tpu.memory_space<vmem>> -> memref<128xi32, #tpu.memory_space<vmem>>
      %dma_start3A_221 = arith.constant 0 : i32
      %dma_start3A_222 = arith.constant 0 : i32
      %dma_start3A_223 = tpu.memref_slice %arg6[%dma_start3A_221, %dma_start3A_222] : memref<100096x16xf32, #tpu.memory_space<vmem_shared>> -> memref<100096x16xf32, #tpu.memory_space<vmem_shared>>
      tpu.enqueue_indirect_dma source(%dma_start3A_217 : memref<128x16xf32, #tpu.memory_space<vmem>>) target(%dma_start3A_223 : memref<100096x16xf32, #tpu.memory_space<vmem_shared>>) offsets(%dma_start3A_220 : memref<128xi32, #tpu.memory_space<vmem>>) semaphore(%arg16 : memref<!tpu.dma_semaphore, #tpu.memory_space<semaphore_mem>>) {add = true}
      %dma_start3A_224 = arith.constant 5 : i32
      %dma_start3A_225 = arith.constant 640 : i32
      %dma_start3A_226 = arith.constant 0 : i32
      %dma_start3A_227 = tpu.memref_slice %arg12[%dma_start3A_225, %dma_start3A_226] : memref<768x16xf32, #tpu.memory_space<vmem>> -> memref<128x16xf32, #tpu.memory_space<vmem>>
      %dma_start3A_228 = arith.constant 0 : i32
      %dma_start3A_229 = tpu.memref_slice %arg11[%dma_start3A_224, %dma_start3A_228] : memref<6x128xi32, #tpu.memory_space<vmem>> -> memref<1x128xi32, #tpu.memory_space<vmem>>
      %dma_start3A_230 = tpu.memref_squeeze %dma_start3A_229 : memref<1x128xi32, #tpu.memory_space<vmem>> -> memref<128xi32, #tpu.memory_space<vmem>>
      %dma_start3A_231 = arith.constant 0 : i32
      %dma_start3A_232 = arith.constant 0 : i32
      %dma_start3A_233 = tpu.memref_slice %arg6[%dma_start3A_231, %dma_start3A_232] : memref<100096x16xf32, #tpu.memory_space<vmem_shared>> -> memref<100096x16xf32, #tpu.memory_space<vmem_shared>>
      tpu.enqueue_indirect_dma source(%dma_start3A_227 : memref<128x16xf32, #tpu.memory_space<vmem>>) target(%dma_start3A_233 : memref<100096x16xf32, #tpu.memory_space<vmem_shared>>) offsets(%dma_start3A_230 : memref<128xi32, #tpu.memory_space<vmem>>) semaphore(%arg16 : memref<!tpu.dma_semaphore, #tpu.memory_space<semaphore_mem>>) {add = true}
      %dma_wait3A_234 = arith.constant 0 : i32
      %dma_wait3A_235 = arith.constant 0 : i32
      %dma_wait3A_236 = arith.constant 0 : i32
      %dma_wait3A_237 = tpu.memref_slice %arg12[%dma_wait3A_235, %dma_wait3A_236] : memref<768x16xf32, #tpu.memory_space<vmem>> -> memref<128x16xf32, #tpu.memory_space<vmem>>
      %dma_wait3A_238 = arith.constant 0 : i32
      %dma_wait3A_239 = tpu.memref_slice %arg11[%dma_wait3A_234, %dma_wait3A_238] : memref<6x128xi32, #tpu.memory_space<vmem>> -> memref<1x128xi32, #tpu.memory_space<vmem>>
      %dma_wait3A_240 = tpu.memref_squeeze %dma_wait3A_239 : memref<1x128xi32, #tpu.memory_space<vmem>> -> memref<128xi32, #tpu.memory_space<vmem>>
      %dma_wait3A_241 = arith.constant 0 : i32
      %dma_wait3A_242 = arith.constant 0 : i32
      %dma_wait3A_243 = tpu.memref_slice %arg6[%dma_wait3A_241, %dma_wait3A_242] : memref<100096x16xf32, #tpu.memory_space<vmem_shared>> -> memref<100096x16xf32, #tpu.memory_space<vmem_shared>>
      tpu.wait_indirect_dma semaphore(%arg16 : memref<!tpu.dma_semaphore, #tpu.memory_space<semaphore_mem>>) src(%dma_wait3A_237 : memref<128x16xf32, #tpu.memory_space<vmem>>) dst(%dma_wait3A_243 : memref<100096x16xf32, #tpu.memory_space<vmem_shared>>)
      %dma_wait3A_244 = arith.constant 1 : i32
      %dma_wait3A_245 = arith.constant 128 : i32
      %dma_wait3A_246 = arith.constant 0 : i32
      %dma_wait3A_247 = tpu.memref_slice %arg12[%dma_wait3A_245, %dma_wait3A_246] : memref<768x16xf32, #tpu.memory_space<vmem>> -> memref<128x16xf32, #tpu.memory_space<vmem>>
      %dma_wait3A_248 = arith.constant 0 : i32
      %dma_wait3A_249 = tpu.memref_slice %arg11[%dma_wait3A_244, %dma_wait3A_248] : memref<6x128xi32, #tpu.memory_space<vmem>> -> memref<1x128xi32, #tpu.memory_space<vmem>>
      %dma_wait3A_250 = tpu.memref_squeeze %dma_wait3A_249 : memref<1x128xi32, #tpu.memory_space<vmem>> -> memref<128xi32, #tpu.memory_space<vmem>>
      %dma_wait3A_251 = arith.constant 0 : i32
      %dma_wait3A_252 = arith.constant 0 : i32
      %dma_wait3A_253 = tpu.memref_slice %arg6[%dma_wait3A_251, %dma_wait3A_252] : memref<100096x16xf32, #tpu.memory_space<vmem_shared>> -> memref<100096x16xf32, #tpu.memory_space<vmem_shared>>
      tpu.wait_indirect_dma semaphore(%arg16 : memref<!tpu.dma_semaphore, #tpu.memory_space<semaphore_mem>>) src(%dma_wait3A_247 : memref<128x16xf32, #tpu.memory_space<vmem>>) dst(%dma_wait3A_253 : memref<100096x16xf32, #tpu.memory_space<vmem_shared>>)
      %dma_wait3A_254 = arith.constant 2 : i32
      %dma_wait3A_255 = arith.constant 256 : i32
      %dma_wait3A_256 = arith.constant 0 : i32
      %dma_wait3A_257 = tpu.memref_slice %arg12[%dma_wait3A_255, %dma_wait3A_256] : memref<768x16xf32, #tpu.memory_space<vmem>> -> memref<128x16xf32, #tpu.memory_space<vmem>>
      %dma_wait3A_258 = arith.constant 0 : i32
      %dma_wait3A_259 = tpu.memref_slice %arg11[%dma_wait3A_254, %dma_wait3A_258] : memref<6x128xi32, #tpu.memory_space<vmem>> -> memref<1x128xi32, #tpu.memory_space<vmem>>
      %dma_wait3A_260 = tpu.memref_squeeze %dma_wait3A_259 : memref<1x128xi32, #tpu.memory_space<vmem>> -> memref<128xi32, #tpu.memory_space<vmem>>
      %dma_wait3A_261 = arith.constant 0 : i32
      %dma_wait3A_262 = arith.constant 0 : i32
      %dma_wait3A_263 = tpu.memref_slice %arg6[%dma_wait3A_261, %dma_wait3A_262] : memref<100096x16xf32, #tpu.memory_space<vmem_shared>> -> memref<100096x16xf32, #tpu.memory_space<vmem_shared>>
      tpu.wait_indirect_dma semaphore(%arg16 : memref<!tpu.dma_semaphore, #tpu.memory_space<semaphore_mem>>) src(%dma_wait3A_257 : memref<128x16xf32, #tpu.memory_space<vmem>>) dst(%dma_wait3A_263 : memref<100096x16xf32, #tpu.memory_space<vmem_shared>>)
      %dma_wait3A_264 = arith.constant 3 : i32
      %dma_wait3A_265 = arith.constant 384 : i32
      %dma_wait3A_266 = arith.constant 0 : i32
      %dma_wait3A_267 = tpu.memref_slice %arg12[%dma_wait3A_265, %dma_wait3A_266] : memref<768x16xf32, #tpu.memory_space<vmem>> -> memref<128x16xf32, #tpu.memory_space<vmem>>
      %dma_wait3A_268 = arith.constant 0 : i32
      %dma_wait3A_269 = tpu.memref_slice %arg11[%dma_wait3A_264, %dma_wait3A_268] : memref<6x128xi32, #tpu.memory_space<vmem>> -> memref<1x128xi32, #tpu.memory_space<vmem>>
      %dma_wait3A_270 = tpu.memref_squeeze %dma_wait3A_269 : memref<1x128xi32, #tpu.memory_space<vmem>> -> memref<128xi32, #tpu.memory_space<vmem>>
      %dma_wait3A_271 = arith.constant 0 : i32
      %dma_wait3A_272 = arith.constant 0 : i32
      %dma_wait3A_273 = tpu.memref_slice %arg6[%dma_wait3A_271, %dma_wait3A_272] : memref<100096x16xf32, #tpu.memory_space<vmem_shared>> -> memref<100096x16xf32, #tpu.memory_space<vmem_shared>>
      tpu.wait_indirect_dma semaphore(%arg16 : memref<!tpu.dma_semaphore, #tpu.memory_space<semaphore_mem>>) src(%dma_wait3A_267 : memref<128x16xf32, #tpu.memory_space<vmem>>) dst(%dma_wait3A_273 : memref<100096x16xf32, #tpu.memory_space<vmem_shared>>)
      %dma_wait3A_274 = arith.constant 4 : i32
      %dma_wait3A_275 = arith.constant 512 : i32
      %dma_wait3A_276 = arith.constant 0 : i32
      %dma_wait3A_277 = tpu.memref_slice %arg12[%dma_wait3A_275, %dma_wait3A_276] : memref<768x16xf32, #tpu.memory_space<vmem>> -> memref<128x16xf32, #tpu.memory_space<vmem>>
      %dma_wait3A_278 = arith.constant 0 : i32
      %dma_wait3A_279 = tpu.memref_slice %arg11[%dma_wait3A_274, %dma_wait3A_278] : memref<6x128xi32, #tpu.memory_space<vmem>> -> memref<1x128xi32, #tpu.memory_space<vmem>>
      %dma_wait3A_280 = tpu.memref_squeeze %dma_wait3A_279 : memref<1x128xi32, #tpu.memory_space<vmem>> -> memref<128xi32, #tpu.memory_space<vmem>>
      %dma_wait3A_281 = arith.constant 0 : i32
      %dma_wait3A_282 = arith.constant 0 : i32
      %dma_wait3A_283 = tpu.memref_slice %arg6[%dma_wait3A_281, %dma_wait3A_282] : memref<100096x16xf32, #tpu.memory_space<vmem_shared>> -> memref<100096x16xf32, #tpu.memory_space<vmem_shared>>
      tpu.wait_indirect_dma semaphore(%arg16 : memref<!tpu.dma_semaphore, #tpu.memory_space<semaphore_mem>>) src(%dma_wait3A_277 : memref<128x16xf32, #tpu.memory_space<vmem>>) dst(%dma_wait3A_283 : memref<100096x16xf32, #tpu.memory_space<vmem_shared>>)
      %dma_wait3A_284 = arith.constant 5 : i32
      %dma_wait3A_285 = arith.constant 640 : i32
      %dma_wait3A_286 = arith.constant 0 : i32
      %dma_wait3A_287 = tpu.memref_slice %arg12[%dma_wait3A_285, %dma_wait3A_286] : memref<768x16xf32, #tpu.memory_space<vmem>> -> memref<128x16xf32, #tpu.memory_space<vmem>>
      %dma_wait3A_288 = arith.constant 0 : i32
      %dma_wait3A_289 = tpu.memref_slice %arg11[%dma_wait3A_284, %dma_wait3A_288] : memref<6x128xi32, #tpu.memory_space<vmem>> -> memref<1x128xi32, #tpu.memory_space<vmem>>
      %dma_wait3A_290 = tpu.memref_squeeze %dma_wait3A_289 : memref<1x128xi32, #tpu.memory_space<vmem>> -> memref<128xi32, #tpu.memory_space<vmem>>
      %dma_wait3A_291 = arith.constant 0 : i32
      %dma_wait3A_292 = arith.constant 0 : i32
      %dma_wait3A_293 = tpu.memref_slice %arg6[%dma_wait3A_291, %dma_wait3A_292] : memref<100096x16xf32, #tpu.memory_space<vmem_shared>> -> memref<100096x16xf32, #tpu.memory_space<vmem_shared>>
      tpu.wait_indirect_dma semaphore(%arg16 : memref<!tpu.dma_semaphore, #tpu.memory_space<semaphore_mem>>) src(%dma_wait3A_287 : memref<128x16xf32, #tpu.memory_space<vmem>>) dst(%dma_wait3A_293 : memref<100096x16xf32, #tpu.memory_space<vmem_shared>>)
    }
    %scan3A_16 = arith.constant 66 : i32
    %barrier3A_17 = arith.constant 0 : index
    tpu.barrier barrier_id(%barrier3A_17)
    "tpu.region"() ({
      %run_scoped3A = tpu.sem_alloc : memref<!tpu.dma_semaphore, #tpu.memory_space<semaphore_mem>>
      %dma_start3A_18 = arith.constant 0 : i32
      %dma_start3A_19 = arith.constant 0 : i32
      %dma_start3A_20 = tpu.memref_slice %arg5[%arg0, %dma_start3A_18, %dma_start3A_19] : memref<2x100096x16xf32, #tpu.memory_space<hbm>> -> memref<1x100096x16xf32, #tpu.memory_space<hbm>>
      %dma_start3A_21 = tpu.memref_squeeze %dma_start3A_20 : memref<1x100096x16xf32, #tpu.memory_space<hbm>> -> memref<100096x16xf32, #tpu.memory_space<hbm>>
      %dma_start3A_22 = arith.constant 0 : i32
      %dma_start3A_23 = tpu.memref_slice %dma_start3A_21[%mul3A_0, %dma_start3A_22] : memref<100096x16xf32, #tpu.memory_space<hbm>> -> memref<6256x16xf32, #tpu.memory_space<hbm>>
      %dma_start3A_24 = arith.constant 0 : i32
      %dma_start3A_25 = tpu.memref_slice %arg6[%mul3A_0, %dma_start3A_24] : memref<100096x16xf32, #tpu.memory_space<vmem_shared>> -> memref<6256x16xf32, #tpu.memory_space<vmem_shared>>
      tpu.enqueue_dma source(%dma_start3A_25 : memref<6256x16xf32, #tpu.memory_space<vmem_shared>>) target(%dma_start3A_23 : memref<6256x16xf32, #tpu.memory_space<hbm>>) target_semaphore(%run_scoped3A : memref<!tpu.dma_semaphore, #tpu.memory_space<semaphore_mem>>)
      %dma_wait3A = arith.constant 0 : i32
      %dma_wait3A_26 = arith.constant 0 : i32
      %dma_wait3A_27 = tpu.memref_slice %arg5[%arg0, %dma_wait3A, %dma_wait3A_26] : memref<2x100096x16xf32, #tpu.memory_space<hbm>> -> memref<1x100096x16xf32, #tpu.memory_space<hbm>>
      %dma_wait3A_28 = tpu.memref_squeeze %dma_wait3A_27 : memref<1x100096x16xf32, #tpu.memory_space<hbm>> -> memref<100096x16xf32, #tpu.memory_space<hbm>>
      %dma_wait3A_29 = arith.constant 0 : i32
      %dma_wait3A_30 = tpu.memref_slice %dma_wait3A_28[%mul3A_0, %dma_wait3A_29] : memref<100096x16xf32, #tpu.memory_space<hbm>> -> memref<6256x16xf32, #tpu.memory_space<hbm>>
      %dma_wait3A_31 = arith.constant 0 : i32
      %dma_wait3A_32 = tpu.memref_slice %arg6[%mul3A_0, %dma_wait3A_31] : memref<100096x16xf32, #tpu.memory_space<vmem_shared>> -> memref<6256x16xf32, #tpu.memory_space<vmem_shared>>
      tpu.wait_dma2 semaphore(%run_scoped3A : memref<!tpu.dma_semaphore, #tpu.memory_space<semaphore_mem>>) src(%dma_wait3A_32 : memref<6256x16xf32, #tpu.memory_space<vmem_shared>>) dst(%dma_wait3A_30 : memref<6256x16xf32, #tpu.memory_space<hbm>>)
      tpu.yield
    }) : () -> ()
    return
  }
}

module attributes {stable_mosaic.version = 14 : i64} {
  func.func @_pre_body(%arg0: i32, %arg1: memref<3128x128xf32, #tpu.memory_space<vmem>>, %arg2: memref<3128x128xf32, #tpu.memory_space<vmem>>, %arg3: memref<2x3128x128xf32, #tpu.memory_space<vmem>>, %arg4: memref<2x1x128xf32, #tpu.memory_space<vmem>>, %arg5: memref<2x1x128xf32, #tpu.memory_space<vmem>>, %arg6: memref<2x1x128xf32, #tpu.memory_space<vmem>>, %arg7: memref<2x3128x128xf32, #tpu.memory_space<vmem>>, %arg8: memref<3128x128xf32, #tpu.memory_space<vmem>>) attributes {dimension_semantics = [#tpu.dimension_semantics<arbitrary>], iteration_bounds = array<i64: 4>, scalar_prefetch = 0 : i64, scratch_operands = 0 : i64, tpu.core_type = #tpu.core_type<tc>, window_params = [{transform_indices = @transform_0, window_bounds = array<i64: 3128, 128>}, {transform_indices = @transform_1, window_bounds = array<i64: 3128, 128>}, {transform_indices = @transform_2, window_bounds = array<i64: 2, 3128, 128>}, {pipeline_mode = #tpu.pipeline_mode<synchronous>, transform_indices = @transform_3, window_bounds = array<i64: 2, 1, 128>}, {pipeline_mode = #tpu.pipeline_mode<synchronous>, transform_indices = @transform_4, window_bounds = array<i64: 2, 1, 128>}, {pipeline_mode = #tpu.pipeline_mode<synchronous>, transform_indices = @transform_5, window_bounds = array<i64: 2, 1, 128>}, {transform_indices = @transform_6, window_bounds = array<i64: 2, 3128, 128>}, {transform_indices = @transform_7, window_bounds = array<i64: 3128, 128>}]} {
    %get3A = arith.constant 0 : index
    %get3A_0 = arith.constant 0 : index
    %get3A_1 = arith.constant 0 : index
    %get3A_2 = vector.load %arg3[%get3A, %get3A_0, %get3A_1] : memref<2x3128x128xf32, #tpu.memory_space<vmem>>, vector<2x3128x128xf32>
    %slice3A = vector.extract_strided_slice %get3A_2 {offsets = [0, 0, 0], sizes = [1, 3128, 128], strides = [1, 1, 1]} : vector<2x3128x128xf32> to vector<1x3128x128xf32>
    %squeeze3A = vector.shape_cast %slice3A : vector<1x3128x128xf32> to vector<3128x128xf32>
    %slice3A_3 = vector.extract_strided_slice %get3A_2 {offsets = [1, 0, 0], sizes = [1, 3128, 128], strides = [1, 1, 1]} : vector<2x3128x128xf32> to vector<1x3128x128xf32>
    %squeeze3A_4 = vector.shape_cast %slice3A_3 : vector<1x3128x128xf32> to vector<3128x128xf32>
    %add3A = arith.addf %squeeze3A, %squeeze3A_4 : vector<3128x128xf32>
    %add3A_5 = arith.constant 1.000000e+00 : f32
    %add3A_6 = vector.broadcast %add3A_5 : f32 to vector<3128x128xf32>
    %add3A_7 = arith.addf %add3A, %add3A_6 : vector<3128x128xf32>
    %rsqrt3A = math.rsqrt %add3A_7 : vector<3128x128xf32>
    %swap3A = arith.constant 0 : index
    %swap3A_8 = arith.constant 0 : index
    %swap3A_9 = vector.load %arg8[%swap3A, %swap3A_8] : memref<3128x128xf32, #tpu.memory_space<vmem>>, vector<3128x128xf32>
    tpu.vector_store %arg8[%swap3A, %swap3A_8], %rsqrt3A {strides = array<i32>} : memref<3128x128xf32, #tpu.memory_space<vmem>>, vector<3128x128xf32>,
    %get3A_10 = arith.constant 0 : index
    %get3A_11 = arith.constant 0 : index
    %get3A_12 = vector.load %arg1[%get3A_10, %get3A_11] : memref<3128x128xf32, #tpu.memory_space<vmem>>, vector<3128x128xf32>
    %get3A_13 = arith.constant 0 : index
    %get3A_14 = arith.constant 0 : index
    %get3A_15 = vector.load %arg2[%get3A_13, %get3A_14] : memref<3128x128xf32, #tpu.memory_space<vmem>>, vector<3128x128xf32>
    %get3A_16 = arith.constant 0 : index
    %get3A_17 = arith.constant 0 : index
    %get3A_18 = arith.constant 0 : index
    %get3A_19 = vector.load %arg4[%get3A_16, %get3A_17, %get3A_18] : memref<2x1x128xf32, #tpu.memory_space<vmem>>, vector<1x1x128xf32>
    %get3A_20 = vector.shape_cast %get3A_19 : vector<1x1x128xf32> to vector<1x128xf32>
    %mul3A = vector.broadcast %get3A_20 : vector<1x128xf32> to vector<3128x128xf32>
    %mul3A_21 = arith.mulf %get3A_12, %mul3A : vector<3128x128xf32>
    %get3A_22 = arith.constant 0 : index
    %get3A_23 = arith.constant 0 : index
    %get3A_24 = arith.constant 0 : index
    %get3A_25 = vector.load %arg5[%get3A_22, %get3A_23, %get3A_24] : memref<2x1x128xf32, #tpu.memory_space<vmem>>, vector<1x1x128xf32>
    %get3A_26 = vector.shape_cast %get3A_25 : vector<1x1x128xf32> to vector<1x128xf32>
    %mul3A_27 = vector.broadcast %get3A_26 : vector<1x128xf32> to vector<3128x128xf32>
    %mul3A_28 = arith.mulf %get3A_15, %mul3A_27 : vector<3128x128xf32>
    %add3A_29 = arith.addf %mul3A_21, %mul3A_28 : vector<3128x128xf32>
    %get3A_30 = arith.constant 0 : index
    %get3A_31 = arith.constant 0 : index
    %get3A_32 = arith.constant 0 : index
    %get3A_33 = vector.load %arg6[%get3A_30, %get3A_31, %get3A_32] : memref<2x1x128xf32, #tpu.memory_space<vmem>>, vector<1x1x128xf32>
    %get3A_34 = vector.shape_cast %get3A_33 : vector<1x1x128xf32> to vector<1x128xf32>
    %add3A_35 = vector.broadcast %get3A_34 : vector<1x128xf32> to vector<3128x128xf32>
    %add3A_36 = arith.addf %add3A_29, %add3A_35 : vector<3128x128xf32>
    %max3A = arith.constant 0.000000e+00 : f32
    %max3A_37 = vector.broadcast %max3A : f32 to vector<3128x128xf32>
    %max3A_38 = arith.maximumf %add3A_36, %max3A_37 : vector<3128x128xf32>
    %mul3A_39 = arith.mulf %rsqrt3A, %max3A_38 : vector<3128x128xf32>
    %swap3A_40 = arith.constant 0 : index
    %swap3A_41 = arith.constant 0 : index
    %swap3A_42 = arith.constant 0 : index
    %swap3A_43 = vector.load %arg7[%swap3A_40, %swap3A_41, %swap3A_42] : memref<2x3128x128xf32, #tpu.memory_space<vmem>>, vector<1x3128x128xf32>
    %swap3A_44 = vector.shape_cast %swap3A_43 : vector<1x3128x128xf32> to vector<3128x128xf32>
    %swap3A_45 = vector.shape_cast %mul3A_39 : vector<3128x128xf32> to vector<1x3128x128xf32>
    tpu.vector_store %arg7[%swap3A_40, %swap3A_41, %swap3A_42], %swap3A_45 {strides = array<i32>} : memref<2x3128x128xf32, #tpu.memory_space<vmem>>, vector<1x3128x128xf32>,
    %get3A_46 = arith.constant 1 : index
    %get3A_47 = arith.constant 0 : index
    %get3A_48 = arith.constant 0 : index
    %get3A_49 = vector.load %arg4[%get3A_46, %get3A_47, %get3A_48] : memref<2x1x128xf32, #tpu.memory_space<vmem>>, vector<1x1x128xf32>
    %get3A_50 = vector.shape_cast %get3A_49 : vector<1x1x128xf32> to vector<1x128xf32>
    %mul3A_51 = vector.broadcast %get3A_50 : vector<1x128xf32> to vector<3128x128xf32>
    %mul3A_52 = arith.mulf %get3A_12, %mul3A_51 : vector<3128x128xf32>
    %get3A_53 = arith.constant 1 : index
    %get3A_54 = arith.constant 0 : index
    %get3A_55 = arith.constant 0 : index
    %get3A_56 = vector.load %arg5[%get3A_53, %get3A_54, %get3A_55] : memref<2x1x128xf32, #tpu.memory_space<vmem>>, vector<1x1x128xf32>
    %get3A_57 = vector.shape_cast %get3A_56 : vector<1x1x128xf32> to vector<1x128xf32>
    %mul3A_58 = vector.broadcast %get3A_57 : vector<1x128xf32> to vector<3128x128xf32>
    %mul3A_59 = arith.mulf %get3A_15, %mul3A_58 : vector<3128x128xf32>
    %add3A_60 = arith.addf %mul3A_52, %mul3A_59 : vector<3128x128xf32>
    %get3A_61 = arith.constant 1 : index
    %get3A_62 = arith.constant 0 : index
    %get3A_63 = arith.constant 0 : index
    %get3A_64 = vector.load %arg6[%get3A_61, %get3A_62, %get3A_63] : memref<2x1x128xf32, #tpu.memory_space<vmem>>, vector<1x1x128xf32>
    %get3A_65 = vector.shape_cast %get3A_64 : vector<1x1x128xf32> to vector<1x128xf32>
    %add3A_66 = vector.broadcast %get3A_65 : vector<1x128xf32> to vector<3128x128xf32>
    %add3A_67 = arith.addf %add3A_60, %add3A_66 : vector<3128x128xf32>
    %max3A_68 = arith.constant 0.000000e+00 : f32
    %max3A_69 = vector.broadcast %max3A_68 : f32 to vector<3128x128xf32>
    %max3A_70 = arith.maximumf %add3A_67, %max3A_69 : vector<3128x128xf32>
    %mul3A_71 = arith.mulf %rsqrt3A, %max3A_70 : vector<3128x128xf32>
    %swap3A_72 = arith.constant 1 : index
    %swap3A_73 = arith.constant 0 : index
    %swap3A_74 = arith.constant 0 : index
    %swap3A_75 = vector.load %arg7[%swap3A_72, %swap3A_73, %swap3A_74] : memref<2x3128x128xf32, #tpu.memory_space<vmem>>, vector<1x3128x128xf32>
    %swap3A_76 = vector.shape_cast %swap3A_75 : vector<1x3128x128xf32> to vector<3128x128xf32>
    %swap3A_77 = vector.shape_cast %mul3A_71 : vector<3128x128xf32> to vector<1x3128x128xf32>
    tpu.vector_store %arg7[%swap3A_72, %swap3A_73, %swap3A_74], %swap3A_77 {strides = array<i32>} : memref<2x3128x128xf32, #tpu.memory_space<vmem>>, vector<1x3128x128xf32>,
    return
  }
  func.func @transform_0(%arg0: i32) -> (i32, i32) {
    %c0_i32 = arith.constant 0 : i32
    %c0_i32_0 = arith.constant 0 : i32
    return %arg0, %c0_i32 : i32, i32
  }
  func.func @transform_1(%arg0: i32) -> (i32, i32) {
    %c0_i32 = arith.constant 0 : i32
    %c0_i32_0 = arith.constant 0 : i32
    return %arg0, %c0_i32 : i32, i32
  }
  func.func @transform_2(%arg0: i32) -> (i32, i32, i32) {
    %c0_i32 = arith.constant 0 : i32
    %c0_i32_0 = arith.constant 0 : i32
    %c0_i32_1 = arith.constant 0 : i32
    return %c0_i32, %arg0, %c0_i32_0 : i32, i32, i32
  }
  func.func @transform_3(%arg0: i32) -> (i32, i32, i32) {
    %c0_i32 = arith.constant 0 : i32
    %c0_i32_0 = arith.constant 0 : i32
    %c0_i32_1 = arith.constant 0 : i32
    %c0_i32_2 = arith.constant 0 : i32
    return %c0_i32, %c0_i32_0, %c0_i32_1 : i32, i32, i32
  }
  func.func @transform_4(%arg0: i32) -> (i32, i32, i32) {
    %c0_i32 = arith.constant 0 : i32
    %c0_i32_0 = arith.constant 0 : i32
    %c0_i32_1 = arith.constant 0 : i32
    %c0_i32_2 = arith.constant 0 : i32
    return %c0_i32, %c0_i32_0, %c0_i32_1 : i32, i32, i32
  }
  func.func @transform_5(%arg0: i32) -> (i32, i32, i32) {
    %c0_i32 = arith.constant 0 : i32
    %c0_i32_0 = arith.constant 0 : i32
    %c0_i32_1 = arith.constant 0 : i32
    %c0_i32_2 = arith.constant 0 : i32
    return %c0_i32, %c0_i32_0, %c0_i32_1 : i32, i32, i32
  }
  func.func @transform_6(%arg0: i32) -> (i32, i32, i32) {
    %c0_i32 = arith.constant 0 : i32
    %c0_i32_0 = arith.constant 0 : i32
    %c0_i32_1 = arith.constant 0 : i32
    return %c0_i32, %arg0, %c0_i32_0 : i32, i32, i32
  }
  func.func @transform_7(%arg0: i32) -> (i32, i32) {
    %c0_i32 = arith.constant 0 : i32
    %c0_i32_0 = arith.constant 0 : i32
    return %arg0, %c0_i32 : i32, i32
  }
}

module attributes {stable_mosaic.version = 14 : i64} {
  func.func @_mid_body(%arg0: i32, %arg1: memref<2x3128x128xf32, #tpu.memory_space<vmem>>, %arg2: memref<3128x128xf32, #tpu.memory_space<vmem>>, %arg3: memref<2x2x128x128xf32, #tpu.memory_space<vmem>>, %arg4: memref<2x1x128xf32, #tpu.memory_space<vmem>>, %arg5: memref<2x3128x128xf32, #tpu.memory_space<vmem>>) attributes {dimension_semantics = [#tpu.dimension_semantics<arbitrary>], iteration_bounds = array<i64: 4>, scalar_prefetch = 0 : i64, scratch_operands = 0 : i64, tpu.core_type = #tpu.core_type<tc>, window_params = [{transform_indices = @transform_0, window_bounds = array<i64: 2, 3128, 128>}, {transform_indices = @transform_1, window_bounds = array<i64: 3128, 128>}, {pipeline_mode = #tpu.pipeline_mode<synchronous>, transform_indices = @transform_2, window_bounds = array<i64: 2, 2, 128, 128>}, {pipeline_mode = #tpu.pipeline_mode<synchronous>, transform_indices = @transform_3, window_bounds = array<i64: 2, 1, 128>}, {transform_indices = @transform_4, window_bounds = array<i64: 2, 3128, 128>}]} {
    %get3A = arith.constant 0 : index
    %get3A_0 = arith.constant 0 : index
    %get3A_1 = vector.load %arg2[%get3A, %get3A_0] : memref<3128x128xf32, #tpu.memory_space<vmem>>, vector<3128x128xf32>
    %get3A_2 = arith.constant 0 : index
    %get3A_3 = arith.constant 0 : index
    %get3A_4 = arith.constant 0 : index
    %get3A_5 = vector.load %arg1[%get3A_2, %get3A_3, %get3A_4] : memref<2x3128x128xf32, #tpu.memory_space<vmem>>, vector<1x3128x128xf32>
    %get3A_6 = vector.shape_cast %get3A_5 : vector<1x3128x128xf32> to vector<3128x128xf32>
    %mul3A = arith.mulf %get3A_1, %get3A_6 : vector<3128x128xf32>
    %get3A_7 = arith.constant 1 : index
    %get3A_8 = arith.constant 0 : index
    %get3A_9 = arith.constant 0 : index
    %get3A_10 = vector.load %arg1[%get3A_7, %get3A_8, %get3A_9] : memref<2x3128x128xf32, #tpu.memory_space<vmem>>, vector<1x3128x128xf32>
    %get3A_11 = vector.shape_cast %get3A_10 : vector<1x3128x128xf32> to vector<3128x128xf32>
    %mul3A_12 = arith.mulf %get3A_1, %get3A_11 : vector<3128x128xf32>
    %get3A_13 = arith.constant 0 : index
    %get3A_14 = arith.constant 0 : index
    %get3A_15 = arith.constant 0 : index
    %get3A_16 = arith.constant 0 : index
    %get3A_17 = vector.load %arg3[%get3A_13, %get3A_14, %get3A_15, %get3A_16] : memref<2x2x128x128xf32, #tpu.memory_space<vmem>>, vector<1x1x128x128xf32>
    %get3A_18 = vector.shape_cast %get3A_17 : vector<1x1x128x128xf32> to vector<128x128xf32>
    %dot_general3A = arith.constant dense<0.000000e+00> : vector<3128x128xf32>
    %dot_general3A_19 = tpu.matmul %mul3A, %get3A_18, %dot_general3A {dimension_numbers = #tpu.dot_dimension_numbers<[1], [0], [0], [1], [0, 0, 1, 1], [], []>, transpose_lhs_hint = false} : vector<3128x128xf32>, vector<128x128xf32>, vector<3128x128xf32> -> vector<3128x128xf32>
    %get3A_20 = arith.constant 0 : index
    %get3A_21 = arith.constant 1 : index
    %get3A_22 = arith.constant 0 : index
    %get3A_23 = arith.constant 0 : index
    %get3A_24 = vector.load %arg3[%get3A_20, %get3A_21, %get3A_22, %get3A_23] : memref<2x2x128x128xf32, #tpu.memory_space<vmem>>, vector<1x1x128x128xf32>
    %get3A_25 = vector.shape_cast %get3A_24 : vector<1x1x128x128xf32> to vector<128x128xf32>
    %dot_general3A_26 = arith.constant dense<0.000000e+00> : vector<3128x128xf32>
    %dot_general3A_27 = tpu.matmul %mul3A_12, %get3A_25, %dot_general3A_26 {dimension_numbers = #tpu.dot_dimension_numbers<[1], [0], [0], [1], [0, 0, 1, 1], [], []>, transpose_lhs_hint = false} : vector<3128x128xf32>, vector<128x128xf32>, vector<3128x128xf32> -> vector<3128x128xf32>
    %add3A = arith.addf %dot_general3A_19, %dot_general3A_27 : vector<3128x128xf32>
    %get3A_28 = arith.constant 0 : index
    %get3A_29 = arith.constant 0 : index
    %get3A_30 = arith.constant 0 : index
    %get3A_31 = vector.load %arg4[%get3A_28, %get3A_29, %get3A_30] : memref<2x1x128xf32, #tpu.memory_space<vmem>>, vector<1x1x128xf32>
    %get3A_32 = vector.shape_cast %get3A_31 : vector<1x1x128xf32> to vector<1x128xf32>
    %add3A_33 = vector.broadcast %get3A_32 : vector<1x128xf32> to vector<3128x128xf32>
    %add3A_34 = arith.addf %add3A, %add3A_33 : vector<3128x128xf32>
    %max3A = arith.constant 0.000000e+00 : f32
    %max3A_35 = vector.broadcast %max3A : f32 to vector<3128x128xf32>
    %max3A_36 = arith.maximumf %add3A_34, %max3A_35 : vector<3128x128xf32>
    %mul3A_37 = arith.mulf %get3A_1, %max3A_36 : vector<3128x128xf32>
    %swap3A = arith.constant 0 : index
    %swap3A_38 = arith.constant 0 : index
    %swap3A_39 = arith.constant 0 : index
    %swap3A_40 = vector.load %arg5[%swap3A, %swap3A_38, %swap3A_39] : memref<2x3128x128xf32, #tpu.memory_space<vmem>>, vector<1x3128x128xf32>
    %swap3A_41 = vector.shape_cast %swap3A_40 : vector<1x3128x128xf32> to vector<3128x128xf32>
    %swap3A_42 = vector.shape_cast %mul3A_37 : vector<3128x128xf32> to vector<1x3128x128xf32>
    tpu.vector_store %arg5[%swap3A, %swap3A_38, %swap3A_39], %swap3A_42 {strides = array<i32>} : memref<2x3128x128xf32, #tpu.memory_space<vmem>>, vector<1x3128x128xf32>,
    %get3A_43 = arith.constant 1 : index
    %get3A_44 = arith.constant 0 : index
    %get3A_45 = arith.constant 0 : index
    %get3A_46 = arith.constant 0 : index
    %get3A_47 = vector.load %arg3[%get3A_43, %get3A_44, %get3A_45, %get3A_46] : memref<2x2x128x128xf32, #tpu.memory_space<vmem>>, vector<1x1x128x128xf32>
    %get3A_48 = vector.shape_cast %get3A_47 : vector<1x1x128x128xf32> to vector<128x128xf32>
    %dot_general3A_49 = arith.constant dense<0.000000e+00> : vector<3128x128xf32>
    %dot_general3A_50 = tpu.matmul %mul3A, %get3A_48, %dot_general3A_49 {dimension_numbers = #tpu.dot_dimension_numbers<[1], [0], [0], [1], [0, 0, 1, 1], [], []>, transpose_lhs_hint = false} : vector<3128x128xf32>, vector<128x128xf32>, vector<3128x128xf32> -> vector<3128x128xf32>
    %get3A_51 = arith.constant 1 : index
    %get3A_52 = arith.constant 1 : index
    %get3A_53 = arith.constant 0 : index
    %get3A_54 = arith.constant 0 : index
    %get3A_55 = vector.load %arg3[%get3A_51, %get3A_52, %get3A_53, %get3A_54] : memref<2x2x128x128xf32, #tpu.memory_space<vmem>>, vector<1x1x128x128xf32>
    %get3A_56 = vector.shape_cast %get3A_55 : vector<1x1x128x128xf32> to vector<128x128xf32>
    %dot_general3A_57 = arith.constant dense<0.000000e+00> : vector<3128x128xf32>
    %dot_general3A_58 = tpu.matmul %mul3A_12, %get3A_56, %dot_general3A_57 {dimension_numbers = #tpu.dot_dimension_numbers<[1], [0], [0], [1], [0, 0, 1, 1], [], []>, transpose_lhs_hint = false} : vector<3128x128xf32>, vector<128x128xf32>, vector<3128x128xf32> -> vector<3128x128xf32>
    %add3A_59 = arith.addf %dot_general3A_50, %dot_general3A_58 : vector<3128x128xf32>
    %get3A_60 = arith.constant 1 : index
    %get3A_61 = arith.constant 0 : index
    %get3A_62 = arith.constant 0 : index
    %get3A_63 = vector.load %arg4[%get3A_60, %get3A_61, %get3A_62] : memref<2x1x128xf32, #tpu.memory_space<vmem>>, vector<1x1x128xf32>
    %get3A_64 = vector.shape_cast %get3A_63 : vector<1x1x128xf32> to vector<1x128xf32>
    %add3A_65 = vector.broadcast %get3A_64 : vector<1x128xf32> to vector<3128x128xf32>
    %add3A_66 = arith.addf %add3A_59, %add3A_65 : vector<3128x128xf32>
    %max3A_67 = arith.constant 0.000000e+00 : f32
    %max3A_68 = vector.broadcast %max3A_67 : f32 to vector<3128x128xf32>
    %max3A_69 = arith.maximumf %add3A_66, %max3A_68 : vector<3128x128xf32>
    %mul3A_70 = arith.mulf %get3A_1, %max3A_69 : vector<3128x128xf32>
    %swap3A_71 = arith.constant 1 : index
    %swap3A_72 = arith.constant 0 : index
    %swap3A_73 = arith.constant 0 : index
    %swap3A_74 = vector.load %arg5[%swap3A_71, %swap3A_72, %swap3A_73] : memref<2x3128x128xf32, #tpu.memory_space<vmem>>, vector<1x3128x128xf32>
    %swap3A_75 = vector.shape_cast %swap3A_74 : vector<1x3128x128xf32> to vector<3128x128xf32>
    %swap3A_76 = vector.shape_cast %mul3A_70 : vector<3128x128xf32> to vector<1x3128x128xf32>
    tpu.vector_store %arg5[%swap3A_71, %swap3A_72, %swap3A_73], %swap3A_76 {strides = array<i32>} : memref<2x3128x128xf32, #tpu.memory_space<vmem>>, vector<1x3128x128xf32>,
    return
  }
  func.func @transform_0(%arg0: i32) -> (i32, i32, i32) {
    %c0_i32 = arith.constant 0 : i32
    %c0_i32_0 = arith.constant 0 : i32
    %c0_i32_1 = arith.constant 0 : i32
    return %c0_i32, %arg0, %c0_i32_0 : i32, i32, i32
  }
  func.func @transform_1(%arg0: i32) -> (i32, i32) {
    %c0_i32 = arith.constant 0 : i32
    %c0_i32_0 = arith.constant 0 : i32
    return %arg0, %c0_i32 : i32, i32
  }
  func.func @transform_2(%arg0: i32) -> (i32, i32, i32, i32) {
    %c0_i32 = arith.constant 0 : i32
    %c0_i32_0 = arith.constant 0 : i32
    %c0_i32_1 = arith.constant 0 : i32
    %c0_i32_2 = arith.constant 0 : i32
    %c0_i32_3 = arith.constant 0 : i32
    return %c0_i32, %c0_i32_0, %c0_i32_1, %c0_i32_2 : i32, i32, i32, i32
  }
  func.func @transform_3(%arg0: i32) -> (i32, i32, i32) {
    %c0_i32 = arith.constant 0 : i32
    %c0_i32_0 = arith.constant 0 : i32
    %c0_i32_1 = arith.constant 0 : i32
    %c0_i32_2 = arith.constant 0 : i32
    return %c0_i32, %c0_i32_0, %c0_i32_1 : i32, i32, i32
  }
  func.func @transform_4(%arg0: i32) -> (i32, i32, i32) {
    %c0_i32 = arith.constant 0 : i32
    %c0_i32_0 = arith.constant 0 : i32
    %c0_i32_1 = arith.constant 0 : i32
    return %c0_i32, %arg0, %c0_i32_0 : i32, i32, i32
  }
}

module attributes {stable_mosaic.version = 14 : i64} {
  func.func @_fin_body(%arg0: i32, %arg1: memref<2x3128x128xf32, #tpu.memory_space<vmem>>, %arg2: memref<3128x128xf32, #tpu.memory_space<vmem>>, %arg3: memref<2x2x128x128xf32, #tpu.memory_space<vmem>>, %arg4: memref<2x1x128xf32, #tpu.memory_space<vmem>>, %arg5: memref<2x2x128x128xf32, #tpu.memory_space<vmem>>, %arg6: memref<2x1x128xf32, #tpu.memory_space<vmem>>, %arg7: memref<2x2x1x128xf32, #tpu.memory_space<vmem>>, %arg8: memref<2x128x16xf32, #tpu.memory_space<vmem>>, %arg9: memref<1x16xf32, #tpu.memory_space<vmem>>, %arg10: memref<3128x16xf32, #tpu.memory_space<vmem>>) attributes {dimension_semantics = [#tpu.dimension_semantics<arbitrary>], iteration_bounds = array<i64: 4>, scalar_prefetch = 0 : i64, scratch_operands = 0 : i64, tpu.core_type = #tpu.core_type<tc>, window_params = [{transform_indices = @transform_0, window_bounds = array<i64: 2, 3128, 128>}, {transform_indices = @transform_1, window_bounds = array<i64: 3128, 128>}, {pipeline_mode = #tpu.pipeline_mode<synchronous>, transform_indices = @transform_2, window_bounds = array<i64: 2, 2, 128, 128>}, {pipeline_mode = #tpu.pipeline_mode<synchronous>, transform_indices = @transform_3, window_bounds = array<i64: 2, 1, 128>}, {pipeline_mode = #tpu.pipeline_mode<synchronous>, transform_indices = @transform_4, window_bounds = array<i64: 2, 2, 128, 128>}, {pipeline_mode = #tpu.pipeline_mode<synchronous>, transform_indices = @transform_5, window_bounds = array<i64: 2, 1, 128>}, {pipeline_mode = #tpu.pipeline_mode<synchronous>, transform_indices = @transform_6, window_bounds = array<i64: 2, 2, 1, 128>}, {pipeline_mode = #tpu.pipeline_mode<synchronous>, transform_indices = @transform_7, window_bounds = array<i64: 2, 128, 16>}, {pipeline_mode = #tpu.pipeline_mode<synchronous>, transform_indices = @transform_8, window_bounds = array<i64: 1, 16>}, {transform_indices = @transform_9, window_bounds = array<i64: 3128, 16>}]} {
    %get3A = arith.constant 0 : index
    %get3A_0 = arith.constant 0 : index
    %get3A_1 = vector.load %arg2[%get3A, %get3A_0] : memref<3128x128xf32, #tpu.memory_space<vmem>>, vector<3128x128xf32>
    %get3A_2 = arith.constant 0 : index
    %get3A_3 = arith.constant 0 : index
    %get3A_4 = arith.constant 0 : index
    %get3A_5 = vector.load %arg1[%get3A_2, %get3A_3, %get3A_4] : memref<2x3128x128xf32, #tpu.memory_space<vmem>>, vector<1x3128x128xf32>
    %get3A_6 = vector.shape_cast %get3A_5 : vector<1x3128x128xf32> to vector<3128x128xf32>
    %mul3A = arith.mulf %get3A_1, %get3A_6 : vector<3128x128xf32>
    %get3A_7 = arith.constant 1 : index
    %get3A_8 = arith.constant 0 : index
    %get3A_9 = arith.constant 0 : index
    %get3A_10 = vector.load %arg1[%get3A_7, %get3A_8, %get3A_9] : memref<2x3128x128xf32, #tpu.memory_space<vmem>>, vector<1x3128x128xf32>
    %get3A_11 = vector.shape_cast %get3A_10 : vector<1x3128x128xf32> to vector<3128x128xf32>
    %mul3A_12 = arith.mulf %get3A_1, %get3A_11 : vector<3128x128xf32>
    %get3A_13 = arith.constant 0 : index
    %get3A_14 = arith.constant 0 : index
    %get3A_15 = arith.constant 0 : index
    %get3A_16 = arith.constant 0 : index
    %get3A_17 = vector.load %arg3[%get3A_13, %get3A_14, %get3A_15, %get3A_16] : memref<2x2x128x128xf32, #tpu.memory_space<vmem>>, vector<1x1x128x128xf32>
    %get3A_18 = vector.shape_cast %get3A_17 : vector<1x1x128x128xf32> to vector<128x128xf32>
    %dot_general3A = arith.constant dense<0.000000e+00> : vector<3128x128xf32>
    %dot_general3A_19 = tpu.matmul %mul3A, %get3A_18, %dot_general3A {dimension_numbers = #tpu.dot_dimension_numbers<[1], [0], [0], [1], [0, 0, 1, 1], [], []>, transpose_lhs_hint = false} : vector<3128x128xf32>, vector<128x128xf32>, vector<3128x128xf32> -> vector<3128x128xf32>
    %get3A_20 = arith.constant 0 : index
    %get3A_21 = arith.constant 1 : index
    %get3A_22 = arith.constant 0 : index
    %get3A_23 = arith.constant 0 : index
    %get3A_24 = vector.load %arg3[%get3A_20, %get3A_21, %get3A_22, %get3A_23] : memref<2x2x128x128xf32, #tpu.memory_space<vmem>>, vector<1x1x128x128xf32>
    %get3A_25 = vector.shape_cast %get3A_24 : vector<1x1x128x128xf32> to vector<128x128xf32>
    %dot_general3A_26 = arith.constant dense<0.000000e+00> : vector<3128x128xf32>
    %dot_general3A_27 = tpu.matmul %mul3A_12, %get3A_25, %dot_general3A_26 {dimension_numbers = #tpu.dot_dimension_numbers<[1], [0], [0], [1], [0, 0, 1, 1], [], []>, transpose_lhs_hint = false} : vector<3128x128xf32>, vector<128x128xf32>, vector<3128x128xf32> -> vector<3128x128xf32>
    %add3A = arith.addf %dot_general3A_19, %dot_general3A_27 : vector<3128x128xf32>
    %get3A_28 = arith.constant 0 : index
    %get3A_29 = arith.constant 0 : index
    %get3A_30 = arith.constant 0 : index
    %get3A_31 = vector.load %arg4[%get3A_28, %get3A_29, %get3A_30] : memref<2x1x128xf32, #tpu.memory_space<vmem>>, vector<1x1x128xf32>
    %get3A_32 = vector.shape_cast %get3A_31 : vector<1x1x128xf32> to vector<1x128xf32>
    %add3A_33 = vector.broadcast %get3A_32 : vector<1x128xf32> to vector<3128x128xf32>
    %add3A_34 = arith.addf %add3A, %add3A_33 : vector<3128x128xf32>
    %max3A = arith.constant 0.000000e+00 : f32
    %max3A_35 = vector.broadcast %max3A : f32 to vector<3128x128xf32>
    %max3A_36 = arith.maximumf %add3A_34, %max3A_35 : vector<3128x128xf32>
    %get3A_37 = arith.constant 0 : index
    %get3A_38 = arith.constant 0 : index
    %get3A_39 = arith.constant 0 : index
    %get3A_40 = arith.constant 0 : index
    %get3A_41 = vector.load %arg7[%get3A_37, %get3A_38, %get3A_39, %get3A_40] : memref<2x2x1x128xf32, #tpu.memory_space<vmem>>, vector<1x1x1x128xf32>
    %get3A_42 = vector.shape_cast %get3A_41 : vector<1x1x1x128xf32> to vector<1x128xf32>
    %mul3A_43 = vector.broadcast %get3A_42 : vector<1x128xf32> to vector<3128x128xf32>
    %mul3A_44 = arith.mulf %max3A_36, %mul3A_43 : vector<3128x128xf32>
    %get3A_45 = arith.constant 0 : index
    %get3A_46 = arith.constant 0 : index
    %get3A_47 = arith.constant 0 : index
    %get3A_48 = vector.load %arg8[%get3A_45, %get3A_46, %get3A_47] : memref<2x128x16xf32, #tpu.memory_space<vmem>>, vector<1x128x16xf32>
    %get3A_49 = vector.shape_cast %get3A_48 : vector<1x128x16xf32> to vector<128x16xf32>
    %dot_general3A_50 = arith.constant dense<0.000000e+00> : vector<3128x16xf32>
    %dot_general3A_51 = tpu.matmul %mul3A_44, %get3A_49, %dot_general3A_50 {dimension_numbers = #tpu.dot_dimension_numbers<[1], [0], [0], [1], [0, 0, 1, 1], [], []>, transpose_lhs_hint = false} : vector<3128x128xf32>, vector<128x16xf32>, vector<3128x16xf32> -> vector<3128x16xf32>
    %get3A_52 = arith.constant 1 : index
    %get3A_53 = arith.constant 0 : index
    %get3A_54 = arith.constant 0 : index
    %get3A_55 = arith.constant 0 : index
    %get3A_56 = vector.load %arg3[%get3A_52, %get3A_53, %get3A_54, %get3A_55] : memref<2x2x128x128xf32, #tpu.memory_space<vmem>>, vector<1x1x128x128xf32>
    %get3A_57 = vector.shape_cast %get3A_56 : vector<1x1x128x128xf32> to vector<128x128xf32>
    %dot_general3A_58 = arith.constant dense<0.000000e+00> : vector<3128x128xf32>
    %dot_general3A_59 = tpu.matmul %mul3A, %get3A_57, %dot_general3A_58 {dimension_numbers = #tpu.dot_dimension_numbers<[1], [0], [0], [1], [0, 0, 1, 1], [], []>, transpose_lhs_hint = false} : vector<3128x128xf32>, vector<128x128xf32>, vector<3128x128xf32> -> vector<3128x128xf32>
    %get3A_60 = arith.constant 1 : index
    %get3A_61 = arith.constant 1 : index
    %get3A_62 = arith.constant 0 : index
    %get3A_63 = arith.constant 0 : index
    %get3A_64 = vector.load %arg3[%get3A_60, %get3A_61, %get3A_62, %get3A_63] : memref<2x2x128x128xf32, #tpu.memory_space<vmem>>, vector<1x1x128x128xf32>
    %get3A_65 = vector.shape_cast %get3A_64 : vector<1x1x128x128xf32> to vector<128x128xf32>
    %dot_general3A_66 = arith.constant dense<0.000000e+00> : vector<3128x128xf32>
    %dot_general3A_67 = tpu.matmul %mul3A_12, %get3A_65, %dot_general3A_66 {dimension_numbers = #tpu.dot_dimension_numbers<[1], [0], [0], [1], [0, 0, 1, 1], [], []>, transpose_lhs_hint = false} : vector<3128x128xf32>, vector<128x128xf32>, vector<3128x128xf32> -> vector<3128x128xf32>
    %add3A_68 = arith.addf %dot_general3A_59, %dot_general3A_67 : vector<3128x128xf32>
    %get3A_69 = arith.constant 1 : index
    %get3A_70 = arith.constant 0 : index
    %get3A_71 = arith.constant 0 : index
    %get3A_72 = vector.load %arg4[%get3A_69, %get3A_70, %get3A_71] : memref<2x1x128xf32, #tpu.memory_space<vmem>>, vector<1x1x128xf32>
    %get3A_73 = vector.shape_cast %get3A_72 : vector<1x1x128xf32> to vector<1x128xf32>
    %add3A_74 = vector.broadcast %get3A_73 : vector<1x128xf32> to vector<3128x128xf32>
    %add3A_75 = arith.addf %add3A_68, %add3A_74 : vector<3128x128xf32>
    %max3A_76 = arith.constant 0.000000e+00 : f32
    %max3A_77 = vector.broadcast %max3A_76 : f32 to vector<3128x128xf32>
    %max3A_78 = arith.maximumf %add3A_75, %max3A_77 : vector<3128x128xf32>
    %get3A_79 = arith.constant 0 : index
    %get3A_80 = arith.constant 1 : index
    %get3A_81 = arith.constant 0 : index
    %get3A_82 = arith.constant 0 : index
    %get3A_83 = vector.load %arg7[%get3A_79, %get3A_80, %get3A_81, %get3A_82] : memref<2x2x1x128xf32, #tpu.memory_space<vmem>>, vector<1x1x1x128xf32>
    %get3A_84 = vector.shape_cast %get3A_83 : vector<1x1x1x128xf32> to vector<1x128xf32>
    %mul3A_85 = vector.broadcast %get3A_84 : vector<1x128xf32> to vector<3128x128xf32>
    %mul3A_86 = arith.mulf %max3A_78, %mul3A_85 : vector<3128x128xf32>
    %get3A_87 = arith.constant 0 : index
    %get3A_88 = arith.constant 0 : index
    %get3A_89 = arith.constant 0 : index
    %get3A_90 = vector.load %arg8[%get3A_87, %get3A_88, %get3A_89] : memref<2x128x16xf32, #tpu.memory_space<vmem>>, vector<1x128x16xf32>
    %get3A_91 = vector.shape_cast %get3A_90 : vector<1x128x16xf32> to vector<128x16xf32>
    %dot_general3A_92 = arith.constant dense<0.000000e+00> : vector<3128x16xf32>
    %dot_general3A_93 = tpu.matmul %mul3A_86, %get3A_91, %dot_general3A_92 {dimension_numbers = #tpu.dot_dimension_numbers<[1], [0], [0], [1], [0, 0, 1, 1], [], []>, transpose_lhs_hint = false} : vector<3128x128xf32>, vector<128x16xf32>, vector<3128x16xf32> -> vector<3128x16xf32>
    %add3A_94 = arith.addf %dot_general3A_51, %dot_general3A_93 : vector<3128x16xf32>
    %get3A_95 = arith.constant 0 : index
    %get3A_96 = arith.constant 0 : index
    %get3A_97 = arith.constant 0 : index
    %get3A_98 = arith.constant 0 : index
    %get3A_99 = vector.load %arg5[%get3A_95, %get3A_96, %get3A_97, %get3A_98] : memref<2x2x128x128xf32, #tpu.memory_space<vmem>>, vector<1x1x128x128xf32>
    %get3A_100 = vector.shape_cast %get3A_99 : vector<1x1x128x128xf32> to vector<128x128xf32>
    %dot_general3A_101 = arith.constant dense<0.000000e+00> : vector<3128x128xf32>
    %dot_general3A_102 = tpu.matmul %mul3A, %get3A_100, %dot_general3A_101 {dimension_numbers = #tpu.dot_dimension_numbers<[1], [0], [0], [1], [0, 0, 1, 1], [], []>, transpose_lhs_hint = false} : vector<3128x128xf32>, vector<128x128xf32>, vector<3128x128xf32> -> vector<3128x128xf32>
    %get3A_103 = arith.constant 0 : index
    %get3A_104 = arith.constant 1 : index
    %get3A_105 = arith.constant 0 : index
    %get3A_106 = arith.constant 0 : index
    %get3A_107 = vector.load %arg5[%get3A_103, %get3A_104, %get3A_105, %get3A_106] : memref<2x2x128x128xf32, #tpu.memory_space<vmem>>, vector<1x1x128x128xf32>
    %get3A_108 = vector.shape_cast %get3A_107 : vector<1x1x128x128xf32> to vector<128x128xf32>
    %dot_general3A_109 = arith.constant dense<0.000000e+00> : vector<3128x128xf32>
    %dot_general3A_110 = tpu.matmul %mul3A_12, %get3A_108, %dot_general3A_109 {dimension_numbers = #tpu.dot_dimension_numbers<[1], [0], [0], [1], [0, 0, 1, 1], [], []>, transpose_lhs_hint = false} : vector<3128x128xf32>, vector<128x128xf32>, vector<3128x128xf32> -> vector<3128x128xf32>
    %add3A_111 = arith.addf %dot_general3A_102, %dot_general3A_110 : vector<3128x128xf32>
    %get3A_112 = arith.constant 0 : index
    %get3A_113 = arith.constant 0 : index
    %get3A_114 = arith.constant 0 : index
    %get3A_115 = vector.load %arg6[%get3A_112, %get3A_113, %get3A_114] : memref<2x1x128xf32, #tpu.memory_space<vmem>>, vector<1x1x128xf32>
    %get3A_116 = vector.shape_cast %get3A_115 : vector<1x1x128xf32> to vector<1x128xf32>
    %add3A_117 = vector.broadcast %get3A_116 : vector<1x128xf32> to vector<3128x128xf32>
    %add3A_118 = arith.addf %add3A_111, %add3A_117 : vector<3128x128xf32>
    %max3A_119 = arith.constant 0.000000e+00 : f32
    %max3A_120 = vector.broadcast %max3A_119 : f32 to vector<3128x128xf32>
    %max3A_121 = arith.maximumf %add3A_118, %max3A_120 : vector<3128x128xf32>
    %get3A_122 = arith.constant 1 : index
    %get3A_123 = arith.constant 0 : index
    %get3A_124 = arith.constant 0 : index
    %get3A_125 = arith.constant 0 : index
    %get3A_126 = vector.load %arg7[%get3A_122, %get3A_123, %get3A_124, %get3A_125] : memref<2x2x1x128xf32, #tpu.memory_space<vmem>>, vector<1x1x1x128xf32>
    %get3A_127 = vector.shape_cast %get3A_126 : vector<1x1x1x128xf32> to vector<1x128xf32>
    %mul3A_128 = vector.broadcast %get3A_127 : vector<1x128xf32> to vector<3128x128xf32>
    %mul3A_129 = arith.mulf %max3A_121, %mul3A_128 : vector<3128x128xf32>
    %get3A_130 = arith.constant 1 : index
    %get3A_131 = arith.constant 0 : index
    %get3A_132 = arith.constant 0 : index
    %get3A_133 = vector.load %arg8[%get3A_130, %get3A_131, %get3A_132] : memref<2x128x16xf32, #tpu.memory_space<vmem>>, vector<1x128x16xf32>
    %get3A_134 = vector.shape_cast %get3A_133 : vector<1x128x16xf32> to vector<128x16xf32>
    %dot_general3A_135 = arith.constant dense<0.000000e+00> : vector<3128x16xf32>
    %dot_general3A_136 = tpu.matmul %mul3A_129, %get3A_134, %dot_general3A_135 {dimension_numbers = #tpu.dot_dimension_numbers<[1], [0], [0], [1], [0, 0, 1, 1], [], []>, transpose_lhs_hint = false} : vector<3128x128xf32>, vector<128x16xf32>, vector<3128x16xf32> -> vector<3128x16xf32>
    %add3A_137 = arith.addf %add3A_94, %dot_general3A_136 : vector<3128x16xf32>
    %get3A_138 = arith.constant 1 : index
    %get3A_139 = arith.constant 0 : index
    %get3A_140 = arith.constant 0 : index
    %get3A_141 = arith.constant 0 : index
    %get3A_142 = vector.load %arg5[%get3A_138, %get3A_139, %get3A_140, %get3A_141] : memref<2x2x128x128xf32, #tpu.memory_space<vmem>>, vector<1x1x128x128xf32>
    %get3A_143 = vector.shape_cast %get3A_142 : vector<1x1x128x128xf32> to vector<128x128xf32>
    %dot_general3A_144 = arith.constant dense<0.000000e+00> : vector<3128x128xf32>
    %dot_general3A_145 = tpu.matmul %mul3A, %get3A_143, %dot_general3A_144 {dimension_numbers = #tpu.dot_dimension_numbers<[1], [0], [0], [1], [0, 0, 1, 1], [], []>, transpose_lhs_hint = false} : vector<3128x128xf32>, vector<128x128xf32>, vector<3128x128xf32> -> vector<3128x128xf32>
    %get3A_146 = arith.constant 1 : index
    %get3A_147 = arith.constant 1 : index
    %get3A_148 = arith.constant 0 : index
    %get3A_149 = arith.constant 0 : index
    %get3A_150 = vector.load %arg5[%get3A_146, %get3A_147, %get3A_148, %get3A_149] : memref<2x2x128x128xf32, #tpu.memory_space<vmem>>, vector<1x1x128x128xf32>
    %get3A_151 = vector.shape_cast %get3A_150 : vector<1x1x128x128xf32> to vector<128x128xf32>
    %dot_general3A_152 = arith.constant dense<0.000000e+00> : vector<3128x128xf32>
    %dot_general3A_153 = tpu.matmul %mul3A_12, %get3A_151, %dot_general3A_152 {dimension_numbers = #tpu.dot_dimension_numbers<[1], [0], [0], [1], [0, 0, 1, 1], [], []>, transpose_lhs_hint = false} : vector<3128x128xf32>, vector<128x128xf32>, vector<3128x128xf32> -> vector<3128x128xf32>
    %add3A_154 = arith.addf %dot_general3A_145, %dot_general3A_153 : vector<3128x128xf32>
    %get3A_155 = arith.constant 1 : index
    %get3A_156 = arith.constant 0 : index
    %get3A_157 = arith.constant 0 : index
    %get3A_158 = vector.load %arg6[%get3A_155, %get3A_156, %get3A_157] : memref<2x1x128xf32, #tpu.memory_space<vmem>>, vector<1x1x128xf32>
    %get3A_159 = vector.shape_cast %get3A_158 : vector<1x1x128xf32> to vector<1x128xf32>
    %add3A_160 = vector.broadcast %get3A_159 : vector<1x128xf32> to vector<3128x128xf32>
    %add3A_161 = arith.addf %add3A_154, %add3A_160 : vector<3128x128xf32>
    %max3A_162 = arith.constant 0.000000e+00 : f32
    %max3A_163 = vector.broadcast %max3A_162 : f32 to vector<3128x128xf32>
    %max3A_164 = arith.maximumf %add3A_161, %max3A_163 : vector<3128x128xf32>
    %get3A_165 = arith.constant 1 : index
    %get3A_166 = arith.constant 1 : index
    %get3A_167 = arith.constant 0 : index
    %get3A_168 = arith.constant 0 : index
    %get3A_169 = vector.load %arg7[%get3A_165, %get3A_166, %get3A_167, %get3A_168] : memref<2x2x1x128xf32, #tpu.memory_space<vmem>>, vector<1x1x1x128xf32>
    %get3A_170 = vector.shape_cast %get3A_169 : vector<1x1x1x128xf32> to vector<1x128xf32>
    %mul3A_171 = vector.broadcast %get3A_170 : vector<1x128xf32> to vector<3128x128xf32>
    %mul3A_172 = arith.mulf %max3A_164, %mul3A_171 : vector<3128x128xf32>
    %get3A_173 = arith.constant 1 : index
    %get3A_174 = arith.constant 0 : index
    %get3A_175 = arith.constant 0 : index
    %get3A_176 = vector.load %arg8[%get3A_173, %get3A_174, %get3A_175] : memref<2x128x16xf32, #tpu.memory_space<vmem>>, vector<1x128x16xf32>
    %get3A_177 = vector.shape_cast %get3A_176 : vector<1x128x16xf32> to vector<128x16xf32>
    %dot_general3A_178 = arith.constant dense<0.000000e+00> : vector<3128x16xf32>
    %dot_general3A_179 = tpu.matmul %mul3A_172, %get3A_177, %dot_general3A_178 {dimension_numbers = #tpu.dot_dimension_numbers<[1], [0], [0], [1], [0, 0, 1, 1], [], []>, transpose_lhs_hint = false} : vector<3128x128xf32>, vector<128x16xf32>, vector<3128x16xf32> -> vector<3128x16xf32>
    %add3A_180 = arith.addf %add3A_137, %dot_general3A_179 : vector<3128x16xf32>
    %get3A_181 = arith.constant 0 : index
    %get3A_182 = arith.constant 0 : index
    %get3A_183 = vector.load %arg9[%get3A_181, %get3A_182] : memref<1x16xf32, #tpu.memory_space<vmem>>, vector<1x16xf32>
    %add3A_184 = vector.broadcast %get3A_183 : vector<1x16xf32> to vector<3128x16xf32>
    %add3A_185 = arith.addf %add3A_180, %add3A_184 : vector<3128x16xf32>
    %swap3A = arith.constant 0 : index
    %swap3A_186 = arith.constant 0 : index
    %swap3A_187 = vector.load %arg10[%swap3A, %swap3A_186] : memref<3128x16xf32, #tpu.memory_space<vmem>>, vector<3128x16xf32>
    tpu.vector_store %arg10[%swap3A, %swap3A_186], %add3A_185 {strides = array<i32>} : memref<3128x16xf32, #tpu.memory_space<vmem>>, vector<3128x16xf32>,
    return
  }
  func.func @transform_0(%arg0: i32) -> (i32, i32, i32) {
    %c0_i32 = arith.constant 0 : i32
    %c0_i32_0 = arith.constant 0 : i32
    %c0_i32_1 = arith.constant 0 : i32
    return %c0_i32, %arg0, %c0_i32_0 : i32, i32, i32
  }
  func.func @transform_1(%arg0: i32) -> (i32, i32) {
    %c0_i32 = arith.constant 0 : i32
    %c0_i32_0 = arith.constant 0 : i32
    return %arg0, %c0_i32 : i32, i32
  }
  func.func @transform_2(%arg0: i32) -> (i32, i32, i32, i32) {
    %c0_i32 = arith.constant 0 : i32
    %c0_i32_0 = arith.constant 0 : i32
    %c0_i32_1 = arith.constant 0 : i32
    %c0_i32_2 = arith.constant 0 : i32
    %c0_i32_3 = arith.constant 0 : i32
    return %c0_i32, %c0_i32_0, %c0_i32_1, %c0_i32_2 : i32, i32, i32, i32
  }
  func.func @transform_3(%arg0: i32) -> (i32, i32, i32) {
    %c0_i32 = arith.constant 0 : i32
    %c0_i32_0 = arith.constant 0 : i32
    %c0_i32_1 = arith.constant 0 : i32
    %c0_i32_2 = arith.constant 0 : i32
    return %c0_i32, %c0_i32_0, %c0_i32_1 : i32, i32, i32
  }
  func.func @transform_4(%arg0: i32) -> (i32, i32, i32, i32) {
    %c0_i32 = arith.constant 0 : i32
    %c0_i32_0 = arith.constant 0 : i32
    %c0_i32_1 = arith.constant 0 : i32
    %c0_i32_2 = arith.constant 0 : i32
    %c0_i32_3 = arith.constant 0 : i32
    return %c0_i32, %c0_i32_0, %c0_i32_1, %c0_i32_2 : i32, i32, i32, i32
  }
  func.func @transform_5(%arg0: i32) -> (i32, i32, i32) {
    %c0_i32 = arith.constant 0 : i32
    %c0_i32_0 = arith.constant 0 : i32
    %c0_i32_1 = arith.constant 0 : i32
    %c0_i32_2 = arith.constant 0 : i32
    return %c0_i32, %c0_i32_0, %c0_i32_1 : i32, i32, i32
  }
  func.func @transform_6(%arg0: i32) -> (i32, i32, i32, i32) {
    %c0_i32 = arith.constant 0 : i32
    %c0_i32_0 = arith.constant 0 : i32
    %c0_i32_1 = arith.constant 0 : i32
    %c0_i32_2 = arith.constant 0 : i32
    %c0_i32_3 = arith.constant 0 : i32
    return %c0_i32, %c0_i32_0, %c0_i32_1, %c0_i32_2 : i32, i32, i32, i32
  }
  func.func @transform_7(%arg0: i32) -> (i32, i32, i32) {
    %c0_i32 = arith.constant 0 : i32
    %c0_i32_0 = arith.constant 0 : i32
    %c0_i32_1 = arith.constant 0 : i32
    %c0_i32_2 = arith.constant 0 : i32
    return %c0_i32, %c0_i32_0, %c0_i32_1 : i32, i32, i32
  }
  func.func @transform_8(%arg0: i32) -> (i32, i32) {
    %c0_i32 = arith.constant 0 : i32
    %c0_i32_0 = arith.constant 0 : i32
    %c0_i32_1 = arith.constant 0 : i32
    return %c0_i32, %c0_i32_0 : i32, i32
  }
  func.func @transform_9(%arg0: i32) -> (i32, i32) {
    %c0_i32 = arith.constant 0 : i32
    %c0_i32_0 = arith.constant 0 : i32
    return %arg0, %c0_i32 : i32, i32
  }
}

</mosaic_0001>

<sc_bundles>
// kernel: kernel.10.cloned.1.call-start
scs
__scs_entry_jumppad:
0x0: {  	(pc) =	sbr.rel $0x88, $3  }
0x1: {  	(tag) =	ssettag $0x0;
	lr =	simm.s32 $0x1  }
0x2: {  	[smem:$0x3F91] =	sst lr;
	_ =	strace $0xD0000000  }
0x3: {  	_ = 	snop  }
0x4: {  	_ = 	snop  }
0x5: {  	_ = 	snop  }
0x6: {  	_ = 	snop  }
0x7: {  	_ = 	snop  }
__scs_overlays_trampoline_lowered:
0x8: {  	[smem:$0x3FA0] =	sst s0  }
0x9: {  	[smem:$0x3FA1] =	sst s1  }
0xa: {  	[smem:$0x3FA2] =	sst s2  }
0xb: {  	[smem:$0x3FA3] =	sst s3  }
0xc: {  	[smem:$0x3FA4] =	sst s4  }
0xd: {  	[smem:$0x3FA5] =	sst s5  }
0xe: {  	[smem:$0x3FA6] =	sst s6  }
0xf: {  	[smem:$0x3FA7] =	sst s7  }
0x10: {  	[smem:$0x3FA8] =	sst s8  }
0x11: {  	[smem:$0x3FA9] =	sst s9;
	s0 =	simm.s32 @!p0 $0x0  }
0x12: {  	s1 =	sld [smem:$0x3F8F];
	s0 =	simm.s32 @p0 $0x1  }
0x13: {  	[smem:$0x3FAA] =	sst s0;
	s0 =	simm.s32 @!p1 $0x0  }
0x14: {  	s2 =	sld [smem:$0x3F8E];
	s0 =	simm.s32 @p1 $0x1  }
0x15: {  	[smem:$0x3FAB] =	sst s0;
	s0 =	simm.s32 @!p2 $0x0  }
0x16: {  	s3 =	sld [smem:$0x3FDB];
	s0 =	simm.s32 @p2 $0x1  }
0x17: {  	s4 =	simm.s32 $0x1BF5;
	[smem:$0x3FAD] =	sst s0  }
0x18: {  	s0 =	sld [smem:$0x3F90];
	_ =	swait.ge [sflag:s4], $0x0  }
0x19: {  	s7 =	sld [smem:$0x3F91]  }
0x1a: {  	s8 =	sadd.s32 $0xFFFFE003, lr  }
0x1b: {  	s9 =	sadd.s32 $0xFFFFFEF7, lr;
	s5 =	simm.s32 $0xFFFFFFFF;
	p2 =	slt.u32 s8, $0xFFFFF086  }
0x1c: {  	p1 =	slt.u32 s9, $0xF7A;
	s5 =	simm.s32 @!p2 $0x0  }
0x1d: {  	s5 =	simm.s32 @p1 $0x1;
	p0 =	seq.s32 s7, s2  }
0x1e: {  	s7 =	smul.u32 @!p0 $0xF7A, s2;
	p2 =	seq.s32 @!p0 s5, $0x0  }
0x1f: {  	s9 =	smul.u32 $0xF7A, s1;
	s8 =	simm.s32 @!p0 $0x1BF5;
	p2 =	por !p2, p0  }
0x20: {  	[sflag:s8] =	ssyncset.s32 @!p0 $0xFFFFF086;
	s6 =	sadd.s32 @!p0 s3, s7;
	s7 =	simm.s32 @!p0 $0x108  }
0x21: {  	s3 =	sadd.s32 s3, s9;
	s6 =	sadd.s32 @!p0 $0x88, s6;
	s7 =	simm.s32 @p2 $0x1082  }
0x22: {  	[simem:s7], [sflag:s8] =	dma.local @!p0 [hbm:s6], $0xF7A  }
0x23: {  	s9 =	sor.u32 $0xD0000000, s2;
	s6 =	simm.s32 $0x108;
	_ =	swait.ge @!p0 [sflag:s8], $0x0  }
0x24: {  	s3 =	sadd.s32 $0x88, s3;
	s6 =	simm.s32 @!p1 $0x1082;
	[sflag:s4] =	ssyncset.s32 $0xFFFFF086  }
0x25: {  	[simem:s6], [sflag:s4] =	dma.local [hbm:s3], $0xF7A  }
0x26: {  	[smem:$0x3F91] =	sst s1;
	(tag) =	ssettag s2;
	_ =	strace s9  }
0x27: {  	s1 =	sld [smem:$0x3FA1]  }
0x28: {  	s2 =	sld [smem:$0x3FA2]  }
0x29: {  	s4 =	sld [smem:$0x3FA4]  }
0x2a: {  	p0 =	seq.s32 s5, $0x0;
	s5 =	sld [smem:$0x3FA5]  }
0x2b: {  	s6 =	sld [smem:$0x3FA6]  }
0x2c: {  	s7 =	sld [smem:$0x3FA7]  }
0x2d: {  	s3 =	simm.s32 $0x108;
	s8 =	sld [smem:$0x3FA8]  }
0x2e: {  	s3 =	simm.s32 @!p0 $0x1082;
	s9 =	sld [smem:$0x3FA9]  }
0x2f: {  	lr =	sadd.s32 s0, s3;
	s0 =	sld [smem:$0x3FA0]  }
0x30: {  	s3 =	sld [smem:$0x3FA3]  }
0x31: {  	[smem:$0x3FAC] =	sst s10  }
0x32: {  	s10 =	sld [smem:$0x3FAA];
	_ =	sdelay $0x3  }
0x33: {  	p0 =	seq.s32 s10, $0x1;
	s10 =	sld [smem:$0x3FAC];
	_ =	sdelay $0x3  }
0x34: {  	[smem:$0x3FAC] =	sst s10  }
0x35: {  	s10 =	sld [smem:$0x3FAB];
	_ =	sdelay $0x3  }
0x36: {  	p1 =	seq.s32 s10, $0x1;
	s10 =	sld [smem:$0x3FAC];
	_ =	sdelay $0x3  }
0x37: {  	[smem:$0x3FAC] =	sst s10  }
0x38: {  	s10 =	sld [smem:$0x3FAD]  }
0x39: {  	_ = 	snop;
	(pc) =	sbr.ind lr, $3  }
0x3a: {  	_ = 	snop  }
0x3b: {  	_ = 	snop  }
0x3c: {  	p2 =	seq.s32 s10, $0x1;
	s10 =	sld [smem:$0x3FAC]  }
0x3d: {  	_ =	shalt  }
0x3e: {  	_ =	shalt  }
0x3f: {  	_ =	shalt  }
0x40: {  	_ =	shalt  }
0x41: {  	_ =	shalt  }
0x42: {  	_ =	shalt  }
0x43: {  	_ =	shalt  }
0x44: {  	_ =	shalt  }
0x45: {  	_ =	shalt  }
0x46: {  	_ =	shalt  }
0x47: {  	_ =	shalt  }
0x48: {  	_ =	shalt  }
0x49: {  	_ =	shalt  }
0x4a: {  	_ =	shalt  }
0x4b: {  	_ =	shalt  }
0x4c: {  	_ =	shalt  }
0x4d: {  	_ =	shalt  }
0x4e: {  	_ =	shalt  }
0x4f: {  	_ =	shalt  }
0x50: {  	_ =	shalt  }
0x51: {  	_ =	shalt  }
0x52: {  	_ =	shalt  }
0x53: {  	_ =	shalt  }
0x54: {  	_ =	shalt  }
0x55: {  	_ =	shalt  }
0x56: {  	_ =	shalt  }
0x57: {  	_ =	shalt  }
0x58: {  	_ =	shalt  }
0x59: {  	_ =	shalt  }
0x5a: {  	_ =	shalt  }
0x5b: {  	_ =	shalt  }
0x5c: {  	_ =	shalt  }
0x5d: {  	_ =	shalt  }
0x5e: {  	_ =	shalt  }
0x5f: {  	_ =	shalt  }
0x60: {  	_ =	shalt  }
0x61: {  	_ =	shalt  }
0x62: {  	_ =	shalt  }
0x63: {  	_ =	shalt  }
0x64: {  	_ =	shalt  }
0x65: {  	_ =	shalt  }
0x66: {  	_ =	shalt  }
0x67: {  	_ =	shalt  }
0x68: {  	_ =	shalt  }
0x69: {  	_ =	shalt  }
0x6a: {  	_ =	shalt  }
0x6b: {  	_ =	shalt  }
0x6c: {  	_ =	shalt  }
0x6d: {  	_ =	shalt  }
0x6e: {  	_ =	shalt  }
0x6f: {  	_ =	shalt  }
0x70: {  	_ =	shalt  }
0x71: {  	_ =	shalt  }
0x72: {  	_ =	shalt  }
0x73: {  	_ =	shalt  }
0x74: {  	_ =	shalt  }
0x75: {  	_ =	shalt  }
0x76: {  	_ =	shalt  }
0x77: {  	_ =	shalt  }
0x78: {  	_ =	shalt  }
0x79: {  	_ =	shalt  }
0x7a: {  	_ =	shalt  }
0x7b: {  	_ =	shalt  }
0x7c: {  	_ =	shalt  }
0x7d: {  	_ =	shalt  }
0x7e: {  	_ =	shalt  }
0x7f: {  	_ =	shalt  }
0x80: {  	_ =	shalt  }
0x81: {  	_ =	shalt  }
0x82: {  	_ =	shalt  }
0x83: {  	_ =	shalt  }
0x84: {  	_ =	shalt  }
0x85: {  	_ =	shalt  }
0x86: {  	_ =	shalt  }
0x87: {  	_ =	shalt  }
.Lfunc_end0:
.L_simem_size_0:
called_computation_lowered:
.L_overlay_start_0:
0x88: {  	s2 =	sld [smem:$0x3FD9]  }
0x89: {  	s3 =	sld [smem:$0x3FFE];
	_ =	sdelay $0x1  }
0x8a: {  	s1 =	srdreg.scid  }
0x8b: {  	s0 =	sand.u32 $0x1, s1  }
0x8c: {  	s17 =	sshll.u32 s0, $0xA;
	s2 =	sadd.s32 s3, s2  }
0x8d: {  	s2 =	sadd.s32 s2, s17  }
0x8e: {  	[smem:$0x3FB8] =	sst s2  }
0x8f: {  	_ = 	snop  }
0x90: {  	s2 =	sld [smem:$0x3FD0];
	(tm) =	ssettm $0x1  }
0x91: {  	s18 =	sld [smem:$0x3FFB];
	_ =	sdelay $0x3  }
0x92: {  	_ =	strace s18  }
0x93: {  	s3 =	sld [smem:$0x3FFC];
	_ =	sdelay $0x3  }
0x94: {  	_ =	strace s3  }
0x95: {  	s3 =	sld [smem:$0x3FFD];
	_ =	sdelay $0x3  }
0x96: {  	_ =	strace s3  }
0x97: {  	_ =	strace $0x8FFFFFFF  }
0x98: {  	s19 =	sld [smem:$0x3FDB];
	_ =	sdelay $0x1  }
0x99: {  	s4 =	simm.s32 $_scs_section_size  }
0x9a: {  	s5 =	simm.s32 $_size__tile_overlayer_lowered;
	s6 =	simm.s32 $_tile_overlayer_lowered  }
0x9b: {  	s22 =	simm.s32 $0x1BFF;
	s21 =	sshll.u32 s6, $0x1;
	s3 =	sadd.s32 s4, s19  }
0x9c: {  	s7 =	simm.s32 $0x0;
	s20 =	sshll.u32 s5, $0x1;
	s5 =	sadd.s32 s21, s3  }
0x9d: {  	[timem:s7], [sflag:s22] =	dma.local [hbm:s5], s20  }
0x9e: {  	_ =	swait.ge [sflag:s22], s20  }
0x9f: {  	s4 =	ssub.s32 $0x0, s20;
	[sflag:s22] =	ssyncset.done $0x0  }
0xa0: {  	[sflag:s22] =	ssyncadd.s32 s4;
	_ =	sdelay $0x1  }
0xa1: {  	s23 =	simm.s32 $0x1B8B  }
0xa2: {  	_ =	swait.ge [sflag:s23], $0x1  }
0xa3: {  	[sflag:s23] =	ssyncset.done $0x0  }
0xa4: {  	s25 =	simm.s32 $0x1B8E;
	s24 =	sld [smem:$0x3FFE];
	[sflag:s23] =	ssyncadd.s32 $0xFFFFFFFF  }
0xa5: {  	s26 =	simm.s32 $execute0_lowered;
	[smem:$0x3FD2] =	sst s25  }
0xa6: {  	s5 =	sshll.u32 s26, $0x1;
	_ =	strace $0x80000046;
	[dreg:$0x1] =	wrdreg $0xFFFFFFFF  }
0xa7: {  	s28 =	simm.s32 $_size_execute0_lowered;
	s3 =	sadd.s32 s3, s5;
	[dreg:$0x0] =	wrdreg $0x0  }
0xa8: {  	s5 =	sshll.u32 s28, $0x1;
	[dreg:$0x2] =	wrdreg s3  }
0xa9: {  	[dreg:$0x3] =	wrdreg s5  }
0xaa: {  	[dreg:$0x4] =	wrdreg $0xC0  }
0xab: {  	_ =	task [dreg:s7], $0x5FFFF  }
0xac: {  	[dreg:$0x1] =	wrdreg $0xFFFFFFFF  }
0xad: {  	[dreg:$0x0] =	wrdreg $0x60  }
0xae: {  	[dreg:$0x2] =	wrdreg s24  }
0xaf: {  	[dreg:$0x3] =	wrdreg s2  }
0xb0: {  	[dreg:$0x4] =	wrdreg $0x0  }
0xb1: {  	[dreg:$0x5] =	wrdreg $0x9  }
0xb2: {  	_ =	task.clear_ibuf [dreg:s7], $0x6FFFF;
	_ =	strace $0x90000046  }
0xb3: {  	s29 =	simm.s32 $0x9;
	_ =	strace $0x80000048  }
0xb4: {  	_ =	swait.ge [sflag:s29], $0x1  }
0xb5: {  	[sflag:s29] =	ssyncadd.s32 $0xFFFFFFFF  }
0xb6: {  	_ =	strace $0x90000048  }
0xb7: {  	_ =	sfence  }
0xb8: {  	s30 =	sld [smem:$0x0];
	_ =	sdelay $0x2  }
0xb9: {  	s31 =	sshll.u32 s1, $0xD;
	s1 =	sshrl.u32 s1, $0x2  }
0xba: {  	s3 =	sand.u32 $0x4000, s31;
	s1 =	sadd.s32 s1, s30  }
0xbb: {  	s0 =	sor.u32 s3, s0;
	s1 =	sshll.u32 s1, $0x11  }
0xbc: {  	s0 =	sor.u32 s1, s0  }
0xbd: {  	s0 =	sadd.s32 $0x8F2B, s0  }
0xbe: {  	[sflag:s0] =	ssyncadd.remote.s32 $0x1  }
0xbf: {  	_ =	sfence.sel $0xFFFF  }
0xc0: {  	[dreg:$0x0] =	wrdreg $0xFFFFFFFF;
	(pc) =	sbr.abs _section_cstart, $3  }
0xc1: {  	[dreg:$0x1] =	wrdreg $0xFFFFFFFF  }
0xc2: {  	_ =	task.clear_ibuf [dreg:s7], $0x2FFFF;
	_ =	strace $0x9FFFFFFF  }
0xc3: {  	(tm) =	ssettm $0x7FFFFFFF  }
tec
execute0_lowered:
.L_overlay_start_1:
0x0: {  	(tag) =	ssettag $0x1  }
0x1: {  	s0 =	rddreg [dreg:$0x0]  }
0x2: {  	s3 =	rddreg [dreg:$0x2];
	s4 =	simm.s32 $0x0  }
0x3: {  	s12 =	stileid.u32;
	s2 =	srdreg.scid;
	s13 =	simm.s32 $0x18D00  }
0x4: {  	s14 =	simm.s32 $0x18700;
	s15 =	simm.s32 $0x80;
	s19 =	simm.s32 $0x18900  }
0x5: {  	s20 =	simm.s32 $0x18980;
	s21 =	simm.s32 $0x18A00;
	s22 =	simm.s32 $0x18A80  }
0x6: {  	s28 =	simm.s32 $0x18C80;
	s29 =	simm.s32 $0x1;
	s30 =	simm.s32 $0x2  }
0x7: {  	s31 =	simm.s32 $0x0;
	[smem:$0x7FF] =	sst s4;
	s1 =	smul.u32 $0x18700, s12  }
0x8: {  	s2 =	sand.u32 $0x1, s2;
	s8 =	sadd.s32 $0x33600, s0;
	s11 =	smul.u32 $0x18C, s12  }
0x9: {  	s25 =	sshll.u32 s12, $0x6;
	_ =	strace $0x80000047;
	s5 =	smul.u32 $0x30E00, s2  }
0xa: {  	s7 =	ssub.s32 $0x2, s2;
	s9 =	smul.u32 $0x18C0, s2;
	s2 =	sshll.u32 s2, $0x4  }
0xb: {  	s24 =	sshrl.u32 s1, $0x3;
	s10 =	sshrl.u32 s7, $0x1;
	s2 =	sor.u32 s12, s2  }
0xc: {  	s1 =	sadd.s32 s1, s3;
	s12 =	simm.s32 $0x3;
	s6 =	sadd.s32 s24, s0  }
0xd: {  	s0 =	sadd.s32 s5, s0;
	s10 =	ssub.s32 s7, s10;
	s2 =	smul.u32 $0x18C0, s2  }
0xe: {  	s23 =	sadd.s32 s11, s9;
	s11 =	sshrl.u32 s1, $0x3;
	s5 =	sadd.s32 $0x64E00, s6  }
0xf: {  	s9 =	sshll.u32 s23, $0x4;
	s6 =	sor.u32 $0x1C03, s25;
	s0 =	sadd.s32 $0x95C00, s0  }
0x10: {  	s23 =	simm.s32 $0x18B00;
	s25 =	simm.s32 $0x18B80;
	s7 =	sadd.s32 s8, s2  }
0x11: {  	s26 =	sadd.s32 s8, s9;
	s8 =	smax.u32 s10, $0x1;
	s24 =	sadd.s32 s24, s0  }
0x12: {  	s9 =	sadd.s32 $0xC0, s26;
	s10 =	sadd.s32 $0x60, s26;
	s26 =	simm.s32 $0x18C00  }
.LBB2_1:
0x13: {  	[spmem:s11], [sflag:s6] =	dma.local [hbm:s5], $0x30E0  }
0x14: {  	_ =	swait.ge [sflag:s12], $0x30E0  }
0x15: {  	[sflag:s12] =	ssyncset.done $0x0  }
0x16: {  	[sflag:s12] =	ssyncadd.s32 $0xFFFFCF20  }
0x17: {  	s0 =	rddreg [dreg:$0x1]  }
0x18: {  	[tilespmem:s13], [sflag:$0x3] =	stream.linear.gather [hbm4b:s0+s4], $0x800, $0x38;
	[tilespmem:$0x19500] =	vst v63  }
0x19: {  	_ =	swait.ge [sflag:s12], $0x800  }
0x1a: {  	[sflag:s12] =	ssyncset.done $0x0  }
0x1b: {  	[sflag:s12] =	ssyncadd.s32 $0xFFFFF800  }
0x1c: {  	[bflag:$0x0] =	sbarrier.arrive $0xFFFF  }
0x1d: {  	[tilespmem:s14], [sflag:$0x3] =	stream.linear.gather [hbm4b:s7+s4], $0x300, $0x38;
	[tilespmem:$0x19500] =	vst v63  }
0x1e: {  	_ =	swait.ge [sflag:s12], $0x300  }
0x1f: {  	[sflag:s12] =	ssyncset.done $0x0  }
0x20: {  	[sflag:s12] =	ssyncadd.s32 $0xFFFFFD00  }
0x21: {  	[spmem:s3] =	stream.indirect.scatter.add.f32 [tilespmem:s13], [sflag:$0x1], $0x10, s14, s15, $0xb8;
	[tilespmem:$0x19500] =	vst v63  }
0x22: {  	s2 =	simm.s32 $0x18780  }
0x23: {  	[spmem:s3] =	stream.indirect.scatter.add.f32 [tilespmem:s13], [sflag:$0x1], $0x10, s2, s15, $0xb8;
	[tilespmem:$0x19500] =	vst v63  }
0x24: {  	s16 =	simm.s32 $0x18800  }
0x25: {  	[spmem:s3] =	stream.indirect.scatter.add.f32 [tilespmem:s13], [sflag:$0x1], $0x10, s16, s15, $0xb8;
	[tilespmem:$0x19500] =	vst v63  }
0x26: {  	s17 =	simm.s32 $0x18880  }
0x27: {  	[spmem:s3] =	stream.indirect.scatter.add.f32 [tilespmem:s13], [sflag:$0x1], $0x10, s17, s15, $0xb8;
	[tilespmem:$0x19500] =	vst v63  }
0x28: {  	_ = 	snop  }
0x29: {  	[spmem:s3] =	stream.indirect.scatter.add.f32 [tilespmem:s13], [sflag:$0x1], $0x10, s19, s15, $0xb8;
	[tilespmem:$0x19500] =	vst v63  }
0x2a: {  	_ = 	snop  }
0x2b: {  	[spmem:s3] =	stream.indirect.scatter.add.f32 [tilespmem:s13], [sflag:$0x1], $0x10, s20, s15, $0xb8;
	[tilespmem:$0x19500] =	vst v63  }
0x2c: {  	s18 =	sadd.s32 $0x0, s10  }
0x2d: {  	[tilespmem:s21], [sflag:$0x3] =	stream.linear.gather [hbm4b:s18+s4], $0x300, $0x38;
	[tilespmem:$0x19500] =	vst v63  }
0x2e: {  	_ =	swait.ge [sflag:s12], $0x300  }
0x2f: {  	[sflag:s12] =	ssyncset.done $0x0  }
0x30: {  	[sflag:s12] =	ssyncadd.s32 $0xFFFFFD00  }
0x31: {  	[spmem:s3] =	stream.indirect.scatter.add.f32 [tilespmem:s13], [sflag:$0x2], $0x10, s21, s15, $0xb8;
	[tilespmem:$0x19500] =	vst v63  }
0x32: {  	_ = 	snop  }
0x33: {  	[spmem:s3] =	stream.indirect.scatter.add.f32 [tilespmem:s13], [sflag:$0x2], $0x10, s22, s15, $0xb8;
	[tilespmem:$0x19500] =	vst v63  }
0x34: {  	_ = 	snop  }
0x35: {  	[spmem:s3] =	stream.indirect.scatter.add.f32 [tilespmem:s13], [sflag:$0x2], $0x10, s23, s15, $0xb8;
	[tilespmem:$0x19500] =	vst v63  }
0x36: {  	_ = 	snop  }
0x37: {  	[spmem:s3] =	stream.indirect.scatter.add.f32 [tilespmem:s13], [sflag:$0x2], $0x10, s25, s15, $0xb8;
	[tilespmem:$0x19500] =	vst v63  }
0x38: {  	_ = 	snop  }
0x39: {  	[spmem:s3] =	stream.indirect.scatter.add.f32 [tilespmem:s13], [sflag:$0x2], $0x10, s26, s15, $0xb8;
	[tilespmem:$0x19500] =	vst v63  }
0x3a: {  	_ = 	snop  }
0x3b: {  	[spmem:s3] =	stream.indirect.scatter.add.f32 [tilespmem:s13], [sflag:$0x2], $0x10, s28, s15, $0xb8;
	[tilespmem:$0x19500] =	vst v63  }
0x3c: {  	_ =	swait.ge [sflag:s29], $0x800  }
0x3d: {  	[sflag:s29] =	ssyncset.done $0x0  }
0x3e: {  	[sflag:s29] =	ssyncadd.s32 $0xFFFFF800  }
0x3f: {  	_ =	swait.ge [sflag:s29], $0x800  }
0x40: {  	[sflag:s29] =	ssyncset.done $0x0  }
0x41: {  	[sflag:s29] =	ssyncadd.s32 $0xFFFFF800  }
0x42: {  	_ =	swait.ge [sflag:s29], $0x800  }
0x43: {  	[sflag:s29] =	ssyncset.done $0x0  }
0x44: {  	[sflag:s29] =	ssyncadd.s32 $0xFFFFF800  }
0x45: {  	_ =	swait.ge [sflag:s29], $0x800  }
0x46: {  	[sflag:s29] =	ssyncset.done $0x0  }
0x47: {  	[sflag:s29] =	ssyncadd.s32 $0xFFFFF800  }
0x48: {  	_ =	swait.ge [sflag:s29], $0x800  }
0x49: {  	[sflag:s29] =	ssyncset.done $0x0  }
0x4a: {  	[sflag:s29] =	ssyncadd.s32 $0xFFFFF800  }
0x4b: {  	p0 =	por $0x0, $0x0;
	_ =	swait.ge [sflag:s29], $0x800  }
0x4c: {  	s1 =	simm.s32 @!p0 $0x0;
	[sflag:s29] =	ssyncset.done $0x0  }
0x4d: {  	s0 =	sadd.s32 @!p0 $0x0, s9;
	s2 =	simm.s32 @!p0 $0x18700;
	[sflag:s29] =	ssyncadd.s32 $0xFFFFF800  }
0x4e: {  	[tilespmem:s2], [sflag:$0x3] =	stream.linear.gather @!p0 [hbm4b:s0+s1], $0x300, $0x38;
	[tilespmem:$0x19500] =	vst v63  }
0x4f: {  	s0 =	simm.s32 @!p0 $0x3  }
0x50: {  	_ =	swait.ge @!p0 [sflag:s0], $0x300  }
0x51: {  	[sflag:s0] =	ssyncset.done @!p0 $0x0  }
0x52: {  	s1 =	simm.s32 @!p0 $0x80;
	[sflag:s0] =	ssyncadd.s32 @!p0 $0xFFFFFD00;
	s0 =	simm.s32 @!p0 $0x18D00  }
0x53: {  	[spmem:s3] =	stream.indirect.scatter.add.f32 @!p0 [tilespmem:s0], [sflag:$0x1], $0x10, s2, s1, $0xb8;
	[tilespmem:$0x19500] =	vst v63  }
0x54: {  	s2 =	simm.s32 @!p0 $0x18780  }
0x55: {  	[spmem:s3] =	stream.indirect.scatter.add.f32 @!p0 [tilespmem:s0], [sflag:$0x1], $0x10, s2, s1, $0xb8;
	[tilespmem:$0x19500] =	vst v63  }
0x56: {  	s2 =	simm.s32 @!p0 $0x18800  }
0x57: {  	[spmem:s3] =	stream.indirect.scatter.add.f32 @!p0 [tilespmem:s0], [sflag:$0x1], $0x10, s2, s1, $0xb8;
	[tilespmem:$0x19500] =	vst v63  }
0x58: {  	s2 =	simm.s32 @!p0 $0x18880  }
0x59: {  	[spmem:s3] =	stream.indirect.scatter.add.f32 @!p0 [tilespmem:s0], [sflag:$0x1], $0x10, s2, s1, $0xb8;
	[tilespmem:$0x19500] =	vst v63  }
0x5a: {  	s2 =	simm.s32 @!p0 $0x18900  }
0x5b: {  	[spmem:s3] =	stream.indirect.scatter.add.f32 @!p0 [tilespmem:s0], [sflag:$0x1], $0x10, s2, s1, $0xb8;
	[tilespmem:$0x19500] =	vst v63  }
0x5c: {  	s2 =	simm.s32 @!p0 $0x18980  }
0x5d: {  	[spmem:s3] =	stream.indirect.scatter.add.f32 @!p0 [tilespmem:s0], [sflag:$0x1], $0x10, s2, s1, $0xb8;
	[tilespmem:$0x19500] =	vst v63  }
0x5e: {  	_ =	swait.ge [sflag:s30], $0x800  }
0x5f: {  	[sflag:s30] =	ssyncset.done $0x0  }
0x60: {  	[sflag:s30] =	ssyncadd.s32 $0xFFFFF800  }
0x61: {  	_ =	swait.ge [sflag:s30], $0x800  }
0x62: {  	[sflag:s30] =	ssyncset.done $0x0  }
0x63: {  	[sflag:s30] =	ssyncadd.s32 $0xFFFFF800  }
0x64: {  	_ =	swait.ge [sflag:s30], $0x800  }
0x65: {  	[sflag:s30] =	ssyncset.done $0x0  }
0x66: {  	[sflag:s30] =	ssyncadd.s32 $0xFFFFF800  }
0x67: {  	_ =	swait.ge [sflag:s30], $0x800  }
0x68: {  	[sflag:s30] =	ssyncset.done $0x0  }
0x69: {  	[sflag:s30] =	ssyncadd.s32 $0xFFFFF800  }
0x6a: {  	_ =	swait.ge [sflag:s30], $0x800  }
0x6b: {  	[sflag:s30] =	ssyncset.done $0x0  }
0x6c: {  	[sflag:s30] =	ssyncadd.s32 $0xFFFFF800  }
0x6d: {  	s0 =	simm.s32 $0xC0;
	s2 =	simm.s32 $0x180;
	_ =	swait.ge [sflag:s30], $0x800  }
.LBB2_2:
0x6e: {  	s16 =	sadd.s32 s0, s10  }
0x6f: {  	[sflag:s30] =	ssyncset.done $0x0;
	s1 =	smov.u32 s2;
	s2 =	sadd.s32 $0xC0, s2  }
0x70: {  	p0 =	sne.s32 s2, $0x18C0;
	[sflag:s30] =	ssyncadd.s32 $0xFFFFF800  }
0x71: {  	[tilespmem:s21], [sflag:$0x3] =	stream.linear.gather [hbm4b:s16+s4], $0x300, $0x38;
	[tilespmem:$0x19500] =	vst v63  }
0x72: {  	_ =	swait.ge [sflag:s12], $0x300  }
0x73: {  	[sflag:s12] =	ssyncset.done $0x0  }
0x74: {  	[sflag:s12] =	ssyncadd.s32 $0xFFFFFD00  }
0x75: {  	[spmem:s3] =	stream.indirect.scatter.add.f32 [tilespmem:s13], [sflag:$0x2], $0x10, s21, s15, $0xb8;
	[tilespmem:$0x19500] =	vst v63  }
0x76: {  	_ = 	snop  }
0x77: {  	[spmem:s3] =	stream.indirect.scatter.add.f32 [tilespmem:s13], [sflag:$0x2], $0x10, s22, s15, $0xb8;
	[tilespmem:$0x19500] =	vst v63  }
0x78: {  	_ = 	snop  }
0x79: {  	[spmem:s3] =	stream.indirect.scatter.add.f32 [tilespmem:s13], [sflag:$0x2], $0x10, s23, s15, $0xb8;
	[tilespmem:$0x19500] =	vst v63  }
0x7a: {  	_ = 	snop  }
0x7b: {  	[spmem:s3] =	stream.indirect.scatter.add.f32 [tilespmem:s13], [sflag:$0x2], $0x10, s25, s15, $0xb8;
	[tilespmem:$0x19500] =	vst v63  }
0x7c: {  	_ = 	snop  }
0x7d: {  	[spmem:s3] =	stream.indirect.scatter.add.f32 [tilespmem:s13], [sflag:$0x2], $0x10, s26, s15, $0xb8;
	[tilespmem:$0x19500] =	vst v63  }
0x7e: {  	_ = 	snop  }
0x7f: {  	[spmem:s3] =	stream.indirect.scatter.add.f32 [tilespmem:s13], [sflag:$0x2], $0x10, s28, s15, $0xb8;
	[tilespmem:$0x19500] =	vst v63  }
0x80: {  	_ =	swait.ge [sflag:s29], $0x800  }
0x81: {  	[sflag:s29] =	ssyncset.done $0x0  }
0x82: {  	[sflag:s29] =	ssyncadd.s32 $0xFFFFF800  }
0x83: {  	_ =	swait.ge [sflag:s29], $0x800  }
0x84: {  	[sflag:s29] =	ssyncset.done $0x0  }
0x85: {  	[sflag:s29] =	ssyncadd.s32 $0xFFFFF800  }
0x86: {  	_ =	swait.ge [sflag:s29], $0x800  }
0x87: {  	[sflag:s29] =	ssyncset.done $0x0  }
0x88: {  	[sflag:s29] =	ssyncadd.s32 $0xFFFFF800  }
0x89: {  	_ =	swait.ge [sflag:s29], $0x800  }
0x8a: {  	[sflag:s29] =	ssyncset.done $0x0  }
0x8b: {  	[sflag:s29] =	ssyncadd.s32 $0xFFFFF800  }
0x8c: {  	_ =	swait.ge [sflag:s29], $0x800  }
0x8d: {  	[sflag:s29] =	ssyncset.done $0x0  }
0x8e: {  	[sflag:s29] =	ssyncadd.s32 $0xFFFFF800  }
0x8f: {  	p1 =	seq.s32 s0, $0x1800;
	_ =	swait.ge [sflag:s29], $0x800  }
0x90: {  	s0 =	sadd.s32 @!p1 s0, s9;
	s16 =	simm.s32 @!p1 $0x0;
	[sflag:s29] =	ssyncset.done $0x0  }
0x91: {  	s17 =	simm.s32 @!p1 $0x18700;
	s18 =	simm.s32 @!p1 $0x3;
	[sflag:s29] =	ssyncadd.s32 $0xFFFFF800  }
0x92: {  	[tilespmem:s17], [sflag:$0x3] =	stream.linear.gather @!p1 [hbm4b:s0+s16], $0x300, $0x38;
	[tilespmem:$0x19500] =	vst v63  }
0x93: {  	s0 =	smov.u32 s1;
	_ =	swait.ge @!p1 [sflag:s18], $0x300  }
0x94: {  	s1 =	simm.s32 @!p1 $0x80;
	s16 =	simm.s32 @!p1 $0x18D00;
	[sflag:s18] =	ssyncset.done @!p1 $0x0  }
0x95: {  	[sflag:s18] =	ssyncadd.s32 @!p1 $0xFFFFFD00;
	s18 =	simm.s32 @!p1 $0x18780  }
0x96: {  	[spmem:s3] =	stream.indirect.scatter.add.f32 @!p1 [tilespmem:s16], [sflag:$0x1], $0x10, s17, s1, $0xb8;
	[tilespmem:$0x19500] =	vst v63  }
0x97: {  	s17 =	simm.s32 @!p1 $0x18800  }
0x98: {  	[spmem:s3] =	stream.indirect.scatter.add.f32 @!p1 [tilespmem:s16], [sflag:$0x1], $0x10, s18, s1, $0xb8;
	[tilespmem:$0x19500] =	vst v63  }
0x99: {  	s18 =	simm.s32 @!p1 $0x18880  }
0x9a: {  	[spmem:s3] =	stream.indirect.scatter.add.f32 @!p1 [tilespmem:s16], [sflag:$0x1], $0x10, s17, s1, $0xb8;
	[tilespmem:$0x19500] =	vst v63  }
0x9b: {  	s17 =	simm.s32 @!p1 $0x18900  }
0x9c: {  	[spmem:s3] =	stream.indirect.scatter.add.f32 @!p1 [tilespmem:s16], [sflag:$0x1], $0x10, s18, s1, $0xb8;
	[tilespmem:$0x19500] =	vst v63  }
0x9d: {  	s18 =	simm.s32 @!p1 $0x18980  }
0x9e: {  	[spmem:s3] =	stream.indirect.scatter.add.f32 @!p1 [tilespmem:s16], [sflag:$0x1], $0x10, s17, s1, $0xb8;
	[tilespmem:$0x19500] =	vst v63  }
0x9f: {  	_ = 	snop  }
0xa0: {  	[spmem:s3] =	stream.indirect.scatter.add.f32 @!p1 [tilespmem:s16], [sflag:$0x1], $0x10, s18, s1, $0xb8;
	[tilespmem:$0x19500] =	vst v63  }
0xa1: {  	_ =	swait.ge [sflag:s30], $0x800  }
0xa2: {  	[sflag:s30] =	ssyncset.done $0x0  }
0xa3: {  	[sflag:s30] =	ssyncadd.s32 $0xFFFFF800  }
0xa4: {  	_ =	swait.ge [sflag:s30], $0x800  }
0xa5: {  	[sflag:s30] =	ssyncset.done $0x0  }
0xa6: {  	[sflag:s30] =	ssyncadd.s32 $0xFFFFF800  }
0xa7: {  	_ =	swait.ge [sflag:s30], $0x800  }
0xa8: {  	[sflag:s30] =	ssyncset.done $0x0  }
0xa9: {  	[sflag:s30] =	ssyncadd.s32 $0xFFFFF800  }
0xaa: {  	_ =	swait.ge [sflag:s30], $0x800  }
0xab: {  	[sflag:s30] =	ssyncset.done $0x0  }
.Ltmp0:
0xac: {  	[sflag:s30] =	ssyncadd.s32 $0xFFFFF800;
	(pc) =	sbr.rel @p0 .LBB2_2-.Ltmp0, $4  }
0xad: {  	_ =	swait.ge [sflag:s30], $0x800  }
0xae: {  	[sflag:s30] =	ssyncset.done $0x0  }
0xaf: {  	[sflag:s30] =	ssyncadd.s32 $0xFFFFF800  }
0xb0: {  	_ =	swait.ge [sflag:s30], $0x800  }
0xb1: {  	[sflag:s30] =	ssyncset.done $0x0  }
0xb2: {  	s1 =	sadd.s32 s0, s10;
	[sflag:s30] =	ssyncadd.s32 $0xFFFFF800  }
0xb3: {  	[tilespmem:s21], [sflag:$0x3] =	stream.linear.gather [hbm4b:s1+s4], $0x300, $0x38;
	[tilespmem:$0x19500] =	vst v63  }
0xb4: {  	_ =	swait.ge [sflag:s12], $0x300  }
0xb5: {  	[sflag:s12] =	ssyncset.done $0x0  }
0xb6: {  	[sflag:s12] =	ssyncadd.s32 $0xFFFFFD00  }
0xb7: {  	[spmem:s3] =	stream.indirect.scatter.add.f32 [tilespmem:s13], [sflag:$0x2], $0x10, s21, s15, $0xb8;
	[tilespmem:$0x19500] =	vst v63  }
0xb8: {  	_ = 	snop  }
0xb9: {  	[spmem:s3] =	stream.indirect.scatter.add.f32 [tilespmem:s13], [sflag:$0x2], $0x10, s22, s15, $0xb8;
	[tilespmem:$0x19500] =	vst v63  }
0xba: {  	_ = 	snop  }
0xbb: {  	[spmem:s3] =	stream.indirect.scatter.add.f32 [tilespmem:s13], [sflag:$0x2], $0x10, s23, s15, $0xb8;
	[tilespmem:$0x19500] =	vst v63  }
0xbc: {  	_ = 	snop  }
0xbd: {  	[spmem:s3] =	stream.indirect.scatter.add.f32 [tilespmem:s13], [sflag:$0x2], $0x10, s25, s15, $0xb8;
	[tilespmem:$0x19500] =	vst v63  }
0xbe: {  	_ = 	snop  }
0xbf: {  	[spmem:s3] =	stream.indirect.scatter.add.f32 [tilespmem:s13], [sflag:$0x2], $0x10, s26, s15, $0xb8;
	[tilespmem:$0x19500] =	vst v63  }
0xc0: {  	_ = 	snop  }
0xc1: {  	[spmem:s3] =	stream.indirect.scatter.add.f32 [tilespmem:s13], [sflag:$0x2], $0x10, s28, s15, $0xb8;
	[tilespmem:$0x19500] =	vst v63  }
0xc2: {  	_ =	swait.ge [sflag:s29], $0x800  }
0xc3: {  	[sflag:s29] =	ssyncset.done $0x0  }
0xc4: {  	[sflag:s29] =	ssyncadd.s32 $0xFFFFF800  }
0xc5: {  	_ =	swait.ge [sflag:s29], $0x800  }
0xc6: {  	[sflag:s29] =	ssyncset.done $0x0  }
0xc7: {  	[sflag:s29] =	ssyncadd.s32 $0xFFFFF800  }
0xc8: {  	_ =	swait.ge [sflag:s29], $0x800  }
0xc9: {  	[sflag:s29] =	ssyncset.done $0x0  }
0xca: {  	[sflag:s29] =	ssyncadd.s32 $0xFFFFF800  }
0xcb: {  	_ =	swait.ge [sflag:s29], $0x800  }
0xcc: {  	[sflag:s29] =	ssyncset.done $0x0  }
0xcd: {  	[sflag:s29] =	ssyncadd.s32 $0xFFFFF800  }
0xce: {  	_ =	swait.ge [sflag:s29], $0x800  }
0xcf: {  	[sflag:s29] =	ssyncset.done $0x0  }
0xd0: {  	[sflag:s29] =	ssyncadd.s32 $0xFFFFF800  }
0xd1: {  	p0 =	seq.s32 s0, $0x1800;
	_ =	swait.ge [sflag:s29], $0x800  }
0xd2: {  	s0 =	sadd.s32 @!p0 s0, s9;
	s2 =	simm.s32 @!p0 $0x18700;
	[sflag:s29] =	ssyncset.done $0x0  }
0xd3: {  	s16 =	simm.s32 @!p0 $0x3;
	s1 =	simm.s32 @!p0 $0x0;
	[sflag:s29] =	ssyncadd.s32 $0xFFFFF800  }
0xd4: {  	[tilespmem:s2], [sflag:$0x3] =	stream.linear.gather @!p0 [hbm4b:s0+s1], $0x300, $0x38;
	[tilespmem:$0x19500] =	vst v63  }
0xd5: {  	_ =	swait.ge @!p0 [sflag:s16], $0x300  }
0xd6: {  	[sflag:s16] =	ssyncset.done @!p0 $0x0  }
0xd7: {  	s0 =	simm.s32 @!p0 $0x80;
	s1 =	simm.s32 @!p0 $0x18D00;
	[sflag:s16] =	ssyncadd.s32 @!p0 $0xFFFFFD00  }
0xd8: {  	[spmem:s3] =	stream.indirect.scatter.add.f32 @!p0 [tilespmem:s1], [sflag:$0x1], $0x10, s2, s0, $0xb8;
	[tilespmem:$0x19500] =	vst v63  }
0xd9: {  	s2 =	simm.s32 @!p0 $0x18780  }
0xda: {  	[spmem:s3] =	stream.indirect.scatter.add.f32 @!p0 [tilespmem:s1], [sflag:$0x1], $0x10, s2, s0, $0xb8;
	[tilespmem:$0x19500] =	vst v63  }
0xdb: {  	s2 =	simm.s32 @!p0 $0x18800  }
0xdc: {  	[spmem:s3] =	stream.indirect.scatter.add.f32 @!p0 [tilespmem:s1], [sflag:$0x1], $0x10, s2, s0, $0xb8;
	[tilespmem:$0x19500] =	vst v63  }
0xdd: {  	s2 =	simm.s32 @!p0 $0x18880  }
0xde: {  	[spmem:s3] =	stream.indirect.scatter.add.f32 @!p0 [tilespmem:s1], [sflag:$0x1], $0x10, s2, s0, $0xb8;
	[tilespmem:$0x19500] =	vst v63  }
0xdf: {  	s2 =	simm.s32 @!p0 $0x18900  }
0xe0: {  	[spmem:s3] =	stream.indirect.scatter.add.f32 @!p0 [tilespmem:s1], [sflag:$0x1], $0x10, s2, s0, $0xb8;
	[tilespmem:$0x19500] =	vst v63  }
0xe1: {  	s2 =	simm.s32 @!p0 $0x18980  }
0xe2: {  	[spmem:s3] =	stream.indirect.scatter.add.f32 @!p0 [tilespmem:s1], [sflag:$0x1], $0x10, s2, s0, $0xb8;
	[tilespmem:$0x19500] =	vst v63  }
0xe3: {  	_ =	swait.ge [sflag:s30], $0x800  }
0xe4: {  	[sflag:s30] =	ssyncset.done $0x0  }
0xe5: {  	[sflag:s30] =	ssyncadd.s32 $0xFFFFF800  }
0xe6: {  	_ =	swait.ge [sflag:s30], $0x800  }
0xe7: {  	[sflag:s30] =	ssyncset.done $0x0  }
0xe8: {  	[sflag:s30] =	ssyncadd.s32 $0xFFFFF800  }
0xe9: {  	_ =	swait.ge [sflag:s30], $0x800  }
0xea: {  	[sflag:s30] =	ssyncset.done $0x0  }
0xeb: {  	[sflag:s30] =	ssyncadd.s32 $0xFFFFF800  }
0xec: {  	_ =	swait.ge [sflag:s30], $0x800  }
0xed: {  	[sflag:s30] =	ssyncset.done $0x0  }
0xee: {  	[sflag:s30] =	ssyncadd.s32 $0xFFFFF800  }
0xef: {  	_ =	swait.ge [sflag:s30], $0x800  }
0xf0: {  	[sflag:s30] =	ssyncset.done $0x0  }
0xf1: {  	[sflag:s30] =	ssyncadd.s32 $0xFFFFF800  }
0xf2: {  	_ =	swait.ge [sflag:s30], $0x800  }
0xf3: {  	s31 =	sadd.s32 $0x1, s31;
	[sflag:s30] =	ssyncset.done $0x0  }
0xf4: {  	p0 =	sne.s32 s31, s8;
	[sflag:s30] =	ssyncadd.s32 $0xFFFFF800  }
.Ltmp1:
0xf5: {  	[bflag:$0x0] =	sbarrier.arrive $0xFFFF;
	(pc) =	sbr.rel @p0 .LBB2_1-.Ltmp1, $4  }
0xf6: {  	[hbm:s24], [sflag:s6] =	dma.local [spmem:s11], $0x30E0  }
0xf7: {  	_ =	swait.ge [sflag:s12], $0x30E0  }
0xf8: {  	[sflag:s12] =	ssyncset.done $0x0  }
0xf9: {  	[sflag:s12] =	ssyncadd.s32 $0xFFFFCF20  }
0xfa: {  	_ =	sfence.sel $0x180000  }
0xfb: {  	[bflag:$0x0] =	sbarrier.arrive $0xFFFF  }
0xfc: {  	_ =	strace $0x90000047  }
0xfd: {  	s0 =	stileid.u32;
	[bflag:$0x2] =	sbarrier.arrive $0xFFFF  }
0xfe: {  	p0 =	sne.s32 s0, $0x0;
	s0 =	rddreg [dreg:$0x3]  }
0xff: {  	s0 =	sadd.s32 @!p0 $0x100000, s0  }
0x100: {  	[sflag:s0] =	ssyncadd.tile.s32 @!p0 $0x1;
	_ =	shalt  }
.Lfunc_end2:
_tile_overlayer_lowered:
.L_overlay_start_2:
0x101: {  	(tag) =	ssettag $0x2  }
0x102: {  	s0 =	rddreg [dreg:$0x0];
	s2 =	stileid.u32  }
0x103: {  	s1 =	rddreg [dreg:$0x1];
	p0 =	sne.s32 s2, $0x0  }
0x104: {  	s3 =	rddreg [dreg:$0x2];
	[bflag:$0x3] =	sbarrier.arrive $0xFFFF;
	s2 =	simm.s32 @!p0 $0x1C03  }
0x105: {  	[timem:s3], [sflag:s2] =	dma.local @!p0 [hbm:s0], s1  }
0x106: {  	s0 =	simm.s32 @!p0 $0x3  }
0x107: {  	_ =	swait.ge @!p0 [sflag:s0], s1  }
0x108: {  	s1 =	ssub.s32 @!p0 $0x0, s1;
	[sflag:s0] =	ssyncset.done @!p0 $0x0  }
0x109: {  	[sflag:s0] =	ssyncadd.s32 @!p0 s1  }
0x10a: {  	[bflag:$0x3] =	sbarrier.arrive $0xFFFF  }
0x10b: {  	_ =	shalt  }

// kernel: kernel.13.cloned.1.call-start
scs
__scs_entry_jumppad:
0x0: {  	(pc) =	sbr.rel $0x88, $3  }
0x1: {  	(tag) =	ssettag $0x0;
	lr =	simm.s32 $0x1  }
0x2: {  	[smem:$0x3F91] =	sst lr;
	_ =	strace $0xD0000000  }
0x3: {  	_ = 	snop  }
0x4: {  	_ = 	snop  }
0x5: {  	_ = 	snop  }
0x6: {  	_ = 	snop  }
0x7: {  	_ = 	snop  }
__scs_overlays_trampoline_lowered:
0x8: {  	[smem:$0x3FA0] =	sst s0  }
0x9: {  	[smem:$0x3FA1] =	sst s1  }
0xa: {  	[smem:$0x3FA2] =	sst s2  }
0xb: {  	[smem:$0x3FA3] =	sst s3  }
0xc: {  	[smem:$0x3FA4] =	sst s4  }
0xd: {  	[smem:$0x3FA5] =	sst s5  }
0xe: {  	[smem:$0x3FA6] =	sst s6  }
0xf: {  	[smem:$0x3FA7] =	sst s7  }
0x10: {  	[smem:$0x3FA8] =	sst s8  }
0x11: {  	[smem:$0x3FA9] =	sst s9;
	s0 =	simm.s32 @!p0 $0x0  }
0x12: {  	s1 =	sld [smem:$0x3F8F];
	s0 =	simm.s32 @p0 $0x1  }
0x13: {  	[smem:$0x3FAA] =	sst s0;
	s0 =	simm.s32 @!p1 $0x0  }
0x14: {  	s2 =	sld [smem:$0x3F8E];
	s0 =	simm.s32 @p1 $0x1  }
0x15: {  	[smem:$0x3FAB] =	sst s0;
	s0 =	simm.s32 @!p2 $0x0  }
0x16: {  	s3 =	sld [smem:$0x3FDB];
	s0 =	simm.s32 @p2 $0x1  }
0x17: {  	s4 =	simm.s32 $0x1BF5;
	[smem:$0x3FAD] =	sst s0  }
0x18: {  	s0 =	sld [smem:$0x3F90];
	_ =	swait.ge [sflag:s4], $0x0  }
0x19: {  	s7 =	sld [smem:$0x3F91]  }
0x1a: {  	s8 =	sadd.s32 $0xFFFFE003, lr  }
0x1b: {  	s9 =	sadd.s32 $0xFFFFFEF7, lr;
	s5 =	simm.s32 $0xFFFFFFFF;
	p2 =	slt.u32 s8, $0xFFFFF086  }
0x1c: {  	p1 =	slt.u32 s9, $0xF7A;
	s5 =	simm.s32 @!p2 $0x0  }
0x1d: {  	s5 =	simm.s32 @p1 $0x1;
	p0 =	seq.s32 s7, s2  }
0x1e: {  	s7 =	smul.u32 @!p0 $0xF7A, s2;
	p2 =	seq.s32 @!p0 s5, $0x0  }
0x1f: {  	s9 =	smul.u32 $0xF7A, s1;
	s8 =	simm.s32 @!p0 $0x1BF5;
	p2 =	por !p2, p0  }
0x20: {  	[sflag:s8] =	ssyncset.s32 @!p0 $0xFFFFF086;
	s6 =	sadd.s32 @!p0 s3, s7;
	s7 =	simm.s32 @!p0 $0x108  }
0x21: {  	s3 =	sadd.s32 s3, s9;
	s6 =	sadd.s32 @!p0 $0x88, s6;
	s7 =	simm.s32 @p2 $0x1082  }
0x22: {  	[simem:s7], [sflag:s8] =	dma.local @!p0 [hbm:s6], $0xF7A  }
0x23: {  	s9 =	sor.u32 $0xD0000000, s2;
	s6 =	simm.s32 $0x108;
	_ =	swait.ge @!p0 [sflag:s8], $0x0  }
0x24: {  	s3 =	sadd.s32 $0x88, s3;
	s6 =	simm.s32 @!p1 $0x1082;
	[sflag:s4] =	ssyncset.s32 $0xFFFFF086  }
0x25: {  	[simem:s6], [sflag:s4] =	dma.local [hbm:s3], $0xF7A  }
0x26: {  	[smem:$0x3F91] =	sst s1;
	(tag) =	ssettag s2;
	_ =	strace s9  }
0x27: {  	s1 =	sld [smem:$0x3FA1]  }
0x28: {  	s2 =	sld [smem:$0x3FA2]  }
0x29: {  	s4 =	sld [smem:$0x3FA4]  }
0x2a: {  	p0 =	seq.s32 s5, $0x0;
	s5 =	sld [smem:$0x3FA5]  }
0x2b: {  	s6 =	sld [smem:$0x3FA6]  }
0x2c: {  	s7 =	sld [smem:$0x3FA7]  }
0x2d: {  	s3 =	simm.s32 $0x108;
	s8 =	sld [smem:$0x3FA8]  }
0x2e: {  	s3 =	simm.s32 @!p0 $0x1082;
	s9 =	sld [smem:$0x3FA9]  }
0x2f: {  	lr =	sadd.s32 s0, s3;
	s0 =	sld [smem:$0x3FA0]  }
0x30: {  	s3 =	sld [smem:$0x3FA3]  }
0x31: {  	[smem:$0x3FAC] =	sst s10  }
0x32: {  	s10 =	sld [smem:$0x3FAA];
	_ =	sdelay $0x3  }
0x33: {  	p0 =	seq.s32 s10, $0x1;
	s10 =	sld [smem:$0x3FAC];
	_ =	sdelay $0x3  }
0x34: {  	[smem:$0x3FAC] =	sst s10  }
0x35: {  	s10 =	sld [smem:$0x3FAB];
	_ =	sdelay $0x3  }
0x36: {  	p1 =	seq.s32 s10, $0x1;
	s10 =	sld [smem:$0x3FAC];
	_ =	sdelay $0x3  }
0x37: {  	[smem:$0x3FAC] =	sst s10  }
0x38: {  	s10 =	sld [smem:$0x3FAD]  }
0x39: {  	_ = 	snop;
	(pc) =	sbr.ind lr, $3  }
0x3a: {  	_ = 	snop  }
0x3b: {  	_ = 	snop  }
0x3c: {  	p2 =	seq.s32 s10, $0x1;
	s10 =	sld [smem:$0x3FAC]  }
0x3d: {  	_ =	shalt  }
0x3e: {  	_ =	shalt  }
0x3f: {  	_ =	shalt  }
0x40: {  	_ =	shalt  }
0x41: {  	_ =	shalt  }
0x42: {  	_ =	shalt  }
0x43: {  	_ =	shalt  }
0x44: {  	_ =	shalt  }
0x45: {  	_ =	shalt  }
0x46: {  	_ =	shalt  }
0x47: {  	_ =	shalt  }
0x48: {  	_ =	shalt  }
0x49: {  	_ =	shalt  }
0x4a: {  	_ =	shalt  }
0x4b: {  	_ =	shalt  }
0x4c: {  	_ =	shalt  }
0x4d: {  	_ =	shalt  }
0x4e: {  	_ =	shalt  }
0x4f: {  	_ =	shalt  }
0x50: {  	_ =	shalt  }
0x51: {  	_ =	shalt  }
0x52: {  	_ =	shalt  }
0x53: {  	_ =	shalt  }
0x54: {  	_ =	shalt  }
0x55: {  	_ =	shalt  }
0x56: {  	_ =	shalt  }
0x57: {  	_ =	shalt  }
0x58: {  	_ =	shalt  }
0x59: {  	_ =	shalt  }
0x5a: {  	_ =	shalt  }
0x5b: {  	_ =	shalt  }
0x5c: {  	_ =	shalt  }
0x5d: {  	_ =	shalt  }
0x5e: {  	_ =	shalt  }
0x5f: {  	_ =	shalt  }
0x60: {  	_ =	shalt  }
0x61: {  	_ =	shalt  }
0x62: {  	_ =	shalt  }
0x63: {  	_ =	shalt  }
0x64: {  	_ =	shalt  }
0x65: {  	_ =	shalt  }
0x66: {  	_ =	shalt  }
0x67: {  	_ =	shalt  }
0x68: {  	_ =	shalt  }
0x69: {  	_ =	shalt  }
0x6a: {  	_ =	shalt  }
0x6b: {  	_ =	shalt  }
0x6c: {  	_ =	shalt  }
0x6d: {  	_ =	shalt  }
0x6e: {  	_ =	shalt  }
0x6f: {  	_ =	shalt  }
0x70: {  	_ =	shalt  }
0x71: {  	_ =	shalt  }
0x72: {  	_ =	shalt  }
0x73: {  	_ =	shalt  }
0x74: {  	_ =	shalt  }
0x75: {  	_ =	shalt  }
0x76: {  	_ =	shalt  }
0x77: {  	_ =	shalt  }
0x78: {  	_ =	shalt  }
0x79: {  	_ =	shalt  }
0x7a: {  	_ =	shalt  }
0x7b: {  	_ =	shalt  }
0x7c: {  	_ =	shalt  }
0x7d: {  	_ =	shalt  }
0x7e: {  	_ =	shalt  }
0x7f: {  	_ =	shalt  }
0x80: {  	_ =	shalt  }
0x81: {  	_ =	shalt  }
0x82: {  	_ =	shalt  }
0x83: {  	_ =	shalt  }
0x84: {  	_ =	shalt  }
0x85: {  	_ =	shalt  }
0x86: {  	_ =	shalt  }
0x87: {  	_ =	shalt  }
.Lfunc_end0:
.L_simem_size_0:
called_computation.1_lowered:
.L_overlay_start_0:
0x88: {  	s2 =	sld [smem:$0x3FD9]  }
0x89: {  	s3 =	sld [smem:$0x3FFE];
	_ =	sdelay $0x1  }
0x8a: {  	s1 =	srdreg.scid  }
0x8b: {  	s0 =	sand.u32 $0x1, s1  }
0x8c: {  	s16 =	sshll.u32 s0, $0xA;
	s2 =	sadd.s32 s3, s2  }
0x8d: {  	s2 =	sadd.s32 s2, s16  }
0x8e: {  	[smem:$0x3FB8] =	sst s2  }
0x8f: {  	_ = 	snop  }
0x90: {  	(tm) =	ssettm $0x1  }
0x91: {  	s17 =	sld [smem:$0x3FFB];
	_ =	sdelay $0x3  }
0x92: {  	_ =	strace s17  }
0x93: {  	s2 =	sld [smem:$0x3FFC];
	_ =	sdelay $0x3  }
0x94: {  	_ =	strace s2  }
0x95: {  	s2 =	sld [smem:$0x3FFD];
	_ =	sdelay $0x3  }
0x96: {  	_ =	strace s2  }
0x97: {  	_ =	strace $0x8FFFFFFF  }
0x98: {  	s18 =	sld [smem:$0x3FDB];
	_ =	sdelay $0x1  }
0x99: {  	s19 =	simm.s32 $_scs_section_size  }
0x9a: {  	s4 =	simm.s32 $_size__tile_overlayer_lowered;
	s5 =	simm.s32 $_tile_overlayer_lowered  }
0x9b: {  	s22 =	simm.s32 $0x1BFF;
	s21 =	sshll.u32 s5, $0x1;
	s2 =	sadd.s32 s19, s18  }
0x9c: {  	s6 =	simm.s32 $0x0;
	s20 =	sshll.u32 s4, $0x1;
	s4 =	sadd.s32 s21, s2  }
0x9d: {  	[timem:s6], [sflag:s22] =	dma.local [hbm:s4], s20  }
0x9e: {  	_ =	swait.ge [sflag:s22], s20  }
0x9f: {  	s3 =	ssub.s32 $0x0, s20;
	[sflag:s22] =	ssyncset.done $0x0  }
0xa0: {  	[sflag:s22] =	ssyncadd.s32 s3;
	_ =	sdelay $0x1  }
0xa1: {  	s23 =	simm.s32 $0x1B8B  }
0xa2: {  	_ =	swait.ge [sflag:s23], $0x1  }
0xa3: {  	[sflag:s23] =	ssyncset.done $0x0  }
0xa4: {  	s25 =	simm.s32 $0x1B8E;
	s24 =	sld [smem:$0x3FFE];
	[sflag:s23] =	ssyncadd.s32 $0xFFFFFFFF  }
0xa5: {  	s26 =	simm.s32 $execute0_lowered;
	[smem:$0x3FD2] =	sst s25  }
0xa6: {  	s4 =	sshll.u32 s26, $0x1;
	_ =	strace $0x80000049;
	[dreg:$0x1] =	wrdreg $0xFFFFFFFF  }
0xa7: {  	s28 =	simm.s32 $_size_execute0_lowered;
	s2 =	sadd.s32 s2, s4;
	[dreg:$0x0] =	wrdreg $0x0  }
0xa8: {  	s4 =	sshll.u32 s28, $0x1;
	[dreg:$0x2] =	wrdreg s2  }
0xa9: {  	[dreg:$0x3] =	wrdreg s4  }
0xaa: {  	[dreg:$0x4] =	wrdreg $0xC0  }
0xab: {  	_ =	task [dreg:s6], $0x5FFFF  }
0xac: {  	[dreg:$0x1] =	wrdreg $0xFFFFFFFF  }
0xad: {  	[dreg:$0x0] =	wrdreg $0x60  }
0xae: {  	[dreg:$0x2] =	wrdreg s24  }
0xaf: {  	[dreg:$0x3] =	wrdreg $0x0  }
0xb0: {  	[dreg:$0x4] =	wrdreg $0x9  }
0xb1: {  	_ =	task.clear_ibuf [dreg:s6], $0x5FFFF;
	_ =	strace $0x90000049  }
0xb2: {  	s29 =	simm.s32 $0x9;
	_ =	strace $0x8000004B  }
0xb3: {  	_ =	swait.ge [sflag:s29], $0x1  }
0xb4: {  	[sflag:s29] =	ssyncadd.s32 $0xFFFFFFFF  }
0xb5: {  	_ =	strace $0x9000004B  }
0xb6: {  	_ =	sfence  }
0xb7: {  	s30 =	sld [smem:$0x0];
	_ =	sdelay $0x2  }
0xb8: {  	s31 =	sshll.u32 s1, $0xD;
	s1 =	sshrl.u32 s1, $0x2  }
0xb9: {  	s3 =	sand.u32 $0x4000, s31;
	s1 =	sadd.s32 s1, s30  }
0xba: {  	s0 =	sor.u32 s3, s0;
	s1 =	sshll.u32 s1, $0x11  }
0xbb: {  	s0 =	sor.u32 s1, s0  }
0xbc: {  	s0 =	sadd.s32 $0x8F2B, s0  }
0xbd: {  	[sflag:s0] =	ssyncadd.remote.s32 $0x1  }
0xbe: {  	_ =	sfence.sel $0xFFFF  }
0xbf: {  	[dreg:$0x0] =	wrdreg $0xFFFFFFFF;
	(pc) =	sbr.abs _section_cstart, $3  }
0xc0: {  	[dreg:$0x1] =	wrdreg $0xFFFFFFFF  }
0xc1: {  	_ =	task.clear_ibuf [dreg:s6], $0x2FFFF;
	_ =	strace $0x9FFFFFFF  }
0xc2: {  	(tm) =	ssettm $0x7FFFFFFF  }
0xc3: {  	_ =	shalt  }
tec
execute0_lowered:
.L_overlay_start_1:
0x0: {  	(tag) =	ssettag $0x1  }
0x1: {  	s4 =	rddreg [dreg:$0x0]  }
0x2: {  	s2 =	rddreg [dreg:$0x1];
	s3 =	simm.s32 $0x0  }
0x3: {  	s16 =	simm.s32 $0x18A80;
	[smem:$0x7FF] =	sst s3  }
0x4: {  	s17 =	simm.s32 $0x19500;
	_ =	strace $0x8000004A;
	[dreg:$0x3] =	wrdreg s16  }
0x5: {  	s18 =	simm.s32 $0x18B00;
	[dreg:$0x4] =	wrdreg s17  }
0x6: {  	s20 =	simm.s32 $0x19D00;
	[dreg:$0x5] =	wrdreg s18  }
0x7: {  	s0 =	stileid.u32;
	s21 =	simm.s32 $0x18B80;
	[dreg:$0x6] =	wrdreg s20  }
0x8: {  	s5 =	srdreg.scid;
	s22 =	simm.s32 $0x1A500;
	[dreg:$0x7] =	wrdreg s21  }
0x9: {  	s23 =	simm.s32 $0x18C00;
	s26 =	simm.s32 $0x1AD00;
	[dreg:$0x8] =	wrdreg s22  }
0xa: {  	s29 =	simm.s32 $0x18C80;
	s30 =	simm.s32 $0x1B500;
	[dreg:$0x9] =	wrdreg s23  }
0xb: {  	s31 =	simm.s32 $0x1C080;
	s14 =	simm.s32 $0x1CB00;
	[dreg:$0xa] =	wrdreg s26  }
0xc: {  	s15 =	simm.s32 $0x1C100;
	s6 =	smul.u32 $0x3180, s0;
	[dreg:$0xb] =	wrdreg s29  }
0xd: {  	s5 =	sand.u32 $0x1, s5;
	s9 =	smul.u32 $0x18700, s0;
	[dreg:$0xc] =	wrdreg s30  }
0xe: {  	s19 =	sshll.u32 s0, $0x6;
	s7 =	smul.u32 $0x30E00, s5;
	[dreg:$0xd] =	wrdreg s31  }
0xf: {  	s5 =	ssub.s32 $0x2, s5;
	[dreg:$0xe] =	wrdreg s14;
	s14 =	simm.s32 $0x300  }
0x10: {  	[dreg:$0xf] =	wrdreg s15;
	s16 =	simm.s32 $0x1D300;
	s15 =	simm.s32 $0x18D00  }
0x11: {  	s17 =	simm.s32 $0x1C180;
	s18 =	simm.s32 $0x1DB00;
	s20 =	simm.s32 $0x1E300  }
0x12: {  	s21 =	simm.s32 $0x1C280;
	s23 =	simm.s32 $0x1EB00;
	s22 =	simm.s32 $0x3  }
0x13: {  	s8 =	sshrl.u32 s5, $0x1;
	s10 =	sadd.s32 s6, s4;
	[dreg:$0x10] =	wrdreg s16  }
0x14: {  	s13 =	sadd.s32 s9, s2;
	s24 =	sshrl.u32 s9, $0x3;
	[dreg:$0x11] =	wrdreg s17  }
0x15: {  	s6 =	sor.u32 $0x1C05, s19;
	s16 =	simm.s32 $0x1BD00;
	[dreg:$0x12] =	wrdreg s18  }
0x16: {  	s17 =	simm.s32 $0x1C000;
	s19 =	simm.s32 $0x1C200;
	[dreg:$0x14] =	wrdreg s20  }
0x17: {  	s18 =	simm.s32 $0x1C300;
	s20 =	simm.s32 $0x80;
	[dreg:$0x15] =	wrdreg s21  }
0x18: {  	s21 =	simm.s32 $0x2;
	[dreg:$0x16] =	wrdreg s23;
	s23 =	simm.s32 $0x4  }
0x19: {  	s11 =	sadd.s32 s7, s4;
	s12 =	ssub.s32 s5, s8;
	s7 =	sadd.s32 $0x1E00, s10  }
0x1a: {  	s8 =	sadd.s32 $0x33600, s10;
	s10 =	sshrl.u32 s13, $0x3;
	s13 =	simm.s32 $0x18A00  }
0x1b: {  	[dreg:$0x13] =	wrdreg s19;
	s19 =	simm.s32 $0x1;
	s4 =	sadd.s32 $0xF7800, s11  }
0x1c: {  	s25 =	sadd.s32 $0x64E00, s11;
	s28 =	smax.u32 s12, $0x1;
	s11 =	simm.s32 $0x5  }
0x1d: {  	s12 =	simm.s32 $0x18700;
	s1 =	sadd.s32 s24, s4;
	[dreg:$0x18] =	wrdreg s28  }
0x1e: {  	s24 =	sadd.s32 s24, s25;
	s25 =	simm.s32 $0x0;
	[dreg:$0x17] =	wrdreg s1  }
.LBB2_1:
0x1f: {  	s0 =	rddreg [dreg:$0x17]  }
0x20: {  	[spmem:s10], [sflag:s6] =	dma.local [hbm:s0], $0x30E0  }
0x21: {  	_ =	swait.ge [sflag:s11], $0x30E0  }
0x22: {  	[sflag:s11] =	ssyncset.done $0x0  }
0x23: {  	[sflag:s11] =	ssyncadd.s32 $0xFFFFCF20  }
0x24: {  	[bflag:$0x0] =	sbarrier.arrive $0xFFFF  }
0x25: {  	[tilespmem:s12], [sflag:$0x5] =	stream.linear.gather [hbm4b:s7+s3], $0x300, $0x38;
	[tilespmem:$0x1F300] =	vst v63  }
0x26: {  	_ =	swait.ge [sflag:s11], $0x300  }
0x27: {  	[sflag:s11] =	ssyncset.done $0x0  }
0x28: {  	[sflag:s11] =	ssyncadd.s32 $0xFFFFFD00  }
0x29: {  	[tilespmem:s13], [sflag:$0x5] =	stream.linear.gather [hbm4b:s8+s3], $0x300, $0x38;
	[tilespmem:$0x1F300] =	vst v63  }
0x2a: {  	_ =	swait.ge [sflag:s11], $0x300  }
0x2b: {  	[sflag:s11] =	ssyncset.done $0x0  }
0x2c: {  	s26 =	sadd.s32 $0x0, s7;
	[sflag:s11] =	ssyncadd.s32 $0xFFFFFD00  }
0x2d: {  	[tilespmem:s15], [sflag:$0x1] =	stream.indirect.gather [hbm4b:s4+s14], $0x10, s12, s14, $0xb8;
	[tilespmem:$0x1F300] =	vst v63  }
0x2e: {  	s26 =	sadd.s32 $0x60, s26  }
0x2f: {  	[tilespmem:s16], [sflag:$0x5] =	stream.linear.gather [hbm4b:s26+s3], $0x300, $0x38;
	[tilespmem:$0x1F300] =	vst v63  }
0x30: {  	_ =	swait.ge [sflag:s11], $0x300  }
0x31: {  	s0 =	sadd.s32 $0x0, s8;
	[sflag:s11] =	ssyncset.done $0x0  }
0x32: {  	s26 =	sadd.s32 $0x60, s0;
	[sflag:s11] =	ssyncadd.s32 $0xFFFFFD00  }
0x33: {  	[tilespmem:s17], [sflag:$0x5] =	stream.linear.gather [hbm4b:s26+s3], $0x300, $0x38;
	[tilespmem:$0x1F300] =	vst v63  }
0x34: {  	_ =	swait.ge [sflag:s11], $0x300  }
0x35: {  	[sflag:s11] =	ssyncset.done $0x0  }
0x36: {  	[sflag:s11] =	ssyncadd.s32 $0xFFFFFD00  }
0x37: {  	[tilespmem:s18], [sflag:$0x3] =	stream.indirect.gather [hbm4b:s4+s14], $0x10, s16, s14, $0xb8;
	[tilespmem:$0x1F300] =	vst v63  }
0x38: {  	_ =	swait.ge [sflag:s19], $0x3000  }
0x39: {  	s1 =	rddreg [dreg:$0x7]  }
0x3a: {  	s28 =	rddreg [dreg:$0x5]  }
0x3b: {  	s29 =	rddreg [dreg:$0x3]  }
0x3c: {  	[sflag:s19] =	ssyncset.done $0x0;
	s30 =	rddreg [dreg:$0x4]  }
0x3d: {  	s31 =	rddreg [dreg:$0x6];
	[sflag:s19] =	ssyncadd.s32 $0xFFFFD000  }
0x3e: {  	[spmem:s2] =	stream.indirect.scatter.add.f32 [tilespmem:s15], [sflag:$0x2], $0x10, s13, s20, $0xb8;
	[tilespmem:$0x1F300] =	vst v63  }
0x3f: {  	s5 =	rddreg [dreg:$0x8]  }
0x40: {  	[spmem:s2] =	stream.indirect.scatter.add.f32 [tilespmem:s30], [sflag:$0x2], $0x10, s29, s20, $0xb8;
	[tilespmem:$0x1F300] =	vst v63  }
0x41: {  	s9 =	rddreg [dreg:$0xa]  }
0x42: {  	[spmem:s2] =	stream.indirect.scatter.add.f32 [tilespmem:s31], [sflag:$0x2], $0x10, s28, s20, $0xb8;
	[tilespmem:$0x1F300] =	vst v63  }
0x43: {  	s0 =	rddreg [dreg:$0xb]  }
0x44: {  	[spmem:s2] =	stream.indirect.scatter.add.f32 [tilespmem:s5], [sflag:$0x2], $0x10, s1, s20, $0xb8;
	[tilespmem:$0x1F300] =	vst v63  }
0x45: {  	s29 =	rddreg [dreg:$0x9]  }
0x46: {  	[spmem:s2] =	stream.indirect.scatter.add.f32 [tilespmem:s9], [sflag:$0x2], $0x10, s29, s20, $0xb8;
	[tilespmem:$0x1F300] =	vst v63  }
0x47: {  	s28 =	rddreg [dreg:$0xc]  }
0x48: {  	[spmem:s2] =	stream.indirect.scatter.add.f32 [tilespmem:s28], [sflag:$0x2], $0x10, s0, s20, $0xb8;
	[tilespmem:$0x1F300] =	vst v63  }
0x49: {  	_ =	swait.ge [sflag:s21], $0x800  }
0x4a: {  	[sflag:s21] =	ssyncset.done $0x0  }
0x4b: {  	[sflag:s21] =	ssyncadd.s32 $0xFFFFF800  }
0x4c: {  	_ =	swait.ge [sflag:s21], $0x800  }
0x4d: {  	[sflag:s21] =	ssyncset.done $0x0  }
0x4e: {  	[sflag:s21] =	ssyncadd.s32 $0xFFFFF800  }
0x4f: {  	_ =	swait.ge [sflag:s21], $0x800  }
0x50: {  	[sflag:s21] =	ssyncset.done $0x0  }
0x51: {  	[sflag:s21] =	ssyncadd.s32 $0xFFFFF800  }
0x52: {  	_ =	swait.ge [sflag:s21], $0x800  }
0x53: {  	[sflag:s21] =	ssyncset.done $0x0  }
0x54: {  	[sflag:s21] =	ssyncadd.s32 $0xFFFFF800  }
0x55: {  	_ =	swait.ge [sflag:s21], $0x800  }
0x56: {  	[sflag:s21] =	ssyncset.done $0x0  }
0x57: {  	p0 =	por $0x0, $0x0;
	[sflag:s21] =	ssyncadd.s32 $0xFFFFF800  }
0x58: {  	s26 =	sadd.s32 @!p0 $0x0, s7;
	_ =	swait.ge [sflag:s21], $0x800  }
0x59: {  	s26 =	sadd.s32 @!p0 $0xC0, s26;
	s30 =	simm.s32 @!p0 $0x5;
	[sflag:s21] =	ssyncset.done $0x0  }
0x5a: {  	s29 =	simm.s32 @!p0 $0x18700;
	s28 =	simm.s32 @!p0 $0x0;
	[sflag:s21] =	ssyncadd.s32 $0xFFFFF800  }
0x5b: {  	[tilespmem:s29], [sflag:$0x5] =	stream.linear.gather @!p0 [hbm4b:s26+s28], $0x300, $0x38;
	[tilespmem:$0x1F300] =	vst v63  }
0x5c: {  	_ =	swait.ge @!p0 [sflag:s30], $0x300  }
0x5d: {  	s26 =	sadd.s32 @!p0 $0x0, s8;
	[sflag:s30] =	ssyncset.done @!p0 $0x0  }
0x5e: {  	s31 =	simm.s32 @!p0 $0x18A00;
	s26 =	sadd.s32 @!p0 $0xC0, s26;
	[sflag:s30] =	ssyncadd.s32 @!p0 $0xFFFFFD00  }
0x5f: {  	[tilespmem:s31], [sflag:$0x5] =	stream.linear.gather @!p0 [hbm4b:s26+s28], $0x300, $0x38;
	[tilespmem:$0x1F300] =	vst v63  }
0x60: {  	_ =	swait.ge @!p0 [sflag:s30], $0x300  }
0x61: {  	[sflag:s30] =	ssyncset.done @!p0 $0x0  }
0x62: {  	s26 =	simm.s32 @!p0 $0x300;
	s28 =	simm.s32 @!p0 $0x18D00;
	[sflag:s30] =	ssyncadd.s32 @!p0 $0xFFFFFD00  }
0x63: {  	[tilespmem:s28], [sflag:$0x1] =	stream.indirect.gather @!p0 [hbm4b:s4+s26], $0x10, s29, s26, $0xb8;
	[tilespmem:$0x1F300] =	vst v63  }
0x64: {  	_ =	swait.ge [sflag:s22], $0x3000  }
0x65: {  	s1 =	rddreg [dreg:$0xf]  }
0x66: {  	s28 =	rddreg [dreg:$0xd]  }
0x67: {  	s29 =	rddreg [dreg:$0xe]  }
0x68: {  	[sflag:s22] =	ssyncset.done $0x0;
	s5 =	rddreg [dreg:$0x10]  }
0x69: {  	s9 =	rddreg [dreg:$0x14];
	[sflag:s22] =	ssyncadd.s32 $0xFFFFD000  }
0x6a: {  	[spmem:s2] =	stream.indirect.scatter.add.f32 [tilespmem:s18], [sflag:$0x4], $0x10, s17, s20, $0xb8;
	[tilespmem:$0x1F300] =	vst v63  }
0x6b: {  	s31 =	rddreg [dreg:$0x13]  }
0x6c: {  	[spmem:s2] =	stream.indirect.scatter.add.f32 [tilespmem:s29], [sflag:$0x4], $0x10, s28, s20, $0xb8;
	[tilespmem:$0x1F300] =	vst v63  }
0x6d: {  	s28 =	rddreg [dreg:$0x11]  }
0x6e: {  	[spmem:s2] =	stream.indirect.scatter.add.f32 [tilespmem:s5], [sflag:$0x4], $0x10, s1, s20, $0xb8;
	[tilespmem:$0x1F300] =	vst v63  }
0x6f: {  	s29 =	rddreg [dreg:$0x12]  }
0x70: {  	[spmem:s2] =	stream.indirect.scatter.add.f32 [tilespmem:s29], [sflag:$0x4], $0x10, s28, s20, $0xb8;
	[tilespmem:$0x1F300] =	vst v63  }
0x71: {  	s28 =	rddreg [dreg:$0x16]  }
0x72: {  	s26 =	simm.s32 $0xC0;
	s29 =	rddreg [dreg:$0x15]  }
0x73: {  	[spmem:s2] =	stream.indirect.scatter.add.f32 [tilespmem:s9], [sflag:$0x4], $0x10, s31, s20, $0xb8;
	[tilespmem:$0x1F300] =	vst v63  }
.LBB2_2:
0x74: {  	[spmem:s2] =	stream.indirect.scatter.add.f32 [tilespmem:s28], [sflag:$0x4], $0x10, s29, s20, $0xb8;
	[tilespmem:$0x1F300] =	vst v63  }
0x75: {  	_ =	swait.ge [sflag:s23], $0x800  }
0x76: {  	[sflag:s23] =	ssyncset.done $0x0  }
0x77: {  	[sflag:s23] =	ssyncadd.s32 $0xFFFFF800  }
0x78: {  	_ =	swait.ge [sflag:s23], $0x800  }
0x79: {  	[sflag:s23] =	ssyncset.done $0x0  }
0x7a: {  	[sflag:s23] =	ssyncadd.s32 $0xFFFFF800  }
0x7b: {  	_ =	swait.ge [sflag:s23], $0x800  }
0x7c: {  	[sflag:s23] =	ssyncset.done $0x0  }
0x7d: {  	[sflag:s23] =	ssyncadd.s32 $0xFFFFF800  }
0x7e: {  	_ =	swait.ge [sflag:s23], $0x800  }
0x7f: {  	[sflag:s23] =	ssyncset.done $0x0  }
0x80: {  	[sflag:s23] =	ssyncadd.s32 $0xFFFFF800  }
0x81: {  	_ =	swait.ge [sflag:s23], $0x800  }
0x82: {  	[sflag:s23] =	ssyncset.done $0x0  }
0x83: {  	[sflag:s23] =	ssyncadd.s32 $0xFFFFF800  }
0x84: {  	s28 =	smov.u32 s26;
	_ =	swait.ge [sflag:s23], $0x800  }
0x85: {  	s29 =	sadd.s32 s28, s7;
	[sflag:s23] =	ssyncset.done $0x0  }
0x86: {  	s29 =	sadd.s32 $0x60, s29;
	[sflag:s23] =	ssyncadd.s32 $0xFFFFF800  }
0x87: {  	[tilespmem:s16], [sflag:$0x5] =	stream.linear.gather [hbm4b:s29+s3], $0x300, $0x38;
	[tilespmem:$0x1F300] =	vst v63  }
0x88: {  	_ =	swait.ge [sflag:s11], $0x300  }
0x89: {  	s30 =	sadd.s32 s28, s8;
	[sflag:s11] =	ssyncset.done $0x0  }
0x8a: {  	s29 =	sadd.s32 $0x60, s30;
	[sflag:s11] =	ssyncadd.s32 $0xFFFFFD00  }
0x8b: {  	[tilespmem:s17], [sflag:$0x5] =	stream.linear.gather [hbm4b:s29+s3], $0x300, $0x38;
	[tilespmem:$0x1F300] =	vst v63  }
0x8c: {  	_ =	swait.ge [sflag:s11], $0x300  }
0x8d: {  	[sflag:s11] =	ssyncset.done $0x0  }
0x8e: {  	[sflag:s11] =	ssyncadd.s32 $0xFFFFFD00  }
0x8f: {  	[tilespmem:s18], [sflag:$0x3] =	stream.indirect.gather [hbm4b:s4+s14], $0x10, s16, s14, $0xb8;
	[tilespmem:$0x1F300] =	vst v63  }
0x90: {  	_ =	swait.ge [sflag:s19], $0x3000  }
0x91: {  	s29 =	rddreg [dreg:$0x7]  }
0x92: {  	s30 =	rddreg [dreg:$0x5]  }
0x93: {  	s31 =	rddreg [dreg:$0x6]  }
0x94: {  	[sflag:s19] =	ssyncset.done $0x0;
	s0 =	rddreg [dreg:$0x3]  }
0x95: {  	s1 =	rddreg [dreg:$0x4];
	[sflag:s19] =	ssyncadd.s32 $0xFFFFD000  }
0x96: {  	[spmem:s2] =	stream.indirect.scatter.add.f32 [tilespmem:s15], [sflag:$0x2], $0x10, s13, s20, $0xb8;
	[tilespmem:$0x1F300] =	vst v63  }
0x97: {  	s5 =	rddreg [dreg:$0x9]  }
0x98: {  	[spmem:s2] =	stream.indirect.scatter.add.f32 [tilespmem:s1], [sflag:$0x2], $0x10, s0, s20, $0xb8;
	[tilespmem:$0x1F300] =	vst v63  }
0x99: {  	s9 =	rddreg [dreg:$0xc]  }
0x9a: {  	[spmem:s2] =	stream.indirect.scatter.add.f32 [tilespmem:s31], [sflag:$0x2], $0x10, s30, s20, $0xb8;
	[tilespmem:$0x1F300] =	vst v63  }
0x9b: {  	s1 =	rddreg [dreg:$0x8]  }
0x9c: {  	[spmem:s2] =	stream.indirect.scatter.add.f32 [tilespmem:s1], [sflag:$0x2], $0x10, s29, s20, $0xb8;
	[tilespmem:$0x1F300] =	vst v63  }
0x9d: {  	s30 =	rddreg [dreg:$0xa]  }
0x9e: {  	[spmem:s2] =	stream.indirect.scatter.add.f32 [tilespmem:s30], [sflag:$0x2], $0x10, s5, s20, $0xb8;
	[tilespmem:$0x1F300] =	vst v63  }
0x9f: {  	s31 =	rddreg [dreg:$0xb]  }
0xa0: {  	[spmem:s2] =	stream.indirect.scatter.add.f32 [tilespmem:s9], [sflag:$0x2], $0x10, s31, s20, $0xb8;
	[tilespmem:$0x1F300] =	vst v63  }
0xa1: {  	_ =	swait.ge [sflag:s21], $0x800  }
0xa2: {  	[sflag:s21] =	ssyncset.done $0x0  }
0xa3: {  	[sflag:s21] =	ssyncadd.s32 $0xFFFFF800  }
0xa4: {  	_ =	swait.ge [sflag:s21], $0x800  }
0xa5: {  	[sflag:s21] =	ssyncset.done $0x0  }
0xa6: {  	[sflag:s21] =	ssyncadd.s32 $0xFFFFF800  }
0xa7: {  	_ =	swait.ge [sflag:s21], $0x800  }
0xa8: {  	[sflag:s21] =	ssyncset.done $0x0  }
0xa9: {  	[sflag:s21] =	ssyncadd.s32 $0xFFFFF800  }
0xaa: {  	_ =	swait.ge [sflag:s21], $0x800  }
0xab: {  	[sflag:s21] =	ssyncset.done $0x0  }
0xac: {  	[sflag:s21] =	ssyncadd.s32 $0xFFFFF800  }
0xad: {  	_ =	swait.ge [sflag:s21], $0x800  }
0xae: {  	[sflag:s21] =	ssyncset.done $0x0  }
0xaf: {  	p1 =	seq.s32 s28, $0x30C0;
	[sflag:s21] =	ssyncadd.s32 $0xFFFFF800  }
0xb0: {  	s0 =	sadd.s32 @!p1 s28, s7;
	_ =	swait.ge [sflag:s21], $0x800  }
0xb1: {  	s0 =	sadd.s32 @!p1 $0xC0, s0;
	s1 =	simm.s32 @!p1 $0x0;
	[sflag:s21] =	ssyncset.done $0x0  }
0xb2: {  	s5 =	simm.s32 @!p1 $0x18700;
	s9 =	simm.s32 @!p1 $0x5;
	[sflag:s21] =	ssyncadd.s32 $0xFFFFF800  }
0xb3: {  	[tilespmem:s5], [sflag:$0x5] =	stream.linear.gather @!p1 [hbm4b:s0+s1], $0x300, $0x38;
	[tilespmem:$0x1F300] =	vst v63  }
0xb4: {  	_ =	swait.ge @!p1 [sflag:s9], $0x300  }
0xb5: {  	s28 =	sadd.s32 @!p1 s28, s8;
	[sflag:s9] =	ssyncset.done @!p1 $0x0  }
0xb6: {  	s28 =	sadd.s32 @!p1 $0xC0, s28;
	s29 =	simm.s32 @!p1 $0x18A00;
	[sflag:s9] =	ssyncadd.s32 @!p1 $0xFFFFFD00  }
0xb7: {  	[tilespmem:s29], [sflag:$0x5] =	stream.linear.gather @!p1 [hbm4b:s28+s1], $0x300, $0x38;
	[tilespmem:$0x1F300] =	vst v63  }
0xb8: {  	_ =	swait.ge @!p1 [sflag:s9], $0x300  }
0xb9: {  	[sflag:s9] =	ssyncset.done @!p1 $0x0  }
0xba: {  	s30 =	simm.s32 @!p1 $0x18D00;
	s0 =	simm.s32 @!p1 $0x300;
	[sflag:s9] =	ssyncadd.s32 @!p1 $0xFFFFFD00  }
0xbb: {  	[tilespmem:s30], [sflag:$0x1] =	stream.indirect.gather @!p1 [hbm4b:s4+s0], $0x10, s5, s0, $0xb8;
	[tilespmem:$0x1F300] =	vst v63  }
0xbc: {  	_ =	swait.ge [sflag:s22], $0x3000  }
0xbd: {  	s28 =	rddreg [dreg:$0x16]  }
0xbe: {  	s0 =	rddreg [dreg:$0xf]  }
0xbf: {  	s1 =	rddreg [dreg:$0x10]  }
0xc0: {  	[sflag:s22] =	ssyncset.done $0x0;
	s9 =	rddreg [dreg:$0xd]  }
0xc1: {  	s31 =	rddreg [dreg:$0xe];
	[sflag:s22] =	ssyncadd.s32 $0xFFFFD000  }
0xc2: {  	[spmem:s2] =	stream.indirect.scatter.add.f32 [tilespmem:s18], [sflag:$0x4], $0x10, s17, s20, $0xb8;
	[tilespmem:$0x1F300] =	vst v63  }
0xc3: {  	s26 =	sadd.s32 $0xC0, s26;
	s29 =	rddreg [dreg:$0x11]  }
0xc4: {  	[spmem:s2] =	stream.indirect.scatter.add.f32 [tilespmem:s31], [sflag:$0x4], $0x10, s9, s20, $0xb8;
	[tilespmem:$0x1F300] =	vst v63  }
0xc5: {  	p0 =	sne.s32 s26, $0x3180;
	s30 =	rddreg [dreg:$0x14]  }
0xc6: {  	[spmem:s2] =	stream.indirect.scatter.add.f32 [tilespmem:s1], [sflag:$0x4], $0x10, s0, s20, $0xb8;
	[tilespmem:$0x1F300] =	vst v63  }
.Ltmp0:
0xc7: {  	s9 =	rddreg [dreg:$0x12];
	(pc) =	sbr.rel @p0 .LBB2_2-.Ltmp0, $4  }
0xc8: {  	s31 =	rddreg [dreg:$0x13]  }
0xc9: {  	[spmem:s2] =	stream.indirect.scatter.add.f32 [tilespmem:s9], [sflag:$0x4], $0x10, s29, s20, $0xb8;
	[tilespmem:$0x1F300] =	vst v63  }
0xca: {  	s29 =	rddreg [dreg:$0x15]  }
0xcb: {  	[spmem:s2] =	stream.indirect.scatter.add.f32 [tilespmem:s30], [sflag:$0x4], $0x10, s31, s20, $0xb8;
	[tilespmem:$0x1F300] =	vst v63  }
0xcc: {  	[spmem:s2] =	stream.indirect.scatter.add.f32 [tilespmem:s28], [sflag:$0x4], $0x10, s29, s20, $0xb8;
	[tilespmem:$0x1F300] =	vst v63  }
0xcd: {  	_ =	swait.ge [sflag:s23], $0x800  }
0xce: {  	[sflag:s23] =	ssyncset.done $0x0  }
0xcf: {  	[sflag:s23] =	ssyncadd.s32 $0xFFFFF800  }
0xd0: {  	_ =	swait.ge [sflag:s23], $0x800  }
0xd1: {  	[sflag:s23] =	ssyncset.done $0x0  }
0xd2: {  	[sflag:s23] =	ssyncadd.s32 $0xFFFFF800  }
0xd3: {  	_ =	swait.ge [sflag:s23], $0x800  }
0xd4: {  	[sflag:s23] =	ssyncset.done $0x0  }
0xd5: {  	[sflag:s23] =	ssyncadd.s32 $0xFFFFF800  }
0xd6: {  	_ =	swait.ge [sflag:s23], $0x800  }
0xd7: {  	[sflag:s23] =	ssyncset.done $0x0  }
0xd8: {  	[sflag:s23] =	ssyncadd.s32 $0xFFFFF800  }
0xd9: {  	_ =	swait.ge [sflag:s23], $0x800  }
0xda: {  	[sflag:s23] =	ssyncset.done $0x0  }
0xdb: {  	[sflag:s23] =	ssyncadd.s32 $0xFFFFF800  }
0xdc: {  	_ =	swait.ge [sflag:s23], $0x800  }
0xdd: {  	[sflag:s23] =	ssyncset.done $0x0  }
0xde: {  	[sflag:s23] =	ssyncadd.s32 $0xFFFFF800  }
0xdf: {  	[bflag:$0x0] =	sbarrier.arrive $0xFFFF  }
0xe0: {  	[hbm:s24], [sflag:s6] =	dma.local [spmem:s10], $0x30E0  }
0xe1: {  	_ =	swait.ge [sflag:s11], $0x30E0  }
0xe2: {  	s25 =	sadd.s32 $0x1, s25;
	s0 =	rddreg [dreg:$0x18]  }
0xe3: {  	p0 =	sne.s32 s25, s0  }
.Ltmp1:
0xe4: {  	_ = 	snop;
	(pc) =	sbr.rel @p0 .LBB2_1-.Ltmp1, $3  }
0xe5: {  	_ =	sdelay $0x1  }
0xe6: {  	[sflag:s11] =	ssyncset.done $0x0  }
0xe7: {  	[sflag:s11] =	ssyncadd.s32 $0xFFFFCF20  }
0xe8: {  	_ =	sfence.sel $0x180000  }
0xe9: {  	[bflag:$0x0] =	sbarrier.arrive $0xFFFF  }
0xea: {  	_ =	strace $0x9000004A  }
0xeb: {  	s0 =	stileid.u32;
	[bflag:$0x2] =	sbarrier.arrive $0xFFFF  }
0xec: {  	p0 =	sne.s32 s0, $0x0;
	s0 =	rddreg [dreg:$0x2]  }
0xed: {  	s0 =	sadd.s32 @!p0 $0x100000, s0  }
0xee: {  	[sflag:s0] =	ssyncadd.tile.s32 @!p0 $0x1;
	_ =	shalt  }
.Lfunc_end2:
_tile_overlayer_lowered:
.L_overlay_start_2:
0xef: {  	(tag) =	ssettag $0x2  }
0xf0: {  	s0 =	rddreg [dreg:$0x0];
	s2 =	stileid.u32  }
0xf1: {  	s1 =	rddreg [dreg:$0x1];
	p0 =	sne.s32 s2, $0x0  }
0xf2: {  	s3 =	rddreg [dreg:$0x2];
	[bflag:$0x3] =	sbarrier.arrive $0xFFFF;
	s2 =	simm.s32 @!p0 $0x1C05  }
0xf3: {  	[timem:s3], [sflag:s2] =	dma.local @!p0 [hbm:s0], s1  }
0xf4: {  	s0 =	simm.s32 @!p0 $0x5  }
0xf5: {  	_ =	swait.ge @!p0 [sflag:s0], s1  }
0xf6: {  	s1 =	ssub.s32 @!p0 $0x0, s1;
	[sflag:s0] =	ssyncset.done @!p0 $0x0  }
0xf7: {  	[sflag:s0] =	ssyncadd.s32 @!p0 s1  }
0xf8: {  	[bflag:$0x3] =	sbarrier.arrive $0xFFFF  }
0xf9: {  	_ =	shalt  }

// kernel: kernel.16.cloned.1.call-start
scs
__scs_entry_jumppad:
0x0: {  	(pc) =	sbr.rel $0x88, $3  }
0x1: {  	(tag) =	ssettag $0x0;
	lr =	simm.s32 $0x1  }
0x2: {  	[smem:$0x3F91] =	sst lr;
	_ =	strace $0xD0000000  }
0x3: {  	_ = 	snop  }
0x4: {  	_ = 	snop  }
0x5: {  	_ = 	snop  }
0x6: {  	_ = 	snop  }
0x7: {  	_ = 	snop  }
__scs_overlays_trampoline_lowered:
0x8: {  	[smem:$0x3FA0] =	sst s0  }
0x9: {  	[smem:$0x3FA1] =	sst s1  }
0xa: {  	[smem:$0x3FA2] =	sst s2  }
0xb: {  	[smem:$0x3FA3] =	sst s3  }
0xc: {  	[smem:$0x3FA4] =	sst s4  }
0xd: {  	[smem:$0x3FA5] =	sst s5  }
0xe: {  	[smem:$0x3FA6] =	sst s6  }
0xf: {  	[smem:$0x3FA7] =	sst s7  }
0x10: {  	[smem:$0x3FA8] =	sst s8  }
0x11: {  	[smem:$0x3FA9] =	sst s9;
	s0 =	simm.s32 @!p0 $0x0  }
0x12: {  	s1 =	sld [smem:$0x3F8F];
	s0 =	simm.s32 @p0 $0x1  }
0x13: {  	[smem:$0x3FAA] =	sst s0;
	s0 =	simm.s32 @!p1 $0x0  }
0x14: {  	s2 =	sld [smem:$0x3F8E];
	s0 =	simm.s32 @p1 $0x1  }
0x15: {  	[smem:$0x3FAB] =	sst s0;
	s0 =	simm.s32 @!p2 $0x0  }
0x16: {  	s3 =	sld [smem:$0x3FDB];
	s0 =	simm.s32 @p2 $0x1  }
0x17: {  	s4 =	simm.s32 $0x1BF5;
	[smem:$0x3FAD] =	sst s0  }
0x18: {  	s0 =	sld [smem:$0x3F90];
	_ =	swait.ge [sflag:s4], $0x0  }
0x19: {  	s7 =	sld [smem:$0x3F91]  }
0x1a: {  	s8 =	sadd.s32 $0xFFFFE003, lr  }
0x1b: {  	s9 =	sadd.s32 $0xFFFFFEF7, lr;
	s5 =	simm.s32 $0xFFFFFFFF;
	p2 =	slt.u32 s8, $0xFFFFF086  }
0x1c: {  	p1 =	slt.u32 s9, $0xF7A;
	s5 =	simm.s32 @!p2 $0x0  }
0x1d: {  	s5 =	simm.s32 @p1 $0x1;
	p0 =	seq.s32 s7, s2  }
0x1e: {  	s7 =	smul.u32 @!p0 $0xF7A, s2;
	p2 =	seq.s32 @!p0 s5, $0x0  }
0x1f: {  	s9 =	smul.u32 $0xF7A, s1;
	s8 =	simm.s32 @!p0 $0x1BF5;
	p2 =	por !p2, p0  }
0x20: {  	[sflag:s8] =	ssyncset.s32 @!p0 $0xFFFFF086;
	s6 =	sadd.s32 @!p0 s3, s7;
	s7 =	simm.s32 @!p0 $0x108  }
0x21: {  	s3 =	sadd.s32 s3, s9;
	s6 =	sadd.s32 @!p0 $0x88, s6;
	s7 =	simm.s32 @p2 $0x1082  }
0x22: {  	[simem:s7], [sflag:s8] =	dma.local @!p0 [hbm:s6], $0xF7A  }
0x23: {  	s9 =	sor.u32 $0xD0000000, s2;
	s6 =	simm.s32 $0x108;
	_ =	swait.ge @!p0 [sflag:s8], $0x0  }
0x24: {  	s3 =	sadd.s32 $0x88, s3;
	s6 =	simm.s32 @!p1 $0x1082;
	[sflag:s4] =	ssyncset.s32 $0xFFFFF086  }
0x25: {  	[simem:s6], [sflag:s4] =	dma.local [hbm:s3], $0xF7A  }
0x26: {  	[smem:$0x3F91] =	sst s1;
	(tag) =	ssettag s2;
	_ =	strace s9  }
0x27: {  	s1 =	sld [smem:$0x3FA1]  }
0x28: {  	s2 =	sld [smem:$0x3FA2]  }
0x29: {  	s4 =	sld [smem:$0x3FA4]  }
0x2a: {  	p0 =	seq.s32 s5, $0x0;
	s5 =	sld [smem:$0x3FA5]  }
0x2b: {  	s6 =	sld [smem:$0x3FA6]  }
0x2c: {  	s7 =	sld [smem:$0x3FA7]  }
0x2d: {  	s3 =	simm.s32 $0x108;
	s8 =	sld [smem:$0x3FA8]  }
0x2e: {  	s3 =	simm.s32 @!p0 $0x1082;
	s9 =	sld [smem:$0x3FA9]  }
0x2f: {  	lr =	sadd.s32 s0, s3;
	s0 =	sld [smem:$0x3FA0]  }
0x30: {  	s3 =	sld [smem:$0x3FA3]  }
0x31: {  	[smem:$0x3FAC] =	sst s10  }
0x32: {  	s10 =	sld [smem:$0x3FAA];
	_ =	sdelay $0x3  }
0x33: {  	p0 =	seq.s32 s10, $0x1;
	s10 =	sld [smem:$0x3FAC];
	_ =	sdelay $0x3  }
0x34: {  	[smem:$0x3FAC] =	sst s10  }
0x35: {  	s10 =	sld [smem:$0x3FAB];
	_ =	sdelay $0x3  }
0x36: {  	p1 =	seq.s32 s10, $0x1;
	s10 =	sld [smem:$0x3FAC];
	_ =	sdelay $0x3  }
0x37: {  	[smem:$0x3FAC] =	sst s10  }
0x38: {  	s10 =	sld [smem:$0x3FAD]  }
0x39: {  	_ = 	snop;
	(pc) =	sbr.ind lr, $3  }
0x3a: {  	_ = 	snop  }
0x3b: {  	_ = 	snop  }
0x3c: {  	p2 =	seq.s32 s10, $0x1;
	s10 =	sld [smem:$0x3FAC]  }
0x3d: {  	_ =	shalt  }
0x3e: {  	_ =	shalt  }
0x3f: {  	_ =	shalt  }
0x40: {  	_ =	shalt  }
0x41: {  	_ =	shalt  }
0x42: {  	_ =	shalt  }
0x43: {  	_ =	shalt  }
0x44: {  	_ =	shalt  }
0x45: {  	_ =	shalt  }
0x46: {  	_ =	shalt  }
0x47: {  	_ =	shalt  }
0x48: {  	_ =	shalt  }
0x49: {  	_ =	shalt  }
0x4a: {  	_ =	shalt  }
0x4b: {  	_ =	shalt  }
0x4c: {  	_ =	shalt  }
0x4d: {  	_ =	shalt  }
0x4e: {  	_ =	shalt  }
0x4f: {  	_ =	shalt  }
0x50: {  	_ =	shalt  }
0x51: {  	_ =	shalt  }
0x52: {  	_ =	shalt  }
0x53: {  	_ =	shalt  }
0x54: {  	_ =	shalt  }
0x55: {  	_ =	shalt  }
0x56: {  	_ =	shalt  }
0x57: {  	_ =	shalt  }
0x58: {  	_ =	shalt  }
0x59: {  	_ =	shalt  }
0x5a: {  	_ =	shalt  }
0x5b: {  	_ =	shalt  }
0x5c: {  	_ =	shalt  }
0x5d: {  	_ =	shalt  }
0x5e: {  	_ =	shalt  }
0x5f: {  	_ =	shalt  }
0x60: {  	_ =	shalt  }
0x61: {  	_ =	shalt  }
0x62: {  	_ =	shalt  }
0x63: {  	_ =	shalt  }
0x64: {  	_ =	shalt  }
0x65: {  	_ =	shalt  }
0x66: {  	_ =	shalt  }
0x67: {  	_ =	shalt  }
0x68: {  	_ =	shalt  }
0x69: {  	_ =	shalt  }
0x6a: {  	_ =	shalt  }
0x6b: {  	_ =	shalt  }
0x6c: {  	_ =	shalt  }
0x6d: {  	_ =	shalt  }
0x6e: {  	_ =	shalt  }
0x6f: {  	_ =	shalt  }
0x70: {  	_ =	shalt  }
0x71: {  	_ =	shalt  }
0x72: {  	_ =	shalt  }
0x73: {  	_ =	shalt  }
0x74: {  	_ =	shalt  }
0x75: {  	_ =	shalt  }
0x76: {  	_ =	shalt  }
0x77: {  	_ =	shalt  }
0x78: {  	_ =	shalt  }
0x79: {  	_ =	shalt  }
0x7a: {  	_ =	shalt  }
0x7b: {  	_ =	shalt  }
0x7c: {  	_ =	shalt  }
0x7d: {  	_ =	shalt  }
0x7e: {  	_ =	shalt  }
0x7f: {  	_ =	shalt  }
0x80: {  	_ =	shalt  }
0x81: {  	_ =	shalt  }
0x82: {  	_ =	shalt  }
0x83: {  	_ =	shalt  }
0x84: {  	_ =	shalt  }
0x85: {  	_ =	shalt  }
0x86: {  	_ =	shalt  }
0x87: {  	_ =	shalt  }
.Lfunc_end0:
.L_simem_size_0:
called_computation.2_lowered:
.L_overlay_start_0:
0x88: {  	s2 =	sld [smem:$0x3FD9]  }
0x89: {  	s3 =	sld [smem:$0x3FFE];
	_ =	sdelay $0x1  }
0x8a: {  	s1 =	srdreg.scid  }
0x8b: {  	s0 =	sand.u32 $0x1, s1  }
0x8c: {  	s16 =	sshll.u32 s0, $0xA;
	s2 =	sadd.s32 s3, s2  }
0x8d: {  	s2 =	sadd.s32 s2, s16  }
0x8e: {  	[smem:$0x3FB8] =	sst s2  }
0x8f: {  	_ = 	snop  }
0x90: {  	(tm) =	ssettm $0x1  }
0x91: {  	s17 =	sld [smem:$0x3FFB];
	_ =	sdelay $0x3  }
0x92: {  	_ =	strace s17  }
0x93: {  	s2 =	sld [smem:$0x3FFC];
	_ =	sdelay $0x3  }
0x94: {  	_ =	strace s2  }
0x95: {  	s2 =	sld [smem:$0x3FFD];
	_ =	sdelay $0x3  }
0x96: {  	_ =	strace s2  }
0x97: {  	_ =	strace $0x8FFFFFFF  }
0x98: {  	s18 =	sld [smem:$0x3FDB];
	_ =	sdelay $0x1  }
0x99: {  	s19 =	simm.s32 $_scs_section_size  }
0x9a: {  	s4 =	simm.s32 $_size__tile_overlayer_lowered;
	s5 =	simm.s32 $_tile_overlayer_lowered  }
0x9b: {  	s22 =	simm.s32 $0x1BFF;
	s21 =	sshll.u32 s5, $0x1;
	s2 =	sadd.s32 s19, s18  }
0x9c: {  	s6 =	simm.s32 $0x0;
	s20 =	sshll.u32 s4, $0x1;
	s4 =	sadd.s32 s21, s2  }
0x9d: {  	[timem:s6], [sflag:s22] =	dma.local [hbm:s4], s20  }
0x9e: {  	_ =	swait.ge [sflag:s22], s20  }
0x9f: {  	s3 =	ssub.s32 $0x0, s20;
	[sflag:s22] =	ssyncset.done $0x0  }
0xa0: {  	[sflag:s22] =	ssyncadd.s32 s3;
	_ =	sdelay $0x1  }
0xa1: {  	s23 =	simm.s32 $0x1B8B  }
0xa2: {  	_ =	swait.ge [sflag:s23], $0x1  }
0xa3: {  	[sflag:s23] =	ssyncset.done $0x0  }
0xa4: {  	s25 =	simm.s32 $0x1B8E;
	s24 =	sld [smem:$0x3FFE];
	[sflag:s23] =	ssyncadd.s32 $0xFFFFFFFF  }
0xa5: {  	s26 =	simm.s32 $execute0_lowered;
	[smem:$0x3FD2] =	sst s25  }
0xa6: {  	s4 =	sshll.u32 s26, $0x1;
	_ =	strace $0x8000004C;
	[dreg:$0x1] =	wrdreg $0xFFFFFFFF  }
0xa7: {  	s28 =	simm.s32 $_size_execute0_lowered;
	s2 =	sadd.s32 s2, s4;
	[dreg:$0x0] =	wrdreg $0x0  }
0xa8: {  	s4 =	sshll.u32 s28, $0x1;
	[dreg:$0x2] =	wrdreg s2  }
0xa9: {  	[dreg:$0x3] =	wrdreg s4  }
0xaa: {  	[dreg:$0x4] =	wrdreg $0xC0  }
0xab: {  	_ =	task [dreg:s6], $0x5FFFF  }
0xac: {  	[dreg:$0x1] =	wrdreg $0xFFFFFFFF  }
0xad: {  	[dreg:$0x0] =	wrdreg $0x60  }
0xae: {  	[dreg:$0x2] =	wrdreg s24  }
0xaf: {  	[dreg:$0x3] =	wrdreg $0x0  }
0xb0: {  	[dreg:$0x4] =	wrdreg $0x9  }
0xb1: {  	_ =	task.clear_ibuf [dreg:s6], $0x5FFFF;
	_ =	strace $0x9000004C  }
0xb2: {  	s29 =	simm.s32 $0x9;
	_ =	strace $0x8000004E  }
0xb3: {  	_ =	swait.ge [sflag:s29], $0x1  }
0xb4: {  	[sflag:s29] =	ssyncadd.s32 $0xFFFFFFFF  }
0xb5: {  	_ =	strace $0x9000004E  }
0xb6: {  	_ =	sfence  }
0xb7: {  	s30 =	sld [smem:$0x0];
	_ =	sdelay $0x2  }
0xb8: {  	s31 =	sshll.u32 s1, $0xD;
	s1 =	sshrl.u32 s1, $0x2  }
0xb9: {  	s3 =	sand.u32 $0x4000, s31;
	s1 =	sadd.s32 s1, s30  }
0xba: {  	s0 =	sor.u32 s3, s0;
	s1 =	sshll.u32 s1, $0x11  }
0xbb: {  	s0 =	sor.u32 s1, s0  }
0xbc: {  	s0 =	sadd.s32 $0x8F2B, s0  }
0xbd: {  	[sflag:s0] =	ssyncadd.remote.s32 $0x1  }
0xbe: {  	_ =	sfence.sel $0xFFFF  }
0xbf: {  	[dreg:$0x0] =	wrdreg $0xFFFFFFFF;
	(pc) =	sbr.abs _section_cstart, $3  }
0xc0: {  	[dreg:$0x1] =	wrdreg $0xFFFFFFFF  }
0xc1: {  	_ =	task.clear_ibuf [dreg:s6], $0x2FFFF;
	_ =	strace $0x9FFFFFFF  }
0xc2: {  	(tm) =	ssettm $0x7FFFFFFF  }
0xc3: {  	_ =	shalt  }
tec
execute0_lowered:
.L_overlay_start_1:
0x0: {  	(tag) =	ssettag $0x1  }
0x1: {  	s4 =	rddreg [dreg:$0x0]  }
0x2: {  	s2 =	rddreg [dreg:$0x1];
	s3 =	simm.s32 $0x0  }
0x3: {  	s16 =	simm.s32 $0x18A80;
	[smem:$0x7FF] =	sst s3  }
0x4: {  	s17 =	simm.s32 $0x19500;
	_ =	strace $0x8000004D;
	[dreg:$0x3] =	wrdreg s16  }
0x5: {  	s18 =	simm.s32 $0x18B00;
	[dreg:$0x4] =	wrdreg s17  }
0x6: {  	s20 =	simm.s32 $0x19D00;
	[dreg:$0x5] =	wrdreg s18  }
0x7: {  	s0 =	stileid.u32;
	s21 =	simm.s32 $0x18B80;
	[dreg:$0x6] =	wrdreg s20  }
0x8: {  	s5 =	srdreg.scid;
	s22 =	simm.s32 $0x1A500;
	[dreg:$0x7] =	wrdreg s21  }
0x9: {  	s23 =	simm.s32 $0x18C00;
	s26 =	simm.s32 $0x1AD00;
	[dreg:$0x8] =	wrdreg s22  }
0xa: {  	s29 =	simm.s32 $0x18C80;
	s30 =	simm.s32 $0x1B500;
	[dreg:$0x9] =	wrdreg s23  }
0xb: {  	s31 =	simm.s32 $0x1C080;
	s14 =	simm.s32 $0x1CB00;
	[dreg:$0xa] =	wrdreg s26  }
0xc: {  	s15 =	simm.s32 $0x1C100;
	s6 =	smul.u32 $0x3180, s0;
	[dreg:$0xb] =	wrdreg s29  }
0xd: {  	s5 =	sand.u32 $0x1, s5;
	s9 =	smul.u32 $0x18700, s0;
	[dreg:$0xc] =	wrdreg s30  }
0xe: {  	s19 =	sshll.u32 s0, $0x6;
	s7 =	smul.u32 $0x30E00, s5;
	[dreg:$0xd] =	wrdreg s31  }
0xf: {  	s5 =	ssub.s32 $0x2, s5;
	[dreg:$0xe] =	wrdreg s14;
	s14 =	simm.s32 $0x300  }
0x10: {  	[dreg:$0xf] =	wrdreg s15;
	s16 =	simm.s32 $0x1D300;
	s15 =	simm.s32 $0x18D00  }
0x11: {  	s17 =	simm.s32 $0x1C180;
	s18 =	simm.s32 $0x1DB00;
	s20 =	simm.s32 $0x1E300  }
0x12: {  	s21 =	simm.s32 $0x1C280;
	s23 =	simm.s32 $0x1EB00;
	s22 =	simm.s32 $0x3  }
0x13: {  	s8 =	sshrl.u32 s5, $0x1;
	s10 =	sadd.s32 s6, s4;
	[dreg:$0x10] =	wrdreg s16  }
0x14: {  	s13 =	sadd.s32 s9, s2;
	s24 =	sshrl.u32 s9, $0x3;
	[dreg:$0x11] =	wrdreg s17  }
0x15: {  	s6 =	sor.u32 $0x1C05, s19;
	s16 =	simm.s32 $0x1BD00;
	[dreg:$0x12] =	wrdreg s18  }
0x16: {  	s17 =	simm.s32 $0x1C000;
	s19 =	simm.s32 $0x1C200;
	[dreg:$0x14] =	wrdreg s20  }
0x17: {  	s18 =	simm.s32 $0x1C300;
	s20 =	simm.s32 $0x80;
	[dreg:$0x15] =	wrdreg s21  }
0x18: {  	s21 =	simm.s32 $0x2;
	[dreg:$0x16] =	wrdreg s23;
	s23 =	simm.s32 $0x4  }
0x19: {  	s11 =	sadd.s32 s7, s4;
	s12 =	ssub.s32 s5, s8;
	s7 =	sadd.s32 $0x1E00, s10  }
0x1a: {  	s8 =	sadd.s32 $0x33600, s10;
	s10 =	sshrl.u32 s13, $0x3;
	s13 =	simm.s32 $0x18A00  }
0x1b: {  	[dreg:$0x13] =	wrdreg s19;
	s19 =	simm.s32 $0x1;
	s4 =	sadd.s32 $0x64E00, s11  }
0x1c: {  	s25 =	sadd.s32 $0xC6A00, s11;
	s28 =	smax.u32 s12, $0x1;
	s11 =	simm.s32 $0x5  }
0x1d: {  	s12 =	simm.s32 $0x18700;
	s1 =	sadd.s32 s24, s4;
	[dreg:$0x18] =	wrdreg s28  }
0x1e: {  	s24 =	sadd.s32 s24, s25;
	s25 =	simm.s32 $0x0;
	[dreg:$0x17] =	wrdreg s1  }
.LBB2_1:
0x1f: {  	s0 =	rddreg [dreg:$0x17]  }
0x20: {  	[spmem:s10], [sflag:s6] =	dma.local [hbm:s0], $0x30E0  }
0x21: {  	_ =	swait.ge [sflag:s11], $0x30E0  }
0x22: {  	[sflag:s11] =	ssyncset.done $0x0  }
0x23: {  	[sflag:s11] =	ssyncadd.s32 $0xFFFFCF20  }
0x24: {  	[bflag:$0x0] =	sbarrier.arrive $0xFFFF  }
0x25: {  	[tilespmem:s12], [sflag:$0x5] =	stream.linear.gather [hbm4b:s7+s3], $0x300, $0x38;
	[tilespmem:$0x1F300] =	vst v63  }
0x26: {  	_ =	swait.ge [sflag:s11], $0x300  }
0x27: {  	[sflag:s11] =	ssyncset.done $0x0  }
0x28: {  	[sflag:s11] =	ssyncadd.s32 $0xFFFFFD00  }
0x29: {  	[tilespmem:s13], [sflag:$0x5] =	stream.linear.gather [hbm4b:s8+s3], $0x300, $0x38;
	[tilespmem:$0x1F300] =	vst v63  }
0x2a: {  	_ =	swait.ge [sflag:s11], $0x300  }
0x2b: {  	[sflag:s11] =	ssyncset.done $0x0  }
0x2c: {  	s26 =	sadd.s32 $0x0, s7;
	[sflag:s11] =	ssyncadd.s32 $0xFFFFFD00  }
0x2d: {  	[tilespmem:s15], [sflag:$0x1] =	stream.indirect.gather [hbm4b:s4+s14], $0x10, s12, s14, $0xb8;
	[tilespmem:$0x1F300] =	vst v63  }
0x2e: {  	s26 =	sadd.s32 $0x60, s26  }
0x2f: {  	[tilespmem:s16], [sflag:$0x5] =	stream.linear.gather [hbm4b:s26+s3], $0x300, $0x38;
	[tilespmem:$0x1F300] =	vst v63  }
0x30: {  	_ =	swait.ge [sflag:s11], $0x300  }
0x31: {  	s0 =	sadd.s32 $0x0, s8;
	[sflag:s11] =	ssyncset.done $0x0  }
0x32: {  	s26 =	sadd.s32 $0x60, s0;
	[sflag:s11] =	ssyncadd.s32 $0xFFFFFD00  }
0x33: {  	[tilespmem:s17], [sflag:$0x5] =	stream.linear.gather [hbm4b:s26+s3], $0x300, $0x38;
	[tilespmem:$0x1F300] =	vst v63  }
0x34: {  	_ =	swait.ge [sflag:s11], $0x300  }
0x35: {  	[sflag:s11] =	ssyncset.done $0x0  }
0x36: {  	[sflag:s11] =	ssyncadd.s32 $0xFFFFFD00  }
0x37: {  	[tilespmem:s18], [sflag:$0x3] =	stream.indirect.gather [hbm4b:s4+s14], $0x10, s16, s14, $0xb8;
	[tilespmem:$0x1F300] =	vst v63  }
0x38: {  	_ =	swait.ge [sflag:s19], $0x3000  }
0x39: {  	s1 =	rddreg [dreg:$0x7]  }
0x3a: {  	s28 =	rddreg [dreg:$0x5]  }
0x3b: {  	s29 =	rddreg [dreg:$0x3]  }
0x3c: {  	[sflag:s19] =	ssyncset.done $0x0;
	s30 =	rddreg [dreg:$0x4]  }
0x3d: {  	s31 =	rddreg [dreg:$0x6];
	[sflag:s19] =	ssyncadd.s32 $0xFFFFD000  }
0x3e: {  	[spmem:s2] =	stream.indirect.scatter.add.f32 [tilespmem:s15], [sflag:$0x2], $0x10, s13, s20, $0xb8;
	[tilespmem:$0x1F300] =	vst v63  }
0x3f: {  	s5 =	rddreg [dreg:$0x8]  }
0x40: {  	[spmem:s2] =	stream.indirect.scatter.add.f32 [tilespmem:s30], [sflag:$0x2], $0x10, s29, s20, $0xb8;
	[tilespmem:$0x1F300] =	vst v63  }
0x41: {  	s9 =	rddreg [dreg:$0xa]  }
0x42: {  	[spmem:s2] =	stream.indirect.scatter.add.f32 [tilespmem:s31], [sflag:$0x2], $0x10, s28, s20, $0xb8;
	[tilespmem:$0x1F300] =	vst v63  }
0x43: {  	s0 =	rddreg [dreg:$0xb]  }
0x44: {  	[spmem:s2] =	stream.indirect.scatter.add.f32 [tilespmem:s5], [sflag:$0x2], $0x10, s1, s20, $0xb8;
	[tilespmem:$0x1F300] =	vst v63  }
0x45: {  	s29 =	rddreg [dreg:$0x9]  }
0x46: {  	[spmem:s2] =	stream.indirect.scatter.add.f32 [tilespmem:s9], [sflag:$0x2], $0x10, s29, s20, $0xb8;
	[tilespmem:$0x1F300] =	vst v63  }
0x47: {  	s28 =	rddreg [dreg:$0xc]  }
0x48: {  	[spmem:s2] =	stream.indirect.scatter.add.f32 [tilespmem:s28], [sflag:$0x2], $0x10, s0, s20, $0xb8;
	[tilespmem:$0x1F300] =	vst v63  }
0x49: {  	_ =	swait.ge [sflag:s21], $0x800  }
0x4a: {  	[sflag:s21] =	ssyncset.done $0x0  }
0x4b: {  	[sflag:s21] =	ssyncadd.s32 $0xFFFFF800  }
0x4c: {  	_ =	swait.ge [sflag:s21], $0x800  }
0x4d: {  	[sflag:s21] =	ssyncset.done $0x0  }
0x4e: {  	[sflag:s21] =	ssyncadd.s32 $0xFFFFF800  }
0x4f: {  	_ =	swait.ge [sflag:s21], $0x800  }
0x50: {  	[sflag:s21] =	ssyncset.done $0x0  }
0x51: {  	[sflag:s21] =	ssyncadd.s32 $0xFFFFF800  }
0x52: {  	_ =	swait.ge [sflag:s21], $0x800  }
0x53: {  	[sflag:s21] =	ssyncset.done $0x0  }
0x54: {  	[sflag:s21] =	ssyncadd.s32 $0xFFFFF800  }
0x55: {  	_ =	swait.ge [sflag:s21], $0x800  }
0x56: {  	[sflag:s21] =	ssyncset.done $0x0  }
0x57: {  	p0 =	por $0x0, $0x0;
	[sflag:s21] =	ssyncadd.s32 $0xFFFFF800  }
0x58: {  	s26 =	sadd.s32 @!p0 $0x0, s7;
	_ =	swait.ge [sflag:s21], $0x800  }
0x59: {  	s26 =	sadd.s32 @!p0 $0xC0, s26;
	s30 =	simm.s32 @!p0 $0x5;
	[sflag:s21] =	ssyncset.done $0x0  }
0x5a: {  	s29 =	simm.s32 @!p0 $0x18700;
	s28 =	simm.s32 @!p0 $0x0;
	[sflag:s21] =	ssyncadd.s32 $0xFFFFF800  }
0x5b: {  	[tilespmem:s29], [sflag:$0x5] =	stream.linear.gather @!p0 [hbm4b:s26+s28], $0x300, $0x38;
	[tilespmem:$0x1F300] =	vst v63  }
0x5c: {  	_ =	swait.ge @!p0 [sflag:s30], $0x300  }
0x5d: {  	s26 =	sadd.s32 @!p0 $0x0, s8;
	[sflag:s30] =	ssyncset.done @!p0 $0x0  }
0x5e: {  	s31 =	simm.s32 @!p0 $0x18A00;
	s26 =	sadd.s32 @!p0 $0xC0, s26;
	[sflag:s30] =	ssyncadd.s32 @!p0 $0xFFFFFD00  }
0x5f: {  	[tilespmem:s31], [sflag:$0x5] =	stream.linear.gather @!p0 [hbm4b:s26+s28], $0x300, $0x38;
	[tilespmem:$0x1F300] =	vst v63  }
0x60: {  	_ =	swait.ge @!p0 [sflag:s30], $0x300  }
0x61: {  	[sflag:s30] =	ssyncset.done @!p0 $0x0  }
0x62: {  	s26 =	simm.s32 @!p0 $0x300;
	s28 =	simm.s32 @!p0 $0x18D00;
	[sflag:s30] =	ssyncadd.s32 @!p0 $0xFFFFFD00  }
0x63: {  	[tilespmem:s28], [sflag:$0x1] =	stream.indirect.gather @!p0 [hbm4b:s4+s26], $0x10, s29, s26, $0xb8;
	[tilespmem:$0x1F300] =	vst v63  }
0x64: {  	_ =	swait.ge [sflag:s22], $0x3000  }
0x65: {  	s1 =	rddreg [dreg:$0xf]  }
0x66: {  	s28 =	rddreg [dreg:$0xd]  }
0x67: {  	s29 =	rddreg [dreg:$0xe]  }
0x68: {  	[sflag:s22] =	ssyncset.done $0x0;
	s5 =	rddreg [dreg:$0x10]  }
0x69: {  	s9 =	rddreg [dreg:$0x14];
	[sflag:s22] =	ssyncadd.s32 $0xFFFFD000  }
0x6a: {  	[spmem:s2] =	stream.indirect.scatter.add.f32 [tilespmem:s18], [sflag:$0x4], $0x10, s17, s20, $0xb8;
	[tilespmem:$0x1F300] =	vst v63  }
0x6b: {  	s31 =	rddreg [dreg:$0x13]  }
0x6c: {  	[spmem:s2] =	stream.indirect.scatter.add.f32 [tilespmem:s29], [sflag:$0x4], $0x10, s28, s20, $0xb8;
	[tilespmem:$0x1F300] =	vst v63  }
0x6d: {  	s28 =	rddreg [dreg:$0x11]  }
0x6e: {  	[spmem:s2] =	stream.indirect.scatter.add.f32 [tilespmem:s5], [sflag:$0x4], $0x10, s1, s20, $0xb8;
	[tilespmem:$0x1F300] =	vst v63  }
0x6f: {  	s29 =	rddreg [dreg:$0x12]  }
0x70: {  	[spmem:s2] =	stream.indirect.scatter.add.f32 [tilespmem:s29], [sflag:$0x4], $0x10, s28, s20, $0xb8;
	[tilespmem:$0x1F300] =	vst v63  }
0x71: {  	s28 =	rddreg [dreg:$0x16]  }
0x72: {  	s26 =	simm.s32 $0xC0;
	s29 =	rddreg [dreg:$0x15]  }
0x73: {  	[spmem:s2] =	stream.indirect.scatter.add.f32 [tilespmem:s9], [sflag:$0x4], $0x10, s31, s20, $0xb8;
	[tilespmem:$0x1F300] =	vst v63  }
.LBB2_2:
0x74: {  	[spmem:s2] =	stream.indirect.scatter.add.f32 [tilespmem:s28], [sflag:$0x4], $0x10, s29, s20, $0xb8;
	[tilespmem:$0x1F300] =	vst v63  }
0x75: {  	_ =	swait.ge [sflag:s23], $0x800  }
0x76: {  	[sflag:s23] =	ssyncset.done $0x0  }
0x77: {  	[sflag:s23] =	ssyncadd.s32 $0xFFFFF800  }
0x78: {  	_ =	swait.ge [sflag:s23], $0x800  }
0x79: {  	[sflag:s23] =	ssyncset.done $0x0  }
0x7a: {  	[sflag:s23] =	ssyncadd.s32 $0xFFFFF800  }
0x7b: {  	_ =	swait.ge [sflag:s23], $0x800  }
0x7c: {  	[sflag:s23] =	ssyncset.done $0x0  }
0x7d: {  	[sflag:s23] =	ssyncadd.s32 $0xFFFFF800  }
0x7e: {  	_ =	swait.ge [sflag:s23], $0x800  }
0x7f: {  	[sflag:s23] =	ssyncset.done $0x0  }
0x80: {  	[sflag:s23] =	ssyncadd.s32 $0xFFFFF800  }
0x81: {  	_ =	swait.ge [sflag:s23], $0x800  }
0x82: {  	[sflag:s23] =	ssyncset.done $0x0  }
0x83: {  	[sflag:s23] =	ssyncadd.s32 $0xFFFFF800  }
0x84: {  	s28 =	smov.u32 s26;
	_ =	swait.ge [sflag:s23], $0x800  }
0x85: {  	s29 =	sadd.s32 s28, s7;
	[sflag:s23] =	ssyncset.done $0x0  }
0x86: {  	s29 =	sadd.s32 $0x60, s29;
	[sflag:s23] =	ssyncadd.s32 $0xFFFFF800  }
0x87: {  	[tilespmem:s16], [sflag:$0x5] =	stream.linear.gather [hbm4b:s29+s3], $0x300, $0x38;
	[tilespmem:$0x1F300] =	vst v63  }
0x88: {  	_ =	swait.ge [sflag:s11], $0x300  }
0x89: {  	s30 =	sadd.s32 s28, s8;
	[sflag:s11] =	ssyncset.done $0x0  }
0x8a: {  	s29 =	sadd.s32 $0x60, s30;
	[sflag:s11] =	ssyncadd.s32 $0xFFFFFD00  }
0x8b: {  	[tilespmem:s17], [sflag:$0x5] =	stream.linear.gather [hbm4b:s29+s3], $0x300, $0x38;
	[tilespmem:$0x1F300] =	vst v63  }
0x8c: {  	_ =	swait.ge [sflag:s11], $0x300  }
0x8d: {  	[sflag:s11] =	ssyncset.done $0x0  }
0x8e: {  	[sflag:s11] =	ssyncadd.s32 $0xFFFFFD00  }
0x8f: {  	[tilespmem:s18], [sflag:$0x3] =	stream.indirect.gather [hbm4b:s4+s14], $0x10, s16, s14, $0xb8;
	[tilespmem:$0x1F300] =	vst v63  }
0x90: {  	_ =	swait.ge [sflag:s19], $0x3000  }
0x91: {  	s29 =	rddreg [dreg:$0x7]  }
0x92: {  	s30 =	rddreg [dreg:$0x5]  }
0x93: {  	s31 =	rddreg [dreg:$0x6]  }
0x94: {  	[sflag:s19] =	ssyncset.done $0x0;
	s0 =	rddreg [dreg:$0x3]  }
0x95: {  	s1 =	rddreg [dreg:$0x4];
	[sflag:s19] =	ssyncadd.s32 $0xFFFFD000  }
0x96: {  	[spmem:s2] =	stream.indirect.scatter.add.f32 [tilespmem:s15], [sflag:$0x2], $0x10, s13, s20, $0xb8;
	[tilespmem:$0x1F300] =	vst v63  }
0x97: {  	s5 =	rddreg [dreg:$0x9]  }
0x98: {  	[spmem:s2] =	stream.indirect.scatter.add.f32 [tilespmem:s1], [sflag:$0x2], $0x10, s0, s20, $0xb8;
	[tilespmem:$0x1F300] =	vst v63  }
0x99: {  	s9 =	rddreg [dreg:$0xc]  }
0x9a: {  	[spmem:s2] =	stream.indirect.scatter.add.f32 [tilespmem:s31], [sflag:$0x2], $0x10, s30, s20, $0xb8;
	[tilespmem:$0x1F300] =	vst v63  }
0x9b: {  	s1 =	rddreg [dreg:$0x8]  }
0x9c: {  	[spmem:s2] =	stream.indirect.scatter.add.f32 [tilespmem:s1], [sflag:$0x2], $0x10, s29, s20, $0xb8;
	[tilespmem:$0x1F300] =	vst v63  }
0x9d: {  	s30 =	rddreg [dreg:$0xa]  }
0x9e: {  	[spmem:s2] =	stream.indirect.scatter.add.f32 [tilespmem:s30], [sflag:$0x2], $0x10, s5, s20, $0xb8;
	[tilespmem:$0x1F300] =	vst v63  }
0x9f: {  	s31 =	rddreg [dreg:$0xb]  }
0xa0: {  	[spmem:s2] =	stream.indirect.scatter.add.f32 [tilespmem:s9], [sflag:$0x2], $0x10, s31, s20, $0xb8;
	[tilespmem:$0x1F300] =	vst v63  }
0xa1: {  	_ =	swait.ge [sflag:s21], $0x800  }
0xa2: {  	[sflag:s21] =	ssyncset.done $0x0  }
0xa3: {  	[sflag:s21] =	ssyncadd.s32 $0xFFFFF800  }
0xa4: {  	_ =	swait.ge [sflag:s21], $0x800  }
0xa5: {  	[sflag:s21] =	ssyncset.done $0x0  }
0xa6: {  	[sflag:s21] =	ssyncadd.s32 $0xFFFFF800  }
0xa7: {  	_ =	swait.ge [sflag:s21], $0x800  }
0xa8: {  	[sflag:s21] =	ssyncset.done $0x0  }
0xa9: {  	[sflag:s21] =	ssyncadd.s32 $0xFFFFF800  }
0xaa: {  	_ =	swait.ge [sflag:s21], $0x800  }
0xab: {  	[sflag:s21] =	ssyncset.done $0x0  }
0xac: {  	[sflag:s21] =	ssyncadd.s32 $0xFFFFF800  }
0xad: {  	_ =	swait.ge [sflag:s21], $0x800  }
0xae: {  	[sflag:s21] =	ssyncset.done $0x0  }
0xaf: {  	p1 =	seq.s32 s28, $0x30C0;
	[sflag:s21] =	ssyncadd.s32 $0xFFFFF800  }
0xb0: {  	s0 =	sadd.s32 @!p1 s28, s7;
	_ =	swait.ge [sflag:s21], $0x800  }
0xb1: {  	s0 =	sadd.s32 @!p1 $0xC0, s0;
	s1 =	simm.s32 @!p1 $0x0;
	[sflag:s21] =	ssyncset.done $0x0  }
0xb2: {  	s5 =	simm.s32 @!p1 $0x18700;
	s9 =	simm.s32 @!p1 $0x5;
	[sflag:s21] =	ssyncadd.s32 $0xFFFFF800  }
0xb3: {  	[tilespmem:s5], [sflag:$0x5] =	stream.linear.gather @!p1 [hbm4b:s0+s1], $0x300, $0x38;
	[tilespmem:$0x1F300] =	vst v63  }
0xb4: {  	_ =	swait.ge @!p1 [sflag:s9], $0x300  }
0xb5: {  	s28 =	sadd.s32 @!p1 s28, s8;
	[sflag:s9] =	ssyncset.done @!p1 $0x0  }
0xb6: {  	s28 =	sadd.s32 @!p1 $0xC0, s28;
	s29 =	simm.s32 @!p1 $0x18A00;
	[sflag:s9] =	ssyncadd.s32 @!p1 $0xFFFFFD00  }
0xb7: {  	[tilespmem:s29], [sflag:$0x5] =	stream.linear.gather @!p1 [hbm4b:s28+s1], $0x300, $0x38;
	[tilespmem:$0x1F300] =	vst v63  }
0xb8: {  	_ =	swait.ge @!p1 [sflag:s9], $0x300  }
0xb9: {  	[sflag:s9] =	ssyncset.done @!p1 $0x0  }
0xba: {  	s30 =	simm.s32 @!p1 $0x18D00;
	s0 =	simm.s32 @!p1 $0x300;
	[sflag:s9] =	ssyncadd.s32 @!p1 $0xFFFFFD00  }
0xbb: {  	[tilespmem:s30], [sflag:$0x1] =	stream.indirect.gather @!p1 [hbm4b:s4+s0], $0x10, s5, s0, $0xb8;
	[tilespmem:$0x1F300] =	vst v63  }
0xbc: {  	_ =	swait.ge [sflag:s22], $0x3000  }
0xbd: {  	s28 =	rddreg [dreg:$0x16]  }
0xbe: {  	s0 =	rddreg [dreg:$0xf]  }
0xbf: {  	s1 =	rddreg [dreg:$0x10]  }
0xc0: {  	[sflag:s22] =	ssyncset.done $0x0;
	s9 =	rddreg [dreg:$0xd]  }
0xc1: {  	s31 =	rddreg [dreg:$0xe];
	[sflag:s22] =	ssyncadd.s32 $0xFFFFD000  }
0xc2: {  	[spmem:s2] =	stream.indirect.scatter.add.f32 [tilespmem:s18], [sflag:$0x4], $0x10, s17, s20, $0xb8;
	[tilespmem:$0x1F300] =	vst v63  }
0xc3: {  	s26 =	sadd.s32 $0xC0, s26;
	s29 =	rddreg [dreg:$0x11]  }
0xc4: {  	[spmem:s2] =	stream.indirect.scatter.add.f32 [tilespmem:s31], [sflag:$0x4], $0x10, s9, s20, $0xb8;
	[tilespmem:$0x1F300] =	vst v63  }
0xc5: {  	p0 =	sne.s32 s26, $0x3180;
	s30 =	rddreg [dreg:$0x14]  }
0xc6: {  	[spmem:s2] =	stream.indirect.scatter.add.f32 [tilespmem:s1], [sflag:$0x4], $0x10, s0, s20, $0xb8;
	[tilespmem:$0x1F300] =	vst v63  }
.Ltmp0:
0xc7: {  	s9 =	rddreg [dreg:$0x12];
	(pc) =	sbr.rel @p0 .LBB2_2-.Ltmp0, $4  }
0xc8: {  	s31 =	rddreg [dreg:$0x13]  }
0xc9: {  	[spmem:s2] =	stream.indirect.scatter.add.f32 [tilespmem:s9], [sflag:$0x4], $0x10, s29, s20, $0xb8;
	[tilespmem:$0x1F300] =	vst v63  }
0xca: {  	s29 =	rddreg [dreg:$0x15]  }
0xcb: {  	[spmem:s2] =	stream.indirect.scatter.add.f32 [tilespmem:s30], [sflag:$0x4], $0x10, s31, s20, $0xb8;
	[tilespmem:$0x1F300] =	vst v63  }
0xcc: {  	[spmem:s2] =	stream.indirect.scatter.add.f32 [tilespmem:s28], [sflag:$0x4], $0x10, s29, s20, $0xb8;
	[tilespmem:$0x1F300] =	vst v63  }
0xcd: {  	_ =	swait.ge [sflag:s23], $0x800  }
0xce: {  	[sflag:s23] =	ssyncset.done $0x0  }
0xcf: {  	[sflag:s23] =	ssyncadd.s32 $0xFFFFF800  }
0xd0: {  	_ =	swait.ge [sflag:s23], $0x800  }
0xd1: {  	[sflag:s23] =	ssyncset.done $0x0  }
0xd2: {  	[sflag:s23] =	ssyncadd.s32 $0xFFFFF800  }
0xd3: {  	_ =	swait.ge [sflag:s23], $0x800  }
0xd4: {  	[sflag:s23] =	ssyncset.done $0x0  }
0xd5: {  	[sflag:s23] =	ssyncadd.s32 $0xFFFFF800  }
0xd6: {  	_ =	swait.ge [sflag:s23], $0x800  }
0xd7: {  	[sflag:s23] =	ssyncset.done $0x0  }
0xd8: {  	[sflag:s23] =	ssyncadd.s32 $0xFFFFF800  }
0xd9: {  	_ =	swait.ge [sflag:s23], $0x800  }
0xda: {  	[sflag:s23] =	ssyncset.done $0x0  }
0xdb: {  	[sflag:s23] =	ssyncadd.s32 $0xFFFFF800  }
0xdc: {  	_ =	swait.ge [sflag:s23], $0x800  }
0xdd: {  	[sflag:s23] =	ssyncset.done $0x0  }
0xde: {  	[sflag:s23] =	ssyncadd.s32 $0xFFFFF800  }
0xdf: {  	[bflag:$0x0] =	sbarrier.arrive $0xFFFF  }
0xe0: {  	[hbm:s24], [sflag:s6] =	dma.local [spmem:s10], $0x30E0  }
0xe1: {  	_ =	swait.ge [sflag:s11], $0x30E0  }
0xe2: {  	s25 =	sadd.s32 $0x1, s25;
	s0 =	rddreg [dreg:$0x18]  }
0xe3: {  	p0 =	sne.s32 s25, s0  }
.Ltmp1:
0xe4: {  	_ = 	snop;
	(pc) =	sbr.rel @p0 .LBB2_1-.Ltmp1, $3  }
0xe5: {  	_ =	sdelay $0x1  }
0xe6: {  	[sflag:s11] =	ssyncset.done $0x0  }
0xe7: {  	[sflag:s11] =	ssyncadd.s32 $0xFFFFCF20  }
0xe8: {  	_ =	sfence.sel $0x180000  }
0xe9: {  	[bflag:$0x0] =	sbarrier.arrive $0xFFFF  }
0xea: {  	_ =	strace $0x9000004D  }
0xeb: {  	s0 =	stileid.u32;
	[bflag:$0x2] =	sbarrier.arrive $0xFFFF  }
0xec: {  	p0 =	sne.s32 s0, $0x0;
	s0 =	rddreg [dreg:$0x2]  }
0xed: {  	s0 =	sadd.s32 @!p0 $0x100000, s0  }
0xee: {  	[sflag:s0] =	ssyncadd.tile.s32 @!p0 $0x1;
	_ =	shalt  }
.Lfunc_end2:
_tile_overlayer_lowered:
.L_overlay_start_2:
0xef: {  	(tag) =	ssettag $0x2  }
0xf0: {  	s0 =	rddreg [dreg:$0x0];
	s2 =	stileid.u32  }
0xf1: {  	s1 =	rddreg [dreg:$0x1];
	p0 =	sne.s32 s2, $0x0  }
0xf2: {  	s3 =	rddreg [dreg:$0x2];
	[bflag:$0x3] =	sbarrier.arrive $0xFFFF;
	s2 =	simm.s32 @!p0 $0x1C05  }
0xf3: {  	[timem:s3], [sflag:s2] =	dma.local @!p0 [hbm:s0], s1  }
0xf4: {  	s0 =	simm.s32 @!p0 $0x5  }
0xf5: {  	_ =	swait.ge @!p0 [sflag:s0], s1  }
0xf6: {  	s1 =	ssub.s32 @!p0 $0x0, s1;
	[sflag:s0] =	ssyncset.done @!p0 $0x0  }
0xf7: {  	[sflag:s0] =	ssyncadd.s32 @!p0 s1  }
0xf8: {  	[bflag:$0x3] =	sbarrier.arrive $0xFFFF  }
0xf9: {  	_ =	shalt  }

// kernel: kernel.19.cloned.1.call-start
scs
__scs_entry_jumppad:
0x0: {  	(pc) =	sbr.rel $0x88, $3  }
0x1: {  	(tag) =	ssettag $0x0;
	lr =	simm.s32 $0x1  }
0x2: {  	[smem:$0x3F91] =	sst lr;
	_ =	strace $0xD0000000  }
0x3: {  	_ = 	snop  }
0x4: {  	_ = 	snop  }
0x5: {  	_ = 	snop  }
0x6: {  	_ = 	snop  }
0x7: {  	_ = 	snop  }
__scs_overlays_trampoline_lowered:
0x8: {  	[smem:$0x3FA0] =	sst s0  }
0x9: {  	[smem:$0x3FA1] =	sst s1  }
0xa: {  	[smem:$0x3FA2] =	sst s2  }
0xb: {  	[smem:$0x3FA3] =	sst s3  }
0xc: {  	[smem:$0x3FA4] =	sst s4  }
0xd: {  	[smem:$0x3FA5] =	sst s5  }
0xe: {  	[smem:$0x3FA6] =	sst s6  }
0xf: {  	[smem:$0x3FA7] =	sst s7  }
0x10: {  	[smem:$0x3FA8] =	sst s8  }
0x11: {  	[smem:$0x3FA9] =	sst s9;
	s0 =	simm.s32 @!p0 $0x0  }
0x12: {  	s1 =	sld [smem:$0x3F8F];
	s0 =	simm.s32 @p0 $0x1  }
0x13: {  	[smem:$0x3FAA] =	sst s0;
	s0 =	simm.s32 @!p1 $0x0  }
0x14: {  	s2 =	sld [smem:$0x3F8E];
	s0 =	simm.s32 @p1 $0x1  }
0x15: {  	[smem:$0x3FAB] =	sst s0;
	s0 =	simm.s32 @!p2 $0x0  }
0x16: {  	s3 =	sld [smem:$0x3FDB];
	s0 =	simm.s32 @p2 $0x1  }
0x17: {  	s4 =	simm.s32 $0x1BF5;
	[smem:$0x3FAD] =	sst s0  }
0x18: {  	s0 =	sld [smem:$0x3F90];
	_ =	swait.ge [sflag:s4], $0x0  }
0x19: {  	s7 =	sld [smem:$0x3F91]  }
0x1a: {  	s8 =	sadd.s32 $0xFFFFE003, lr  }
0x1b: {  	s9 =	sadd.s32 $0xFFFFFEF7, lr;
	s5 =	simm.s32 $0xFFFFFFFF;
	p2 =	slt.u32 s8, $0xFFFFF086  }
0x1c: {  	p1 =	slt.u32 s9, $0xF7A;
	s5 =	simm.s32 @!p2 $0x0  }
0x1d: {  	s5 =	simm.s32 @p1 $0x1;
	p0 =	seq.s32 s7, s2  }
0x1e: {  	s7 =	smul.u32 @!p0 $0xF7A, s2;
	p2 =	seq.s32 @!p0 s5, $0x0  }
0x1f: {  	s9 =	smul.u32 $0xF7A, s1;
	s8 =	simm.s32 @!p0 $0x1BF5;
	p2 =	por !p2, p0  }
0x20: {  	[sflag:s8] =	ssyncset.s32 @!p0 $0xFFFFF086;
	s6 =	sadd.s32 @!p0 s3, s7;
	s7 =	simm.s32 @!p0 $0x108  }
0x21: {  	s3 =	sadd.s32 s3, s9;
	s6 =	sadd.s32 @!p0 $0x88, s6;
	s7 =	simm.s32 @p2 $0x1082  }
0x22: {  	[simem:s7], [sflag:s8] =	dma.local @!p0 [hbm:s6], $0xF7A  }
0x23: {  	s9 =	sor.u32 $0xD0000000, s2;
	s6 =	simm.s32 $0x108;
	_ =	swait.ge @!p0 [sflag:s8], $0x0  }
0x24: {  	s3 =	sadd.s32 $0x88, s3;
	s6 =	simm.s32 @!p1 $0x1082;
	[sflag:s4] =	ssyncset.s32 $0xFFFFF086  }
0x25: {  	[simem:s6], [sflag:s4] =	dma.local [hbm:s3], $0xF7A  }
0x26: {  	[smem:$0x3F91] =	sst s1;
	(tag) =	ssettag s2;
	_ =	strace s9  }
0x27: {  	s1 =	sld [smem:$0x3FA1]  }
0x28: {  	s2 =	sld [smem:$0x3FA2]  }
0x29: {  	s4 =	sld [smem:$0x3FA4]  }
0x2a: {  	p0 =	seq.s32 s5, $0x0;
	s5 =	sld [smem:$0x3FA5]  }
0x2b: {  	s6 =	sld [smem:$0x3FA6]  }
0x2c: {  	s7 =	sld [smem:$0x3FA7]  }
0x2d: {  	s3 =	simm.s32 $0x108;
	s8 =	sld [smem:$0x3FA8]  }
0x2e: {  	s3 =	simm.s32 @!p0 $0x1082;
	s9 =	sld [smem:$0x3FA9]  }
0x2f: {  	lr =	sadd.s32 s0, s3;
	s0 =	sld [smem:$0x3FA0]  }
0x30: {  	s3 =	sld [smem:$0x3FA3]  }
0x31: {  	[smem:$0x3FAC] =	sst s10  }
0x32: {  	s10 =	sld [smem:$0x3FAA];
	_ =	sdelay $0x3  }
0x33: {  	p0 =	seq.s32 s10, $0x1;
	s10 =	sld [smem:$0x3FAC];
	_ =	sdelay $0x3  }
0x34: {  	[smem:$0x3FAC] =	sst s10  }
0x35: {  	s10 =	sld [smem:$0x3FAB];
	_ =	sdelay $0x3  }
0x36: {  	p1 =	seq.s32 s10, $0x1;
	s10 =	sld [smem:$0x3FAC];
	_ =	sdelay $0x3  }
0x37: {  	[smem:$0x3FAC] =	sst s10  }
0x38: {  	s10 =	sld [smem:$0x3FAD]  }
0x39: {  	_ = 	snop;
	(pc) =	sbr.ind lr, $3  }
0x3a: {  	_ = 	snop  }
0x3b: {  	_ = 	snop  }
0x3c: {  	p2 =	seq.s32 s10, $0x1;
	s10 =	sld [smem:$0x3FAC]  }
0x3d: {  	_ =	shalt  }
0x3e: {  	_ =	shalt  }
0x3f: {  	_ =	shalt  }
0x40: {  	_ =	shalt  }
0x41: {  	_ =	shalt  }
0x42: {  	_ =	shalt  }
0x43: {  	_ =	shalt  }
0x44: {  	_ =	shalt  }
0x45: {  	_ =	shalt  }
0x46: {  	_ =	shalt  }
0x47: {  	_ =	shalt  }
0x48: {  	_ =	shalt  }
0x49: {  	_ =	shalt  }
0x4a: {  	_ =	shalt  }
0x4b: {  	_ =	shalt  }
0x4c: {  	_ =	shalt  }
0x4d: {  	_ =	shalt  }
0x4e: {  	_ =	shalt  }
0x4f: {  	_ =	shalt  }
0x50: {  	_ =	shalt  }
0x51: {  	_ =	shalt  }
0x52: {  	_ =	shalt  }
0x53: {  	_ =	shalt  }
0x54: {  	_ =	shalt  }
0x55: {  	_ =	shalt  }
0x56: {  	_ =	shalt  }
0x57: {  	_ =	shalt  }
0x58: {  	_ =	shalt  }
0x59: {  	_ =	shalt  }
0x5a: {  	_ =	shalt  }
0x5b: {  	_ =	shalt  }
0x5c: {  	_ =	shalt  }
0x5d: {  	_ =	shalt  }
0x5e: {  	_ =	shalt  }
0x5f: {  	_ =	shalt  }
0x60: {  	_ =	shalt  }
0x61: {  	_ =	shalt  }
0x62: {  	_ =	shalt  }
0x63: {  	_ =	shalt  }
0x64: {  	_ =	shalt  }
0x65: {  	_ =	shalt  }
0x66: {  	_ =	shalt  }
0x67: {  	_ =	shalt  }
0x68: {  	_ =	shalt  }
0x69: {  	_ =	shalt  }
0x6a: {  	_ =	shalt  }
0x6b: {  	_ =	shalt  }
0x6c: {  	_ =	shalt  }
0x6d: {  	_ =	shalt  }
0x6e: {  	_ =	shalt  }
0x6f: {  	_ =	shalt  }
0x70: {  	_ =	shalt  }
0x71: {  	_ =	shalt  }
0x72: {  	_ =	shalt  }
0x73: {  	_ =	shalt  }
0x74: {  	_ =	shalt  }
0x75: {  	_ =	shalt  }
0x76: {  	_ =	shalt  }
0x77: {  	_ =	shalt  }
0x78: {  	_ =	shalt  }
0x79: {  	_ =	shalt  }
0x7a: {  	_ =	shalt  }
0x7b: {  	_ =	shalt  }
0x7c: {  	_ =	shalt  }
0x7d: {  	_ =	shalt  }
0x7e: {  	_ =	shalt  }
0x7f: {  	_ =	shalt  }
0x80: {  	_ =	shalt  }
0x81: {  	_ =	shalt  }
0x82: {  	_ =	shalt  }
0x83: {  	_ =	shalt  }
0x84: {  	_ =	shalt  }
0x85: {  	_ =	shalt  }
0x86: {  	_ =	shalt  }
0x87: {  	_ =	shalt  }
.Lfunc_end0:
.L_simem_size_0:
called_computation.3_lowered:
.L_overlay_start_0:
0x88: {  	s2 =	sld [smem:$0x3FD9]  }
0x89: {  	s3 =	sld [smem:$0x3FFE];
	_ =	sdelay $0x1  }
0x8a: {  	s1 =	srdreg.scid  }
0x8b: {  	s0 =	sand.u32 $0x1, s1  }
0x8c: {  	s16 =	sshll.u32 s0, $0xA;
	s2 =	sadd.s32 s3, s2  }
0x8d: {  	s2 =	sadd.s32 s2, s16  }
0x8e: {  	[smem:$0x3FB8] =	sst s2  }
0x8f: {  	_ = 	snop  }
0x90: {  	(tm) =	ssettm $0x1  }
0x91: {  	s17 =	sld [smem:$0x3FFB];
	_ =	sdelay $0x3  }
0x92: {  	_ =	strace s17  }
0x93: {  	s2 =	sld [smem:$0x3FFC];
	_ =	sdelay $0x3  }
0x94: {  	_ =	strace s2  }
0x95: {  	s2 =	sld [smem:$0x3FFD];
	_ =	sdelay $0x3  }
0x96: {  	_ =	strace s2  }
0x97: {  	_ =	strace $0x8FFFFFFF  }
0x98: {  	s18 =	sld [smem:$0x3FDB];
	_ =	sdelay $0x1  }
0x99: {  	s19 =	simm.s32 $_scs_section_size  }
0x9a: {  	s4 =	simm.s32 $_size__tile_overlayer_lowered;
	s5 =	simm.s32 $_tile_overlayer_lowered  }
0x9b: {  	s22 =	simm.s32 $0x1BFF;
	s21 =	sshll.u32 s5, $0x1;
	s2 =	sadd.s32 s19, s18  }
0x9c: {  	s6 =	simm.s32 $0x0;
	s20 =	sshll.u32 s4, $0x1;
	s4 =	sadd.s32 s21, s2  }
0x9d: {  	[timem:s6], [sflag:s22] =	dma.local [hbm:s4], s20  }
0x9e: {  	_ =	swait.ge [sflag:s22], s20  }
0x9f: {  	s3 =	ssub.s32 $0x0, s20;
	[sflag:s22] =	ssyncset.done $0x0  }
0xa0: {  	[sflag:s22] =	ssyncadd.s32 s3;
	_ =	sdelay $0x1  }
0xa1: {  	s23 =	simm.s32 $0x1B8B  }
0xa2: {  	_ =	swait.ge [sflag:s23], $0x1  }
0xa3: {  	[sflag:s23] =	ssyncset.done $0x0  }
0xa4: {  	s25 =	simm.s32 $0x1B8E;
	s24 =	sld [smem:$0x3FFE];
	[sflag:s23] =	ssyncadd.s32 $0xFFFFFFFF  }
0xa5: {  	s26 =	simm.s32 $execute0_lowered;
	[smem:$0x3FD2] =	sst s25  }
0xa6: {  	s4 =	sshll.u32 s26, $0x1;
	_ =	strace $0x8000004F;
	[dreg:$0x1] =	wrdreg $0xFFFFFFFF  }
0xa7: {  	s28 =	simm.s32 $_size_execute0_lowered;
	s2 =	sadd.s32 s2, s4;
	[dreg:$0x0] =	wrdreg $0x0  }
0xa8: {  	s4 =	sshll.u32 s28, $0x1;
	[dreg:$0x2] =	wrdreg s2  }
0xa9: {  	[dreg:$0x3] =	wrdreg s4  }
0xaa: {  	[dreg:$0x4] =	wrdreg $0xC0  }
0xab: {  	_ =	task [dreg:s6], $0x5FFFF  }
0xac: {  	[dreg:$0x1] =	wrdreg $0xFFFFFFFF  }
0xad: {  	[dreg:$0x0] =	wrdreg $0x60  }
0xae: {  	[dreg:$0x2] =	wrdreg s24  }
0xaf: {  	[dreg:$0x3] =	wrdreg $0x0  }
0xb0: {  	[dreg:$0x4] =	wrdreg $0x9  }
0xb1: {  	_ =	task.clear_ibuf [dreg:s6], $0x5FFFF;
	_ =	strace $0x9000004F  }
0xb2: {  	s29 =	simm.s32 $0x9;
	_ =	strace $0x80000051  }
0xb3: {  	_ =	swait.ge [sflag:s29], $0x1  }
0xb4: {  	[sflag:s29] =	ssyncadd.s32 $0xFFFFFFFF  }
0xb5: {  	_ =	strace $0x90000051  }
0xb6: {  	_ =	sfence  }
0xb7: {  	s30 =	sld [smem:$0x0];
	_ =	sdelay $0x2  }
0xb8: {  	s31 =	sshll.u32 s1, $0xD;
	s1 =	sshrl.u32 s1, $0x2  }
0xb9: {  	s3 =	sand.u32 $0x4000, s31;
	s1 =	sadd.s32 s1, s30  }
0xba: {  	s0 =	sor.u32 s3, s0;
	s1 =	sshll.u32 s1, $0x11  }
0xbb: {  	s0 =	sor.u32 s1, s0  }
0xbc: {  	s0 =	sadd.s32 $0x8F2B, s0  }
0xbd: {  	[sflag:s0] =	ssyncadd.remote.s32 $0x1  }
0xbe: {  	_ =	sfence.sel $0xFFFF  }
0xbf: {  	[dreg:$0x0] =	wrdreg $0xFFFFFFFF;
	(pc) =	sbr.abs _section_cstart, $3  }
0xc0: {  	[dreg:$0x1] =	wrdreg $0xFFFFFFFF  }
0xc1: {  	_ =	task.clear_ibuf [dreg:s6], $0x2FFFF;
	_ =	strace $0x9FFFFFFF  }
0xc2: {  	(tm) =	ssettm $0x7FFFFFFF  }
0xc3: {  	_ =	shalt  }
tec
execute0_lowered:
.L_overlay_start_1:
0x0: {  	(tag) =	ssettag $0x1  }
0x1: {  	s4 =	rddreg [dreg:$0x0]  }
0x2: {  	s2 =	rddreg [dreg:$0x1];
	s3 =	simm.s32 $0x0  }
0x3: {  	s16 =	simm.s32 $0x18A80;
	[smem:$0x7FF] =	sst s3  }
0x4: {  	s17 =	simm.s32 $0x19500;
	_ =	strace $0x80000050;
	[dreg:$0x3] =	wrdreg s16  }
0x5: {  	s18 =	simm.s32 $0x18B00;
	[dreg:$0x4] =	wrdreg s17  }
0x6: {  	s20 =	simm.s32 $0x19D00;
	[dreg:$0x5] =	wrdreg s18  }
0x7: {  	s0 =	stileid.u32;
	s21 =	simm.s32 $0x18B80;
	[dreg:$0x6] =	wrdreg s20  }
0x8: {  	s5 =	srdreg.scid;
	s22 =	simm.s32 $0x1A500;
	[dreg:$0x7] =	wrdreg s21  }
0x9: {  	s23 =	simm.s32 $0x18C00;
	s26 =	simm.s32 $0x1AD00;
	[dreg:$0x8] =	wrdreg s22  }
0xa: {  	s29 =	simm.s32 $0x18C80;
	s30 =	simm.s32 $0x1B500;
	[dreg:$0x9] =	wrdreg s23  }
0xb: {  	s31 =	simm.s32 $0x1C080;
	s14 =	simm.s32 $0x1CB00;
	[dreg:$0xa] =	wrdreg s26  }
0xc: {  	s15 =	simm.s32 $0x1C100;
	s6 =	smul.u32 $0x3180, s0;
	[dreg:$0xb] =	wrdreg s29  }
0xd: {  	s5 =	sand.u32 $0x1, s5;
	s9 =	smul.u32 $0x18700, s0;
	[dreg:$0xc] =	wrdreg s30  }
0xe: {  	s19 =	sshll.u32 s0, $0x6;
	s7 =	smul.u32 $0x30E00, s5;
	[dreg:$0xd] =	wrdreg s31  }
0xf: {  	s5 =	ssub.s32 $0x2, s5;
	[dreg:$0xe] =	wrdreg s14;
	s14 =	simm.s32 $0x300  }
0x10: {  	[dreg:$0xf] =	wrdreg s15;
	s16 =	simm.s32 $0x1D300;
	s15 =	simm.s32 $0x18D00  }
0x11: {  	s17 =	simm.s32 $0x1C180;
	s18 =	simm.s32 $0x1DB00;
	s20 =	simm.s32 $0x1E300  }
0x12: {  	s21 =	simm.s32 $0x1C280;
	s23 =	simm.s32 $0x1EB00;
	s22 =	simm.s32 $0x3  }
0x13: {  	s8 =	sshrl.u32 s5, $0x1;
	s10 =	sadd.s32 s6, s4;
	[dreg:$0x10] =	wrdreg s16  }
0x14: {  	s13 =	sadd.s32 s9, s2;
	s24 =	sshrl.u32 s9, $0x3;
	[dreg:$0x11] =	wrdreg s17  }
0x15: {  	s6 =	sor.u32 $0x1C05, s19;
	s16 =	simm.s32 $0x1BD00;
	[dreg:$0x12] =	wrdreg s18  }
0x16: {  	s17 =	simm.s32 $0x1C000;
	s19 =	simm.s32 $0x1C200;
	[dreg:$0x14] =	wrdreg s20  }
0x17: {  	s18 =	simm.s32 $0x1C300;
	s20 =	simm.s32 $0x80;
	[dreg:$0x15] =	wrdreg s21  }
0x18: {  	s21 =	simm.s32 $0x2;
	[dreg:$0x16] =	wrdreg s23;
	s23 =	simm.s32 $0x4  }
0x19: {  	s11 =	sadd.s32 s7, s4;
	s12 =	ssub.s32 s5, s8;
	s7 =	sadd.s32 $0x1E00, s10  }
0x1a: {  	s8 =	sadd.s32 $0x33600, s10;
	s10 =	sshrl.u32 s13, $0x3;
	s13 =	simm.s32 $0x18A00  }
0x1b: {  	[dreg:$0x13] =	wrdreg s19;
	s19 =	simm.s32 $0x1;
	s4 =	sadd.s32 $0x64E00, s11  }
0x1c: {  	s25 =	sadd.s32 $0xC6A00, s11;
	s28 =	smax.u32 s12, $0x1;
	s11 =	simm.s32 $0x5  }
0x1d: {  	s12 =	simm.s32 $0x18700;
	s1 =	sadd.s32 s24, s4;
	[dreg:$0x18] =	wrdreg s28  }
0x1e: {  	s24 =	sadd.s32 s24, s25;
	s25 =	simm.s32 $0x0;
	[dreg:$0x17] =	wrdreg s1  }
.LBB2_1:
0x1f: {  	s0 =	rddreg [dreg:$0x17]  }
0x20: {  	[spmem:s10], [sflag:s6] =	dma.local [hbm:s0], $0x30E0  }
0x21: {  	_ =	swait.ge [sflag:s11], $0x30E0  }
0x22: {  	[sflag:s11] =	ssyncset.done $0x0  }
0x23: {  	[sflag:s11] =	ssyncadd.s32 $0xFFFFCF20  }
0x24: {  	[bflag:$0x0] =	sbarrier.arrive $0xFFFF  }
0x25: {  	[tilespmem:s12], [sflag:$0x5] =	stream.linear.gather [hbm4b:s7+s3], $0x300, $0x38;
	[tilespmem:$0x1F300] =	vst v63  }
0x26: {  	_ =	swait.ge [sflag:s11], $0x300  }
0x27: {  	[sflag:s11] =	ssyncset.done $0x0  }
0x28: {  	[sflag:s11] =	ssyncadd.s32 $0xFFFFFD00  }
0x29: {  	[tilespmem:s13], [sflag:$0x5] =	stream.linear.gather [hbm4b:s8+s3], $0x300, $0x38;
	[tilespmem:$0x1F300] =	vst v63  }
0x2a: {  	_ =	swait.ge [sflag:s11], $0x300  }
0x2b: {  	[sflag:s11] =	ssyncset.done $0x0  }
0x2c: {  	s26 =	sadd.s32 $0x0, s7;
	[sflag:s11] =	ssyncadd.s32 $0xFFFFFD00  }
0x2d: {  	[tilespmem:s15], [sflag:$0x1] =	stream.indirect.gather [hbm4b:s4+s14], $0x10, s12, s14, $0xb8;
	[tilespmem:$0x1F300] =	vst v63  }
0x2e: {  	s26 =	sadd.s32 $0x60, s26  }
0x2f: {  	[tilespmem:s16], [sflag:$0x5] =	stream.linear.gather [hbm4b:s26+s3], $0x300, $0x38;
	[tilespmem:$0x1F300] =	vst v63  }
0x30: {  	_ =	swait.ge [sflag:s11], $0x300  }
0x31: {  	s0 =	sadd.s32 $0x0, s8;
	[sflag:s11] =	ssyncset.done $0x0  }
0x32: {  	s26 =	sadd.s32 $0x60, s0;
	[sflag:s11] =	ssyncadd.s32 $0xFFFFFD00  }
0x33: {  	[tilespmem:s17], [sflag:$0x5] =	stream.linear.gather [hbm4b:s26+s3], $0x300, $0x38;
	[tilespmem:$0x1F300] =	vst v63  }
0x34: {  	_ =	swait.ge [sflag:s11], $0x300  }
0x35: {  	[sflag:s11] =	ssyncset.done $0x0  }
0x36: {  	[sflag:s11] =	ssyncadd.s32 $0xFFFFFD00  }
0x37: {  	[tilespmem:s18], [sflag:$0x3] =	stream.indirect.gather [hbm4b:s4+s14], $0x10, s16, s14, $0xb8;
	[tilespmem:$0x1F300] =	vst v63  }
0x38: {  	_ =	swait.ge [sflag:s19], $0x3000  }
0x39: {  	s1 =	rddreg [dreg:$0x7]  }
0x3a: {  	s28 =	rddreg [dreg:$0x5]  }
0x3b: {  	s29 =	rddreg [dreg:$0x3]  }
0x3c: {  	[sflag:s19] =	ssyncset.done $0x0;
	s30 =	rddreg [dreg:$0x4]  }
0x3d: {  	s31 =	rddreg [dreg:$0x6];
	[sflag:s19] =	ssyncadd.s32 $0xFFFFD000  }
0x3e: {  	[spmem:s2] =	stream.indirect.scatter.add.f32 [tilespmem:s15], [sflag:$0x2], $0x10, s13, s20, $0xb8;
	[tilespmem:$0x1F300] =	vst v63  }
0x3f: {  	s5 =	rddreg [dreg:$0x8]  }
0x40: {  	[spmem:s2] =	stream.indirect.scatter.add.f32 [tilespmem:s30], [sflag:$0x2], $0x10, s29, s20, $0xb8;
	[tilespmem:$0x1F300] =	vst v63  }
0x41: {  	s9 =	rddreg [dreg:$0xa]  }
0x42: {  	[spmem:s2] =	stream.indirect.scatter.add.f32 [tilespmem:s31], [sflag:$0x2], $0x10, s28, s20, $0xb8;
	[tilespmem:$0x1F300] =	vst v63  }
0x43: {  	s0 =	rddreg [dreg:$0xb]  }
0x44: {  	[spmem:s2] =	stream.indirect.scatter.add.f32 [tilespmem:s5], [sflag:$0x2], $0x10, s1, s20, $0xb8;
	[tilespmem:$0x1F300] =	vst v63  }
0x45: {  	s29 =	rddreg [dreg:$0x9]  }
0x46: {  	[spmem:s2] =	stream.indirect.scatter.add.f32 [tilespmem:s9], [sflag:$0x2], $0x10, s29, s20, $0xb8;
	[tilespmem:$0x1F300] =	vst v63  }
0x47: {  	s28 =	rddreg [dreg:$0xc]  }
0x48: {  	[spmem:s2] =	stream.indirect.scatter.add.f32 [tilespmem:s28], [sflag:$0x2], $0x10, s0, s20, $0xb8;
	[tilespmem:$0x1F300] =	vst v63  }
0x49: {  	_ =	swait.ge [sflag:s21], $0x800  }
0x4a: {  	[sflag:s21] =	ssyncset.done $0x0  }
0x4b: {  	[sflag:s21] =	ssyncadd.s32 $0xFFFFF800  }
0x4c: {  	_ =	swait.ge [sflag:s21], $0x800  }
0x4d: {  	[sflag:s21] =	ssyncset.done $0x0  }
0x4e: {  	[sflag:s21] =	ssyncadd.s32 $0xFFFFF800  }
0x4f: {  	_ =	swait.ge [sflag:s21], $0x800  }
0x50: {  	[sflag:s21] =	ssyncset.done $0x0  }
0x51: {  	[sflag:s21] =	ssyncadd.s32 $0xFFFFF800  }
0x52: {  	_ =	swait.ge [sflag:s21], $0x800  }
0x53: {  	[sflag:s21] =	ssyncset.done $0x0  }
0x54: {  	[sflag:s21] =	ssyncadd.s32 $0xFFFFF800  }
0x55: {  	_ =	swait.ge [sflag:s21], $0x800  }
0x56: {  	[sflag:s21] =	ssyncset.done $0x0  }
0x57: {  	p0 =	por $0x0, $0x0;
	[sflag:s21] =	ssyncadd.s32 $0xFFFFF800  }
0x58: {  	s26 =	sadd.s32 @!p0 $0x0, s7;
	_ =	swait.ge [sflag:s21], $0x800  }
0x59: {  	s26 =	sadd.s32 @!p0 $0xC0, s26;
	s30 =	simm.s32 @!p0 $0x5;
	[sflag:s21] =	ssyncset.done $0x0  }
0x5a: {  	s29 =	simm.s32 @!p0 $0x18700;
	s28 =	simm.s32 @!p0 $0x0;
	[sflag:s21] =	ssyncadd.s32 $0xFFFFF800  }
0x5b: {  	[tilespmem:s29], [sflag:$0x5] =	stream.linear.gather @!p0 [hbm4b:s26+s28], $0x300, $0x38;
	[tilespmem:$0x1F300] =	vst v63  }
0x5c: {  	_ =	swait.ge @!p0 [sflag:s30], $0x300  }
0x5d: {  	s26 =	sadd.s32 @!p0 $0x0, s8;
	[sflag:s30] =	ssyncset.done @!p0 $0x0  }
0x5e: {  	s31 =	simm.s32 @!p0 $0x18A00;
	s26 =	sadd.s32 @!p0 $0xC0, s26;
	[sflag:s30] =	ssyncadd.s32 @!p0 $0xFFFFFD00  }
0x5f: {  	[tilespmem:s31], [sflag:$0x5] =	stream.linear.gather @!p0 [hbm4b:s26+s28], $0x300, $0x38;
	[tilespmem:$0x1F300] =	vst v63  }
0x60: {  	_ =	swait.ge @!p0 [sflag:s30], $0x300  }
0x61: {  	[sflag:s30] =	ssyncset.done @!p0 $0x0  }
0x62: {  	s26 =	simm.s32 @!p0 $0x300;
	s28 =	simm.s32 @!p0 $0x18D00;
	[sflag:s30] =	ssyncadd.s32 @!p0 $0xFFFFFD00  }
0x63: {  	[tilespmem:s28], [sflag:$0x1] =	stream.indirect.gather @!p0 [hbm4b:s4+s26], $0x10, s29, s26, $0xb8;
	[tilespmem:$0x1F300] =	vst v63  }
0x64: {  	_ =	swait.ge [sflag:s22], $0x3000  }
0x65: {  	s1 =	rddreg [dreg:$0xf]  }
0x66: {  	s28 =	rddreg [dreg:$0xd]  }
0x67: {  	s29 =	rddreg [dreg:$0xe]  }
0x68: {  	[sflag:s22] =	ssyncset.done $0x0;
	s5 =	rddreg [dreg:$0x10]  }
0x69: {  	s9 =	rddreg [dreg:$0x14];
	[sflag:s22] =	ssyncadd.s32 $0xFFFFD000  }
0x6a: {  	[spmem:s2] =	stream.indirect.scatter.add.f32 [tilespmem:s18], [sflag:$0x4], $0x10, s17, s20, $0xb8;
	[tilespmem:$0x1F300] =	vst v63  }
0x6b: {  	s31 =	rddreg [dreg:$0x13]  }
0x6c: {  	[spmem:s2] =	stream.indirect.scatter.add.f32 [tilespmem:s29], [sflag:$0x4], $0x10, s28, s20, $0xb8;
	[tilespmem:$0x1F300] =	vst v63  }
0x6d: {  	s28 =	rddreg [dreg:$0x11]  }
0x6e: {  	[spmem:s2] =	stream.indirect.scatter.add.f32 [tilespmem:s5], [sflag:$0x4], $0x10, s1, s20, $0xb8;
	[tilespmem:$0x1F300] =	vst v63  }
0x6f: {  	s29 =	rddreg [dreg:$0x12]  }
0x70: {  	[spmem:s2] =	stream.indirect.scatter.add.f32 [tilespmem:s29], [sflag:$0x4], $0x10, s28, s20, $0xb8;
	[tilespmem:$0x1F300] =	vst v63  }
0x71: {  	s28 =	rddreg [dreg:$0x16]  }
0x72: {  	s26 =	simm.s32 $0xC0;
	s29 =	rddreg [dreg:$0x15]  }
0x73: {  	[spmem:s2] =	stream.indirect.scatter.add.f32 [tilespmem:s9], [sflag:$0x4], $0x10, s31, s20, $0xb8;
	[tilespmem:$0x1F300] =	vst v63  }
.LBB2_2:
0x74: {  	[spmem:s2] =	stream.indirect.scatter.add.f32 [tilespmem:s28], [sflag:$0x4], $0x10, s29, s20, $0xb8;
	[tilespmem:$0x1F300] =	vst v63  }
0x75: {  	_ =	swait.ge [sflag:s23], $0x800  }
0x76: {  	[sflag:s23] =	ssyncset.done $0x0  }
0x77: {  	[sflag:s23] =	ssyncadd.s32 $0xFFFFF800  }
0x78: {  	_ =	swait.ge [sflag:s23], $0x800  }
0x79: {  	[sflag:s23] =	ssyncset.done $0x0  }
0x7a: {  	[sflag:s23] =	ssyncadd.s32 $0xFFFFF800  }
0x7b: {  	_ =	swait.ge [sflag:s23], $0x800  }
0x7c: {  	[sflag:s23] =	ssyncset.done $0x0  }
0x7d: {  	[sflag:s23] =	ssyncadd.s32 $0xFFFFF800  }
0x7e: {  	_ =	swait.ge [sflag:s23], $0x800  }
0x7f: {  	[sflag:s23] =	ssyncset.done $0x0  }
0x80: {  	[sflag:s23] =	ssyncadd.s32 $0xFFFFF800  }
0x81: {  	_ =	swait.ge [sflag:s23], $0x800  }
0x82: {  	[sflag:s23] =	ssyncset.done $0x0  }
0x83: {  	[sflag:s23] =	ssyncadd.s32 $0xFFFFF800  }
0x84: {  	s28 =	smov.u32 s26;
	_ =	swait.ge [sflag:s23], $0x800  }
0x85: {  	s29 =	sadd.s32 s28, s7;
	[sflag:s23] =	ssyncset.done $0x0  }
0x86: {  	s29 =	sadd.s32 $0x60, s29;
	[sflag:s23] =	ssyncadd.s32 $0xFFFFF800  }
0x87: {  	[tilespmem:s16], [sflag:$0x5] =	stream.linear.gather [hbm4b:s29+s3], $0x300, $0x38;
	[tilespmem:$0x1F300] =	vst v63  }
0x88: {  	_ =	swait.ge [sflag:s11], $0x300  }
0x89: {  	s30 =	sadd.s32 s28, s8;
	[sflag:s11] =	ssyncset.done $0x0  }
0x8a: {  	s29 =	sadd.s32 $0x60, s30;
	[sflag:s11] =	ssyncadd.s32 $0xFFFFFD00  }
0x8b: {  	[tilespmem:s17], [sflag:$0x5] =	stream.linear.gather [hbm4b:s29+s3], $0x300, $0x38;
	[tilespmem:$0x1F300] =	vst v63  }
0x8c: {  	_ =	swait.ge [sflag:s11], $0x300  }
0x8d: {  	[sflag:s11] =	ssyncset.done $0x0  }
0x8e: {  	[sflag:s11] =	ssyncadd.s32 $0xFFFFFD00  }
0x8f: {  	[tilespmem:s18], [sflag:$0x3] =	stream.indirect.gather [hbm4b:s4+s14], $0x10, s16, s14, $0xb8;
	[tilespmem:$0x1F300] =	vst v63  }
0x90: {  	_ =	swait.ge [sflag:s19], $0x3000  }
0x91: {  	s29 =	rddreg [dreg:$0x7]  }
0x92: {  	s30 =	rddreg [dreg:$0x5]  }
0x93: {  	s31 =	rddreg [dreg:$0x6]  }
0x94: {  	[sflag:s19] =	ssyncset.done $0x0;
	s0 =	rddreg [dreg:$0x3]  }
0x95: {  	s1 =	rddreg [dreg:$0x4];
	[sflag:s19] =	ssyncadd.s32 $0xFFFFD000  }
0x96: {  	[spmem:s2] =	stream.indirect.scatter.add.f32 [tilespmem:s15], [sflag:$0x2], $0x10, s13, s20, $0xb8;
	[tilespmem:$0x1F300] =	vst v63  }
0x97: {  	s5 =	rddreg [dreg:$0x9]  }
0x98: {  	[spmem:s2] =	stream.indirect.scatter.add.f32 [tilespmem:s1], [sflag:$0x2], $0x10, s0, s20, $0xb8;
	[tilespmem:$0x1F300] =	vst v63  }
0x99: {  	s9 =	rddreg [dreg:$0xc]  }
0x9a: {  	[spmem:s2] =	stream.indirect.scatter.add.f32 [tilespmem:s31], [sflag:$0x2], $0x10, s30, s20, $0xb8;
	[tilespmem:$0x1F300] =	vst v63  }
0x9b: {  	s1 =	rddreg [dreg:$0x8]  }
0x9c: {  	[spmem:s2] =	stream.indirect.scatter.add.f32 [tilespmem:s1], [sflag:$0x2], $0x10, s29, s20, $0xb8;
	[tilespmem:$0x1F300] =	vst v63  }
0x9d: {  	s30 =	rddreg [dreg:$0xa]  }
0x9e: {  	[spmem:s2] =	stream.indirect.scatter.add.f32 [tilespmem:s30], [sflag:$0x2], $0x10, s5, s20, $0xb8;
	[tilespmem:$0x1F300] =	vst v63  }
0x9f: {  	s31 =	rddreg [dreg:$0xb]  }
0xa0: {  	[spmem:s2] =	stream.indirect.scatter.add.f32 [tilespmem:s9], [sflag:$0x2], $0x10, s31, s20, $0xb8;
	[tilespmem:$0x1F300] =	vst v63  }
0xa1: {  	_ =	swait.ge [sflag:s21], $0x800  }
0xa2: {  	[sflag:s21] =	ssyncset.done $0x0  }
0xa3: {  	[sflag:s21] =	ssyncadd.s32 $0xFFFFF800  }
0xa4: {  	_ =	swait.ge [sflag:s21], $0x800  }
0xa5: {  	[sflag:s21] =	ssyncset.done $0x0  }
0xa6: {  	[sflag:s21] =	ssyncadd.s32 $0xFFFFF800  }
0xa7: {  	_ =	swait.ge [sflag:s21], $0x800  }
0xa8: {  	[sflag:s21] =	ssyncset.done $0x0  }
0xa9: {  	[sflag:s21] =	ssyncadd.s32 $0xFFFFF800  }
0xaa: {  	_ =	swait.ge [sflag:s21], $0x800  }
0xab: {  	[sflag:s21] =	ssyncset.done $0x0  }
0xac: {  	[sflag:s21] =	ssyncadd.s32 $0xFFFFF800  }
0xad: {  	_ =	swait.ge [sflag:s21], $0x800  }
0xae: {  	[sflag:s21] =	ssyncset.done $0x0  }
0xaf: {  	p1 =	seq.s32 s28, $0x30C0;
	[sflag:s21] =	ssyncadd.s32 $0xFFFFF800  }
0xb0: {  	s0 =	sadd.s32 @!p1 s28, s7;
	_ =	swait.ge [sflag:s21], $0x800  }
0xb1: {  	s0 =	sadd.s32 @!p1 $0xC0, s0;
	s1 =	simm.s32 @!p1 $0x0;
	[sflag:s21] =	ssyncset.done $0x0  }
0xb2: {  	s5 =	simm.s32 @!p1 $0x18700;
	s9 =	simm.s32 @!p1 $0x5;
	[sflag:s21] =	ssyncadd.s32 $0xFFFFF800  }
0xb3: {  	[tilespmem:s5], [sflag:$0x5] =	stream.linear.gather @!p1 [hbm4b:s0+s1], $0x300, $0x38;
	[tilespmem:$0x1F300] =	vst v63  }
0xb4: {  	_ =	swait.ge @!p1 [sflag:s9], $0x300  }
0xb5: {  	s28 =	sadd.s32 @!p1 s28, s8;
	[sflag:s9] =	ssyncset.done @!p1 $0x0  }
0xb6: {  	s28 =	sadd.s32 @!p1 $0xC0, s28;
	s29 =	simm.s32 @!p1 $0x18A00;
	[sflag:s9] =	ssyncadd.s32 @!p1 $0xFFFFFD00  }
0xb7: {  	[tilespmem:s29], [sflag:$0x5] =	stream.linear.gather @!p1 [hbm4b:s28+s1], $0x300, $0x38;
	[tilespmem:$0x1F300] =	vst v63  }
0xb8: {  	_ =	swait.ge @!p1 [sflag:s9], $0x300  }
0xb9: {  	[sflag:s9] =	ssyncset.done @!p1 $0x0  }
0xba: {  	s30 =	simm.s32 @!p1 $0x18D00;
	s0 =	simm.s32 @!p1 $0x300;
	[sflag:s9] =	ssyncadd.s32 @!p1 $0xFFFFFD00  }
0xbb: {  	[tilespmem:s30], [sflag:$0x1] =	stream.indirect.gather @!p1 [hbm4b:s4+s0], $0x10, s5, s0, $0xb8;
	[tilespmem:$0x1F300] =	vst v63  }
0xbc: {  	_ =	swait.ge [sflag:s22], $0x3000  }
0xbd: {  	s28 =	rddreg [dreg:$0x16]  }
0xbe: {  	s0 =	rddreg [dreg:$0xf]  }
0xbf: {  	s1 =	rddreg [dreg:$0x10]  }
0xc0: {  	[sflag:s22] =	ssyncset.done $0x0;
	s9 =	rddreg [dreg:$0xd]  }
0xc1: {  	s31 =	rddreg [dreg:$0xe];
	[sflag:s22] =	ssyncadd.s32 $0xFFFFD000  }
0xc2: {  	[spmem:s2] =	stream.indirect.scatter.add.f32 [tilespmem:s18], [sflag:$0x4], $0x10, s17, s20, $0xb8;
	[tilespmem:$0x1F300] =	vst v63  }
0xc3: {  	s26 =	sadd.s32 $0xC0, s26;
	s29 =	rddreg [dreg:$0x11]  }
0xc4: {  	[spmem:s2] =	stream.indirect.scatter.add.f32 [tilespmem:s31], [sflag:$0x4], $0x10, s9, s20, $0xb8;
	[tilespmem:$0x1F300] =	vst v63  }
0xc5: {  	p0 =	sne.s32 s26, $0x3180;
	s30 =	rddreg [dreg:$0x14]  }
0xc6: {  	[spmem:s2] =	stream.indirect.scatter.add.f32 [tilespmem:s1], [sflag:$0x4], $0x10, s0, s20, $0xb8;
	[tilespmem:$0x1F300] =	vst v63  }
.Ltmp0:
0xc7: {  	s9 =	rddreg [dreg:$0x12];
	(pc) =	sbr.rel @p0 .LBB2_2-.Ltmp0, $4  }
0xc8: {  	s31 =	rddreg [dreg:$0x13]  }
0xc9: {  	[spmem:s2] =	stream.indirect.scatter.add.f32 [tilespmem:s9], [sflag:$0x4], $0x10, s29, s20, $0xb8;
	[tilespmem:$0x1F300] =	vst v63  }
0xca: {  	s29 =	rddreg [dreg:$0x15]  }
0xcb: {  	[spmem:s2] =	stream.indirect.scatter.add.f32 [tilespmem:s30], [sflag:$0x4], $0x10, s31, s20, $0xb8;
	[tilespmem:$0x1F300] =	vst v63  }
0xcc: {  	[spmem:s2] =	stream.indirect.scatter.add.f32 [tilespmem:s28], [sflag:$0x4], $0x10, s29, s20, $0xb8;
	[tilespmem:$0x1F300] =	vst v63  }
0xcd: {  	_ =	swait.ge [sflag:s23], $0x800  }
0xce: {  	[sflag:s23] =	ssyncset.done $0x0  }
0xcf: {  	[sflag:s23] =	ssyncadd.s32 $0xFFFFF800  }
0xd0: {  	_ =	swait.ge [sflag:s23], $0x800  }
0xd1: {  	[sflag:s23] =	ssyncset.done $0x0  }
0xd2: {  	[sflag:s23] =	ssyncadd.s32 $0xFFFFF800  }
0xd3: {  	_ =	swait.ge [sflag:s23], $0x800  }
0xd4: {  	[sflag:s23] =	ssyncset.done $0x0  }
0xd5: {  	[sflag:s23] =	ssyncadd.s32 $0xFFFFF800  }
0xd6: {  	_ =	swait.ge [sflag:s23], $0x800  }
0xd7: {  	[sflag:s23] =	ssyncset.done $0x0  }
0xd8: {  	[sflag:s23] =	ssyncadd.s32 $0xFFFFF800  }
0xd9: {  	_ =	swait.ge [sflag:s23], $0x800  }
0xda: {  	[sflag:s23] =	ssyncset.done $0x0  }
0xdb: {  	[sflag:s23] =	ssyncadd.s32 $0xFFFFF800  }
0xdc: {  	_ =	swait.ge [sflag:s23], $0x800  }
0xdd: {  	[sflag:s23] =	ssyncset.done $0x0  }
0xde: {  	[sflag:s23] =	ssyncadd.s32 $0xFFFFF800  }
0xdf: {  	[bflag:$0x0] =	sbarrier.arrive $0xFFFF  }
0xe0: {  	[hbm:s24], [sflag:s6] =	dma.local [spmem:s10], $0x30E0  }
0xe1: {  	_ =	swait.ge [sflag:s11], $0x30E0  }
0xe2: {  	s25 =	sadd.s32 $0x1, s25;
	s0 =	rddreg [dreg:$0x18]  }
0xe3: {  	p0 =	sne.s32 s25, s0  }
.Ltmp1:
0xe4: {  	_ = 	snop;
	(pc) =	sbr.rel @p0 .LBB2_1-.Ltmp1, $3  }
0xe5: {  	_ =	sdelay $0x1  }
0xe6: {  	[sflag:s11] =	ssyncset.done $0x0  }
0xe7: {  	[sflag:s11] =	ssyncadd.s32 $0xFFFFCF20  }
0xe8: {  	_ =	sfence.sel $0x180000  }
0xe9: {  	[bflag:$0x0] =	sbarrier.arrive $0xFFFF  }
0xea: {  	_ =	strace $0x90000050  }
0xeb: {  	s0 =	stileid.u32;
	[bflag:$0x2] =	sbarrier.arrive $0xFFFF  }
0xec: {  	p0 =	sne.s32 s0, $0x0;
	s0 =	rddreg [dreg:$0x2]  }
0xed: {  	s0 =	sadd.s32 @!p0 $0x100000, s0  }
0xee: {  	[sflag:s0] =	ssyncadd.tile.s32 @!p0 $0x1;
	_ =	shalt  }
.Lfunc_end2:
_tile_overlayer_lowered:
.L_overlay_start_2:
0xef: {  	(tag) =	ssettag $0x2  }
0xf0: {  	s0 =	rddreg [dreg:$0x0];
	s2 =	stileid.u32  }
0xf1: {  	s1 =	rddreg [dreg:$0x1];
	p0 =	sne.s32 s2, $0x0  }
0xf2: {  	s3 =	rddreg [dreg:$0x2];
	[bflag:$0x3] =	sbarrier.arrive $0xFFFF;
	s2 =	simm.s32 @!p0 $0x1C05  }
0xf3: {  	[timem:s3], [sflag:s2] =	dma.local @!p0 [hbm:s0], s1  }
0xf4: {  	s0 =	simm.s32 @!p0 $0x5  }
0xf5: {  	_ =	swait.ge @!p0 [sflag:s0], s1  }
0xf6: {  	s1 =	ssub.s32 @!p0 $0x0, s1;
	[sflag:s0] =	ssyncset.done @!p0 $0x0  }
0xf7: {  	[sflag:s0] =	ssyncadd.s32 @!p0 s1  }
0xf8: {  	[bflag:$0x3] =	sbarrier.arrive $0xFFFF  }
0xf9: {  	_ =	shalt  }

</sc_bundles>
